<compile_context>
chip_gen: v7x
topology: tpu7x:2x2x1
jax: 0.10.2.dev20260603
libtpu: 0.0.44.dev20260713+nightly
codegen_flags: <defaults>
</compile_context>

<pallas_src>
import functools

import jax
import jax.numpy as jnp
from jax import lax
from jax.experimental import pallas as pl
from jax.experimental.pallas import tpu as pltpu
from jax.experimental.pallas import tpu_sc as plsc

_EPS = 1e-15
_MAXN = 1.0 - 1e-5
_NC, _NS = 2, 16


def _n2(v):
    return jnp.sum(v * v, axis=-1, keepdims=True)


def _normc(v):
    return jnp.clip(jnp.sqrt(_n2(v)), _EPS, None)


def _artanh(z):
    z = jnp.clip(z, -1 + 1e-7, 1 - 1e-7)
    return 0.5 * jnp.log((1 + z) / (1 - z))


def _proj(v):
    nrm = _normc(v)
    return jnp.where(nrm > _MAXN, v / nrm * _MAXN, v)


def _expmap0(u):
    nrm = _normc(u)
    return jnp.tanh(nrm) * u / nrm


def _logmap0(v):
    nrm = _normc(v)
    return _artanh(nrm) * v / nrm


def _mobius_add(xv, yv):
    x2 = _n2(xv)
    y2 = _n2(yv)
    xy = jnp.sum(xv * yv, axis=-1, keepdims=True)
    num = (1 + 2 * xy + y2) * xv + (1 - x2) * yv
    den = 1 + 2 * xy + x2 * y2
    return num / jnp.clip(den, _EPS, None)


def _precompute(x, kernel_tangents, W, b):
    n, d = x.shape
    K = W.shape[0]
    bn = 1000 if n % 1000 == 0 else n

    def body(x_ref, kt_ref, w_ref, b_ref, t_ref, xk_ref):
        xv = x_ref[...]
        xh = _proj(_expmap0(xv))
        kp = _proj(_expmap0(kt_ref[...]))
        hb = _proj(_expmap0(b_ref[...]))
        t_ref[:, 0:d] = xh
        xn = _normc(xh)
        art = _artanh(xn)
        gkks = []
        for k in range(K):
            xkk = _proj(_mobius_add(xh, kp[k][None, :]))
            xk_ref[:, k * d:(k + 1) * d] = xkk
            mx = lax.dot_general(xh, w_ref[k], (((1,), (1,)), ((), ())),
                                 preferred_element_type=jnp.float32)
            mxn = _normc(mx)
            res = _proj(jnp.tanh(mxn / xn * art) * mx / mxn)
            yk = _proj(_mobius_add(res, hb[k][None, :]))
            kkl = 2.0 * yk / (1.0 + _n2(yk))
            gk = 1.0 / jnp.sqrt(jnp.clip(1.0 - _n2(kkl), _EPS, None))
            gkks.append(gk * kkl)
        for p in range(K // 2):
            lo = lax.bitcast_convert_type(
                gkks[2 * p].astype(jnp.bfloat16), jnp.uint16
            ).astype(jnp.uint32)
            hi = lax.bitcast_convert_type(
                gkks[2 * p + 1].astype(jnp.bfloat16), jnp.uint16
            ).astype(jnp.uint32)
            packed = lo | (hi << 16)
            t_ref[:, (1 + p) * d:(2 + p) * d] = lax.bitcast_convert_type(
                packed, jnp.float32)

    return pl.pallas_call(
        body,
        grid=(n // bn,),
        in_specs=[
            pl.BlockSpec((bn, d), lambda i: (i, 0)),
            pl.BlockSpec((K, d), lambda i: (0, 0)),
            pl.BlockSpec((K, d, d), lambda i: (0, 0, 0)),
            pl.BlockSpec((K, d), lambda i: (0, 0)),
        ],
        out_specs=[
            pl.BlockSpec((bn, (1 + K // 2) * d), lambda i: (i, 0)),
            pl.BlockSpec((bn, K * d), lambda i: (i, 0)),
        ],
        out_shape=[
            jax.ShapeDtypeStruct((n, (1 + K // 2) * d), jnp.float32),
            jax.ShapeDtypeStruct((n, K * d), jnp.float32),
        ],
    )(x, kernel_tangents, W, b)


def _sc_gather(nei_flat, table):
    e = nei_flat.shape[0]
    row = table.shape[1]
    npart = row // 128
    nw = _NC * _NS
    bpw = e // nw
    ch = 40
    assert e % nw == 0 and bpw % ch == 0 and (bpw % 8) == 0
    mesh = plsc.VectorSubcoreMesh(core_axis_name="c", subcore_axis_name="s",
                                  num_cores=_NC, num_subcores=_NS)

    nch = bpw // ch

    @functools.partial(
        pl.kernel,
        out_type=[jax.ShapeDtypeStruct((e, 128), jnp.float32)
                  for _ in range(npart)],
        mesh=mesh,
        scratch_types=[
            pltpu.VMEM((2, ch), jnp.int32),
            pltpu.VMEM((2, ch, row), jnp.float32),
            pltpu.SemaphoreType.DMA((2,)),
        ],
    )
    def gather_k(nei_hbm, table_hbm, *rest):
        outs = rest[:npart]
        idx_v, rows_v, sem = rest[npart:]
        wid = lax.axis_index("s") * _NC + lax.axis_index("c")
        base = wid * bpw

        def start(t, s):
            pltpu.sync_copy(nei_hbm.at[pl.ds(base + t * ch, ch)],
                            idx_v.at[s])
            pltpu.async_copy(table_hbm.at[idx_v.at[s]], rows_v.at[s],
                             sem.at[s])

        start(0, 0)

        def chunk(t, carry):
            s = t % 2
            @pl.when(t + 1 < nch)
            def _():
                start(t + 1, 1 - s)

            pltpu.make_async_copy(table_hbm.at[idx_v.at[s]], rows_v.at[s],
                                  sem.at[s]).wait()
            for j in range(npart):
                pltpu.sync_copy(rows_v.at[s, :, pl.ds(j * 128, 128)],
                                outs[j].at[pl.ds(base + t * ch, ch)])
            return carry

        lax.fori_loop(0, nch, chunk, 0)

    return gather_k(nei_flat, table)


def _aggregate(Gparts, XK, nei_mask):
    n, deg = nei_mask.shape
    d = Gparts[0].shape[1]
    K = XK.shape[1] // d
    bn = 200 if n % 200 == 0 else n
    e2 = bn * deg

    def body(g_ref, p01_ref, p23_ref, xk_ref, m_ref, o_ref):
        slabs = (p01_ref, p23_ref)
        iota_r = lax.broadcasted_iota(jnp.int32, (deg * d, deg), 0)
        iota_c = lax.broadcasted_iota(jnp.int32, (deg * d, deg), 1)
        bcol = (iota_r // d == iota_c).astype(jnp.float32)
        brow = (lax.broadcasted_iota(jnp.int32, (deg, deg * d), 0)
                == lax.broadcasted_iota(jnp.int32, (deg, deg * d), 1) // d
                ).astype(jnp.float32)
        ones_dd = jnp.ones((d, deg), jnp.float32)
        dn = (((1,), (0,)), ((), ()))

        def reduce_lanes(p3):
            return lax.dot_general(p3.reshape(bn, deg * d), bcol, dn,
                                   preferred_element_type=jnp.float32)

        def expand_lanes(s2):
            return lax.dot_general(s2, brow, dn,
                                   preferred_element_type=jnp.float32
                                   ).reshape(bn, deg, d)

        xh = g_ref[...].reshape(bn, deg, d)
        mask = m_ref[...]
        x2 = reduce_lanes(xh * xh)
        bc = 1.0 - x2
        num = jnp.zeros((bn, deg, d), jnp.float32)
        den = jnp.zeros((bn, deg), jnp.float32)
        for k in range(K):
            xkk = xk_ref[:, k * d:(k + 1) * d]
            y2 = lax.dot_general(xkk * xkk, ones_dd, dn,
                                 preferred_element_type=jnp.float32)
            xy = reduce_lanes(xh * xkk[:, None, :])
            av = 1.0 - 2.0 * xy + y2
            dden = jnp.clip(1.0 - 2.0 * xy + x2 * y2, _EPS, None)
            nsq = jnp.clip(av * av * x2 - 2.0 * av * bc * xy + bc * bc * y2,
                           0.0, None)
            z = jnp.clip(jnp.sqrt(nsq) / dden, 0.0, 1 - 1e-5)
            dk = jnp.log((1 + z) / (1 - z))
            wk = jnp.maximum(1.0 - dk, 0.0) * mask
            bits = lax.bitcast_convert_type(slabs[k // 2][...], jnp.uint32)
            gbits = (bits << 16) if k % 2 == 0 else (bits & jnp.uint32(0xFFFF0000))
            gkk = lax.bitcast_convert_type(gbits, jnp.float32
                                           ).reshape(bn, deg, d)
            gsrc = jnp.sqrt(1.0 + reduce_lanes(gkk * gkk))
            num = num + expand_lanes(wk) * gkk
            den = den + wk * gsrc
        denc = jnp.clip(den, 1e-9, None)
        nn = reduce_lanes(num * num)
        g2 = 1.0 / jnp.sqrt(jnp.clip(1.0 - nn / (denc * denc), _EPS, None))
        mg = mask * g2
        aggn = jnp.sum(expand_lanes(mg / denc) * num, axis=1)
        aggd = jnp.clip(jnp.sum(mg, axis=-1, keepdims=True), 1e-9, None)
        agg = aggn / aggd
        a2 = _n2(agg)
        res = agg / (1.0 + jnp.sqrt(jnp.clip(1.0 - a2, _EPS, None)))
        res = _proj(res)
        res = _proj(_expmap0(jax.nn.relu(_logmap0(res))))
        o_ref[...] = res

    return pl.pallas_call(
        body,
        grid=(n // bn,),
        in_specs=(
            [pl.BlockSpec((e2, d), lambda i: (i, 0))
             for _ in range(len(Gparts))]
            + [pl.BlockSpec((bn, XK.shape[1]), lambda i: (i, 0)),
               pl.BlockSpec((bn, deg), lambda i: (i, 0))]
        ),
        out_specs=pl.BlockSpec((bn, d), lambda i: (i, 0)),
        out_shape=jax.ShapeDtypeStruct((n, d), jnp.float32),
    )(*Gparts, XK, nei_mask)


def kernel(x, nei, nei_mask, kernel_tangents, W, b):
    n, deg = nei.shape
    T, XK = _precompute(x, kernel_tangents, W, b)
    nei_flat = nei.reshape(-1).astype(jnp.int32)
    mask = nei_mask.astype(jnp.float32)
    ns = 5
    rows = n // ns
    outs = []
    for s in range(ns):
        lo = s * rows
        gparts = _sc_gather(
            lax.dynamic_slice_in_dim(nei_flat, lo * deg, rows * deg), T)
        outs.append(_aggregate(
            gparts,
            lax.dynamic_slice_in_dim(XK, lo, rows),
            lax.dynamic_slice_in_dim(mask, lo, rows)))
    return jnp.concatenate(outs, axis=0)

# --- scband reference (transcript-rebuilt; emitter-appended) ---
"""Pipeline reference for scband-kernel-point-aggregation-48782238548478 (READ-ONLY COPY).

The authoritative reference and input builder live on the scoring server;
editing this copy changes nothing except your own understanding.
"""

import jax, jax.numpy as jnp
import numpy as np

C = 1.0
KP_EXTENT = 1.0
EPS = 1e-15

def _norm(x):
    return jnp.clip(jnp.linalg.norm(x, axis=-1, keepdims=True), EPS, None)

def artanh(x):
    x = jnp.clip(x, -1 + 1e-7, 1 - 1e-7)
    return 0.5 * jnp.log((1 + x) / (1 - x))

def proj(x, c):
    n = _norm(x)
    maxn = (1 - 1e-5) / jnp.sqrt(c)
    return jnp.where(n > maxn, x / n * maxn, x)

def expmap0(u, c):
    sc = jnp.sqrt(c)
    n = _norm(u)
    return jnp.tanh(sc * n) * u / (sc * n)

def logmap0(x, c):
    sc = jnp.sqrt(c)
    n = _norm(x)
    return artanh(sc * n) * x / (sc * n)

def mobius_add(x, y, c):
    x2 = jnp.sum(x * x, -1, keepdims=True)
    y2 = jnp.sum(y * y, -1, keepdims=True)
    xy = jnp.sum(x * y, -1, keepdims=True)
    num = (1 + 2 * c * xy + c * y2) * x + (1 - c * x2) * y
    den = 1 + 2 * c * xy + c * c * x2 * y2
    return num / jnp.clip(den, EPS, None)

def mobius_matvec(W, x, c):
    sc = jnp.sqrt(c)
    xn = _norm(x)
    mx = x @ W.T
    mxn = _norm(mx)
    return jnp.tanh(mxn / xn * artanh(sc * xn)) * mx / (mxn * sc)

def p2k(x, c):
    return 2 * x / (1 + c * jnp.sum(x * x, -1, keepdims=True))

def k2p(x, c):
    return x / (1 + jnp.sqrt(jnp.clip(1 - c * jnp.sum(x * x, -1, keepdims=True), EPS, None)))

def lorentz(x, c):
    return 1.0 / jnp.sqrt(jnp.clip(1 - c * jnp.sum(x * x, -1, keepdims=True), EPS, None))

def pdist(x, y, c):
    sc = jnp.sqrt(c)
    d = jnp.linalg.norm(mobius_add(-x, y, c), axis=-1)
    return 2.0 / sc * artanh(jnp.clip(sc * d, 0.0, 1 - 1e-5))

def blinear(x, W, b, c):
    res = proj(mobius_matvec(W, x, c), c)
    hb = proj(expmap0(b[None, :], c), c)
    return proj(mobius_add(res, hb, c), c)

def setup_inputs(seed: int = 0):
    key = jax.random.key(seed)
    k1, k2, k3, k4, k5 = jax.random.split(key, 5)
    n, deg, d, K = 10000, 16, 128, 4
    x = jax.random.normal(k1, (n, d), jnp.float32) * 0.1
    nei = jax.random.randint(k2, (n, deg), 0, n)
    nei_mask = jnp.ones((n, deg), jnp.float32)
    kernel_tangents = jax.random.normal(k3, (K, d), jnp.float32) * 0.1
    W = jax.random.normal(k4, (K, d, d), jnp.float32) * (1.0 / np.sqrt(d))
    b = jax.random.normal(k5, (K, d), jnp.float32) * 0.01
    return {"x": x, "nei": nei, "nei_mask": nei_mask, "kernel_tangents": kernel_tangents, "W": W, "b": b}

def reference(x, nei, nei_mask, kernel_tangents, W, b):
    c = C
    K = W.shape[0]
    xh = proj(expmap0(x, c), c)
    x_nei = xh[nei]  # gather: [n, deg, d]
    kp = proj(expmap0(kernel_tangents, c), c)  # [K, d]
    x_kernel = proj(mobius_add(xh[:, None, :], kp[None, :, :], c), c)  # [n, K, d]
    num = 0.0
    den = 0.0
    for k in range(K):
        dk = pdist(x_nei, x_kernel[:, k:k + 1, :], c)  # [n, deg]
        wk = jax.nn.relu(1.0 - dk / KP_EXTENT) * nei_mask  # kernel-point correlation
        yk = blinear(x_nei, W[k], b[k], c)  # per-kernel hyperbolic linear
        kk = p2k(yk, c)  # to Klein model (AggKlein=True)
        g = lorentz(kk, c)
        num = num + wk[..., None] * g * kk
        den = den + wk[..., None] * g
    klein_nei = num / jnp.clip(den, 1e-9, None)  # Klein midpoint over kernels [n, deg, out]
    g2 = lorentz(klein_nei, c)
    m = nei_mask[..., None]
    agg = jnp.sum(m * g2 * klein_nei, axis=1) / jnp.clip(jnp.sum(m * g2, axis=1), 1e-9, None)
    res = proj(k2p(agg, c), c)
    # nei_agg == 0: BAct with relu
    res = proj(expmap0(jax.nn.relu(logmap0(res, c)), c), c)
    return res

if __name__ == "__main__":
    import jax
    _d = setup_inputs()
    print(jax.jit(kernel)(*tuple(_d.values())))

</pallas_src>

<mosaic_0001>
#map = affine_map<(d0, d1) -> (0)>
#map1 = affine_map<(d0, d1) -> (0, 0)>
module attributes {stable_mosaic.version = 14 : i64} {
  func.func @gather_k(%arg0: i32, %arg1: i32, %arg2: memref<32000xi32, #tpu.memory_space<hbm>>, %arg3: memref<10000x384xf32, #tpu.memory_space<hbm>>, %arg4: memref<32000x128xf32, #tpu.memory_space<hbm>>, %arg5: memref<32000x128xf32, #tpu.memory_space<hbm>>, %arg6: memref<32000x128xf32, #tpu.memory_space<hbm>>, %arg7: memref<2x40xi32, #tpu.memory_space<vmem>>, %arg8: memref<2x40x384xf32, #tpu.memory_space<vmem>>, %arg9: memref<2x!tpu.dma_semaphore, #tpu.memory_space<semaphore_mem>>) attributes {dimension_semantics = [#tpu.dimension_semantics<core_parallel>, #tpu.dimension_semantics<subcore_parallel>], iteration_bounds = array<i64: 2, 16>, scalar_prefetch = 0 : i64, scratch_operands = 3 : i64, tpu.core_type = #tpu.core_type<sc_vector_subcore>, window_params = [{transform_indices = #map}, {transform_indices = #map1}, {transform_indices = #map1}, {transform_indices = #map1}, {transform_indices = #map1}]} {
    %mul3A = arith.constant 2 : i32
    %mul3A_0 = arith.muli %arg1, %mul3A : i32
    %add3A = arith.addi %mul3A_0, %arg0 : i32
    %mul3A_1 = arith.constant 1000 : i32
    %mul3A_2 = arith.muli %add3A, %mul3A_1 : i32
    %add3A_3 = arith.constant 0 : i32
    %add3A_4 = arith.addi %mul3A_2, %add3A_3 : i32
    %run_scoped3A = arith.constant 0 : i32
    "tpu.region"() ({
      %run_scoped3A_24 = tpu.sem_alloc : memref<!tpu.dma_semaphore, #tpu.memory_space<semaphore_mem>>
      %dma_start3A_25 = arith.constant 0 : i32
      %dma_start3A_26 = tpu.memref_slice %arg7[%run_scoped3A, %dma_start3A_25] : memref<2x40xi32, #tpu.memory_space<vmem>> -> memref<1x40xi32, #tpu.memory_space<vmem>>
      %dma_start3A_27 = tpu.memref_squeeze %dma_start3A_26 : memref<1x40xi32, #tpu.memory_space<vmem>> -> memref<40xi32, #tpu.memory_space<vmem>>
      %dma_start3A_28 = tpu.memref_slice %arg2[%add3A_4] : memref<32000xi32, #tpu.memory_space<hbm>> -> memref<40xi32, #tpu.memory_space<hbm>>
      %dma_start3A_29 = arith.constant 0 : i32
      %dma_start3A_30 = tpu.memref_slice %arg7[%run_scoped3A, %dma_start3A_29] : memref<2x40xi32, #tpu.memory_space<vmem>> -> memref<1x40xi32, #tpu.memory_space<vmem>>
      %dma_start3A_31 = tpu.memref_squeeze %dma_start3A_30 : memref<1x40xi32, #tpu.memory_space<vmem>> -> memref<40xi32, #tpu.memory_space<vmem>>
      %dma_start3A_32 = tpu.memref_slice %arg2[%add3A_4] : memref<32000xi32, #tpu.memory_space<hbm>> -> memref<40xi32, #tpu.memory_space<hbm>>
      tpu.enqueue_dma source(%dma_start3A_32 : memref<40xi32, #tpu.memory_space<hbm>>) target(%dma_start3A_31 : memref<40xi32, #tpu.memory_space<vmem>>) target_semaphore(%run_scoped3A_24 : memref<!tpu.dma_semaphore, #tpu.memory_space<semaphore_mem>>)
      %dma_wait3A = arith.constant 0 : i32
      %dma_wait3A_33 = tpu.memref_slice %arg7[%run_scoped3A, %dma_wait3A] : memref<2x40xi32, #tpu.memory_space<vmem>> -> memref<1x40xi32, #tpu.memory_space<vmem>>
      %dma_wait3A_34 = tpu.memref_squeeze %dma_wait3A_33 : memref<1x40xi32, #tpu.memory_space<vmem>> -> memref<40xi32, #tpu.memory_space<vmem>>
      %dma_wait3A_35 = tpu.memref_slice %arg2[%add3A_4] : memref<32000xi32, #tpu.memory_space<hbm>> -> memref<40xi32, #tpu.memory_space<hbm>>
      %dma_wait3A_36 = arith.constant 0 : i32
      %dma_wait3A_37 = tpu.memref_slice %arg7[%run_scoped3A, %dma_wait3A_36] : memref<2x40xi32, #tpu.memory_space<vmem>> -> memref<1x40xi32, #tpu.memory_space<vmem>>
      %dma_wait3A_38 = tpu.memref_squeeze %dma_wait3A_37 : memref<1x40xi32, #tpu.memory_space<vmem>> -> memref<40xi32, #tpu.memory_space<vmem>>
      %dma_wait3A_39 = tpu.memref_slice %arg2[%add3A_4] : memref<32000xi32, #tpu.memory_space<hbm>> -> memref<40xi32, #tpu.memory_space<hbm>>
      tpu.wait_dma2 semaphore(%run_scoped3A_24 : memref<!tpu.dma_semaphore, #tpu.memory_space<semaphore_mem>>) src(%dma_wait3A_39 : memref<40xi32, #tpu.memory_space<hbm>>) dst(%dma_wait3A_38 : memref<40xi32, #tpu.memory_space<vmem>>)
      tpu.yield
    }) : () -> ()
    %dma_start3A = arith.constant 0 : i32
    %dma_start3A_5 = arith.constant 0 : i32
    %dma_start3A_6 = arith.constant 0 : i32
    %dma_start3A_7 = arith.constant 0 : i32
    %dma_start3A_8 = arith.constant 0 : i32
    %dma_start3A_9 = tpu.memref_slice %arg8[%dma_start3A_5, %dma_start3A_7, %dma_start3A_8] : memref<2x40x384xf32, #tpu.memory_space<vmem>> -> memref<1x40x384xf32, #tpu.memory_space<vmem>>
    %dma_start3A_10 = tpu.memref_squeeze %dma_start3A_9 : memref<1x40x384xf32, #tpu.memory_space<vmem>> -> memref<40x384xf32, #tpu.memory_space<vmem>>
    %dma_start3A_11 = arith.constant 0 : i32
    %dma_start3A_12 = tpu.memref_slice %arg7[%dma_start3A, %dma_start3A_11] : memref<2x40xi32, #tpu.memory_space<vmem>> -> memref<1x40xi32, #tpu.memory_space<vmem>>
    %dma_start3A_13 = tpu.memref_squeeze %dma_start3A_12 : memref<1x40xi32, #tpu.memory_space<vmem>> -> memref<40xi32, #tpu.memory_space<vmem>>
    %dma_start3A_14 = arith.constant 0 : i32
    %dma_start3A_15 = arith.constant 0 : i32
    %dma_start3A_16 = tpu.memref_slice %arg3[%dma_start3A_14, %dma_start3A_15] : memref<10000x384xf32, #tpu.memory_space<hbm>> -> memref<10000x384xf32, #tpu.memory_space<hbm>>
    %dma_start3A_17 = tpu.memref_slice %arg9[%dma_start3A_6] : memref<2x!tpu.dma_semaphore, #tpu.memory_space<semaphore_mem>> -> memref<1x!tpu.dma_semaphore, #tpu.memory_space<semaphore_mem>>
    %dma_start3A_18 = tpu.memref_squeeze %dma_start3A_17 : memref<1x!tpu.dma_semaphore, #tpu.memory_space<semaphore_mem>> -> memref<!tpu.dma_semaphore, #tpu.memory_space<semaphore_mem>>
    tpu.enqueue_indirect_dma source(%dma_start3A_16 : memref<10000x384xf32, #tpu.memory_space<hbm>>) target(%dma_start3A_10 : memref<40x384xf32, #tpu.memory_space<vmem>>) offsets(%dma_start3A_13 : memref<40xi32, #tpu.memory_space<vmem>>) semaphore(%dma_start3A_18 : memref<!tpu.dma_semaphore, #tpu.memory_space<semaphore_mem>>)
    %scan3A = arith.constant 0 : i32
    %scan3A_19 = arith.constant 0 : i32
    %scan3A_20 = arith.constant 25 : i32
    %scan3A_21 = arith.addi %scan3A_19, %scan3A_20 : i32
    %scan3A_22 = arith.constant 1 : i32
    scf.for %scan3A_24 = %scan3A_19 to %scan3A_21 step %scan3A_22  : i32 {
      %jit3A = arith.constant 2 : i32
      %eq3A = arith.constant 0 : i32
      %eq3A_25 = arith.cmpi eq, %jit3A, %eq3A : i32
      %jit3A_26 = arith.constant 1 : i32
      %select_n3A = arith.select %eq3A_25, %jit3A_26, %jit3A : i32
      %rem3A = arith.remsi %scan3A_24, %select_n3A : i32
      %ne3A = arith.constant 0 : i32
      %ne3A_27 = arith.cmpi ne, %rem3A, %ne3A : i32
      %lt3A = arith.constant 0 : i32
      %lt3A_28 = arith.cmpi slt, %rem3A, %lt3A : i32
      %lt3A_29 = arith.constant 0 : i32
      %lt3A_30 = arith.cmpi slt, %select_n3A, %lt3A_29 : i32
      %ne3A_31 = arith.xori %lt3A_28, %lt3A_30 : i1
      %and3A = arith.andi %ne3A_31, %ne3A_27 : i1
      %add3A_32 = arith.addi %rem3A, %select_n3A : i32
      %select_n3A_33 = arith.select %and3A, %add3A_32, %rem3A : i32
      %add3A_34 = arith.constant 1 : i32
      %add3A_35 = arith.addi %scan3A_24, %add3A_34 : i32
      %lt3A_36 = arith.constant 25 : i32
      %lt3A_37 = arith.cmpi slt, %add3A_35, %lt3A_36 : i32
      %convert_element_type3A = arith.extui %lt3A_37 : i1 to i32
      %cond3A = arith.constant 0 : i32
      %cond3A_38 = arith.cmpi ne, %convert_element_type3A, %cond3A : i32
      scf.if %cond3A_38 {
        %add3A_59 = arith.constant 1 : i32
        %add3A_60 = arith.addi %scan3A_24, %add3A_59 : i32
        %sub3A = arith.constant 1 : i32
        %sub3A_61 = arith.subi %sub3A, %select_n3A_33 : i32
        %mul3A_62 = arith.constant 40 : i32
        %mul3A_63 = arith.muli %add3A_60, %mul3A_62 : i32
        %add3A_64 = arith.addi %mul3A_2, %mul3A_63 : i32
        "tpu.region"() ({
          %run_scoped3A_77 = tpu.sem_alloc : memref<!tpu.dma_semaphore, #tpu.memory_space<semaphore_mem>>
          %dma_start3A_78 = arith.constant 0 : i32
          %dma_start3A_79 = tpu.memref_slice %arg7[%sub3A_61, %dma_start3A_78] : memref<2x40xi32, #tpu.memory_space<vmem>> -> memref<1x40xi32, #tpu.memory_space<vmem>>
          %dma_start3A_80 = tpu.memref_squeeze %dma_start3A_79 : memref<1x40xi32, #tpu.memory_space<vmem>> -> memref<40xi32, #tpu.memory_space<vmem>>
          %dma_start3A_81 = tpu.memref_slice %arg2[%add3A_64] : memref<32000xi32, #tpu.memory_space<hbm>> -> memref<40xi32, #tpu.memory_space<hbm>>
          %dma_start3A_82 = arith.constant 0 : i32
          %dma_start3A_83 = tpu.memref_slice %arg7[%sub3A_61, %dma_start3A_82] : memref<2x40xi32, #tpu.memory_space<vmem>> -> memref<1x40xi32, #tpu.memory_space<vmem>>
          %dma_start3A_84 = tpu.memref_squeeze %dma_start3A_83 : memref<1x40xi32, #tpu.memory_space<vmem>> -> memref<40xi32, #tpu.memory_space<vmem>>
          %dma_start3A_85 = tpu.memref_slice %arg2[%add3A_64] : memref<32000xi32, #tpu.memory_space<hbm>> -> memref<40xi32, #tpu.memory_space<hbm>>
          tpu.enqueue_dma source(%dma_start3A_85 : memref<40xi32, #tpu.memory_space<hbm>>) target(%dma_start3A_84 : memref<40xi32, #tpu.memory_space<vmem>>) target_semaphore(%run_scoped3A_77 : memref<!tpu.dma_semaphore, #tpu.memory_space<semaphore_mem>>)
          %dma_wait3A_86 = arith.constant 0 : i32
          %dma_wait3A_87 = tpu.memref_slice %arg7[%sub3A_61, %dma_wait3A_86] : memref<2x40xi32, #tpu.memory_space<vmem>> -> memref<1x40xi32, #tpu.memory_space<vmem>>
          %dma_wait3A_88 = tpu.memref_squeeze %dma_wait3A_87 : memref<1x40xi32, #tpu.memory_space<vmem>> -> memref<40xi32, #tpu.memory_space<vmem>>
          %dma_wait3A_89 = tpu.memref_slice %arg2[%add3A_64] : memref<32000xi32, #tpu.memory_space<hbm>> -> memref<40xi32, #tpu.memory_space<hbm>>
          %dma_wait3A_90 = arith.constant 0 : i32
          %dma_wait3A_91 = tpu.memref_slice %arg7[%sub3A_61, %dma_wait3A_90] : memref<2x40xi32, #tpu.memory_space<vmem>> -> memref<1x40xi32, #tpu.memory_space<vmem>>
          %dma_wait3A_92 = tpu.memref_squeeze %dma_wait3A_91 : memref<1x40xi32, #tpu.memory_space<vmem>> -> memref<40xi32, #tpu.memory_space<vmem>>
          %dma_wait3A_93 = tpu.memref_slice %arg2[%add3A_64] : memref<32000xi32, #tpu.memory_space<hbm>> -> memref<40xi32, #tpu.memory_space<hbm>>
          tpu.wait_dma2 semaphore(%run_scoped3A_77 : memref<!tpu.dma_semaphore, #tpu.memory_space<semaphore_mem>>) src(%dma_wait3A_93 : memref<40xi32, #tpu.memory_space<hbm>>) dst(%dma_wait3A_92 : memref<40xi32, #tpu.memory_space<vmem>>)
          tpu.yield
        }) : () -> ()
        %dma_start3A_65 = arith.constant 0 : i32
        %dma_start3A_66 = arith.constant 0 : i32
        %dma_start3A_67 = tpu.memref_slice %arg8[%sub3A_61, %dma_start3A_65, %dma_start3A_66] : memref<2x40x384xf32, #tpu.memory_space<vmem>> -> memref<1x40x384xf32, #tpu.memory_space<vmem>>
        %dma_start3A_68 = tpu.memref_squeeze %dma_start3A_67 : memref<1x40x384xf32, #tpu.memory_space<vmem>> -> memref<40x384xf32, #tpu.memory_space<vmem>>
        %dma_start3A_69 = arith.constant 0 : i32
        %dma_start3A_70 = tpu.memref_slice %arg7[%sub3A_61, %dma_start3A_69] : memref<2x40xi32, #tpu.memory_space<vmem>> -> memref<1x40xi32, #tpu.memory_space<vmem>>
        %dma_start3A_71 = tpu.memref_squeeze %dma_start3A_70 : memref<1x40xi32, #tpu.memory_space<vmem>> -> memref<40xi32, #tpu.memory_space<vmem>>
        %dma_start3A_72 = arith.constant 0 : i32
        %dma_start3A_73 = arith.constant 0 : i32
        %dma_start3A_74 = tpu.memref_slice %arg3[%dma_start3A_72, %dma_start3A_73] : memref<10000x384xf32, #tpu.memory_space<hbm>> -> memref<10000x384xf32, #tpu.memory_space<hbm>>
        %dma_start3A_75 = tpu.memref_slice %arg9[%sub3A_61] : memref<2x!tpu.dma_semaphore, #tpu.memory_space<semaphore_mem>> -> memref<1x!tpu.dma_semaphore, #tpu.memory_space<semaphore_mem>>
        %dma_start3A_76 = tpu.memref_squeeze %dma_start3A_75 : memref<1x!tpu.dma_semaphore, #tpu.memory_space<semaphore_mem>> -> memref<!tpu.dma_semaphore, #tpu.memory_space<semaphore_mem>>
        tpu.enqueue_indirect_dma source(%dma_start3A_74 : memref<10000x384xf32, #tpu.memory_space<hbm>>) target(%dma_start3A_68 : memref<40x384xf32, #tpu.memory_space<vmem>>) offsets(%dma_start3A_71 : memref<40xi32, #tpu.memory_space<vmem>>) semaphore(%dma_start3A_76 : memref<!tpu.dma_semaphore, #tpu.memory_space<semaphore_mem>>)
      } else {
      }
      %dma_wait3A = arith.constant 0 : i32
      %dma_wait3A_39 = arith.constant 0 : i32
      %dma_wait3A_40 = tpu.memref_slice %arg8[%select_n3A_33, %dma_wait3A, %dma_wait3A_39] : memref<2x40x384xf32, #tpu.memory_space<vmem>> -> memref<1x40x384xf32, #tpu.memory_space<vmem>>
      %dma_wait3A_41 = tpu.memref_squeeze %dma_wait3A_40 : memref<1x40x384xf32, #tpu.memory_space<vmem>> -> memref<40x384xf32, #tpu.memory_space<vmem>>
      %dma_wait3A_42 = arith.constant 0 : i32
      %dma_wait3A_43 = tpu.memref_slice %arg7[%select_n3A_33, %dma_wait3A_42] : memref<2x40xi32, #tpu.memory_space<vmem>> -> memref<1x40xi32, #tpu.memory_space<vmem>>
      %dma_wait3A_44 = tpu.memref_squeeze %dma_wait3A_43 : memref<1x40xi32, #tpu.memory_space<vmem>> -> memref<40xi32, #tpu.memory_space<vmem>>
      %dma_wait3A_45 = arith.constant 0 : i32
      %dma_wait3A_46 = arith.constant 0 : i32
      %dma_wait3A_47 = tpu.memref_slice %arg3[%dma_wait3A_45, %dma_wait3A_46] : memref<10000x384xf32, #tpu.memory_space<hbm>> -> memref<10000x384xf32, #tpu.memory_space<hbm>>
      %dma_wait3A_48 = tpu.memref_slice %arg9[%select_n3A_33] : memref<2x!tpu.dma_semaphore, #tpu.memory_space<semaphore_mem>> -> memref<1x!tpu.dma_semaphore, #tpu.memory_space<semaphore_mem>>
      %dma_wait3A_49 = tpu.memref_squeeze %dma_wait3A_48 : memref<1x!tpu.dma_semaphore, #tpu.memory_space<semaphore_mem>> -> memref<!tpu.dma_semaphore, #tpu.memory_space<semaphore_mem>>
      tpu.wait_indirect_dma semaphore(%dma_wait3A_49 : memref<!tpu.dma_semaphore, #tpu.memory_space<semaphore_mem>>) src(%dma_wait3A_47 : memref<10000x384xf32, #tpu.memory_space<hbm>>) dst(%dma_wait3A_41 : memref<40x384xf32, #tpu.memory_space<vmem>>)
      %mul3A_50 = arith.constant 40 : i32
      %mul3A_51 = arith.muli %scan3A_24, %mul3A_50 : i32
      %add3A_52 = arith.addi %mul3A_2, %mul3A_51 : i32
      "tpu.region"() ({
        %run_scoped3A_59 = tpu.sem_alloc : memref<!tpu.dma_semaphore, #tpu.memory_space<semaphore_mem>>
        %dma_start3A_60 = arith.constant 0 : i32
        %dma_start3A_61 = arith.constant 0 : i32
        %dma_start3A_62 = tpu.memref_slice %arg8[%select_n3A_33, %dma_start3A_60, %dma_start3A_61] : memref<2x40x384xf32, #tpu.memory_space<vmem>> -> memref<1x40x128xf32, #tpu.memory_space<vmem>>
        %dma_start3A_63 = tpu.memref_squeeze %dma_start3A_62 : memref<1x40x128xf32, #tpu.memory_space<vmem>> -> memref<40x128xf32, #tpu.memory_space<vmem>>
        %dma_start3A_64 = arith.constant 0 : i32
        %dma_start3A_65 = tpu.memref_slice %arg4[%add3A_52, %dma_start3A_64] : memref<32000x128xf32, #tpu.memory_space<hbm>> -> memref<40x128xf32, #tpu.memory_space<hbm>>
        %dma_start3A_66 = arith.constant 0 : i32
        %dma_start3A_67 = tpu.memref_slice %arg4[%add3A_52, %dma_start3A_66] : memref<32000x128xf32, #tpu.memory_space<hbm>> -> memref<40x128xf32, #tpu.memory_space<hbm>>
        %dma_start3A_68 = arith.constant 0 : i32
        %dma_start3A_69 = arith.constant 0 : i32
        %dma_start3A_70 = tpu.memref_slice %arg8[%select_n3A_33, %dma_start3A_68, %dma_start3A_69] : memref<2x40x384xf32, #tpu.memory_space<vmem>> -> memref<1x40x128xf32, #tpu.memory_space<vmem>>
        %dma_start3A_71 = tpu.memref_squeeze %dma_start3A_70 : memref<1x40x128xf32, #tpu.memory_space<vmem>> -> memref<40x128xf32, #tpu.memory_space<vmem>>
        tpu.enqueue_dma source(%dma_start3A_71 : memref<40x128xf32, #tpu.memory_space<vmem>>) target(%dma_start3A_67 : memref<40x128xf32, #tpu.memory_space<hbm>>) target_semaphore(%run_scoped3A_59 : memref<!tpu.dma_semaphore, #tpu.memory_space<semaphore_mem>>)
        %dma_wait3A_72 = arith.constant 0 : i32
        %dma_wait3A_73 = arith.constant 0 : i32
        %dma_wait3A_74 = tpu.memref_slice %arg8[%select_n3A_33, %dma_wait3A_72, %dma_wait3A_73] : memref<2x40x384xf32, #tpu.memory_space<vmem>> -> memref<1x40x128xf32, #tpu.memory_space<vmem>>
        %dma_wait3A_75 = tpu.memref_squeeze %dma_wait3A_74 : memref<1x40x128xf32, #tpu.memory_space<vmem>> -> memref<40x128xf32, #tpu.memory_space<vmem>>
        %dma_wait3A_76 = arith.constant 0 : i32
        %dma_wait3A_77 = tpu.memref_slice %arg4[%add3A_52, %dma_wait3A_76] : memref<32000x128xf32, #tpu.memory_space<hbm>> -> memref<40x128xf32, #tpu.memory_space<hbm>>
        %dma_wait3A_78 = arith.constant 0 : i32
        %dma_wait3A_79 = tpu.memref_slice %arg4[%add3A_52, %dma_wait3A_78] : memref<32000x128xf32, #tpu.memory_space<hbm>> -> memref<40x128xf32, #tpu.memory_space<hbm>>
        %dma_wait3A_80 = arith.constant 0 : i32
        %dma_wait3A_81 = arith.constant 0 : i32
        %dma_wait3A_82 = tpu.memref_slice %arg8[%select_n3A_33, %dma_wait3A_80, %dma_wait3A_81] : memref<2x40x384xf32, #tpu.memory_space<vmem>> -> memref<1x40x128xf32, #tpu.memory_space<vmem>>
        %dma_wait3A_83 = tpu.memref_squeeze %dma_wait3A_82 : memref<1x40x128xf32, #tpu.memory_space<vmem>> -> memref<40x128xf32, #tpu.memory_space<vmem>>
        tpu.wait_dma2 semaphore(%run_scoped3A_59 : memref<!tpu.dma_semaphore, #tpu.memory_space<semaphore_mem>>) src(%dma_wait3A_83 : memref<40x128xf32, #tpu.memory_space<vmem>>) dst(%dma_wait3A_79 : memref<40x128xf32, #tpu.memory_space<hbm>>)
        tpu.yield
      }) : () -> ()
      %mul3A_53 = arith.constant 40 : i32
      %mul3A_54 = arith.muli %scan3A_24, %mul3A_53 : i32
      %add3A_55 = arith.addi %mul3A_2, %mul3A_54 : i32
      "tpu.region"() ({
        %run_scoped3A_59 = tpu.sem_alloc : memref<!tpu.dma_semaphore, #tpu.memory_space<semaphore_mem>>
        %dma_start3A_60 = arith.constant 0 : i32
        %dma_start3A_61 = arith.constant 128 : i32
        %dma_start3A_62 = tpu.memref_slice %arg8[%select_n3A_33, %dma_start3A_60, %dma_start3A_61] : memref<2x40x384xf32, #tpu.memory_space<vmem>> -> memref<1x40x128xf32, #tpu.memory_space<vmem>>
        %dma_start3A_63 = tpu.memref_squeeze %dma_start3A_62 : memref<1x40x128xf32, #tpu.memory_space<vmem>> -> memref<40x128xf32, #tpu.memory_space<vmem>>
        %dma_start3A_64 = arith.constant 0 : i32
        %dma_start3A_65 = tpu.memref_slice %arg5[%add3A_55, %dma_start3A_64] : memref<32000x128xf32, #tpu.memory_space<hbm>> -> memref<40x128xf32, #tpu.memory_space<hbm>>
        %dma_start3A_66 = arith.constant 0 : i32
        %dma_start3A_67 = tpu.memref_slice %arg5[%add3A_55, %dma_start3A_66] : memref<32000x128xf32, #tpu.memory_space<hbm>> -> memref<40x128xf32, #tpu.memory_space<hbm>>
        %dma_start3A_68 = arith.constant 0 : i32
        %dma_start3A_69 = arith.constant 128 : i32
        %dma_start3A_70 = tpu.memref_slice %arg8[%select_n3A_33, %dma_start3A_68, %dma_start3A_69] : memref<2x40x384xf32, #tpu.memory_space<vmem>> -> memref<1x40x128xf32, #tpu.memory_space<vmem>>
        %dma_start3A_71 = tpu.memref_squeeze %dma_start3A_70 : memref<1x40x128xf32, #tpu.memory_space<vmem>> -> memref<40x128xf32, #tpu.memory_space<vmem>>
        tpu.enqueue_dma source(%dma_start3A_71 : memref<40x128xf32, #tpu.memory_space<vmem>>) target(%dma_start3A_67 : memref<40x128xf32, #tpu.memory_space<hbm>>) target_semaphore(%run_scoped3A_59 : memref<!tpu.dma_semaphore, #tpu.memory_space<semaphore_mem>>)
        %dma_wait3A_72 = arith.constant 0 : i32
        %dma_wait3A_73 = arith.constant 128 : i32
        %dma_wait3A_74 = tpu.memref_slice %arg8[%select_n3A_33, %dma_wait3A_72, %dma_wait3A_73] : memref<2x40x384xf32, #tpu.memory_space<vmem>> -> memref<1x40x128xf32, #tpu.memory_space<vmem>>
        %dma_wait3A_75 = tpu.memref_squeeze %dma_wait3A_74 : memref<1x40x128xf32, #tpu.memory_space<vmem>> -> memref<40x128xf32, #tpu.memory_space<vmem>>
        %dma_wait3A_76 = arith.constant 0 : i32
        %dma_wait3A_77 = tpu.memref_slice %arg5[%add3A_55, %dma_wait3A_76] : memref<32000x128xf32, #tpu.memory_space<hbm>> -> memref<40x128xf32, #tpu.memory_space<hbm>>
        %dma_wait3A_78 = arith.constant 0 : i32
        %dma_wait3A_79 = tpu.memref_slice %arg5[%add3A_55, %dma_wait3A_78] : memref<32000x128xf32, #tpu.memory_space<hbm>> -> memref<40x128xf32, #tpu.memory_space<hbm>>
        %dma_wait3A_80 = arith.constant 0 : i32
        %dma_wait3A_81 = arith.constant 128 : i32
        %dma_wait3A_82 = tpu.memref_slice %arg8[%select_n3A_33, %dma_wait3A_80, %dma_wait3A_81] : memref<2x40x384xf32, #tpu.memory_space<vmem>> -> memref<1x40x128xf32, #tpu.memory_space<vmem>>
        %dma_wait3A_83 = tpu.memref_squeeze %dma_wait3A_82 : memref<1x40x128xf32, #tpu.memory_space<vmem>> -> memref<40x128xf32, #tpu.memory_space<vmem>>
        tpu.wait_dma2 semaphore(%run_scoped3A_59 : memref<!tpu.dma_semaphore, #tpu.memory_space<semaphore_mem>>) src(%dma_wait3A_83 : memref<40x128xf32, #tpu.memory_space<vmem>>) dst(%dma_wait3A_79 : memref<40x128xf32, #tpu.memory_space<hbm>>)
        tpu.yield
      }) : () -> ()
      %mul3A_56 = arith.constant 40 : i32
      %mul3A_57 = arith.muli %scan3A_24, %mul3A_56 : i32
      %add3A_58 = arith.addi %mul3A_2, %mul3A_57 : i32
      "tpu.region"() ({
        %run_scoped3A_59 = tpu.sem_alloc : memref<!tpu.dma_semaphore, #tpu.memory_space<semaphore_mem>>
        %dma_start3A_60 = arith.constant 0 : i32
        %dma_start3A_61 = arith.constant 256 : i32
        %dma_start3A_62 = tpu.memref_slice %arg8[%select_n3A_33, %dma_start3A_60, %dma_start3A_61] : memref<2x40x384xf32, #tpu.memory_space<vmem>> -> memref<1x40x128xf32, #tpu.memory_space<vmem>>
        %dma_start3A_63 = tpu.memref_squeeze %dma_start3A_62 : memref<1x40x128xf32, #tpu.memory_space<vmem>> -> memref<40x128xf32, #tpu.memory_space<vmem>>
        %dma_start3A_64 = arith.constant 0 : i32
        %dma_start3A_65 = tpu.memref_slice %arg6[%add3A_58, %dma_start3A_64] : memref<32000x128xf32, #tpu.memory_space<hbm>> -> memref<40x128xf32, #tpu.memory_space<hbm>>
        %dma_start3A_66 = arith.constant 0 : i32
        %dma_start3A_67 = tpu.memref_slice %arg6[%add3A_58, %dma_start3A_66] : memref<32000x128xf32, #tpu.memory_space<hbm>> -> memref<40x128xf32, #tpu.memory_space<hbm>>
        %dma_start3A_68 = arith.constant 0 : i32
        %dma_start3A_69 = arith.constant 256 : i32
        %dma_start3A_70 = tpu.memref_slice %arg8[%select_n3A_33, %dma_start3A_68, %dma_start3A_69] : memref<2x40x384xf32, #tpu.memory_space<vmem>> -> memref<1x40x128xf32, #tpu.memory_space<vmem>>
        %dma_start3A_71 = tpu.memref_squeeze %dma_start3A_70 : memref<1x40x128xf32, #tpu.memory_space<vmem>> -> memref<40x128xf32, #tpu.memory_space<vmem>>
        tpu.enqueue_dma source(%dma_start3A_71 : memref<40x128xf32, #tpu.memory_space<vmem>>) target(%dma_start3A_67 : memref<40x128xf32, #tpu.memory_space<hbm>>) target_semaphore(%run_scoped3A_59 : memref<!tpu.dma_semaphore, #tpu.memory_space<semaphore_mem>>)
        %dma_wait3A_72 = arith.constant 0 : i32
        %dma_wait3A_73 = arith.constant 256 : i32
        %dma_wait3A_74 = tpu.memref_slice %arg8[%select_n3A_33, %dma_wait3A_72, %dma_wait3A_73] : memref<2x40x384xf32, #tpu.memory_space<vmem>> -> memref<1x40x128xf32, #tpu.memory_space<vmem>>
        %dma_wait3A_75 = tpu.memref_squeeze %dma_wait3A_74 : memref<1x40x128xf32, #tpu.memory_space<vmem>> -> memref<40x128xf32, #tpu.memory_space<vmem>>
        %dma_wait3A_76 = arith.constant 0 : i32
        %dma_wait3A_77 = tpu.memref_slice %arg6[%add3A_58, %dma_wait3A_76] : memref<32000x128xf32, #tpu.memory_space<hbm>> -> memref<40x128xf32, #tpu.memory_space<hbm>>
        %dma_wait3A_78 = arith.constant 0 : i32
        %dma_wait3A_79 = tpu.memref_slice %arg6[%add3A_58, %dma_wait3A_78] : memref<32000x128xf32, #tpu.memory_space<hbm>> -> memref<40x128xf32, #tpu.memory_space<hbm>>
        %dma_wait3A_80 = arith.constant 0 : i32
        %dma_wait3A_81 = arith.constant 256 : i32
        %dma_wait3A_82 = tpu.memref_slice %arg8[%select_n3A_33, %dma_wait3A_80, %dma_wait3A_81] : memref<2x40x384xf32, #tpu.memory_space<vmem>> -> memref<1x40x128xf32, #tpu.memory_space<vmem>>
        %dma_wait3A_83 = tpu.memref_squeeze %dma_wait3A_82 : memref<1x40x128xf32, #tpu.memory_space<vmem>> -> memref<40x128xf32, #tpu.memory_space<vmem>>
        tpu.wait_dma2 semaphore(%run_scoped3A_59 : memref<!tpu.dma_semaphore, #tpu.memory_space<semaphore_mem>>) src(%dma_wait3A_83 : memref<40x128xf32, #tpu.memory_space<vmem>>) dst(%dma_wait3A_79 : memref<40x128xf32, #tpu.memory_space<hbm>>)
        tpu.yield
      }) : () -> ()
    }
    %scan3A_23 = arith.constant 25 : i32
    return
  }
}

#map = affine_map<(d0, d1) -> (0)>
#map1 = affine_map<(d0, d1) -> (0, 0)>
module attributes {stable_mosaic.version = 14 : i64} {
  func.func @gather_k(%arg0: i32, %arg1: i32, %arg2: memref<32000xi32, #tpu.memory_space<hbm>>, %arg3: memref<10000x384xf32, #tpu.memory_space<hbm>>, %arg4: memref<32000x128xf32, #tpu.memory_space<hbm>>, %arg5: memref<32000x128xf32, #tpu.memory_space<hbm>>, %arg6: memref<32000x128xf32, #tpu.memory_space<hbm>>, %arg7: memref<2x40xi32, #tpu.memory_space<vmem>>, %arg8: memref<2x40x384xf32, #tpu.memory_space<vmem>>, %arg9: memref<2x!tpu.dma_semaphore, #tpu.memory_space<semaphore_mem>>) attributes {dimension_semantics = [#tpu.dimension_semantics<core_parallel>, #tpu.dimension_semantics<subcore_parallel>], iteration_bounds = array<i64: 2, 16>, scalar_prefetch = 0 : i64, scratch_operands = 3 : i64, tpu.core_type = #tpu.core_type<sc_vector_subcore>, window_params = [{transform_indices = #map}, {transform_indices = #map1}, {transform_indices = #map1}, {transform_indices = #map1}, {transform_indices = #map1}]} {
    %mul3A = arith.constant 2 : i32
    %mul3A_0 = arith.muli %arg1, %mul3A : i32
    %add3A = arith.addi %mul3A_0, %arg0 : i32
    %mul3A_1 = arith.constant 1000 : i32
    %mul3A_2 = arith.muli %add3A, %mul3A_1 : i32
    %add3A_3 = arith.constant 0 : i32
    %add3A_4 = arith.addi %mul3A_2, %add3A_3 : i32
    %run_scoped3A = arith.constant 0 : i32
    "tpu.region"() ({
      %run_scoped3A_24 = tpu.sem_alloc : memref<!tpu.dma_semaphore, #tpu.memory_space<semaphore_mem>>
      %dma_start3A_25 = arith.constant 0 : i32
      %dma_start3A_26 = tpu.memref_slice %arg7[%run_scoped3A, %dma_start3A_25] : memref<2x40xi32, #tpu.memory_space<vmem>> -> memref<1x40xi32, #tpu.memory_space<vmem>>
      %dma_start3A_27 = tpu.memref_squeeze %dma_start3A_26 : memref<1x40xi32, #tpu.memory_space<vmem>> -> memref<40xi32, #tpu.memory_space<vmem>>
      %dma_start3A_28 = tpu.memref_slice %arg2[%add3A_4] : memref<32000xi32, #tpu.memory_space<hbm>> -> memref<40xi32, #tpu.memory_space<hbm>>
      %dma_start3A_29 = arith.constant 0 : i32
      %dma_start3A_30 = tpu.memref_slice %arg7[%run_scoped3A, %dma_start3A_29] : memref<2x40xi32, #tpu.memory_space<vmem>> -> memref<1x40xi32, #tpu.memory_space<vmem>>
      %dma_start3A_31 = tpu.memref_squeeze %dma_start3A_30 : memref<1x40xi32, #tpu.memory_space<vmem>> -> memref<40xi32, #tpu.memory_space<vmem>>
      %dma_start3A_32 = tpu.memref_slice %arg2[%add3A_4] : memref<32000xi32, #tpu.memory_space<hbm>> -> memref<40xi32, #tpu.memory_space<hbm>>
      tpu.enqueue_dma source(%dma_start3A_32 : memref<40xi32, #tpu.memory_space<hbm>>) target(%dma_start3A_31 : memref<40xi32, #tpu.memory_space<vmem>>) target_semaphore(%run_scoped3A_24 : memref<!tpu.dma_semaphore, #tpu.memory_space<semaphore_mem>>)
      %dma_wait3A = arith.constant 0 : i32
      %dma_wait3A_33 = tpu.memref_slice %arg7[%run_scoped3A, %dma_wait3A] : memref<2x40xi32, #tpu.memory_space<vmem>> -> memref<1x40xi32, #tpu.memory_space<vmem>>
      %dma_wait3A_34 = tpu.memref_squeeze %dma_wait3A_33 : memref<1x40xi32, #tpu.memory_space<vmem>> -> memref<40xi32, #tpu.memory_space<vmem>>
      %dma_wait3A_35 = tpu.memref_slice %arg2[%add3A_4] : memref<32000xi32, #tpu.memory_space<hbm>> -> memref<40xi32, #tpu.memory_space<hbm>>
      %dma_wait3A_36 = arith.constant 0 : i32
      %dma_wait3A_37 = tpu.memref_slice %arg7[%run_scoped3A, %dma_wait3A_36] : memref<2x40xi32, #tpu.memory_space<vmem>> -> memref<1x40xi32, #tpu.memory_space<vmem>>
      %dma_wait3A_38 = tpu.memref_squeeze %dma_wait3A_37 : memref<1x40xi32, #tpu.memory_space<vmem>> -> memref<40xi32, #tpu.memory_space<vmem>>
      %dma_wait3A_39 = tpu.memref_slice %arg2[%add3A_4] : memref<32000xi32, #tpu.memory_space<hbm>> -> memref<40xi32, #tpu.memory_space<hbm>>
      tpu.wait_dma2 semaphore(%run_scoped3A_24 : memref<!tpu.dma_semaphore, #tpu.memory_space<semaphore_mem>>) src(%dma_wait3A_39 : memref<40xi32, #tpu.memory_space<hbm>>) dst(%dma_wait3A_38 : memref<40xi32, #tpu.memory_space<vmem>>)
      tpu.yield
    }) : () -> ()
    %dma_start3A = arith.constant 0 : i32
    %dma_start3A_5 = arith.constant 0 : i32
    %dma_start3A_6 = arith.constant 0 : i32
    %dma_start3A_7 = arith.constant 0 : i32
    %dma_start3A_8 = arith.constant 0 : i32
    %dma_start3A_9 = tpu.memref_slice %arg8[%dma_start3A_5, %dma_start3A_7, %dma_start3A_8] : memref<2x40x384xf32, #tpu.memory_space<vmem>> -> memref<1x40x384xf32, #tpu.memory_space<vmem>>
    %dma_start3A_10 = tpu.memref_squeeze %dma_start3A_9 : memref<1x40x384xf32, #tpu.memory_space<vmem>> -> memref<40x384xf32, #tpu.memory_space<vmem>>
    %dma_start3A_11 = arith.constant 0 : i32
    %dma_start3A_12 = tpu.memref_slice %arg7[%dma_start3A, %dma_start3A_11] : memref<2x40xi32, #tpu.memory_space<vmem>> -> memref<1x40xi32, #tpu.memory_space<vmem>>
    %dma_start3A_13 = tpu.memref_squeeze %dma_start3A_12 : memref<1x40xi32, #tpu.memory_space<vmem>> -> memref<40xi32, #tpu.memory_space<vmem>>
    %dma_start3A_14 = arith.constant 0 : i32
    %dma_start3A_15 = arith.constant 0 : i32
    %dma_start3A_16 = tpu.memref_slice %arg3[%dma_start3A_14, %dma_start3A_15] : memref<10000x384xf32, #tpu.memory_space<hbm>> -> memref<10000x384xf32, #tpu.memory_space<hbm>>
    %dma_start3A_17 = tpu.memref_slice %arg9[%dma_start3A_6] : memref<2x!tpu.dma_semaphore, #tpu.memory_space<semaphore_mem>> -> memref<1x!tpu.dma_semaphore, #tpu.memory_space<semaphore_mem>>
    %dma_start3A_18 = tpu.memref_squeeze %dma_start3A_17 : memref<1x!tpu.dma_semaphore, #tpu.memory_space<semaphore_mem>> -> memref<!tpu.dma_semaphore, #tpu.memory_space<semaphore_mem>>
    tpu.enqueue_indirect_dma source(%dma_start3A_16 : memref<10000x384xf32, #tpu.memory_space<hbm>>) target(%dma_start3A_10 : memref<40x384xf32, #tpu.memory_space<vmem>>) offsets(%dma_start3A_13 : memref<40xi32, #tpu.memory_space<vmem>>) semaphore(%dma_start3A_18 : memref<!tpu.dma_semaphore, #tpu.memory_space<semaphore_mem>>)
    %scan3A = arith.constant 0 : i32
    %scan3A_19 = arith.constant 0 : i32
    %scan3A_20 = arith.constant 25 : i32
    %scan3A_21 = arith.addi %scan3A_19, %scan3A_20 : i32
    %scan3A_22 = arith.constant 1 : i32
    scf.for %scan3A_24 = %scan3A_19 to %scan3A_21 step %scan3A_22  : i32 {
      %jit3A = arith.constant 2 : i32
      %eq3A = arith.constant 0 : i32
      %eq3A_25 = arith.cmpi eq, %jit3A, %eq3A : i32
      %jit3A_26 = arith.constant 1 : i32
      %select_n3A = arith.select %eq3A_25, %jit3A_26, %jit3A : i32
      %rem3A = arith.remsi %scan3A_24, %select_n3A : i32
      %ne3A = arith.constant 0 : i32
      %ne3A_27 = arith.cmpi ne, %rem3A, %ne3A : i32
      %lt3A = arith.constant 0 : i32
      %lt3A_28 = arith.cmpi slt, %rem3A, %lt3A : i32
      %lt3A_29 = arith.constant 0 : i32
      %lt3A_30 = arith.cmpi slt, %select_n3A, %lt3A_29 : i32
      %ne3A_31 = arith.xori %lt3A_28, %lt3A_30 : i1
      %and3A = arith.andi %ne3A_31, %ne3A_27 : i1
      %add3A_32 = arith.addi %rem3A, %select_n3A : i32
      %select_n3A_33 = arith.select %and3A, %add3A_32, %rem3A : i32
      %add3A_34 = arith.constant 1 : i32
      %add3A_35 = arith.addi %scan3A_24, %add3A_34 : i32
      %lt3A_36 = arith.constant 25 : i32
      %lt3A_37 = arith.cmpi slt, %add3A_35, %lt3A_36 : i32
      %convert_element_type3A = arith.extui %lt3A_37 : i1 to i32
      %cond3A = arith.constant 0 : i32
      %cond3A_38 = arith.cmpi ne, %convert_element_type3A, %cond3A : i32
      scf.if %cond3A_38 {
        %add3A_59 = arith.constant 1 : i32
        %add3A_60 = arith.addi %scan3A_24, %add3A_59 : i32
        %sub3A = arith.constant 1 : i32
        %sub3A_61 = arith.subi %sub3A, %select_n3A_33 : i32
        %mul3A_62 = arith.constant 40 : i32
        %mul3A_63 = arith.muli %add3A_60, %mul3A_62 : i32
        %add3A_64 = arith.addi %mul3A_2, %mul3A_63 : i32
        "tpu.region"() ({
          %run_scoped3A_77 = tpu.sem_alloc : memref<!tpu.dma_semaphore, #tpu.memory_space<semaphore_mem>>
          %dma_start3A_78 = arith.constant 0 : i32
          %dma_start3A_79 = tpu.memref_slice %arg7[%sub3A_61, %dma_start3A_78] : memref<2x40xi32, #tpu.memory_space<vmem>> -> memref<1x40xi32, #tpu.memory_space<vmem>>
          %dma_start3A_80 = tpu.memref_squeeze %dma_start3A_79 : memref<1x40xi32, #tpu.memory_space<vmem>> -> memref<40xi32, #tpu.memory_space<vmem>>
          %dma_start3A_81 = tpu.memref_slice %arg2[%add3A_64] : memref<32000xi32, #tpu.memory_space<hbm>> -> memref<40xi32, #tpu.memory_space<hbm>>
          %dma_start3A_82 = arith.constant 0 : i32
          %dma_start3A_83 = tpu.memref_slice %arg7[%sub3A_61, %dma_start3A_82] : memref<2x40xi32, #tpu.memory_space<vmem>> -> memref<1x40xi32, #tpu.memory_space<vmem>>
          %dma_start3A_84 = tpu.memref_squeeze %dma_start3A_83 : memref<1x40xi32, #tpu.memory_space<vmem>> -> memref<40xi32, #tpu.memory_space<vmem>>
          %dma_start3A_85 = tpu.memref_slice %arg2[%add3A_64] : memref<32000xi32, #tpu.memory_space<hbm>> -> memref<40xi32, #tpu.memory_space<hbm>>
          tpu.enqueue_dma source(%dma_start3A_85 : memref<40xi32, #tpu.memory_space<hbm>>) target(%dma_start3A_84 : memref<40xi32, #tpu.memory_space<vmem>>) target_semaphore(%run_scoped3A_77 : memref<!tpu.dma_semaphore, #tpu.memory_space<semaphore_mem>>)
          %dma_wait3A_86 = arith.constant 0 : i32
          %dma_wait3A_87 = tpu.memref_slice %arg7[%sub3A_61, %dma_wait3A_86] : memref<2x40xi32, #tpu.memory_space<vmem>> -> memref<1x40xi32, #tpu.memory_space<vmem>>
          %dma_wait3A_88 = tpu.memref_squeeze %dma_wait3A_87 : memref<1x40xi32, #tpu.memory_space<vmem>> -> memref<40xi32, #tpu.memory_space<vmem>>
          %dma_wait3A_89 = tpu.memref_slice %arg2[%add3A_64] : memref<32000xi32, #tpu.memory_space<hbm>> -> memref<40xi32, #tpu.memory_space<hbm>>
          %dma_wait3A_90 = arith.constant 0 : i32
          %dma_wait3A_91 = tpu.memref_slice %arg7[%sub3A_61, %dma_wait3A_90] : memref<2x40xi32, #tpu.memory_space<vmem>> -> memref<1x40xi32, #tpu.memory_space<vmem>>
          %dma_wait3A_92 = tpu.memref_squeeze %dma_wait3A_91 : memref<1x40xi32, #tpu.memory_space<vmem>> -> memref<40xi32, #tpu.memory_space<vmem>>
          %dma_wait3A_93 = tpu.memref_slice %arg2[%add3A_64] : memref<32000xi32, #tpu.memory_space<hbm>> -> memref<40xi32, #tpu.memory_space<hbm>>
          tpu.wait_dma2 semaphore(%run_scoped3A_77 : memref<!tpu.dma_semaphore, #tpu.memory_space<semaphore_mem>>) src(%dma_wait3A_93 : memref<40xi32, #tpu.memory_space<hbm>>) dst(%dma_wait3A_92 : memref<40xi32, #tpu.memory_space<vmem>>)
          tpu.yield
        }) : () -> ()
        %dma_start3A_65 = arith.constant 0 : i32
        %dma_start3A_66 = arith.constant 0 : i32
        %dma_start3A_67 = tpu.memref_slice %arg8[%sub3A_61, %dma_start3A_65, %dma_start3A_66] : memref<2x40x384xf32, #tpu.memory_space<vmem>> -> memref<1x40x384xf32, #tpu.memory_space<vmem>>
        %dma_start3A_68 = tpu.memref_squeeze %dma_start3A_67 : memref<1x40x384xf32, #tpu.memory_space<vmem>> -> memref<40x384xf32, #tpu.memory_space<vmem>>
        %dma_start3A_69 = arith.constant 0 : i32
        %dma_start3A_70 = tpu.memref_slice %arg7[%sub3A_61, %dma_start3A_69] : memref<2x40xi32, #tpu.memory_space<vmem>> -> memref<1x40xi32, #tpu.memory_space<vmem>>
        %dma_start3A_71 = tpu.memref_squeeze %dma_start3A_70 : memref<1x40xi32, #tpu.memory_space<vmem>> -> memref<40xi32, #tpu.memory_space<vmem>>
        %dma_start3A_72 = arith.constant 0 : i32
        %dma_start3A_73 = arith.constant 0 : i32
        %dma_start3A_74 = tpu.memref_slice %arg3[%dma_start3A_72, %dma_start3A_73] : memref<10000x384xf32, #tpu.memory_space<hbm>> -> memref<10000x384xf32, #tpu.memory_space<hbm>>
        %dma_start3A_75 = tpu.memref_slice %arg9[%sub3A_61] : memref<2x!tpu.dma_semaphore, #tpu.memory_space<semaphore_mem>> -> memref<1x!tpu.dma_semaphore, #tpu.memory_space<semaphore_mem>>
        %dma_start3A_76 = tpu.memref_squeeze %dma_start3A_75 : memref<1x!tpu.dma_semaphore, #tpu.memory_space<semaphore_mem>> -> memref<!tpu.dma_semaphore, #tpu.memory_space<semaphore_mem>>
        tpu.enqueue_indirect_dma source(%dma_start3A_74 : memref<10000x384xf32, #tpu.memory_space<hbm>>) target(%dma_start3A_68 : memref<40x384xf32, #tpu.memory_space<vmem>>) offsets(%dma_start3A_71 : memref<40xi32, #tpu.memory_space<vmem>>) semaphore(%dma_start3A_76 : memref<!tpu.dma_semaphore, #tpu.memory_space<semaphore_mem>>)
      } else {
      }
      %dma_wait3A = arith.constant 0 : i32
      %dma_wait3A_39 = arith.constant 0 : i32
      %dma_wait3A_40 = tpu.memref_slice %arg8[%select_n3A_33, %dma_wait3A, %dma_wait3A_39] : memref<2x40x384xf32, #tpu.memory_space<vmem>> -> memref<1x40x384xf32, #tpu.memory_space<vmem>>
      %dma_wait3A_41 = tpu.memref_squeeze %dma_wait3A_40 : memref<1x40x384xf32, #tpu.memory_space<vmem>> -> memref<40x384xf32, #tpu.memory_space<vmem>>
      %dma_wait3A_42 = arith.constant 0 : i32
      %dma_wait3A_43 = tpu.memref_slice %arg7[%select_n3A_33, %dma_wait3A_42] : memref<2x40xi32, #tpu.memory_space<vmem>> -> memref<1x40xi32, #tpu.memory_space<vmem>>
      %dma_wait3A_44 = tpu.memref_squeeze %dma_wait3A_43 : memref<1x40xi32, #tpu.memory_space<vmem>> -> memref<40xi32, #tpu.memory_space<vmem>>
      %dma_wait3A_45 = arith.constant 0 : i32
      %dma_wait3A_46 = arith.constant 0 : i32
      %dma_wait3A_47 = tpu.memref_slice %arg3[%dma_wait3A_45, %dma_wait3A_46] : memref<10000x384xf32, #tpu.memory_space<hbm>> -> memref<10000x384xf32, #tpu.memory_space<hbm>>
      %dma_wait3A_48 = tpu.memref_slice %arg9[%select_n3A_33] : memref<2x!tpu.dma_semaphore, #tpu.memory_space<semaphore_mem>> -> memref<1x!tpu.dma_semaphore, #tpu.memory_space<semaphore_mem>>
      %dma_wait3A_49 = tpu.memref_squeeze %dma_wait3A_48 : memref<1x!tpu.dma_semaphore, #tpu.memory_space<semaphore_mem>> -> memref<!tpu.dma_semaphore, #tpu.memory_space<semaphore_mem>>
      tpu.wait_indirect_dma semaphore(%dma_wait3A_49 : memref<!tpu.dma_semaphore, #tpu.memory_space<semaphore_mem>>) src(%dma_wait3A_47 : memref<10000x384xf32, #tpu.memory_space<hbm>>) dst(%dma_wait3A_41 : memref<40x384xf32, #tpu.memory_space<vmem>>)
      %mul3A_50 = arith.constant 40 : i32
      %mul3A_51 = arith.muli %scan3A_24, %mul3A_50 : i32
      %add3A_52 = arith.addi %mul3A_2, %mul3A_51 : i32
      "tpu.region"() ({
        %run_scoped3A_59 = tpu.sem_alloc : memref<!tpu.dma_semaphore, #tpu.memory_space<semaphore_mem>>
        %dma_start3A_60 = arith.constant 0 : i32
        %dma_start3A_61 = arith.constant 0 : i32
        %dma_start3A_62 = tpu.memref_slice %arg8[%select_n3A_33, %dma_start3A_60, %dma_start3A_61] : memref<2x40x384xf32, #tpu.memory_space<vmem>> -> memref<1x40x128xf32, #tpu.memory_space<vmem>>
        %dma_start3A_63 = tpu.memref_squeeze %dma_start3A_62 : memref<1x40x128xf32, #tpu.memory_space<vmem>> -> memref<40x128xf32, #tpu.memory_space<vmem>>
        %dma_start3A_64 = arith.constant 0 : i32
        %dma_start3A_65 = tpu.memref_slice %arg4[%add3A_52, %dma_start3A_64] : memref<32000x128xf32, #tpu.memory_space<hbm>> -> memref<40x128xf32, #tpu.memory_space<hbm>>
        %dma_start3A_66 = arith.constant 0 : i32
        %dma_start3A_67 = tpu.memref_slice %arg4[%add3A_52, %dma_start3A_66] : memref<32000x128xf32, #tpu.memory_space<hbm>> -> memref<40x128xf32, #tpu.memory_space<hbm>>
        %dma_start3A_68 = arith.constant 0 : i32
        %dma_start3A_69 = arith.constant 0 : i32
        %dma_start3A_70 = tpu.memref_slice %arg8[%select_n3A_33, %dma_start3A_68, %dma_start3A_69] : memref<2x40x384xf32, #tpu.memory_space<vmem>> -> memref<1x40x128xf32, #tpu.memory_space<vmem>>
        %dma_start3A_71 = tpu.memref_squeeze %dma_start3A_70 : memref<1x40x128xf32, #tpu.memory_space<vmem>> -> memref<40x128xf32, #tpu.memory_space<vmem>>
        tpu.enqueue_dma source(%dma_start3A_71 : memref<40x128xf32, #tpu.memory_space<vmem>>) target(%dma_start3A_67 : memref<40x128xf32, #tpu.memory_space<hbm>>) target_semaphore(%run_scoped3A_59 : memref<!tpu.dma_semaphore, #tpu.memory_space<semaphore_mem>>)
        %dma_wait3A_72 = arith.constant 0 : i32
        %dma_wait3A_73 = arith.constant 0 : i32
        %dma_wait3A_74 = tpu.memref_slice %arg8[%select_n3A_33, %dma_wait3A_72, %dma_wait3A_73] : memref<2x40x384xf32, #tpu.memory_space<vmem>> -> memref<1x40x128xf32, #tpu.memory_space<vmem>>
        %dma_wait3A_75 = tpu.memref_squeeze %dma_wait3A_74 : memref<1x40x128xf32, #tpu.memory_space<vmem>> -> memref<40x128xf32, #tpu.memory_space<vmem>>
        %dma_wait3A_76 = arith.constant 0 : i32
        %dma_wait3A_77 = tpu.memref_slice %arg4[%add3A_52, %dma_wait3A_76] : memref<32000x128xf32, #tpu.memory_space<hbm>> -> memref<40x128xf32, #tpu.memory_space<hbm>>
        %dma_wait3A_78 = arith.constant 0 : i32
        %dma_wait3A_79 = tpu.memref_slice %arg4[%add3A_52, %dma_wait3A_78] : memref<32000x128xf32, #tpu.memory_space<hbm>> -> memref<40x128xf32, #tpu.memory_space<hbm>>
        %dma_wait3A_80 = arith.constant 0 : i32
        %dma_wait3A_81 = arith.constant 0 : i32
        %dma_wait3A_82 = tpu.memref_slice %arg8[%select_n3A_33, %dma_wait3A_80, %dma_wait3A_81] : memref<2x40x384xf32, #tpu.memory_space<vmem>> -> memref<1x40x128xf32, #tpu.memory_space<vmem>>
        %dma_wait3A_83 = tpu.memref_squeeze %dma_wait3A_82 : memref<1x40x128xf32, #tpu.memory_space<vmem>> -> memref<40x128xf32, #tpu.memory_space<vmem>>
        tpu.wait_dma2 semaphore(%run_scoped3A_59 : memref<!tpu.dma_semaphore, #tpu.memory_space<semaphore_mem>>) src(%dma_wait3A_83 : memref<40x128xf32, #tpu.memory_space<vmem>>) dst(%dma_wait3A_79 : memref<40x128xf32, #tpu.memory_space<hbm>>)
        tpu.yield
      }) : () -> ()
      %mul3A_53 = arith.constant 40 : i32
      %mul3A_54 = arith.muli %scan3A_24, %mul3A_53 : i32
      %add3A_55 = arith.addi %mul3A_2, %mul3A_54 : i32
      "tpu.region"() ({
        %run_scoped3A_59 = tpu.sem_alloc : memref<!tpu.dma_semaphore, #tpu.memory_space<semaphore_mem>>
        %dma_start3A_60 = arith.constant 0 : i32
        %dma_start3A_61 = arith.constant 128 : i32
        %dma_start3A_62 = tpu.memref_slice %arg8[%select_n3A_33, %dma_start3A_60, %dma_start3A_61] : memref<2x40x384xf32, #tpu.memory_space<vmem>> -> memref<1x40x128xf32, #tpu.memory_space<vmem>>
        %dma_start3A_63 = tpu.memref_squeeze %dma_start3A_62 : memref<1x40x128xf32, #tpu.memory_space<vmem>> -> memref<40x128xf32, #tpu.memory_space<vmem>>
        %dma_start3A_64 = arith.constant 0 : i32
        %dma_start3A_65 = tpu.memref_slice %arg5[%add3A_55, %dma_start3A_64] : memref<32000x128xf32, #tpu.memory_space<hbm>> -> memref<40x128xf32, #tpu.memory_space<hbm>>
        %dma_start3A_66 = arith.constant 0 : i32
        %dma_start3A_67 = tpu.memref_slice %arg5[%add3A_55, %dma_start3A_66] : memref<32000x128xf32, #tpu.memory_space<hbm>> -> memref<40x128xf32, #tpu.memory_space<hbm>>
        %dma_start3A_68 = arith.constant 0 : i32
        %dma_start3A_69 = arith.constant 128 : i32
        %dma_start3A_70 = tpu.memref_slice %arg8[%select_n3A_33, %dma_start3A_68, %dma_start3A_69] : memref<2x40x384xf32, #tpu.memory_space<vmem>> -> memref<1x40x128xf32, #tpu.memory_space<vmem>>
        %dma_start3A_71 = tpu.memref_squeeze %dma_start3A_70 : memref<1x40x128xf32, #tpu.memory_space<vmem>> -> memref<40x128xf32, #tpu.memory_space<vmem>>
        tpu.enqueue_dma source(%dma_start3A_71 : memref<40x128xf32, #tpu.memory_space<vmem>>) target(%dma_start3A_67 : memref<40x128xf32, #tpu.memory_space<hbm>>) target_semaphore(%run_scoped3A_59 : memref<!tpu.dma_semaphore, #tpu.memory_space<semaphore_mem>>)
        %dma_wait3A_72 = arith.constant 0 : i32
        %dma_wait3A_73 = arith.constant 128 : i32
        %dma_wait3A_74 = tpu.memref_slice %arg8[%select_n3A_33, %dma_wait3A_72, %dma_wait3A_73] : memref<2x40x384xf32, #tpu.memory_space<vmem>> -> memref<1x40x128xf32, #tpu.memory_space<vmem>>
        %dma_wait3A_75 = tpu.memref_squeeze %dma_wait3A_74 : memref<1x40x128xf32, #tpu.memory_space<vmem>> -> memref<40x128xf32, #tpu.memory_space<vmem>>
        %dma_wait3A_76 = arith.constant 0 : i32
        %dma_wait3A_77 = tpu.memref_slice %arg5[%add3A_55, %dma_wait3A_76] : memref<32000x128xf32, #tpu.memory_space<hbm>> -> memref<40x128xf32, #tpu.memory_space<hbm>>
        %dma_wait3A_78 = arith.constant 0 : i32
        %dma_wait3A_79 = tpu.memref_slice %arg5[%add3A_55, %dma_wait3A_78] : memref<32000x128xf32, #tpu.memory_space<hbm>> -> memref<40x128xf32, #tpu.memory_space<hbm>>
        %dma_wait3A_80 = arith.constant 0 : i32
        %dma_wait3A_81 = arith.constant 128 : i32
        %dma_wait3A_82 = tpu.memref_slice %arg8[%select_n3A_33, %dma_wait3A_80, %dma_wait3A_81] : memref<2x40x384xf32, #tpu.memory_space<vmem>> -> memref<1x40x128xf32, #tpu.memory_space<vmem>>
        %dma_wait3A_83 = tpu.memref_squeeze %dma_wait3A_82 : memref<1x40x128xf32, #tpu.memory_space<vmem>> -> memref<40x128xf32, #tpu.memory_space<vmem>>
        tpu.wait_dma2 semaphore(%run_scoped3A_59 : memref<!tpu.dma_semaphore, #tpu.memory_space<semaphore_mem>>) src(%dma_wait3A_83 : memref<40x128xf32, #tpu.memory_space<vmem>>) dst(%dma_wait3A_79 : memref<40x128xf32, #tpu.memory_space<hbm>>)
        tpu.yield
      }) : () -> ()
      %mul3A_56 = arith.constant 40 : i32
      %mul3A_57 = arith.muli %scan3A_24, %mul3A_56 : i32
      %add3A_58 = arith.addi %mul3A_2, %mul3A_57 : i32
      "tpu.region"() ({
        %run_scoped3A_59 = tpu.sem_alloc : memref<!tpu.dma_semaphore, #tpu.memory_space<semaphore_mem>>
        %dma_start3A_60 = arith.constant 0 : i32
        %dma_start3A_61 = arith.constant 256 : i32
        %dma_start3A_62 = tpu.memref_slice %arg8[%select_n3A_33, %dma_start3A_60, %dma_start3A_61] : memref<2x40x384xf32, #tpu.memory_space<vmem>> -> memref<1x40x128xf32, #tpu.memory_space<vmem>>
        %dma_start3A_63 = tpu.memref_squeeze %dma_start3A_62 : memref<1x40x128xf32, #tpu.memory_space<vmem>> -> memref<40x128xf32, #tpu.memory_space<vmem>>
        %dma_start3A_64 = arith.constant 0 : i32
        %dma_start3A_65 = tpu.memref_slice %arg6[%add3A_58, %dma_start3A_64] : memref<32000x128xf32, #tpu.memory_space<hbm>> -> memref<40x128xf32, #tpu.memory_space<hbm>>
        %dma_start3A_66 = arith.constant 0 : i32
        %dma_start3A_67 = tpu.memref_slice %arg6[%add3A_58, %dma_start3A_66] : memref<32000x128xf32, #tpu.memory_space<hbm>> -> memref<40x128xf32, #tpu.memory_space<hbm>>
        %dma_start3A_68 = arith.constant 0 : i32
        %dma_start3A_69 = arith.constant 256 : i32
        %dma_start3A_70 = tpu.memref_slice %arg8[%select_n3A_33, %dma_start3A_68, %dma_start3A_69] : memref<2x40x384xf32, #tpu.memory_space<vmem>> -> memref<1x40x128xf32, #tpu.memory_space<vmem>>
        %dma_start3A_71 = tpu.memref_squeeze %dma_start3A_70 : memref<1x40x128xf32, #tpu.memory_space<vmem>> -> memref<40x128xf32, #tpu.memory_space<vmem>>
        tpu.enqueue_dma source(%dma_start3A_71 : memref<40x128xf32, #tpu.memory_space<vmem>>) target(%dma_start3A_67 : memref<40x128xf32, #tpu.memory_space<hbm>>) target_semaphore(%run_scoped3A_59 : memref<!tpu.dma_semaphore, #tpu.memory_space<semaphore_mem>>)
        %dma_wait3A_72 = arith.constant 0 : i32
        %dma_wait3A_73 = arith.constant 256 : i32
        %dma_wait3A_74 = tpu.memref_slice %arg8[%select_n3A_33, %dma_wait3A_72, %dma_wait3A_73] : memref<2x40x384xf32, #tpu.memory_space<vmem>> -> memref<1x40x128xf32, #tpu.memory_space<vmem>>
        %dma_wait3A_75 = tpu.memref_squeeze %dma_wait3A_74 : memref<1x40x128xf32, #tpu.memory_space<vmem>> -> memref<40x128xf32, #tpu.memory_space<vmem>>
        %dma_wait3A_76 = arith.constant 0 : i32
        %dma_wait3A_77 = tpu.memref_slice %arg6[%add3A_58, %dma_wait3A_76] : memref<32000x128xf32, #tpu.memory_space<hbm>> -> memref<40x128xf32, #tpu.memory_space<hbm>>
        %dma_wait3A_78 = arith.constant 0 : i32
        %dma_wait3A_79 = tpu.memref_slice %arg6[%add3A_58, %dma_wait3A_78] : memref<32000x128xf32, #tpu.memory_space<hbm>> -> memref<40x128xf32, #tpu.memory_space<hbm>>
        %dma_wait3A_80 = arith.constant 0 : i32
        %dma_wait3A_81 = arith.constant 256 : i32
        %dma_wait3A_82 = tpu.memref_slice %arg8[%select_n3A_33, %dma_wait3A_80, %dma_wait3A_81] : memref<2x40x384xf32, #tpu.memory_space<vmem>> -> memref<1x40x128xf32, #tpu.memory_space<vmem>>
        %dma_wait3A_83 = tpu.memref_squeeze %dma_wait3A_82 : memref<1x40x128xf32, #tpu.memory_space<vmem>> -> memref<40x128xf32, #tpu.memory_space<vmem>>
        tpu.wait_dma2 semaphore(%run_scoped3A_59 : memref<!tpu.dma_semaphore, #tpu.memory_space<semaphore_mem>>) src(%dma_wait3A_83 : memref<40x128xf32, #tpu.memory_space<vmem>>) dst(%dma_wait3A_79 : memref<40x128xf32, #tpu.memory_space<hbm>>)
        tpu.yield
      }) : () -> ()
    }
    %scan3A_23 = arith.constant 25 : i32
    return
  }
}

#map = affine_map<(d0, d1) -> (0)>
#map1 = affine_map<(d0, d1) -> (0, 0)>
module attributes {stable_mosaic.version = 14 : i64} {
  func.func @gather_k(%arg0: i32, %arg1: i32, %arg2: memref<32000xi32, #tpu.memory_space<hbm>>, %arg3: memref<10000x384xf32, #tpu.memory_space<hbm>>, %arg4: memref<32000x128xf32, #tpu.memory_space<hbm>>, %arg5: memref<32000x128xf32, #tpu.memory_space<hbm>>, %arg6: memref<32000x128xf32, #tpu.memory_space<hbm>>, %arg7: memref<2x40xi32, #tpu.memory_space<vmem>>, %arg8: memref<2x40x384xf32, #tpu.memory_space<vmem>>, %arg9: memref<2x!tpu.dma_semaphore, #tpu.memory_space<semaphore_mem>>) attributes {dimension_semantics = [#tpu.dimension_semantics<core_parallel>, #tpu.dimension_semantics<subcore_parallel>], iteration_bounds = array<i64: 2, 16>, scalar_prefetch = 0 : i64, scratch_operands = 3 : i64, tpu.core_type = #tpu.core_type<sc_vector_subcore>, window_params = [{transform_indices = #map}, {transform_indices = #map1}, {transform_indices = #map1}, {transform_indices = #map1}, {transform_indices = #map1}]} {
    %mul3A = arith.constant 2 : i32
    %mul3A_0 = arith.muli %arg1, %mul3A : i32
    %add3A = arith.addi %mul3A_0, %arg0 : i32
    %mul3A_1 = arith.constant 1000 : i32
    %mul3A_2 = arith.muli %add3A, %mul3A_1 : i32
    %add3A_3 = arith.constant 0 : i32
    %add3A_4 = arith.addi %mul3A_2, %add3A_3 : i32
    %run_scoped3A = arith.constant 0 : i32
    "tpu.region"() ({
      %run_scoped3A_24 = tpu.sem_alloc : memref<!tpu.dma_semaphore, #tpu.memory_space<semaphore_mem>>
      %dma_start3A_25 = arith.constant 0 : i32
      %dma_start3A_26 = tpu.memref_slice %arg7[%run_scoped3A, %dma_start3A_25] : memref<2x40xi32, #tpu.memory_space<vmem>> -> memref<1x40xi32, #tpu.memory_space<vmem>>
      %dma_start3A_27 = tpu.memref_squeeze %dma_start3A_26 : memref<1x40xi32, #tpu.memory_space<vmem>> -> memref<40xi32, #tpu.memory_space<vmem>>
      %dma_start3A_28 = tpu.memref_slice %arg2[%add3A_4] : memref<32000xi32, #tpu.memory_space<hbm>> -> memref<40xi32, #tpu.memory_space<hbm>>
      %dma_start3A_29 = arith.constant 0 : i32
      %dma_start3A_30 = tpu.memref_slice %arg7[%run_scoped3A, %dma_start3A_29] : memref<2x40xi32, #tpu.memory_space<vmem>> -> memref<1x40xi32, #tpu.memory_space<vmem>>
      %dma_start3A_31 = tpu.memref_squeeze %dma_start3A_30 : memref<1x40xi32, #tpu.memory_space<vmem>> -> memref<40xi32, #tpu.memory_space<vmem>>
      %dma_start3A_32 = tpu.memref_slice %arg2[%add3A_4] : memref<32000xi32, #tpu.memory_space<hbm>> -> memref<40xi32, #tpu.memory_space<hbm>>
      tpu.enqueue_dma source(%dma_start3A_32 : memref<40xi32, #tpu.memory_space<hbm>>) target(%dma_start3A_31 : memref<40xi32, #tpu.memory_space<vmem>>) target_semaphore(%run_scoped3A_24 : memref<!tpu.dma_semaphore, #tpu.memory_space<semaphore_mem>>)
      %dma_wait3A = arith.constant 0 : i32
      %dma_wait3A_33 = tpu.memref_slice %arg7[%run_scoped3A, %dma_wait3A] : memref<2x40xi32, #tpu.memory_space<vmem>> -> memref<1x40xi32, #tpu.memory_space<vmem>>
      %dma_wait3A_34 = tpu.memref_squeeze %dma_wait3A_33 : memref<1x40xi32, #tpu.memory_space<vmem>> -> memref<40xi32, #tpu.memory_space<vmem>>
      %dma_wait3A_35 = tpu.memref_slice %arg2[%add3A_4] : memref<32000xi32, #tpu.memory_space<hbm>> -> memref<40xi32, #tpu.memory_space<hbm>>
      %dma_wait3A_36 = arith.constant 0 : i32
      %dma_wait3A_37 = tpu.memref_slice %arg7[%run_scoped3A, %dma_wait3A_36] : memref<2x40xi32, #tpu.memory_space<vmem>> -> memref<1x40xi32, #tpu.memory_space<vmem>>
      %dma_wait3A_38 = tpu.memref_squeeze %dma_wait3A_37 : memref<1x40xi32, #tpu.memory_space<vmem>> -> memref<40xi32, #tpu.memory_space<vmem>>
      %dma_wait3A_39 = tpu.memref_slice %arg2[%add3A_4] : memref<32000xi32, #tpu.memory_space<hbm>> -> memref<40xi32, #tpu.memory_space<hbm>>
      tpu.wait_dma2 semaphore(%run_scoped3A_24 : memref<!tpu.dma_semaphore, #tpu.memory_space<semaphore_mem>>) src(%dma_wait3A_39 : memref<40xi32, #tpu.memory_space<hbm>>) dst(%dma_wait3A_38 : memref<40xi32, #tpu.memory_space<vmem>>)
      tpu.yield
    }) : () -> ()
    %dma_start3A = arith.constant 0 : i32
    %dma_start3A_5 = arith.constant 0 : i32
    %dma_start3A_6 = arith.constant 0 : i32
    %dma_start3A_7 = arith.constant 0 : i32
    %dma_start3A_8 = arith.constant 0 : i32
    %dma_start3A_9 = tpu.memref_slice %arg8[%dma_start3A_5, %dma_start3A_7, %dma_start3A_8] : memref<2x40x384xf32, #tpu.memory_space<vmem>> -> memref<1x40x384xf32, #tpu.memory_space<vmem>>
    %dma_start3A_10 = tpu.memref_squeeze %dma_start3A_9 : memref<1x40x384xf32, #tpu.memory_space<vmem>> -> memref<40x384xf32, #tpu.memory_space<vmem>>
    %dma_start3A_11 = arith.constant 0 : i32
    %dma_start3A_12 = tpu.memref_slice %arg7[%dma_start3A, %dma_start3A_11] : memref<2x40xi32, #tpu.memory_space<vmem>> -> memref<1x40xi32, #tpu.memory_space<vmem>>
    %dma_start3A_13 = tpu.memref_squeeze %dma_start3A_12 : memref<1x40xi32, #tpu.memory_space<vmem>> -> memref<40xi32, #tpu.memory_space<vmem>>
    %dma_start3A_14 = arith.constant 0 : i32
    %dma_start3A_15 = arith.constant 0 : i32
    %dma_start3A_16 = tpu.memref_slice %arg3[%dma_start3A_14, %dma_start3A_15] : memref<10000x384xf32, #tpu.memory_space<hbm>> -> memref<10000x384xf32, #tpu.memory_space<hbm>>
    %dma_start3A_17 = tpu.memref_slice %arg9[%dma_start3A_6] : memref<2x!tpu.dma_semaphore, #tpu.memory_space<semaphore_mem>> -> memref<1x!tpu.dma_semaphore, #tpu.memory_space<semaphore_mem>>
    %dma_start3A_18 = tpu.memref_squeeze %dma_start3A_17 : memref<1x!tpu.dma_semaphore, #tpu.memory_space<semaphore_mem>> -> memref<!tpu.dma_semaphore, #tpu.memory_space<semaphore_mem>>
    tpu.enqueue_indirect_dma source(%dma_start3A_16 : memref<10000x384xf32, #tpu.memory_space<hbm>>) target(%dma_start3A_10 : memref<40x384xf32, #tpu.memory_space<vmem>>) offsets(%dma_start3A_13 : memref<40xi32, #tpu.memory_space<vmem>>) semaphore(%dma_start3A_18 : memref<!tpu.dma_semaphore, #tpu.memory_space<semaphore_mem>>)
    %scan3A = arith.constant 0 : i32
    %scan3A_19 = arith.constant 0 : i32
    %scan3A_20 = arith.constant 25 : i32
    %scan3A_21 = arith.addi %scan3A_19, %scan3A_20 : i32
    %scan3A_22 = arith.constant 1 : i32
    scf.for %scan3A_24 = %scan3A_19 to %scan3A_21 step %scan3A_22  : i32 {
      %jit3A = arith.constant 2 : i32
      %eq3A = arith.constant 0 : i32
      %eq3A_25 = arith.cmpi eq, %jit3A, %eq3A : i32
      %jit3A_26 = arith.constant 1 : i32
      %select_n3A = arith.select %eq3A_25, %jit3A_26, %jit3A : i32
      %rem3A = arith.remsi %scan3A_24, %select_n3A : i32
      %ne3A = arith.constant 0 : i32
      %ne3A_27 = arith.cmpi ne, %rem3A, %ne3A : i32
      %lt3A = arith.constant 0 : i32
      %lt3A_28 = arith.cmpi slt, %rem3A, %lt3A : i32
      %lt3A_29 = arith.constant 0 : i32
      %lt3A_30 = arith.cmpi slt, %select_n3A, %lt3A_29 : i32
      %ne3A_31 = arith.xori %lt3A_28, %lt3A_30 : i1
      %and3A = arith.andi %ne3A_31, %ne3A_27 : i1
      %add3A_32 = arith.addi %rem3A, %select_n3A : i32
      %select_n3A_33 = arith.select %and3A, %add3A_32, %rem3A : i32
      %add3A_34 = arith.constant 1 : i32
      %add3A_35 = arith.addi %scan3A_24, %add3A_34 : i32
      %lt3A_36 = arith.constant 25 : i32
      %lt3A_37 = arith.cmpi slt, %add3A_35, %lt3A_36 : i32
      %convert_element_type3A = arith.extui %lt3A_37 : i1 to i32
      %cond3A = arith.constant 0 : i32
      %cond3A_38 = arith.cmpi ne, %convert_element_type3A, %cond3A : i32
      scf.if %cond3A_38 {
        %add3A_59 = arith.constant 1 : i32
        %add3A_60 = arith.addi %scan3A_24, %add3A_59 : i32
        %sub3A = arith.constant 1 : i32
        %sub3A_61 = arith.subi %sub3A, %select_n3A_33 : i32
        %mul3A_62 = arith.constant 40 : i32
        %mul3A_63 = arith.muli %add3A_60, %mul3A_62 : i32
        %add3A_64 = arith.addi %mul3A_2, %mul3A_63 : i32
        "tpu.region"() ({
          %run_scoped3A_77 = tpu.sem_alloc : memref<!tpu.dma_semaphore, #tpu.memory_space<semaphore_mem>>
          %dma_start3A_78 = arith.constant 0 : i32
          %dma_start3A_79 = tpu.memref_slice %arg7[%sub3A_61, %dma_start3A_78] : memref<2x40xi32, #tpu.memory_space<vmem>> -> memref<1x40xi32, #tpu.memory_space<vmem>>
          %dma_start3A_80 = tpu.memref_squeeze %dma_start3A_79 : memref<1x40xi32, #tpu.memory_space<vmem>> -> memref<40xi32, #tpu.memory_space<vmem>>
          %dma_start3A_81 = tpu.memref_slice %arg2[%add3A_64] : memref<32000xi32, #tpu.memory_space<hbm>> -> memref<40xi32, #tpu.memory_space<hbm>>
          %dma_start3A_82 = arith.constant 0 : i32
          %dma_start3A_83 = tpu.memref_slice %arg7[%sub3A_61, %dma_start3A_82] : memref<2x40xi32, #tpu.memory_space<vmem>> -> memref<1x40xi32, #tpu.memory_space<vmem>>
          %dma_start3A_84 = tpu.memref_squeeze %dma_start3A_83 : memref<1x40xi32, #tpu.memory_space<vmem>> -> memref<40xi32, #tpu.memory_space<vmem>>
          %dma_start3A_85 = tpu.memref_slice %arg2[%add3A_64] : memref<32000xi32, #tpu.memory_space<hbm>> -> memref<40xi32, #tpu.memory_space<hbm>>
          tpu.enqueue_dma source(%dma_start3A_85 : memref<40xi32, #tpu.memory_space<hbm>>) target(%dma_start3A_84 : memref<40xi32, #tpu.memory_space<vmem>>) target_semaphore(%run_scoped3A_77 : memref<!tpu.dma_semaphore, #tpu.memory_space<semaphore_mem>>)
          %dma_wait3A_86 = arith.constant 0 : i32
          %dma_wait3A_87 = tpu.memref_slice %arg7[%sub3A_61, %dma_wait3A_86] : memref<2x40xi32, #tpu.memory_space<vmem>> -> memref<1x40xi32, #tpu.memory_space<vmem>>
          %dma_wait3A_88 = tpu.memref_squeeze %dma_wait3A_87 : memref<1x40xi32, #tpu.memory_space<vmem>> -> memref<40xi32, #tpu.memory_space<vmem>>
          %dma_wait3A_89 = tpu.memref_slice %arg2[%add3A_64] : memref<32000xi32, #tpu.memory_space<hbm>> -> memref<40xi32, #tpu.memory_space<hbm>>
          %dma_wait3A_90 = arith.constant 0 : i32
          %dma_wait3A_91 = tpu.memref_slice %arg7[%sub3A_61, %dma_wait3A_90] : memref<2x40xi32, #tpu.memory_space<vmem>> -> memref<1x40xi32, #tpu.memory_space<vmem>>
          %dma_wait3A_92 = tpu.memref_squeeze %dma_wait3A_91 : memref<1x40xi32, #tpu.memory_space<vmem>> -> memref<40xi32, #tpu.memory_space<vmem>>
          %dma_wait3A_93 = tpu.memref_slice %arg2[%add3A_64] : memref<32000xi32, #tpu.memory_space<hbm>> -> memref<40xi32, #tpu.memory_space<hbm>>
          tpu.wait_dma2 semaphore(%run_scoped3A_77 : memref<!tpu.dma_semaphore, #tpu.memory_space<semaphore_mem>>) src(%dma_wait3A_93 : memref<40xi32, #tpu.memory_space<hbm>>) dst(%dma_wait3A_92 : memref<40xi32, #tpu.memory_space<vmem>>)
          tpu.yield
        }) : () -> ()
        %dma_start3A_65 = arith.constant 0 : i32
        %dma_start3A_66 = arith.constant 0 : i32
        %dma_start3A_67 = tpu.memref_slice %arg8[%sub3A_61, %dma_start3A_65, %dma_start3A_66] : memref<2x40x384xf32, #tpu.memory_space<vmem>> -> memref<1x40x384xf32, #tpu.memory_space<vmem>>
        %dma_start3A_68 = tpu.memref_squeeze %dma_start3A_67 : memref<1x40x384xf32, #tpu.memory_space<vmem>> -> memref<40x384xf32, #tpu.memory_space<vmem>>
        %dma_start3A_69 = arith.constant 0 : i32
        %dma_start3A_70 = tpu.memref_slice %arg7[%sub3A_61, %dma_start3A_69] : memref<2x40xi32, #tpu.memory_space<vmem>> -> memref<1x40xi32, #tpu.memory_space<vmem>>
        %dma_start3A_71 = tpu.memref_squeeze %dma_start3A_70 : memref<1x40xi32, #tpu.memory_space<vmem>> -> memref<40xi32, #tpu.memory_space<vmem>>
        %dma_start3A_72 = arith.constant 0 : i32
        %dma_start3A_73 = arith.constant 0 : i32
        %dma_start3A_74 = tpu.memref_slice %arg3[%dma_start3A_72, %dma_start3A_73] : memref<10000x384xf32, #tpu.memory_space<hbm>> -> memref<10000x384xf32, #tpu.memory_space<hbm>>
        %dma_start3A_75 = tpu.memref_slice %arg9[%sub3A_61] : memref<2x!tpu.dma_semaphore, #tpu.memory_space<semaphore_mem>> -> memref<1x!tpu.dma_semaphore, #tpu.memory_space<semaphore_mem>>
        %dma_start3A_76 = tpu.memref_squeeze %dma_start3A_75 : memref<1x!tpu.dma_semaphore, #tpu.memory_space<semaphore_mem>> -> memref<!tpu.dma_semaphore, #tpu.memory_space<semaphore_mem>>
        tpu.enqueue_indirect_dma source(%dma_start3A_74 : memref<10000x384xf32, #tpu.memory_space<hbm>>) target(%dma_start3A_68 : memref<40x384xf32, #tpu.memory_space<vmem>>) offsets(%dma_start3A_71 : memref<40xi32, #tpu.memory_space<vmem>>) semaphore(%dma_start3A_76 : memref<!tpu.dma_semaphore, #tpu.memory_space<semaphore_mem>>)
      } else {
      }
      %dma_wait3A = arith.constant 0 : i32
      %dma_wait3A_39 = arith.constant 0 : i32
      %dma_wait3A_40 = tpu.memref_slice %arg8[%select_n3A_33, %dma_wait3A, %dma_wait3A_39] : memref<2x40x384xf32, #tpu.memory_space<vmem>> -> memref<1x40x384xf32, #tpu.memory_space<vmem>>
      %dma_wait3A_41 = tpu.memref_squeeze %dma_wait3A_40 : memref<1x40x384xf32, #tpu.memory_space<vmem>> -> memref<40x384xf32, #tpu.memory_space<vmem>>
      %dma_wait3A_42 = arith.constant 0 : i32
      %dma_wait3A_43 = tpu.memref_slice %arg7[%select_n3A_33, %dma_wait3A_42] : memref<2x40xi32, #tpu.memory_space<vmem>> -> memref<1x40xi32, #tpu.memory_space<vmem>>
      %dma_wait3A_44 = tpu.memref_squeeze %dma_wait3A_43 : memref<1x40xi32, #tpu.memory_space<vmem>> -> memref<40xi32, #tpu.memory_space<vmem>>
      %dma_wait3A_45 = arith.constant 0 : i32
      %dma_wait3A_46 = arith.constant 0 : i32
      %dma_wait3A_47 = tpu.memref_slice %arg3[%dma_wait3A_45, %dma_wait3A_46] : memref<10000x384xf32, #tpu.memory_space<hbm>> -> memref<10000x384xf32, #tpu.memory_space<hbm>>
      %dma_wait3A_48 = tpu.memref_slice %arg9[%select_n3A_33] : memref<2x!tpu.dma_semaphore, #tpu.memory_space<semaphore_mem>> -> memref<1x!tpu.dma_semaphore, #tpu.memory_space<semaphore_mem>>
      %dma_wait3A_49 = tpu.memref_squeeze %dma_wait3A_48 : memref<1x!tpu.dma_semaphore, #tpu.memory_space<semaphore_mem>> -> memref<!tpu.dma_semaphore, #tpu.memory_space<semaphore_mem>>
      tpu.wait_indirect_dma semaphore(%dma_wait3A_49 : memref<!tpu.dma_semaphore, #tpu.memory_space<semaphore_mem>>) src(%dma_wait3A_47 : memref<10000x384xf32, #tpu.memory_space<hbm>>) dst(%dma_wait3A_41 : memref<40x384xf32, #tpu.memory_space<vmem>>)
      %mul3A_50 = arith.constant 40 : i32
      %mul3A_51 = arith.muli %scan3A_24, %mul3A_50 : i32
      %add3A_52 = arith.addi %mul3A_2, %mul3A_51 : i32
      "tpu.region"() ({
        %run_scoped3A_59 = tpu.sem_alloc : memref<!tpu.dma_semaphore, #tpu.memory_space<semaphore_mem>>
        %dma_start3A_60 = arith.constant 0 : i32
        %dma_start3A_61 = arith.constant 0 : i32
        %dma_start3A_62 = tpu.memref_slice %arg8[%select_n3A_33, %dma_start3A_60, %dma_start3A_61] : memref<2x40x384xf32, #tpu.memory_space<vmem>> -> memref<1x40x128xf32, #tpu.memory_space<vmem>>
        %dma_start3A_63 = tpu.memref_squeeze %dma_start3A_62 : memref<1x40x128xf32, #tpu.memory_space<vmem>> -> memref<40x128xf32, #tpu.memory_space<vmem>>
        %dma_start3A_64 = arith.constant 0 : i32
        %dma_start3A_65 = tpu.memref_slice %arg4[%add3A_52, %dma_start3A_64] : memref<32000x128xf32, #tpu.memory_space<hbm>> -> memref<40x128xf32, #tpu.memory_space<hbm>>
        %dma_start3A_66 = arith.constant 0 : i32
        %dma_start3A_67 = tpu.memref_slice %arg4[%add3A_52, %dma_start3A_66] : memref<32000x128xf32, #tpu.memory_space<hbm>> -> memref<40x128xf32, #tpu.memory_space<hbm>>
        %dma_start3A_68 = arith.constant 0 : i32
        %dma_start3A_69 = arith.constant 0 : i32
        %dma_start3A_70 = tpu.memref_slice %arg8[%select_n3A_33, %dma_start3A_68, %dma_start3A_69] : memref<2x40x384xf32, #tpu.memory_space<vmem>> -> memref<1x40x128xf32, #tpu.memory_space<vmem>>
        %dma_start3A_71 = tpu.memref_squeeze %dma_start3A_70 : memref<1x40x128xf32, #tpu.memory_space<vmem>> -> memref<40x128xf32, #tpu.memory_space<vmem>>
        tpu.enqueue_dma source(%dma_start3A_71 : memref<40x128xf32, #tpu.memory_space<vmem>>) target(%dma_start3A_67 : memref<40x128xf32, #tpu.memory_space<hbm>>) target_semaphore(%run_scoped3A_59 : memref<!tpu.dma_semaphore, #tpu.memory_space<semaphore_mem>>)
        %dma_wait3A_72 = arith.constant 0 : i32
        %dma_wait3A_73 = arith.constant 0 : i32
        %dma_wait3A_74 = tpu.memref_slice %arg8[%select_n3A_33, %dma_wait3A_72, %dma_wait3A_73] : memref<2x40x384xf32, #tpu.memory_space<vmem>> -> memref<1x40x128xf32, #tpu.memory_space<vmem>>
        %dma_wait3A_75 = tpu.memref_squeeze %dma_wait3A_74 : memref<1x40x128xf32, #tpu.memory_space<vmem>> -> memref<40x128xf32, #tpu.memory_space<vmem>>
        %dma_wait3A_76 = arith.constant 0 : i32
        %dma_wait3A_77 = tpu.memref_slice %arg4[%add3A_52, %dma_wait3A_76] : memref<32000x128xf32, #tpu.memory_space<hbm>> -> memref<40x128xf32, #tpu.memory_space<hbm>>
        %dma_wait3A_78 = arith.constant 0 : i32
        %dma_wait3A_79 = tpu.memref_slice %arg4[%add3A_52, %dma_wait3A_78] : memref<32000x128xf32, #tpu.memory_space<hbm>> -> memref<40x128xf32, #tpu.memory_space<hbm>>
        %dma_wait3A_80 = arith.constant 0 : i32
        %dma_wait3A_81 = arith.constant 0 : i32
        %dma_wait3A_82 = tpu.memref_slice %arg8[%select_n3A_33, %dma_wait3A_80, %dma_wait3A_81] : memref<2x40x384xf32, #tpu.memory_space<vmem>> -> memref<1x40x128xf32, #tpu.memory_space<vmem>>
        %dma_wait3A_83 = tpu.memref_squeeze %dma_wait3A_82 : memref<1x40x128xf32, #tpu.memory_space<vmem>> -> memref<40x128xf32, #tpu.memory_space<vmem>>
        tpu.wait_dma2 semaphore(%run_scoped3A_59 : memref<!tpu.dma_semaphore, #tpu.memory_space<semaphore_mem>>) src(%dma_wait3A_83 : memref<40x128xf32, #tpu.memory_space<vmem>>) dst(%dma_wait3A_79 : memref<40x128xf32, #tpu.memory_space<hbm>>)
        tpu.yield
      }) : () -> ()
      %mul3A_53 = arith.constant 40 : i32
      %mul3A_54 = arith.muli %scan3A_24, %mul3A_53 : i32
      %add3A_55 = arith.addi %mul3A_2, %mul3A_54 : i32
      "tpu.region"() ({
        %run_scoped3A_59 = tpu.sem_alloc : memref<!tpu.dma_semaphore, #tpu.memory_space<semaphore_mem>>
        %dma_start3A_60 = arith.constant 0 : i32
        %dma_start3A_61 = arith.constant 128 : i32
        %dma_start3A_62 = tpu.memref_slice %arg8[%select_n3A_33, %dma_start3A_60, %dma_start3A_61] : memref<2x40x384xf32, #tpu.memory_space<vmem>> -> memref<1x40x128xf32, #tpu.memory_space<vmem>>
        %dma_start3A_63 = tpu.memref_squeeze %dma_start3A_62 : memref<1x40x128xf32, #tpu.memory_space<vmem>> -> memref<40x128xf32, #tpu.memory_space<vmem>>
        %dma_start3A_64 = arith.constant 0 : i32
        %dma_start3A_65 = tpu.memref_slice %arg5[%add3A_55, %dma_start3A_64] : memref<32000x128xf32, #tpu.memory_space<hbm>> -> memref<40x128xf32, #tpu.memory_space<hbm>>
        %dma_start3A_66 = arith.constant 0 : i32
        %dma_start3A_67 = tpu.memref_slice %arg5[%add3A_55, %dma_start3A_66] : memref<32000x128xf32, #tpu.memory_space<hbm>> -> memref<40x128xf32, #tpu.memory_space<hbm>>
        %dma_start3A_68 = arith.constant 0 : i32
        %dma_start3A_69 = arith.constant 128 : i32
        %dma_start3A_70 = tpu.memref_slice %arg8[%select_n3A_33, %dma_start3A_68, %dma_start3A_69] : memref<2x40x384xf32, #tpu.memory_space<vmem>> -> memref<1x40x128xf32, #tpu.memory_space<vmem>>
        %dma_start3A_71 = tpu.memref_squeeze %dma_start3A_70 : memref<1x40x128xf32, #tpu.memory_space<vmem>> -> memref<40x128xf32, #tpu.memory_space<vmem>>
        tpu.enqueue_dma source(%dma_start3A_71 : memref<40x128xf32, #tpu.memory_space<vmem>>) target(%dma_start3A_67 : memref<40x128xf32, #tpu.memory_space<hbm>>) target_semaphore(%run_scoped3A_59 : memref<!tpu.dma_semaphore, #tpu.memory_space<semaphore_mem>>)
        %dma_wait3A_72 = arith.constant 0 : i32
        %dma_wait3A_73 = arith.constant 128 : i32
        %dma_wait3A_74 = tpu.memref_slice %arg8[%select_n3A_33, %dma_wait3A_72, %dma_wait3A_73] : memref<2x40x384xf32, #tpu.memory_space<vmem>> -> memref<1x40x128xf32, #tpu.memory_space<vmem>>
        %dma_wait3A_75 = tpu.memref_squeeze %dma_wait3A_74 : memref<1x40x128xf32, #tpu.memory_space<vmem>> -> memref<40x128xf32, #tpu.memory_space<vmem>>
        %dma_wait3A_76 = arith.constant 0 : i32
        %dma_wait3A_77 = tpu.memref_slice %arg5[%add3A_55, %dma_wait3A_76] : memref<32000x128xf32, #tpu.memory_space<hbm>> -> memref<40x128xf32, #tpu.memory_space<hbm>>
        %dma_wait3A_78 = arith.constant 0 : i32
        %dma_wait3A_79 = tpu.memref_slice %arg5[%add3A_55, %dma_wait3A_78] : memref<32000x128xf32, #tpu.memory_space<hbm>> -> memref<40x128xf32, #tpu.memory_space<hbm>>
        %dma_wait3A_80 = arith.constant 0 : i32
        %dma_wait3A_81 = arith.constant 128 : i32
        %dma_wait3A_82 = tpu.memref_slice %arg8[%select_n3A_33, %dma_wait3A_80, %dma_wait3A_81] : memref<2x40x384xf32, #tpu.memory_space<vmem>> -> memref<1x40x128xf32, #tpu.memory_space<vmem>>
        %dma_wait3A_83 = tpu.memref_squeeze %dma_wait3A_82 : memref<1x40x128xf32, #tpu.memory_space<vmem>> -> memref<40x128xf32, #tpu.memory_space<vmem>>
        tpu.wait_dma2 semaphore(%run_scoped3A_59 : memref<!tpu.dma_semaphore, #tpu.memory_space<semaphore_mem>>) src(%dma_wait3A_83 : memref<40x128xf32, #tpu.memory_space<vmem>>) dst(%dma_wait3A_79 : memref<40x128xf32, #tpu.memory_space<hbm>>)
        tpu.yield
      }) : () -> ()
      %mul3A_56 = arith.constant 40 : i32
      %mul3A_57 = arith.muli %scan3A_24, %mul3A_56 : i32
      %add3A_58 = arith.addi %mul3A_2, %mul3A_57 : i32
      "tpu.region"() ({
        %run_scoped3A_59 = tpu.sem_alloc : memref<!tpu.dma_semaphore, #tpu.memory_space<semaphore_mem>>
        %dma_start3A_60 = arith.constant 0 : i32
        %dma_start3A_61 = arith.constant 256 : i32
        %dma_start3A_62 = tpu.memref_slice %arg8[%select_n3A_33, %dma_start3A_60, %dma_start3A_61] : memref<2x40x384xf32, #tpu.memory_space<vmem>> -> memref<1x40x128xf32, #tpu.memory_space<vmem>>
        %dma_start3A_63 = tpu.memref_squeeze %dma_start3A_62 : memref<1x40x128xf32, #tpu.memory_space<vmem>> -> memref<40x128xf32, #tpu.memory_space<vmem>>
        %dma_start3A_64 = arith.constant 0 : i32
        %dma_start3A_65 = tpu.memref_slice %arg6[%add3A_58, %dma_start3A_64] : memref<32000x128xf32, #tpu.memory_space<hbm>> -> memref<40x128xf32, #tpu.memory_space<hbm>>
        %dma_start3A_66 = arith.constant 0 : i32
        %dma_start3A_67 = tpu.memref_slice %arg6[%add3A_58, %dma_start3A_66] : memref<32000x128xf32, #tpu.memory_space<hbm>> -> memref<40x128xf32, #tpu.memory_space<hbm>>
        %dma_start3A_68 = arith.constant 0 : i32
        %dma_start3A_69 = arith.constant 256 : i32
        %dma_start3A_70 = tpu.memref_slice %arg8[%select_n3A_33, %dma_start3A_68, %dma_start3A_69] : memref<2x40x384xf32, #tpu.memory_space<vmem>> -> memref<1x40x128xf32, #tpu.memory_space<vmem>>
        %dma_start3A_71 = tpu.memref_squeeze %dma_start3A_70 : memref<1x40x128xf32, #tpu.memory_space<vmem>> -> memref<40x128xf32, #tpu.memory_space<vmem>>
        tpu.enqueue_dma source(%dma_start3A_71 : memref<40x128xf32, #tpu.memory_space<vmem>>) target(%dma_start3A_67 : memref<40x128xf32, #tpu.memory_space<hbm>>) target_semaphore(%run_scoped3A_59 : memref<!tpu.dma_semaphore, #tpu.memory_space<semaphore_mem>>)
        %dma_wait3A_72 = arith.constant 0 : i32
        %dma_wait3A_73 = arith.constant 256 : i32
        %dma_wait3A_74 = tpu.memref_slice %arg8[%select_n3A_33, %dma_wait3A_72, %dma_wait3A_73] : memref<2x40x384xf32, #tpu.memory_space<vmem>> -> memref<1x40x128xf32, #tpu.memory_space<vmem>>
        %dma_wait3A_75 = tpu.memref_squeeze %dma_wait3A_74 : memref<1x40x128xf32, #tpu.memory_space<vmem>> -> memref<40x128xf32, #tpu.memory_space<vmem>>
        %dma_wait3A_76 = arith.constant 0 : i32
        %dma_wait3A_77 = tpu.memref_slice %arg6[%add3A_58, %dma_wait3A_76] : memref<32000x128xf32, #tpu.memory_space<hbm>> -> memref<40x128xf32, #tpu.memory_space<hbm>>
        %dma_wait3A_78 = arith.constant 0 : i32
        %dma_wait3A_79 = tpu.memref_slice %arg6[%add3A_58, %dma_wait3A_78] : memref<32000x128xf32, #tpu.memory_space<hbm>> -> memref<40x128xf32, #tpu.memory_space<hbm>>
        %dma_wait3A_80 = arith.constant 0 : i32
        %dma_wait3A_81 = arith.constant 256 : i32
        %dma_wait3A_82 = tpu.memref_slice %arg8[%select_n3A_33, %dma_wait3A_80, %dma_wait3A_81] : memref<2x40x384xf32, #tpu.memory_space<vmem>> -> memref<1x40x128xf32, #tpu.memory_space<vmem>>
        %dma_wait3A_83 = tpu.memref_squeeze %dma_wait3A_82 : memref<1x40x128xf32, #tpu.memory_space<vmem>> -> memref<40x128xf32, #tpu.memory_space<vmem>>
        tpu.wait_dma2 semaphore(%run_scoped3A_59 : memref<!tpu.dma_semaphore, #tpu.memory_space<semaphore_mem>>) src(%dma_wait3A_83 : memref<40x128xf32, #tpu.memory_space<vmem>>) dst(%dma_wait3A_79 : memref<40x128xf32, #tpu.memory_space<hbm>>)
        tpu.yield
      }) : () -> ()
    }
    %scan3A_23 = arith.constant 25 : i32
    return
  }
}

#map = affine_map<(d0, d1) -> (0)>
#map1 = affine_map<(d0, d1) -> (0, 0)>
module attributes {stable_mosaic.version = 14 : i64} {
  func.func @gather_k(%arg0: i32, %arg1: i32, %arg2: memref<32000xi32, #tpu.memory_space<hbm>>, %arg3: memref<10000x384xf32, #tpu.memory_space<hbm>>, %arg4: memref<32000x128xf32, #tpu.memory_space<hbm>>, %arg5: memref<32000x128xf32, #tpu.memory_space<hbm>>, %arg6: memref<32000x128xf32, #tpu.memory_space<hbm>>, %arg7: memref<2x40xi32, #tpu.memory_space<vmem>>, %arg8: memref<2x40x384xf32, #tpu.memory_space<vmem>>, %arg9: memref<2x!tpu.dma_semaphore, #tpu.memory_space<semaphore_mem>>) attributes {dimension_semantics = [#tpu.dimension_semantics<core_parallel>, #tpu.dimension_semantics<subcore_parallel>], iteration_bounds = array<i64: 2, 16>, scalar_prefetch = 0 : i64, scratch_operands = 3 : i64, tpu.core_type = #tpu.core_type<sc_vector_subcore>, window_params = [{transform_indices = #map}, {transform_indices = #map1}, {transform_indices = #map1}, {transform_indices = #map1}, {transform_indices = #map1}]} {
    %mul3A = arith.constant 2 : i32
    %mul3A_0 = arith.muli %arg1, %mul3A : i32
    %add3A = arith.addi %mul3A_0, %arg0 : i32
    %mul3A_1 = arith.constant 1000 : i32
    %mul3A_2 = arith.muli %add3A, %mul3A_1 : i32
    %add3A_3 = arith.constant 0 : i32
    %add3A_4 = arith.addi %mul3A_2, %add3A_3 : i32
    %run_scoped3A = arith.constant 0 : i32
    "tpu.region"() ({
      %run_scoped3A_24 = tpu.sem_alloc : memref<!tpu.dma_semaphore, #tpu.memory_space<semaphore_mem>>
      %dma_start3A_25 = arith.constant 0 : i32
      %dma_start3A_26 = tpu.memref_slice %arg7[%run_scoped3A, %dma_start3A_25] : memref<2x40xi32, #tpu.memory_space<vmem>> -> memref<1x40xi32, #tpu.memory_space<vmem>>
      %dma_start3A_27 = tpu.memref_squeeze %dma_start3A_26 : memref<1x40xi32, #tpu.memory_space<vmem>> -> memref<40xi32, #tpu.memory_space<vmem>>
      %dma_start3A_28 = tpu.memref_slice %arg2[%add3A_4] : memref<32000xi32, #tpu.memory_space<hbm>> -> memref<40xi32, #tpu.memory_space<hbm>>
      %dma_start3A_29 = arith.constant 0 : i32
      %dma_start3A_30 = tpu.memref_slice %arg7[%run_scoped3A, %dma_start3A_29] : memref<2x40xi32, #tpu.memory_space<vmem>> -> memref<1x40xi32, #tpu.memory_space<vmem>>
      %dma_start3A_31 = tpu.memref_squeeze %dma_start3A_30 : memref<1x40xi32, #tpu.memory_space<vmem>> -> memref<40xi32, #tpu.memory_space<vmem>>
      %dma_start3A_32 = tpu.memref_slice %arg2[%add3A_4] : memref<32000xi32, #tpu.memory_space<hbm>> -> memref<40xi32, #tpu.memory_space<hbm>>
      tpu.enqueue_dma source(%dma_start3A_32 : memref<40xi32, #tpu.memory_space<hbm>>) target(%dma_start3A_31 : memref<40xi32, #tpu.memory_space<vmem>>) target_semaphore(%run_scoped3A_24 : memref<!tpu.dma_semaphore, #tpu.memory_space<semaphore_mem>>)
      %dma_wait3A = arith.constant 0 : i32
      %dma_wait3A_33 = tpu.memref_slice %arg7[%run_scoped3A, %dma_wait3A] : memref<2x40xi32, #tpu.memory_space<vmem>> -> memref<1x40xi32, #tpu.memory_space<vmem>>
      %dma_wait3A_34 = tpu.memref_squeeze %dma_wait3A_33 : memref<1x40xi32, #tpu.memory_space<vmem>> -> memref<40xi32, #tpu.memory_space<vmem>>
      %dma_wait3A_35 = tpu.memref_slice %arg2[%add3A_4] : memref<32000xi32, #tpu.memory_space<hbm>> -> memref<40xi32, #tpu.memory_space<hbm>>
      %dma_wait3A_36 = arith.constant 0 : i32
      %dma_wait3A_37 = tpu.memref_slice %arg7[%run_scoped3A, %dma_wait3A_36] : memref<2x40xi32, #tpu.memory_space<vmem>> -> memref<1x40xi32, #tpu.memory_space<vmem>>
      %dma_wait3A_38 = tpu.memref_squeeze %dma_wait3A_37 : memref<1x40xi32, #tpu.memory_space<vmem>> -> memref<40xi32, #tpu.memory_space<vmem>>
      %dma_wait3A_39 = tpu.memref_slice %arg2[%add3A_4] : memref<32000xi32, #tpu.memory_space<hbm>> -> memref<40xi32, #tpu.memory_space<hbm>>
      tpu.wait_dma2 semaphore(%run_scoped3A_24 : memref<!tpu.dma_semaphore, #tpu.memory_space<semaphore_mem>>) src(%dma_wait3A_39 : memref<40xi32, #tpu.memory_space<hbm>>) dst(%dma_wait3A_38 : memref<40xi32, #tpu.memory_space<vmem>>)
      tpu.yield
    }) : () -> ()
    %dma_start3A = arith.constant 0 : i32
    %dma_start3A_5 = arith.constant 0 : i32
    %dma_start3A_6 = arith.constant 0 : i32
    %dma_start3A_7 = arith.constant 0 : i32
    %dma_start3A_8 = arith.constant 0 : i32
    %dma_start3A_9 = tpu.memref_slice %arg8[%dma_start3A_5, %dma_start3A_7, %dma_start3A_8] : memref<2x40x384xf32, #tpu.memory_space<vmem>> -> memref<1x40x384xf32, #tpu.memory_space<vmem>>
    %dma_start3A_10 = tpu.memref_squeeze %dma_start3A_9 : memref<1x40x384xf32, #tpu.memory_space<vmem>> -> memref<40x384xf32, #tpu.memory_space<vmem>>
    %dma_start3A_11 = arith.constant 0 : i32
    %dma_start3A_12 = tpu.memref_slice %arg7[%dma_start3A, %dma_start3A_11] : memref<2x40xi32, #tpu.memory_space<vmem>> -> memref<1x40xi32, #tpu.memory_space<vmem>>
    %dma_start3A_13 = tpu.memref_squeeze %dma_start3A_12 : memref<1x40xi32, #tpu.memory_space<vmem>> -> memref<40xi32, #tpu.memory_space<vmem>>
    %dma_start3A_14 = arith.constant 0 : i32
    %dma_start3A_15 = arith.constant 0 : i32
    %dma_start3A_16 = tpu.memref_slice %arg3[%dma_start3A_14, %dma_start3A_15] : memref<10000x384xf32, #tpu.memory_space<hbm>> -> memref<10000x384xf32, #tpu.memory_space<hbm>>
    %dma_start3A_17 = tpu.memref_slice %arg9[%dma_start3A_6] : memref<2x!tpu.dma_semaphore, #tpu.memory_space<semaphore_mem>> -> memref<1x!tpu.dma_semaphore, #tpu.memory_space<semaphore_mem>>
    %dma_start3A_18 = tpu.memref_squeeze %dma_start3A_17 : memref<1x!tpu.dma_semaphore, #tpu.memory_space<semaphore_mem>> -> memref<!tpu.dma_semaphore, #tpu.memory_space<semaphore_mem>>
    tpu.enqueue_indirect_dma source(%dma_start3A_16 : memref<10000x384xf32, #tpu.memory_space<hbm>>) target(%dma_start3A_10 : memref<40x384xf32, #tpu.memory_space<vmem>>) offsets(%dma_start3A_13 : memref<40xi32, #tpu.memory_space<vmem>>) semaphore(%dma_start3A_18 : memref<!tpu.dma_semaphore, #tpu.memory_space<semaphore_mem>>)
    %scan3A = arith.constant 0 : i32
    %scan3A_19 = arith.constant 0 : i32
    %scan3A_20 = arith.constant 25 : i32
    %scan3A_21 = arith.addi %scan3A_19, %scan3A_20 : i32
    %scan3A_22 = arith.constant 1 : i32
    scf.for %scan3A_24 = %scan3A_19 to %scan3A_21 step %scan3A_22  : i32 {
      %jit3A = arith.constant 2 : i32
      %eq3A = arith.constant 0 : i32
      %eq3A_25 = arith.cmpi eq, %jit3A, %eq3A : i32
      %jit3A_26 = arith.constant 1 : i32
      %select_n3A = arith.select %eq3A_25, %jit3A_26, %jit3A : i32
      %rem3A = arith.remsi %scan3A_24, %select_n3A : i32
      %ne3A = arith.constant 0 : i32
      %ne3A_27 = arith.cmpi ne, %rem3A, %ne3A : i32
      %lt3A = arith.constant 0 : i32
      %lt3A_28 = arith.cmpi slt, %rem3A, %lt3A : i32
      %lt3A_29 = arith.constant 0 : i32
      %lt3A_30 = arith.cmpi slt, %select_n3A, %lt3A_29 : i32
      %ne3A_31 = arith.xori %lt3A_28, %lt3A_30 : i1
      %and3A = arith.andi %ne3A_31, %ne3A_27 : i1
      %add3A_32 = arith.addi %rem3A, %select_n3A : i32
      %select_n3A_33 = arith.select %and3A, %add3A_32, %rem3A : i32
      %add3A_34 = arith.constant 1 : i32
      %add3A_35 = arith.addi %scan3A_24, %add3A_34 : i32
      %lt3A_36 = arith.constant 25 : i32
      %lt3A_37 = arith.cmpi slt, %add3A_35, %lt3A_36 : i32
      %convert_element_type3A = arith.extui %lt3A_37 : i1 to i32
      %cond3A = arith.constant 0 : i32
      %cond3A_38 = arith.cmpi ne, %convert_element_type3A, %cond3A : i32
      scf.if %cond3A_38 {
        %add3A_59 = arith.constant 1 : i32
        %add3A_60 = arith.addi %scan3A_24, %add3A_59 : i32
        %sub3A = arith.constant 1 : i32
        %sub3A_61 = arith.subi %sub3A, %select_n3A_33 : i32
        %mul3A_62 = arith.constant 40 : i32
        %mul3A_63 = arith.muli %add3A_60, %mul3A_62 : i32
        %add3A_64 = arith.addi %mul3A_2, %mul3A_63 : i32
        "tpu.region"() ({
          %run_scoped3A_77 = tpu.sem_alloc : memref<!tpu.dma_semaphore, #tpu.memory_space<semaphore_mem>>
          %dma_start3A_78 = arith.constant 0 : i32
          %dma_start3A_79 = tpu.memref_slice %arg7[%sub3A_61, %dma_start3A_78] : memref<2x40xi32, #tpu.memory_space<vmem>> -> memref<1x40xi32, #tpu.memory_space<vmem>>
          %dma_start3A_80 = tpu.memref_squeeze %dma_start3A_79 : memref<1x40xi32, #tpu.memory_space<vmem>> -> memref<40xi32, #tpu.memory_space<vmem>>
          %dma_start3A_81 = tpu.memref_slice %arg2[%add3A_64] : memref<32000xi32, #tpu.memory_space<hbm>> -> memref<40xi32, #tpu.memory_space<hbm>>
          %dma_start3A_82 = arith.constant 0 : i32
          %dma_start3A_83 = tpu.memref_slice %arg7[%sub3A_61, %dma_start3A_82] : memref<2x40xi32, #tpu.memory_space<vmem>> -> memref<1x40xi32, #tpu.memory_space<vmem>>
          %dma_start3A_84 = tpu.memref_squeeze %dma_start3A_83 : memref<1x40xi32, #tpu.memory_space<vmem>> -> memref<40xi32, #tpu.memory_space<vmem>>
          %dma_start3A_85 = tpu.memref_slice %arg2[%add3A_64] : memref<32000xi32, #tpu.memory_space<hbm>> -> memref<40xi32, #tpu.memory_space<hbm>>
          tpu.enqueue_dma source(%dma_start3A_85 : memref<40xi32, #tpu.memory_space<hbm>>) target(%dma_start3A_84 : memref<40xi32, #tpu.memory_space<vmem>>) target_semaphore(%run_scoped3A_77 : memref<!tpu.dma_semaphore, #tpu.memory_space<semaphore_mem>>)
          %dma_wait3A_86 = arith.constant 0 : i32
          %dma_wait3A_87 = tpu.memref_slice %arg7[%sub3A_61, %dma_wait3A_86] : memref<2x40xi32, #tpu.memory_space<vmem>> -> memref<1x40xi32, #tpu.memory_space<vmem>>
          %dma_wait3A_88 = tpu.memref_squeeze %dma_wait3A_87 : memref<1x40xi32, #tpu.memory_space<vmem>> -> memref<40xi32, #tpu.memory_space<vmem>>
          %dma_wait3A_89 = tpu.memref_slice %arg2[%add3A_64] : memref<32000xi32, #tpu.memory_space<hbm>> -> memref<40xi32, #tpu.memory_space<hbm>>
          %dma_wait3A_90 = arith.constant 0 : i32
          %dma_wait3A_91 = tpu.memref_slice %arg7[%sub3A_61, %dma_wait3A_90] : memref<2x40xi32, #tpu.memory_space<vmem>> -> memref<1x40xi32, #tpu.memory_space<vmem>>
          %dma_wait3A_92 = tpu.memref_squeeze %dma_wait3A_91 : memref<1x40xi32, #tpu.memory_space<vmem>> -> memref<40xi32, #tpu.memory_space<vmem>>
          %dma_wait3A_93 = tpu.memref_slice %arg2[%add3A_64] : memref<32000xi32, #tpu.memory_space<hbm>> -> memref<40xi32, #tpu.memory_space<hbm>>
          tpu.wait_dma2 semaphore(%run_scoped3A_77 : memref<!tpu.dma_semaphore, #tpu.memory_space<semaphore_mem>>) src(%dma_wait3A_93 : memref<40xi32, #tpu.memory_space<hbm>>) dst(%dma_wait3A_92 : memref<40xi32, #tpu.memory_space<vmem>>)
          tpu.yield
        }) : () -> ()
        %dma_start3A_65 = arith.constant 0 : i32
        %dma_start3A_66 = arith.constant 0 : i32
        %dma_start3A_67 = tpu.memref_slice %arg8[%sub3A_61, %dma_start3A_65, %dma_start3A_66] : memref<2x40x384xf32, #tpu.memory_space<vmem>> -> memref<1x40x384xf32, #tpu.memory_space<vmem>>
        %dma_start3A_68 = tpu.memref_squeeze %dma_start3A_67 : memref<1x40x384xf32, #tpu.memory_space<vmem>> -> memref<40x384xf32, #tpu.memory_space<vmem>>
        %dma_start3A_69 = arith.constant 0 : i32
        %dma_start3A_70 = tpu.memref_slice %arg7[%sub3A_61, %dma_start3A_69] : memref<2x40xi32, #tpu.memory_space<vmem>> -> memref<1x40xi32, #tpu.memory_space<vmem>>
        %dma_start3A_71 = tpu.memref_squeeze %dma_start3A_70 : memref<1x40xi32, #tpu.memory_space<vmem>> -> memref<40xi32, #tpu.memory_space<vmem>>
        %dma_start3A_72 = arith.constant 0 : i32
        %dma_start3A_73 = arith.constant 0 : i32
        %dma_start3A_74 = tpu.memref_slice %arg3[%dma_start3A_72, %dma_start3A_73] : memref<10000x384xf32, #tpu.memory_space<hbm>> -> memref<10000x384xf32, #tpu.memory_space<hbm>>
        %dma_start3A_75 = tpu.memref_slice %arg9[%sub3A_61] : memref<2x!tpu.dma_semaphore, #tpu.memory_space<semaphore_mem>> -> memref<1x!tpu.dma_semaphore, #tpu.memory_space<semaphore_mem>>
        %dma_start3A_76 = tpu.memref_squeeze %dma_start3A_75 : memref<1x!tpu.dma_semaphore, #tpu.memory_space<semaphore_mem>> -> memref<!tpu.dma_semaphore, #tpu.memory_space<semaphore_mem>>
        tpu.enqueue_indirect_dma source(%dma_start3A_74 : memref<10000x384xf32, #tpu.memory_space<hbm>>) target(%dma_start3A_68 : memref<40x384xf32, #tpu.memory_space<vmem>>) offsets(%dma_start3A_71 : memref<40xi32, #tpu.memory_space<vmem>>) semaphore(%dma_start3A_76 : memref<!tpu.dma_semaphore, #tpu.memory_space<semaphore_mem>>)
      } else {
      }
      %dma_wait3A = arith.constant 0 : i32
      %dma_wait3A_39 = arith.constant 0 : i32
      %dma_wait3A_40 = tpu.memref_slice %arg8[%select_n3A_33, %dma_wait3A, %dma_wait3A_39] : memref<2x40x384xf32, #tpu.memory_space<vmem>> -> memref<1x40x384xf32, #tpu.memory_space<vmem>>
      %dma_wait3A_41 = tpu.memref_squeeze %dma_wait3A_40 : memref<1x40x384xf32, #tpu.memory_space<vmem>> -> memref<40x384xf32, #tpu.memory_space<vmem>>
      %dma_wait3A_42 = arith.constant 0 : i32
      %dma_wait3A_43 = tpu.memref_slice %arg7[%select_n3A_33, %dma_wait3A_42] : memref<2x40xi32, #tpu.memory_space<vmem>> -> memref<1x40xi32, #tpu.memory_space<vmem>>
      %dma_wait3A_44 = tpu.memref_squeeze %dma_wait3A_43 : memref<1x40xi32, #tpu.memory_space<vmem>> -> memref<40xi32, #tpu.memory_space<vmem>>
      %dma_wait3A_45 = arith.constant 0 : i32
      %dma_wait3A_46 = arith.constant 0 : i32
      %dma_wait3A_47 = tpu.memref_slice %arg3[%dma_wait3A_45, %dma_wait3A_46] : memref<10000x384xf32, #tpu.memory_space<hbm>> -> memref<10000x384xf32, #tpu.memory_space<hbm>>
      %dma_wait3A_48 = tpu.memref_slice %arg9[%select_n3A_33] : memref<2x!tpu.dma_semaphore, #tpu.memory_space<semaphore_mem>> -> memref<1x!tpu.dma_semaphore, #tpu.memory_space<semaphore_mem>>
      %dma_wait3A_49 = tpu.memref_squeeze %dma_wait3A_48 : memref<1x!tpu.dma_semaphore, #tpu.memory_space<semaphore_mem>> -> memref<!tpu.dma_semaphore, #tpu.memory_space<semaphore_mem>>
      tpu.wait_indirect_dma semaphore(%dma_wait3A_49 : memref<!tpu.dma_semaphore, #tpu.memory_space<semaphore_mem>>) src(%dma_wait3A_47 : memref<10000x384xf32, #tpu.memory_space<hbm>>) dst(%dma_wait3A_41 : memref<40x384xf32, #tpu.memory_space<vmem>>)
      %mul3A_50 = arith.constant 40 : i32
      %mul3A_51 = arith.muli %scan3A_24, %mul3A_50 : i32
      %add3A_52 = arith.addi %mul3A_2, %mul3A_51 : i32
      "tpu.region"() ({
        %run_scoped3A_59 = tpu.sem_alloc : memref<!tpu.dma_semaphore, #tpu.memory_space<semaphore_mem>>
        %dma_start3A_60 = arith.constant 0 : i32
        %dma_start3A_61 = arith.constant 0 : i32
        %dma_start3A_62 = tpu.memref_slice %arg8[%select_n3A_33, %dma_start3A_60, %dma_start3A_61] : memref<2x40x384xf32, #tpu.memory_space<vmem>> -> memref<1x40x128xf32, #tpu.memory_space<vmem>>
        %dma_start3A_63 = tpu.memref_squeeze %dma_start3A_62 : memref<1x40x128xf32, #tpu.memory_space<vmem>> -> memref<40x128xf32, #tpu.memory_space<vmem>>
        %dma_start3A_64 = arith.constant 0 : i32
        %dma_start3A_65 = tpu.memref_slice %arg4[%add3A_52, %dma_start3A_64] : memref<32000x128xf32, #tpu.memory_space<hbm>> -> memref<40x128xf32, #tpu.memory_space<hbm>>
        %dma_start3A_66 = arith.constant 0 : i32
        %dma_start3A_67 = tpu.memref_slice %arg4[%add3A_52, %dma_start3A_66] : memref<32000x128xf32, #tpu.memory_space<hbm>> -> memref<40x128xf32, #tpu.memory_space<hbm>>
        %dma_start3A_68 = arith.constant 0 : i32
        %dma_start3A_69 = arith.constant 0 : i32
        %dma_start3A_70 = tpu.memref_slice %arg8[%select_n3A_33, %dma_start3A_68, %dma_start3A_69] : memref<2x40x384xf32, #tpu.memory_space<vmem>> -> memref<1x40x128xf32, #tpu.memory_space<vmem>>
        %dma_start3A_71 = tpu.memref_squeeze %dma_start3A_70 : memref<1x40x128xf32, #tpu.memory_space<vmem>> -> memref<40x128xf32, #tpu.memory_space<vmem>>
        tpu.enqueue_dma source(%dma_start3A_71 : memref<40x128xf32, #tpu.memory_space<vmem>>) target(%dma_start3A_67 : memref<40x128xf32, #tpu.memory_space<hbm>>) target_semaphore(%run_scoped3A_59 : memref<!tpu.dma_semaphore, #tpu.memory_space<semaphore_mem>>)
        %dma_wait3A_72 = arith.constant 0 : i32
        %dma_wait3A_73 = arith.constant 0 : i32
        %dma_wait3A_74 = tpu.memref_slice %arg8[%select_n3A_33, %dma_wait3A_72, %dma_wait3A_73] : memref<2x40x384xf32, #tpu.memory_space<vmem>> -> memref<1x40x128xf32, #tpu.memory_space<vmem>>
        %dma_wait3A_75 = tpu.memref_squeeze %dma_wait3A_74 : memref<1x40x128xf32, #tpu.memory_space<vmem>> -> memref<40x128xf32, #tpu.memory_space<vmem>>
        %dma_wait3A_76 = arith.constant 0 : i32
        %dma_wait3A_77 = tpu.memref_slice %arg4[%add3A_52, %dma_wait3A_76] : memref<32000x128xf32, #tpu.memory_space<hbm>> -> memref<40x128xf32, #tpu.memory_space<hbm>>
        %dma_wait3A_78 = arith.constant 0 : i32
        %dma_wait3A_79 = tpu.memref_slice %arg4[%add3A_52, %dma_wait3A_78] : memref<32000x128xf32, #tpu.memory_space<hbm>> -> memref<40x128xf32, #tpu.memory_space<hbm>>
        %dma_wait3A_80 = arith.constant 0 : i32
        %dma_wait3A_81 = arith.constant 0 : i32
        %dma_wait3A_82 = tpu.memref_slice %arg8[%select_n3A_33, %dma_wait3A_80, %dma_wait3A_81] : memref<2x40x384xf32, #tpu.memory_space<vmem>> -> memref<1x40x128xf32, #tpu.memory_space<vmem>>
        %dma_wait3A_83 = tpu.memref_squeeze %dma_wait3A_82 : memref<1x40x128xf32, #tpu.memory_space<vmem>> -> memref<40x128xf32, #tpu.memory_space<vmem>>
        tpu.wait_dma2 semaphore(%run_scoped3A_59 : memref<!tpu.dma_semaphore, #tpu.memory_space<semaphore_mem>>) src(%dma_wait3A_83 : memref<40x128xf32, #tpu.memory_space<vmem>>) dst(%dma_wait3A_79 : memref<40x128xf32, #tpu.memory_space<hbm>>)
        tpu.yield
      }) : () -> ()
      %mul3A_53 = arith.constant 40 : i32
      %mul3A_54 = arith.muli %scan3A_24, %mul3A_53 : i32
      %add3A_55 = arith.addi %mul3A_2, %mul3A_54 : i32
      "tpu.region"() ({
        %run_scoped3A_59 = tpu.sem_alloc : memref<!tpu.dma_semaphore, #tpu.memory_space<semaphore_mem>>
        %dma_start3A_60 = arith.constant 0 : i32
        %dma_start3A_61 = arith.constant 128 : i32
        %dma_start3A_62 = tpu.memref_slice %arg8[%select_n3A_33, %dma_start3A_60, %dma_start3A_61] : memref<2x40x384xf32, #tpu.memory_space<vmem>> -> memref<1x40x128xf32, #tpu.memory_space<vmem>>
        %dma_start3A_63 = tpu.memref_squeeze %dma_start3A_62 : memref<1x40x128xf32, #tpu.memory_space<vmem>> -> memref<40x128xf32, #tpu.memory_space<vmem>>
        %dma_start3A_64 = arith.constant 0 : i32
        %dma_start3A_65 = tpu.memref_slice %arg5[%add3A_55, %dma_start3A_64] : memref<32000x128xf32, #tpu.memory_space<hbm>> -> memref<40x128xf32, #tpu.memory_space<hbm>>
        %dma_start3A_66 = arith.constant 0 : i32
        %dma_start3A_67 = tpu.memref_slice %arg5[%add3A_55, %dma_start3A_66] : memref<32000x128xf32, #tpu.memory_space<hbm>> -> memref<40x128xf32, #tpu.memory_space<hbm>>
        %dma_start3A_68 = arith.constant 0 : i32
        %dma_start3A_69 = arith.constant 128 : i32
        %dma_start3A_70 = tpu.memref_slice %arg8[%select_n3A_33, %dma_start3A_68, %dma_start3A_69] : memref<2x40x384xf32, #tpu.memory_space<vmem>> -> memref<1x40x128xf32, #tpu.memory_space<vmem>>
        %dma_start3A_71 = tpu.memref_squeeze %dma_start3A_70 : memref<1x40x128xf32, #tpu.memory_space<vmem>> -> memref<40x128xf32, #tpu.memory_space<vmem>>
        tpu.enqueue_dma source(%dma_start3A_71 : memref<40x128xf32, #tpu.memory_space<vmem>>) target(%dma_start3A_67 : memref<40x128xf32, #tpu.memory_space<hbm>>) target_semaphore(%run_scoped3A_59 : memref<!tpu.dma_semaphore, #tpu.memory_space<semaphore_mem>>)
        %dma_wait3A_72 = arith.constant 0 : i32
        %dma_wait3A_73 = arith.constant 128 : i32
        %dma_wait3A_74 = tpu.memref_slice %arg8[%select_n3A_33, %dma_wait3A_72, %dma_wait3A_73] : memref<2x40x384xf32, #tpu.memory_space<vmem>> -> memref<1x40x128xf32, #tpu.memory_space<vmem>>
        %dma_wait3A_75 = tpu.memref_squeeze %dma_wait3A_74 : memref<1x40x128xf32, #tpu.memory_space<vmem>> -> memref<40x128xf32, #tpu.memory_space<vmem>>
        %dma_wait3A_76 = arith.constant 0 : i32
        %dma_wait3A_77 = tpu.memref_slice %arg5[%add3A_55, %dma_wait3A_76] : memref<32000x128xf32, #tpu.memory_space<hbm>> -> memref<40x128xf32, #tpu.memory_space<hbm>>
        %dma_wait3A_78 = arith.constant 0 : i32
        %dma_wait3A_79 = tpu.memref_slice %arg5[%add3A_55, %dma_wait3A_78] : memref<32000x128xf32, #tpu.memory_space<hbm>> -> memref<40x128xf32, #tpu.memory_space<hbm>>
        %dma_wait3A_80 = arith.constant 0 : i32
        %dma_wait3A_81 = arith.constant 128 : i32
        %dma_wait3A_82 = tpu.memref_slice %arg8[%select_n3A_33, %dma_wait3A_80, %dma_wait3A_81] : memref<2x40x384xf32, #tpu.memory_space<vmem>> -> memref<1x40x128xf32, #tpu.memory_space<vmem>>
        %dma_wait3A_83 = tpu.memref_squeeze %dma_wait3A_82 : memref<1x40x128xf32, #tpu.memory_space<vmem>> -> memref<40x128xf32, #tpu.memory_space<vmem>>
        tpu.wait_dma2 semaphore(%run_scoped3A_59 : memref<!tpu.dma_semaphore, #tpu.memory_space<semaphore_mem>>) src(%dma_wait3A_83 : memref<40x128xf32, #tpu.memory_space<vmem>>) dst(%dma_wait3A_79 : memref<40x128xf32, #tpu.memory_space<hbm>>)
        tpu.yield
      }) : () -> ()
      %mul3A_56 = arith.constant 40 : i32
      %mul3A_57 = arith.muli %scan3A_24, %mul3A_56 : i32
      %add3A_58 = arith.addi %mul3A_2, %mul3A_57 : i32
      "tpu.region"() ({
        %run_scoped3A_59 = tpu.sem_alloc : memref<!tpu.dma_semaphore, #tpu.memory_space<semaphore_mem>>
        %dma_start3A_60 = arith.constant 0 : i32
        %dma_start3A_61 = arith.constant 256 : i32
        %dma_start3A_62 = tpu.memref_slice %arg8[%select_n3A_33, %dma_start3A_60, %dma_start3A_61] : memref<2x40x384xf32, #tpu.memory_space<vmem>> -> memref<1x40x128xf32, #tpu.memory_space<vmem>>
        %dma_start3A_63 = tpu.memref_squeeze %dma_start3A_62 : memref<1x40x128xf32, #tpu.memory_space<vmem>> -> memref<40x128xf32, #tpu.memory_space<vmem>>
        %dma_start3A_64 = arith.constant 0 : i32
        %dma_start3A_65 = tpu.memref_slice %arg6[%add3A_58, %dma_start3A_64] : memref<32000x128xf32, #tpu.memory_space<hbm>> -> memref<40x128xf32, #tpu.memory_space<hbm>>
        %dma_start3A_66 = arith.constant 0 : i32
        %dma_start3A_67 = tpu.memref_slice %arg6[%add3A_58, %dma_start3A_66] : memref<32000x128xf32, #tpu.memory_space<hbm>> -> memref<40x128xf32, #tpu.memory_space<hbm>>
        %dma_start3A_68 = arith.constant 0 : i32
        %dma_start3A_69 = arith.constant 256 : i32
        %dma_start3A_70 = tpu.memref_slice %arg8[%select_n3A_33, %dma_start3A_68, %dma_start3A_69] : memref<2x40x384xf32, #tpu.memory_space<vmem>> -> memref<1x40x128xf32, #tpu.memory_space<vmem>>
        %dma_start3A_71 = tpu.memref_squeeze %dma_start3A_70 : memref<1x40x128xf32, #tpu.memory_space<vmem>> -> memref<40x128xf32, #tpu.memory_space<vmem>>
        tpu.enqueue_dma source(%dma_start3A_71 : memref<40x128xf32, #tpu.memory_space<vmem>>) target(%dma_start3A_67 : memref<40x128xf32, #tpu.memory_space<hbm>>) target_semaphore(%run_scoped3A_59 : memref<!tpu.dma_semaphore, #tpu.memory_space<semaphore_mem>>)
        %dma_wait3A_72 = arith.constant 0 : i32
        %dma_wait3A_73 = arith.constant 256 : i32
        %dma_wait3A_74 = tpu.memref_slice %arg8[%select_n3A_33, %dma_wait3A_72, %dma_wait3A_73] : memref<2x40x384xf32, #tpu.memory_space<vmem>> -> memref<1x40x128xf32, #tpu.memory_space<vmem>>
        %dma_wait3A_75 = tpu.memref_squeeze %dma_wait3A_74 : memref<1x40x128xf32, #tpu.memory_space<vmem>> -> memref<40x128xf32, #tpu.memory_space<vmem>>
        %dma_wait3A_76 = arith.constant 0 : i32
        %dma_wait3A_77 = tpu.memref_slice %arg6[%add3A_58, %dma_wait3A_76] : memref<32000x128xf32, #tpu.memory_space<hbm>> -> memref<40x128xf32, #tpu.memory_space<hbm>>
        %dma_wait3A_78 = arith.constant 0 : i32
        %dma_wait3A_79 = tpu.memref_slice %arg6[%add3A_58, %dma_wait3A_78] : memref<32000x128xf32, #tpu.memory_space<hbm>> -> memref<40x128xf32, #tpu.memory_space<hbm>>
        %dma_wait3A_80 = arith.constant 0 : i32
        %dma_wait3A_81 = arith.constant 256 : i32
        %dma_wait3A_82 = tpu.memref_slice %arg8[%select_n3A_33, %dma_wait3A_80, %dma_wait3A_81] : memref<2x40x384xf32, #tpu.memory_space<vmem>> -> memref<1x40x128xf32, #tpu.memory_space<vmem>>
        %dma_wait3A_83 = tpu.memref_squeeze %dma_wait3A_82 : memref<1x40x128xf32, #tpu.memory_space<vmem>> -> memref<40x128xf32, #tpu.memory_space<vmem>>
        tpu.wait_dma2 semaphore(%run_scoped3A_59 : memref<!tpu.dma_semaphore, #tpu.memory_space<semaphore_mem>>) src(%dma_wait3A_83 : memref<40x128xf32, #tpu.memory_space<vmem>>) dst(%dma_wait3A_79 : memref<40x128xf32, #tpu.memory_space<hbm>>)
        tpu.yield
      }) : () -> ()
    }
    %scan3A_23 = arith.constant 25 : i32
    return
  }
}

#map = affine_map<(d0, d1) -> (0)>
#map1 = affine_map<(d0, d1) -> (0, 0)>
module attributes {stable_mosaic.version = 14 : i64} {
  func.func @gather_k(%arg0: i32, %arg1: i32, %arg2: memref<32000xi32, #tpu.memory_space<hbm>>, %arg3: memref<10000x384xf32, #tpu.memory_space<hbm>>, %arg4: memref<32000x128xf32, #tpu.memory_space<hbm>>, %arg5: memref<32000x128xf32, #tpu.memory_space<hbm>>, %arg6: memref<32000x128xf32, #tpu.memory_space<hbm>>, %arg7: memref<2x40xi32, #tpu.memory_space<vmem>>, %arg8: memref<2x40x384xf32, #tpu.memory_space<vmem>>, %arg9: memref<2x!tpu.dma_semaphore, #tpu.memory_space<semaphore_mem>>) attributes {dimension_semantics = [#tpu.dimension_semantics<core_parallel>, #tpu.dimension_semantics<subcore_parallel>], iteration_bounds = array<i64: 2, 16>, scalar_prefetch = 0 : i64, scratch_operands = 3 : i64, tpu.core_type = #tpu.core_type<sc_vector_subcore>, window_params = [{transform_indices = #map}, {transform_indices = #map1}, {transform_indices = #map1}, {transform_indices = #map1}, {transform_indices = #map1}]} {
    %mul3A = arith.constant 2 : i32
    %mul3A_0 = arith.muli %arg1, %mul3A : i32
    %add3A = arith.addi %mul3A_0, %arg0 : i32
    %mul3A_1 = arith.constant 1000 : i32
    %mul3A_2 = arith.muli %add3A, %mul3A_1 : i32
    %add3A_3 = arith.constant 0 : i32
    %add3A_4 = arith.addi %mul3A_2, %add3A_3 : i32
    %run_scoped3A = arith.constant 0 : i32
    "tpu.region"() ({
      %run_scoped3A_24 = tpu.sem_alloc : memref<!tpu.dma_semaphore, #tpu.memory_space<semaphore_mem>>
      %dma_start3A_25 = arith.constant 0 : i32
      %dma_start3A_26 = tpu.memref_slice %arg7[%run_scoped3A, %dma_start3A_25] : memref<2x40xi32, #tpu.memory_space<vmem>> -> memref<1x40xi32, #tpu.memory_space<vmem>>
      %dma_start3A_27 = tpu.memref_squeeze %dma_start3A_26 : memref<1x40xi32, #tpu.memory_space<vmem>> -> memref<40xi32, #tpu.memory_space<vmem>>
      %dma_start3A_28 = tpu.memref_slice %arg2[%add3A_4] : memref<32000xi32, #tpu.memory_space<hbm>> -> memref<40xi32, #tpu.memory_space<hbm>>
      %dma_start3A_29 = arith.constant 0 : i32
      %dma_start3A_30 = tpu.memref_slice %arg7[%run_scoped3A, %dma_start3A_29] : memref<2x40xi32, #tpu.memory_space<vmem>> -> memref<1x40xi32, #tpu.memory_space<vmem>>
      %dma_start3A_31 = tpu.memref_squeeze %dma_start3A_30 : memref<1x40xi32, #tpu.memory_space<vmem>> -> memref<40xi32, #tpu.memory_space<vmem>>
      %dma_start3A_32 = tpu.memref_slice %arg2[%add3A_4] : memref<32000xi32, #tpu.memory_space<hbm>> -> memref<40xi32, #tpu.memory_space<hbm>>
      tpu.enqueue_dma source(%dma_start3A_32 : memref<40xi32, #tpu.memory_space<hbm>>) target(%dma_start3A_31 : memref<40xi32, #tpu.memory_space<vmem>>) target_semaphore(%run_scoped3A_24 : memref<!tpu.dma_semaphore, #tpu.memory_space<semaphore_mem>>)
      %dma_wait3A = arith.constant 0 : i32
      %dma_wait3A_33 = tpu.memref_slice %arg7[%run_scoped3A, %dma_wait3A] : memref<2x40xi32, #tpu.memory_space<vmem>> -> memref<1x40xi32, #tpu.memory_space<vmem>>
      %dma_wait3A_34 = tpu.memref_squeeze %dma_wait3A_33 : memref<1x40xi32, #tpu.memory_space<vmem>> -> memref<40xi32, #tpu.memory_space<vmem>>
      %dma_wait3A_35 = tpu.memref_slice %arg2[%add3A_4] : memref<32000xi32, #tpu.memory_space<hbm>> -> memref<40xi32, #tpu.memory_space<hbm>>
      %dma_wait3A_36 = arith.constant 0 : i32
      %dma_wait3A_37 = tpu.memref_slice %arg7[%run_scoped3A, %dma_wait3A_36] : memref<2x40xi32, #tpu.memory_space<vmem>> -> memref<1x40xi32, #tpu.memory_space<vmem>>
      %dma_wait3A_38 = tpu.memref_squeeze %dma_wait3A_37 : memref<1x40xi32, #tpu.memory_space<vmem>> -> memref<40xi32, #tpu.memory_space<vmem>>
      %dma_wait3A_39 = tpu.memref_slice %arg2[%add3A_4] : memref<32000xi32, #tpu.memory_space<hbm>> -> memref<40xi32, #tpu.memory_space<hbm>>
      tpu.wait_dma2 semaphore(%run_scoped3A_24 : memref<!tpu.dma_semaphore, #tpu.memory_space<semaphore_mem>>) src(%dma_wait3A_39 : memref<40xi32, #tpu.memory_space<hbm>>) dst(%dma_wait3A_38 : memref<40xi32, #tpu.memory_space<vmem>>)
      tpu.yield
    }) : () -> ()
    %dma_start3A = arith.constant 0 : i32
    %dma_start3A_5 = arith.constant 0 : i32
    %dma_start3A_6 = arith.constant 0 : i32
    %dma_start3A_7 = arith.constant 0 : i32
    %dma_start3A_8 = arith.constant 0 : i32
    %dma_start3A_9 = tpu.memref_slice %arg8[%dma_start3A_5, %dma_start3A_7, %dma_start3A_8] : memref<2x40x384xf32, #tpu.memory_space<vmem>> -> memref<1x40x384xf32, #tpu.memory_space<vmem>>
    %dma_start3A_10 = tpu.memref_squeeze %dma_start3A_9 : memref<1x40x384xf32, #tpu.memory_space<vmem>> -> memref<40x384xf32, #tpu.memory_space<vmem>>
    %dma_start3A_11 = arith.constant 0 : i32
    %dma_start3A_12 = tpu.memref_slice %arg7[%dma_start3A, %dma_start3A_11] : memref<2x40xi32, #tpu.memory_space<vmem>> -> memref<1x40xi32, #tpu.memory_space<vmem>>
    %dma_start3A_13 = tpu.memref_squeeze %dma_start3A_12 : memref<1x40xi32, #tpu.memory_space<vmem>> -> memref<40xi32, #tpu.memory_space<vmem>>
    %dma_start3A_14 = arith.constant 0 : i32
    %dma_start3A_15 = arith.constant 0 : i32
    %dma_start3A_16 = tpu.memref_slice %arg3[%dma_start3A_14, %dma_start3A_15] : memref<10000x384xf32, #tpu.memory_space<hbm>> -> memref<10000x384xf32, #tpu.memory_space<hbm>>
    %dma_start3A_17 = tpu.memref_slice %arg9[%dma_start3A_6] : memref<2x!tpu.dma_semaphore, #tpu.memory_space<semaphore_mem>> -> memref<1x!tpu.dma_semaphore, #tpu.memory_space<semaphore_mem>>
    %dma_start3A_18 = tpu.memref_squeeze %dma_start3A_17 : memref<1x!tpu.dma_semaphore, #tpu.memory_space<semaphore_mem>> -> memref<!tpu.dma_semaphore, #tpu.memory_space<semaphore_mem>>
    tpu.enqueue_indirect_dma source(%dma_start3A_16 : memref<10000x384xf32, #tpu.memory_space<hbm>>) target(%dma_start3A_10 : memref<40x384xf32, #tpu.memory_space<vmem>>) offsets(%dma_start3A_13 : memref<40xi32, #tpu.memory_space<vmem>>) semaphore(%dma_start3A_18 : memref<!tpu.dma_semaphore, #tpu.memory_space<semaphore_mem>>)
    %scan3A = arith.constant 0 : i32
    %scan3A_19 = arith.constant 0 : i32
    %scan3A_20 = arith.constant 25 : i32
    %scan3A_21 = arith.addi %scan3A_19, %scan3A_20 : i32
    %scan3A_22 = arith.constant 1 : i32
    scf.for %scan3A_24 = %scan3A_19 to %scan3A_21 step %scan3A_22  : i32 {
      %jit3A = arith.constant 2 : i32
      %eq3A = arith.constant 0 : i32
      %eq3A_25 = arith.cmpi eq, %jit3A, %eq3A : i32
      %jit3A_26 = arith.constant 1 : i32
      %select_n3A = arith.select %eq3A_25, %jit3A_26, %jit3A : i32
      %rem3A = arith.remsi %scan3A_24, %select_n3A : i32
      %ne3A = arith.constant 0 : i32
      %ne3A_27 = arith.cmpi ne, %rem3A, %ne3A : i32
      %lt3A = arith.constant 0 : i32
      %lt3A_28 = arith.cmpi slt, %rem3A, %lt3A : i32
      %lt3A_29 = arith.constant 0 : i32
      %lt3A_30 = arith.cmpi slt, %select_n3A, %lt3A_29 : i32
      %ne3A_31 = arith.xori %lt3A_28, %lt3A_30 : i1
      %and3A = arith.andi %ne3A_31, %ne3A_27 : i1
      %add3A_32 = arith.addi %rem3A, %select_n3A : i32
      %select_n3A_33 = arith.select %and3A, %add3A_32, %rem3A : i32
      %add3A_34 = arith.constant 1 : i32
      %add3A_35 = arith.addi %scan3A_24, %add3A_34 : i32
      %lt3A_36 = arith.constant 25 : i32
      %lt3A_37 = arith.cmpi slt, %add3A_35, %lt3A_36 : i32
      %convert_element_type3A = arith.extui %lt3A_37 : i1 to i32
      %cond3A = arith.constant 0 : i32
      %cond3A_38 = arith.cmpi ne, %convert_element_type3A, %cond3A : i32
      scf.if %cond3A_38 {
        %add3A_59 = arith.constant 1 : i32
        %add3A_60 = arith.addi %scan3A_24, %add3A_59 : i32
        %sub3A = arith.constant 1 : i32
        %sub3A_61 = arith.subi %sub3A, %select_n3A_33 : i32
        %mul3A_62 = arith.constant 40 : i32
        %mul3A_63 = arith.muli %add3A_60, %mul3A_62 : i32
        %add3A_64 = arith.addi %mul3A_2, %mul3A_63 : i32
        "tpu.region"() ({
          %run_scoped3A_77 = tpu.sem_alloc : memref<!tpu.dma_semaphore, #tpu.memory_space<semaphore_mem>>
          %dma_start3A_78 = arith.constant 0 : i32
          %dma_start3A_79 = tpu.memref_slice %arg7[%sub3A_61, %dma_start3A_78] : memref<2x40xi32, #tpu.memory_space<vmem>> -> memref<1x40xi32, #tpu.memory_space<vmem>>
          %dma_start3A_80 = tpu.memref_squeeze %dma_start3A_79 : memref<1x40xi32, #tpu.memory_space<vmem>> -> memref<40xi32, #tpu.memory_space<vmem>>
          %dma_start3A_81 = tpu.memref_slice %arg2[%add3A_64] : memref<32000xi32, #tpu.memory_space<hbm>> -> memref<40xi32, #tpu.memory_space<hbm>>
          %dma_start3A_82 = arith.constant 0 : i32
          %dma_start3A_83 = tpu.memref_slice %arg7[%sub3A_61, %dma_start3A_82] : memref<2x40xi32, #tpu.memory_space<vmem>> -> memref<1x40xi32, #tpu.memory_space<vmem>>
          %dma_start3A_84 = tpu.memref_squeeze %dma_start3A_83 : memref<1x40xi32, #tpu.memory_space<vmem>> -> memref<40xi32, #tpu.memory_space<vmem>>
          %dma_start3A_85 = tpu.memref_slice %arg2[%add3A_64] : memref<32000xi32, #tpu.memory_space<hbm>> -> memref<40xi32, #tpu.memory_space<hbm>>
          tpu.enqueue_dma source(%dma_start3A_85 : memref<40xi32, #tpu.memory_space<hbm>>) target(%dma_start3A_84 : memref<40xi32, #tpu.memory_space<vmem>>) target_semaphore(%run_scoped3A_77 : memref<!tpu.dma_semaphore, #tpu.memory_space<semaphore_mem>>)
          %dma_wait3A_86 = arith.constant 0 : i32
          %dma_wait3A_87 = tpu.memref_slice %arg7[%sub3A_61, %dma_wait3A_86] : memref<2x40xi32, #tpu.memory_space<vmem>> -> memref<1x40xi32, #tpu.memory_space<vmem>>
          %dma_wait3A_88 = tpu.memref_squeeze %dma_wait3A_87 : memref<1x40xi32, #tpu.memory_space<vmem>> -> memref<40xi32, #tpu.memory_space<vmem>>
          %dma_wait3A_89 = tpu.memref_slice %arg2[%add3A_64] : memref<32000xi32, #tpu.memory_space<hbm>> -> memref<40xi32, #tpu.memory_space<hbm>>
          %dma_wait3A_90 = arith.constant 0 : i32
          %dma_wait3A_91 = tpu.memref_slice %arg7[%sub3A_61, %dma_wait3A_90] : memref<2x40xi32, #tpu.memory_space<vmem>> -> memref<1x40xi32, #tpu.memory_space<vmem>>
          %dma_wait3A_92 = tpu.memref_squeeze %dma_wait3A_91 : memref<1x40xi32, #tpu.memory_space<vmem>> -> memref<40xi32, #tpu.memory_space<vmem>>
          %dma_wait3A_93 = tpu.memref_slice %arg2[%add3A_64] : memref<32000xi32, #tpu.memory_space<hbm>> -> memref<40xi32, #tpu.memory_space<hbm>>
          tpu.wait_dma2 semaphore(%run_scoped3A_77 : memref<!tpu.dma_semaphore, #tpu.memory_space<semaphore_mem>>) src(%dma_wait3A_93 : memref<40xi32, #tpu.memory_space<hbm>>) dst(%dma_wait3A_92 : memref<40xi32, #tpu.memory_space<vmem>>)
          tpu.yield
        }) : () -> ()
        %dma_start3A_65 = arith.constant 0 : i32
        %dma_start3A_66 = arith.constant 0 : i32
        %dma_start3A_67 = tpu.memref_slice %arg8[%sub3A_61, %dma_start3A_65, %dma_start3A_66] : memref<2x40x384xf32, #tpu.memory_space<vmem>> -> memref<1x40x384xf32, #tpu.memory_space<vmem>>
        %dma_start3A_68 = tpu.memref_squeeze %dma_start3A_67 : memref<1x40x384xf32, #tpu.memory_space<vmem>> -> memref<40x384xf32, #tpu.memory_space<vmem>>
        %dma_start3A_69 = arith.constant 0 : i32
        %dma_start3A_70 = tpu.memref_slice %arg7[%sub3A_61, %dma_start3A_69] : memref<2x40xi32, #tpu.memory_space<vmem>> -> memref<1x40xi32, #tpu.memory_space<vmem>>
        %dma_start3A_71 = tpu.memref_squeeze %dma_start3A_70 : memref<1x40xi32, #tpu.memory_space<vmem>> -> memref<40xi32, #tpu.memory_space<vmem>>
        %dma_start3A_72 = arith.constant 0 : i32
        %dma_start3A_73 = arith.constant 0 : i32
        %dma_start3A_74 = tpu.memref_slice %arg3[%dma_start3A_72, %dma_start3A_73] : memref<10000x384xf32, #tpu.memory_space<hbm>> -> memref<10000x384xf32, #tpu.memory_space<hbm>>
        %dma_start3A_75 = tpu.memref_slice %arg9[%sub3A_61] : memref<2x!tpu.dma_semaphore, #tpu.memory_space<semaphore_mem>> -> memref<1x!tpu.dma_semaphore, #tpu.memory_space<semaphore_mem>>
        %dma_start3A_76 = tpu.memref_squeeze %dma_start3A_75 : memref<1x!tpu.dma_semaphore, #tpu.memory_space<semaphore_mem>> -> memref<!tpu.dma_semaphore, #tpu.memory_space<semaphore_mem>>
        tpu.enqueue_indirect_dma source(%dma_start3A_74 : memref<10000x384xf32, #tpu.memory_space<hbm>>) target(%dma_start3A_68 : memref<40x384xf32, #tpu.memory_space<vmem>>) offsets(%dma_start3A_71 : memref<40xi32, #tpu.memory_space<vmem>>) semaphore(%dma_start3A_76 : memref<!tpu.dma_semaphore, #tpu.memory_space<semaphore_mem>>)
      } else {
      }
      %dma_wait3A = arith.constant 0 : i32
      %dma_wait3A_39 = arith.constant 0 : i32
      %dma_wait3A_40 = tpu.memref_slice %arg8[%select_n3A_33, %dma_wait3A, %dma_wait3A_39] : memref<2x40x384xf32, #tpu.memory_space<vmem>> -> memref<1x40x384xf32, #tpu.memory_space<vmem>>
      %dma_wait3A_41 = tpu.memref_squeeze %dma_wait3A_40 : memref<1x40x384xf32, #tpu.memory_space<vmem>> -> memref<40x384xf32, #tpu.memory_space<vmem>>
      %dma_wait3A_42 = arith.constant 0 : i32
      %dma_wait3A_43 = tpu.memref_slice %arg7[%select_n3A_33, %dma_wait3A_42] : memref<2x40xi32, #tpu.memory_space<vmem>> -> memref<1x40xi32, #tpu.memory_space<vmem>>
      %dma_wait3A_44 = tpu.memref_squeeze %dma_wait3A_43 : memref<1x40xi32, #tpu.memory_space<vmem>> -> memref<40xi32, #tpu.memory_space<vmem>>
      %dma_wait3A_45 = arith.constant 0 : i32
      %dma_wait3A_46 = arith.constant 0 : i32
      %dma_wait3A_47 = tpu.memref_slice %arg3[%dma_wait3A_45, %dma_wait3A_46] : memref<10000x384xf32, #tpu.memory_space<hbm>> -> memref<10000x384xf32, #tpu.memory_space<hbm>>
      %dma_wait3A_48 = tpu.memref_slice %arg9[%select_n3A_33] : memref<2x!tpu.dma_semaphore, #tpu.memory_space<semaphore_mem>> -> memref<1x!tpu.dma_semaphore, #tpu.memory_space<semaphore_mem>>
      %dma_wait3A_49 = tpu.memref_squeeze %dma_wait3A_48 : memref<1x!tpu.dma_semaphore, #tpu.memory_space<semaphore_mem>> -> memref<!tpu.dma_semaphore, #tpu.memory_space<semaphore_mem>>
      tpu.wait_indirect_dma semaphore(%dma_wait3A_49 : memref<!tpu.dma_semaphore, #tpu.memory_space<semaphore_mem>>) src(%dma_wait3A_47 : memref<10000x384xf32, #tpu.memory_space<hbm>>) dst(%dma_wait3A_41 : memref<40x384xf32, #tpu.memory_space<vmem>>)
      %mul3A_50 = arith.constant 40 : i32
      %mul3A_51 = arith.muli %scan3A_24, %mul3A_50 : i32
      %add3A_52 = arith.addi %mul3A_2, %mul3A_51 : i32
      "tpu.region"() ({
        %run_scoped3A_59 = tpu.sem_alloc : memref<!tpu.dma_semaphore, #tpu.memory_space<semaphore_mem>>
        %dma_start3A_60 = arith.constant 0 : i32
        %dma_start3A_61 = arith.constant 0 : i32
        %dma_start3A_62 = tpu.memref_slice %arg8[%select_n3A_33, %dma_start3A_60, %dma_start3A_61] : memref<2x40x384xf32, #tpu.memory_space<vmem>> -> memref<1x40x128xf32, #tpu.memory_space<vmem>>
        %dma_start3A_63 = tpu.memref_squeeze %dma_start3A_62 : memref<1x40x128xf32, #tpu.memory_space<vmem>> -> memref<40x128xf32, #tpu.memory_space<vmem>>
        %dma_start3A_64 = arith.constant 0 : i32
        %dma_start3A_65 = tpu.memref_slice %arg4[%add3A_52, %dma_start3A_64] : memref<32000x128xf32, #tpu.memory_space<hbm>> -> memref<40x128xf32, #tpu.memory_space<hbm>>
        %dma_start3A_66 = arith.constant 0 : i32
        %dma_start3A_67 = tpu.memref_slice %arg4[%add3A_52, %dma_start3A_66] : memref<32000x128xf32, #tpu.memory_space<hbm>> -> memref<40x128xf32, #tpu.memory_space<hbm>>
        %dma_start3A_68 = arith.constant 0 : i32
        %dma_start3A_69 = arith.constant 0 : i32
        %dma_start3A_70 = tpu.memref_slice %arg8[%select_n3A_33, %dma_start3A_68, %dma_start3A_69] : memref<2x40x384xf32, #tpu.memory_space<vmem>> -> memref<1x40x128xf32, #tpu.memory_space<vmem>>
        %dma_start3A_71 = tpu.memref_squeeze %dma_start3A_70 : memref<1x40x128xf32, #tpu.memory_space<vmem>> -> memref<40x128xf32, #tpu.memory_space<vmem>>
        tpu.enqueue_dma source(%dma_start3A_71 : memref<40x128xf32, #tpu.memory_space<vmem>>) target(%dma_start3A_67 : memref<40x128xf32, #tpu.memory_space<hbm>>) target_semaphore(%run_scoped3A_59 : memref<!tpu.dma_semaphore, #tpu.memory_space<semaphore_mem>>)
        %dma_wait3A_72 = arith.constant 0 : i32
        %dma_wait3A_73 = arith.constant 0 : i32
        %dma_wait3A_74 = tpu.memref_slice %arg8[%select_n3A_33, %dma_wait3A_72, %dma_wait3A_73] : memref<2x40x384xf32, #tpu.memory_space<vmem>> -> memref<1x40x128xf32, #tpu.memory_space<vmem>>
        %dma_wait3A_75 = tpu.memref_squeeze %dma_wait3A_74 : memref<1x40x128xf32, #tpu.memory_space<vmem>> -> memref<40x128xf32, #tpu.memory_space<vmem>>
        %dma_wait3A_76 = arith.constant 0 : i32
        %dma_wait3A_77 = tpu.memref_slice %arg4[%add3A_52, %dma_wait3A_76] : memref<32000x128xf32, #tpu.memory_space<hbm>> -> memref<40x128xf32, #tpu.memory_space<hbm>>
        %dma_wait3A_78 = arith.constant 0 : i32
        %dma_wait3A_79 = tpu.memref_slice %arg4[%add3A_52, %dma_wait3A_78] : memref<32000x128xf32, #tpu.memory_space<hbm>> -> memref<40x128xf32, #tpu.memory_space<hbm>>
        %dma_wait3A_80 = arith.constant 0 : i32
        %dma_wait3A_81 = arith.constant 0 : i32
        %dma_wait3A_82 = tpu.memref_slice %arg8[%select_n3A_33, %dma_wait3A_80, %dma_wait3A_81] : memref<2x40x384xf32, #tpu.memory_space<vmem>> -> memref<1x40x128xf32, #tpu.memory_space<vmem>>
        %dma_wait3A_83 = tpu.memref_squeeze %dma_wait3A_82 : memref<1x40x128xf32, #tpu.memory_space<vmem>> -> memref<40x128xf32, #tpu.memory_space<vmem>>
        tpu.wait_dma2 semaphore(%run_scoped3A_59 : memref<!tpu.dma_semaphore, #tpu.memory_space<semaphore_mem>>) src(%dma_wait3A_83 : memref<40x128xf32, #tpu.memory_space<vmem>>) dst(%dma_wait3A_79 : memref<40x128xf32, #tpu.memory_space<hbm>>)
        tpu.yield
      }) : () -> ()
      %mul3A_53 = arith.constant 40 : i32
      %mul3A_54 = arith.muli %scan3A_24, %mul3A_53 : i32
      %add3A_55 = arith.addi %mul3A_2, %mul3A_54 : i32
      "tpu.region"() ({
        %run_scoped3A_59 = tpu.sem_alloc : memref<!tpu.dma_semaphore, #tpu.memory_space<semaphore_mem>>
        %dma_start3A_60 = arith.constant 0 : i32
        %dma_start3A_61 = arith.constant 128 : i32
        %dma_start3A_62 = tpu.memref_slice %arg8[%select_n3A_33, %dma_start3A_60, %dma_start3A_61] : memref<2x40x384xf32, #tpu.memory_space<vmem>> -> memref<1x40x128xf32, #tpu.memory_space<vmem>>
        %dma_start3A_63 = tpu.memref_squeeze %dma_start3A_62 : memref<1x40x128xf32, #tpu.memory_space<vmem>> -> memref<40x128xf32, #tpu.memory_space<vmem>>
        %dma_start3A_64 = arith.constant 0 : i32
        %dma_start3A_65 = tpu.memref_slice %arg5[%add3A_55, %dma_start3A_64] : memref<32000x128xf32, #tpu.memory_space<hbm>> -> memref<40x128xf32, #tpu.memory_space<hbm>>
        %dma_start3A_66 = arith.constant 0 : i32
        %dma_start3A_67 = tpu.memref_slice %arg5[%add3A_55, %dma_start3A_66] : memref<32000x128xf32, #tpu.memory_space<hbm>> -> memref<40x128xf32, #tpu.memory_space<hbm>>
        %dma_start3A_68 = arith.constant 0 : i32
        %dma_start3A_69 = arith.constant 128 : i32
        %dma_start3A_70 = tpu.memref_slice %arg8[%select_n3A_33, %dma_start3A_68, %dma_start3A_69] : memref<2x40x384xf32, #tpu.memory_space<vmem>> -> memref<1x40x128xf32, #tpu.memory_space<vmem>>
        %dma_start3A_71 = tpu.memref_squeeze %dma_start3A_70 : memref<1x40x128xf32, #tpu.memory_space<vmem>> -> memref<40x128xf32, #tpu.memory_space<vmem>>
        tpu.enqueue_dma source(%dma_start3A_71 : memref<40x128xf32, #tpu.memory_space<vmem>>) target(%dma_start3A_67 : memref<40x128xf32, #tpu.memory_space<hbm>>) target_semaphore(%run_scoped3A_59 : memref<!tpu.dma_semaphore, #tpu.memory_space<semaphore_mem>>)
        %dma_wait3A_72 = arith.constant 0 : i32
        %dma_wait3A_73 = arith.constant 128 : i32
        %dma_wait3A_74 = tpu.memref_slice %arg8[%select_n3A_33, %dma_wait3A_72, %dma_wait3A_73] : memref<2x40x384xf32, #tpu.memory_space<vmem>> -> memref<1x40x128xf32, #tpu.memory_space<vmem>>
        %dma_wait3A_75 = tpu.memref_squeeze %dma_wait3A_74 : memref<1x40x128xf32, #tpu.memory_space<vmem>> -> memref<40x128xf32, #tpu.memory_space<vmem>>
        %dma_wait3A_76 = arith.constant 0 : i32
        %dma_wait3A_77 = tpu.memref_slice %arg5[%add3A_55, %dma_wait3A_76] : memref<32000x128xf32, #tpu.memory_space<hbm>> -> memref<40x128xf32, #tpu.memory_space<hbm>>
        %dma_wait3A_78 = arith.constant 0 : i32
        %dma_wait3A_79 = tpu.memref_slice %arg5[%add3A_55, %dma_wait3A_78] : memref<32000x128xf32, #tpu.memory_space<hbm>> -> memref<40x128xf32, #tpu.memory_space<hbm>>
        %dma_wait3A_80 = arith.constant 0 : i32
        %dma_wait3A_81 = arith.constant 128 : i32
        %dma_wait3A_82 = tpu.memref_slice %arg8[%select_n3A_33, %dma_wait3A_80, %dma_wait3A_81] : memref<2x40x384xf32, #tpu.memory_space<vmem>> -> memref<1x40x128xf32, #tpu.memory_space<vmem>>
        %dma_wait3A_83 = tpu.memref_squeeze %dma_wait3A_82 : memref<1x40x128xf32, #tpu.memory_space<vmem>> -> memref<40x128xf32, #tpu.memory_space<vmem>>
        tpu.wait_dma2 semaphore(%run_scoped3A_59 : memref<!tpu.dma_semaphore, #tpu.memory_space<semaphore_mem>>) src(%dma_wait3A_83 : memref<40x128xf32, #tpu.memory_space<vmem>>) dst(%dma_wait3A_79 : memref<40x128xf32, #tpu.memory_space<hbm>>)
        tpu.yield
      }) : () -> ()
      %mul3A_56 = arith.constant 40 : i32
      %mul3A_57 = arith.muli %scan3A_24, %mul3A_56 : i32
      %add3A_58 = arith.addi %mul3A_2, %mul3A_57 : i32
      "tpu.region"() ({
        %run_scoped3A_59 = tpu.sem_alloc : memref<!tpu.dma_semaphore, #tpu.memory_space<semaphore_mem>>
        %dma_start3A_60 = arith.constant 0 : i32
        %dma_start3A_61 = arith.constant 256 : i32
        %dma_start3A_62 = tpu.memref_slice %arg8[%select_n3A_33, %dma_start3A_60, %dma_start3A_61] : memref<2x40x384xf32, #tpu.memory_space<vmem>> -> memref<1x40x128xf32, #tpu.memory_space<vmem>>
        %dma_start3A_63 = tpu.memref_squeeze %dma_start3A_62 : memref<1x40x128xf32, #tpu.memory_space<vmem>> -> memref<40x128xf32, #tpu.memory_space<vmem>>
        %dma_start3A_64 = arith.constant 0 : i32
        %dma_start3A_65 = tpu.memref_slice %arg6[%add3A_58, %dma_start3A_64] : memref<32000x128xf32, #tpu.memory_space<hbm>> -> memref<40x128xf32, #tpu.memory_space<hbm>>
        %dma_start3A_66 = arith.constant 0 : i32
        %dma_start3A_67 = tpu.memref_slice %arg6[%add3A_58, %dma_start3A_66] : memref<32000x128xf32, #tpu.memory_space<hbm>> -> memref<40x128xf32, #tpu.memory_space<hbm>>
        %dma_start3A_68 = arith.constant 0 : i32
        %dma_start3A_69 = arith.constant 256 : i32
        %dma_start3A_70 = tpu.memref_slice %arg8[%select_n3A_33, %dma_start3A_68, %dma_start3A_69] : memref<2x40x384xf32, #tpu.memory_space<vmem>> -> memref<1x40x128xf32, #tpu.memory_space<vmem>>
        %dma_start3A_71 = tpu.memref_squeeze %dma_start3A_70 : memref<1x40x128xf32, #tpu.memory_space<vmem>> -> memref<40x128xf32, #tpu.memory_space<vmem>>
        tpu.enqueue_dma source(%dma_start3A_71 : memref<40x128xf32, #tpu.memory_space<vmem>>) target(%dma_start3A_67 : memref<40x128xf32, #tpu.memory_space<hbm>>) target_semaphore(%run_scoped3A_59 : memref<!tpu.dma_semaphore, #tpu.memory_space<semaphore_mem>>)
        %dma_wait3A_72 = arith.constant 0 : i32
        %dma_wait3A_73 = arith.constant 256 : i32
        %dma_wait3A_74 = tpu.memref_slice %arg8[%select_n3A_33, %dma_wait3A_72, %dma_wait3A_73] : memref<2x40x384xf32, #tpu.memory_space<vmem>> -> memref<1x40x128xf32, #tpu.memory_space<vmem>>
        %dma_wait3A_75 = tpu.memref_squeeze %dma_wait3A_74 : memref<1x40x128xf32, #tpu.memory_space<vmem>> -> memref<40x128xf32, #tpu.memory_space<vmem>>
        %dma_wait3A_76 = arith.constant 0 : i32
        %dma_wait3A_77 = tpu.memref_slice %arg6[%add3A_58, %dma_wait3A_76] : memref<32000x128xf32, #tpu.memory_space<hbm>> -> memref<40x128xf32, #tpu.memory_space<hbm>>
        %dma_wait3A_78 = arith.constant 0 : i32
        %dma_wait3A_79 = tpu.memref_slice %arg6[%add3A_58, %dma_wait3A_78] : memref<32000x128xf32, #tpu.memory_space<hbm>> -> memref<40x128xf32, #tpu.memory_space<hbm>>
        %dma_wait3A_80 = arith.constant 0 : i32
        %dma_wait3A_81 = arith.constant 256 : i32
        %dma_wait3A_82 = tpu.memref_slice %arg8[%select_n3A_33, %dma_wait3A_80, %dma_wait3A_81] : memref<2x40x384xf32, #tpu.memory_space<vmem>> -> memref<1x40x128xf32, #tpu.memory_space<vmem>>
        %dma_wait3A_83 = tpu.memref_squeeze %dma_wait3A_82 : memref<1x40x128xf32, #tpu.memory_space<vmem>> -> memref<40x128xf32, #tpu.memory_space<vmem>>
        tpu.wait_dma2 semaphore(%run_scoped3A_59 : memref<!tpu.dma_semaphore, #tpu.memory_space<semaphore_mem>>) src(%dma_wait3A_83 : memref<40x128xf32, #tpu.memory_space<vmem>>) dst(%dma_wait3A_79 : memref<40x128xf32, #tpu.memory_space<hbm>>)
        tpu.yield
      }) : () -> ()
    }
    %scan3A_23 = arith.constant 25 : i32
    return
  }
}

module attributes {stable_mosaic.version = 14 : i64} {
  func.func @body(%arg0: i32, %arg1: memref<1000x128xf32, #tpu.memory_space<vmem>>, %arg2: memref<4x128xf32, #tpu.memory_space<vmem>>, %arg3: memref<4x128x128xf32, #tpu.memory_space<vmem>>, %arg4: memref<4x128xf32, #tpu.memory_space<vmem>>, %arg5: memref<1000x384xf32, #tpu.memory_space<vmem>>, %arg6: memref<1000x512xf32, #tpu.memory_space<vmem>>) attributes {dimension_semantics = [#tpu.dimension_semantics<arbitrary>], iteration_bounds = array<i64: 10>, scalar_prefetch = 0 : i64, scratch_operands = 0 : i64, tpu.core_type = #tpu.core_type<tc>, window_params = [{transform_indices = @transform_0, window_bounds = array<i64: 1000, 128>}, {pipeline_mode = #tpu.pipeline_mode<synchronous>, transform_indices = @transform_1, window_bounds = array<i64: 4, 128>}, {pipeline_mode = #tpu.pipeline_mode<synchronous>, transform_indices = @transform_2, window_bounds = array<i64: 4, 128, 128>}, {pipeline_mode = #tpu.pipeline_mode<synchronous>, transform_indices = @transform_3, window_bounds = array<i64: 4, 128>}, {transform_indices = @transform_4, window_bounds = array<i64: 1000, 384>}, {transform_indices = @transform_5, window_bounds = array<i64: 1000, 512>}]} {
    %get3A = arith.constant 0 : index
    %get3A_0 = arith.constant 0 : index
    %get3A_1 = vector.load %arg1[%get3A, %get3A_0] : memref<1000x128xf32, #tpu.memory_space<vmem>>, vector<1000x128xf32>
    %mul3A = arith.mulf %get3A_1, %get3A_1 : vector<1000x128xf32>
    %reduce_sum3A = arith.constant dense<0.000000e+00> : vector<1000xf32>
    %reduce_sum3A_2 = vector.multi_reduction <add>, %mul3A, %reduce_sum3A [1] : vector<1000x128xf32> to vector<1000xf32>
    %broadcast_in_dim3A = vector.shape_cast %reduce_sum3A_2 : vector<1000xf32> to vector<1000x1xf32>
    %sqrt3A = math.sqrt %broadcast_in_dim3A : vector<1000x1xf32>
    %jit3A = arith.constant 1.000000e-15 : f32
    %max3A = vector.broadcast %jit3A : f32 to vector<1000x1xf32>
    %max3A_3 = arith.maximumf %max3A, %sqrt3A : vector<1000x1xf32>
    %tanh3A = math.tanh %max3A_3 : vector<1000x1xf32>
    %mul3A_4 = vector.broadcast %tanh3A : vector<1000x1xf32> to vector<1000x128xf32>
    %mul3A_5 = arith.mulf %mul3A_4, %get3A_1 : vector<1000x128xf32>
    %div3A = vector.broadcast %max3A_3 : vector<1000x1xf32> to vector<1000x128xf32>
    %div3A_6 = arith.divf %mul3A_5, %div3A : vector<1000x128xf32>
    %mul3A_7 = arith.mulf %div3A_6, %div3A_6 : vector<1000x128xf32>
    %reduce_sum3A_8 = arith.constant dense<0.000000e+00> : vector<1000xf32>
    %reduce_sum3A_9 = vector.multi_reduction <add>, %mul3A_7, %reduce_sum3A_8 [1] : vector<1000x128xf32> to vector<1000xf32>
    %broadcast_in_dim3A_10 = vector.shape_cast %reduce_sum3A_9 : vector<1000xf32> to vector<1000x1xf32>
    %sqrt3A_11 = math.sqrt %broadcast_in_dim3A_10 : vector<1000x1xf32>
    %jit3A_12 = arith.constant 1.000000e-15 : f32
    %max3A_13 = vector.broadcast %jit3A_12 : f32 to vector<1000x1xf32>
    %max3A_14 = arith.maximumf %max3A_13, %sqrt3A_11 : vector<1000x1xf32>
    %gt3A = arith.constant 0.999989986 : f32
    %gt3A_15 = vector.broadcast %gt3A : f32 to vector<1000x1xf32>
    %gt3A_16 = arith.cmpf ogt, %max3A_14, %gt3A_15 : vector<1000x1xf32>
    %div3A_17 = vector.broadcast %max3A_14 : vector<1000x1xf32> to vector<1000x128xf32>
    %div3A_18 = arith.divf %div3A_6, %div3A_17 : vector<1000x128xf32>
    %mul3A_19 = arith.constant 0.999989986 : f32
    %mul3A_20 = vector.broadcast %mul3A_19 : f32 to vector<1000x128xf32>
    %mul3A_21 = arith.mulf %div3A_18, %mul3A_20 : vector<1000x128xf32>
    %broadcast_in_dim3A_22 = vector.shape_cast %gt3A_16 : vector<1000x1xi1> to vector<1000x1xi1>
    %broadcast_in_dim3A_23 = vector.broadcast %broadcast_in_dim3A_22 : vector<1000x1xi1> to vector<1000x128xi1>
    %select_n3A = arith.select %broadcast_in_dim3A_23, %mul3A_21, %div3A_6 : vector<1000x128xi1>, vector<1000x128xf32>
    %get3A_24 = arith.constant 0 : index
    %get3A_25 = arith.constant 0 : index
    %get3A_26 = vector.load %arg2[%get3A_24, %get3A_25] : memref<4x128xf32, #tpu.memory_space<vmem>>, vector<4x128xf32>
    %mul3A_27 = arith.mulf %get3A_26, %get3A_26 : vector<4x128xf32>
    %reduce_sum3A_28 = arith.constant dense<0.000000e+00> : vector<4xf32>
    %reduce_sum3A_29 = vector.multi_reduction <add>, %mul3A_27, %reduce_sum3A_28 [1] : vector<4x128xf32> to vector<4xf32>
    %broadcast_in_dim3A_30 = vector.shape_cast %reduce_sum3A_29 : vector<4xf32> to vector<4x1xf32>
    %sqrt3A_31 = math.sqrt %broadcast_in_dim3A_30 : vector<4x1xf32>
    %jit3A_32 = arith.constant 1.000000e-15 : f32
    %max3A_33 = vector.broadcast %jit3A_32 : f32 to vector<4x1xf32>
    %max3A_34 = arith.maximumf %max3A_33, %sqrt3A_31 : vector<4x1xf32>
    %tanh3A_35 = math.tanh %max3A_34 : vector<4x1xf32>
    %mul3A_36 = vector.broadcast %tanh3A_35 : vector<4x1xf32> to vector<4x128xf32>
    %mul3A_37 = arith.mulf %mul3A_36, %get3A_26 : vector<4x128xf32>
    %div3A_38 = vector.broadcast %max3A_34 : vector<4x1xf32> to vector<4x128xf32>
    %div3A_39 = arith.divf %mul3A_37, %div3A_38 : vector<4x128xf32>
    %mul3A_40 = arith.mulf %div3A_39, %div3A_39 : vector<4x128xf32>
    %reduce_sum3A_41 = arith.constant dense<0.000000e+00> : vector<4xf32>
    %reduce_sum3A_42 = vector.multi_reduction <add>, %mul3A_40, %reduce_sum3A_41 [1] : vector<4x128xf32> to vector<4xf32>
    %broadcast_in_dim3A_43 = vector.shape_cast %reduce_sum3A_42 : vector<4xf32> to vector<4x1xf32>
    %sqrt3A_44 = math.sqrt %broadcast_in_dim3A_43 : vector<4x1xf32>
    %jit3A_45 = arith.constant 1.000000e-15 : f32
    %max3A_46 = vector.broadcast %jit3A_45 : f32 to vector<4x1xf32>
    %max3A_47 = arith.maximumf %max3A_46, %sqrt3A_44 : vector<4x1xf32>
    %gt3A_48 = arith.constant 0.999989986 : f32
    %gt3A_49 = vector.broadcast %gt3A_48 : f32 to vector<4x1xf32>
    %gt3A_50 = arith.cmpf ogt, %max3A_47, %gt3A_49 : vector<4x1xf32>
    %div3A_51 = vector.broadcast %max3A_47 : vector<4x1xf32> to vector<4x128xf32>
    %div3A_52 = arith.divf %div3A_39, %div3A_51 : vector<4x128xf32>
    %mul3A_53 = arith.constant 0.999989986 : f32
    %mul3A_54 = vector.broadcast %mul3A_53 : f32 to vector<4x128xf32>
    %mul3A_55 = arith.mulf %div3A_52, %mul3A_54 : vector<4x128xf32>
    %broadcast_in_dim3A_56 = vector.shape_cast %gt3A_50 : vector<4x1xi1> to vector<4x1xi1>
    %broadcast_in_dim3A_57 = vector.broadcast %broadcast_in_dim3A_56 : vector<4x1xi1> to vector<4x128xi1>
    %select_n3A_58 = arith.select %broadcast_in_dim3A_57, %mul3A_55, %div3A_39 : vector<4x128xi1>, vector<4x128xf32>
    %get3A_59 = arith.constant 0 : index
    %get3A_60 = arith.constant 0 : index
    %get3A_61 = vector.load %arg4[%get3A_59, %get3A_60] : memref<4x128xf32, #tpu.memory_space<vmem>>, vector<4x128xf32>
    %mul3A_62 = arith.mulf %get3A_61, %get3A_61 : vector<4x128xf32>
    %reduce_sum3A_63 = arith.constant dense<0.000000e+00> : vector<4xf32>
    %reduce_sum3A_64 = vector.multi_reduction <add>, %mul3A_62, %reduce_sum3A_63 [1] : vector<4x128xf32> to vector<4xf32>
    %broadcast_in_dim3A_65 = vector.shape_cast %reduce_sum3A_64 : vector<4xf32> to vector<4x1xf32>
    %sqrt3A_66 = math.sqrt %broadcast_in_dim3A_65 : vector<4x1xf32>
    %jit3A_67 = arith.constant 1.000000e-15 : f32
    %max3A_68 = vector.broadcast %jit3A_67 : f32 to vector<4x1xf32>
    %max3A_69 = arith.maximumf %max3A_68, %sqrt3A_66 : vector<4x1xf32>
    %tanh3A_70 = math.tanh %max3A_69 : vector<4x1xf32>
    %mul3A_71 = vector.broadcast %tanh3A_70 : vector<4x1xf32> to vector<4x128xf32>
    %mul3A_72 = arith.mulf %mul3A_71, %get3A_61 : vector<4x128xf32>
    %div3A_73 = vector.broadcast %max3A_69 : vector<4x1xf32> to vector<4x128xf32>
    %div3A_74 = arith.divf %mul3A_72, %div3A_73 : vector<4x128xf32>
    %mul3A_75 = arith.mulf %div3A_74, %div3A_74 : vector<4x128xf32>
    %reduce_sum3A_76 = arith.constant dense<0.000000e+00> : vector<4xf32>
    %reduce_sum3A_77 = vector.multi_reduction <add>, %mul3A_75, %reduce_sum3A_76 [1] : vector<4x128xf32> to vector<4xf32>
    %broadcast_in_dim3A_78 = vector.shape_cast %reduce_sum3A_77 : vector<4xf32> to vector<4x1xf32>
    %sqrt3A_79 = math.sqrt %broadcast_in_dim3A_78 : vector<4x1xf32>
    %jit3A_80 = arith.constant 1.000000e-15 : f32
    %max3A_81 = vector.broadcast %jit3A_80 : f32 to vector<4x1xf32>
    %max3A_82 = arith.maximumf %max3A_81, %sqrt3A_79 : vector<4x1xf32>
    %gt3A_83 = arith.constant 0.999989986 : f32
    %gt3A_84 = vector.broadcast %gt3A_83 : f32 to vector<4x1xf32>
    %gt3A_85 = arith.cmpf ogt, %max3A_82, %gt3A_84 : vector<4x1xf32>
    %div3A_86 = vector.broadcast %max3A_82 : vector<4x1xf32> to vector<4x128xf32>
    %div3A_87 = arith.divf %div3A_74, %div3A_86 : vector<4x128xf32>
    %mul3A_88 = arith.constant 0.999989986 : f32
    %mul3A_89 = vector.broadcast %mul3A_88 : f32 to vector<4x128xf32>
    %mul3A_90 = arith.mulf %div3A_87, %mul3A_89 : vector<4x128xf32>
    %broadcast_in_dim3A_91 = vector.shape_cast %gt3A_85 : vector<4x1xi1> to vector<4x1xi1>
    %broadcast_in_dim3A_92 = vector.broadcast %broadcast_in_dim3A_91 : vector<4x1xi1> to vector<4x128xi1>
    %select_n3A_93 = arith.select %broadcast_in_dim3A_92, %mul3A_90, %div3A_74 : vector<4x128xi1>, vector<4x128xf32>
    %swap3A = arith.constant 0 : index
    %swap3A_94 = arith.constant 0 : index
    %swap3A_95 = vector.load %arg5[%swap3A, %swap3A_94] : memref<1000x384xf32, #tpu.memory_space<vmem>>, vector<1000x128xf32>
    tpu.vector_store %arg5[%swap3A, %swap3A_94], %select_n3A {strides = array<i32>} : memref<1000x384xf32, #tpu.memory_space<vmem>>, vector<1000x128xf32>,
    %mul3A_96 = arith.mulf %select_n3A, %select_n3A : vector<1000x128xf32>
    %reduce_sum3A_97 = arith.constant dense<0.000000e+00> : vector<1000xf32>
    %reduce_sum3A_98 = vector.multi_reduction <add>, %mul3A_96, %reduce_sum3A_97 [1] : vector<1000x128xf32> to vector<1000xf32>
    %broadcast_in_dim3A_99 = vector.shape_cast %reduce_sum3A_98 : vector<1000xf32> to vector<1000x1xf32>
    %sqrt3A_100 = math.sqrt %broadcast_in_dim3A_99 : vector<1000x1xf32>
    %jit3A_101 = arith.constant 1.000000e-15 : f32
    %max3A_102 = vector.broadcast %jit3A_101 : f32 to vector<1000x1xf32>
    %max3A_103 = arith.maximumf %max3A_102, %sqrt3A_100 : vector<1000x1xf32>
    %jit3A_104 = arith.constant -0.99999988 : f32
    %jit3A_105 = arith.constant 0.99999988 : f32
    %max3A_106 = vector.broadcast %jit3A_104 : f32 to vector<1000x1xf32>
    %max3A_107 = arith.maximumf %max3A_106, %max3A_103 : vector<1000x1xf32>
    %min3A = vector.broadcast %jit3A_105 : f32 to vector<1000x1xf32>
    %min3A_108 = arith.minimumf %min3A, %max3A_107 : vector<1000x1xf32>
    %add3A = arith.constant 1.000000e+00 : f32
    %add3A_109 = vector.broadcast %add3A : f32 to vector<1000x1xf32>
    %add3A_110 = arith.addf %add3A_109, %min3A_108 : vector<1000x1xf32>
    %sub3A = arith.constant 1.000000e+00 : f32
    %sub3A_111 = vector.broadcast %sub3A : f32 to vector<1000x1xf32>
    %sub3A_112 = arith.subf %sub3A_111, %min3A_108 : vector<1000x1xf32>
    %div3A_113 = arith.divf %add3A_110, %sub3A_112 : vector<1000x1xf32>
    %log3A = math.log %div3A_113 : vector<1000x1xf32>
    %mul3A_114 = arith.constant 5.000000e-01 : f32
    %mul3A_115 = vector.broadcast %mul3A_114 : f32 to vector<1000x1xf32>
    %mul3A_116 = arith.mulf %mul3A_115, %log3A : vector<1000x1xf32>
    %slice3A = vector.extract_strided_slice %select_n3A_58 {offsets = [0, 0], sizes = [1, 128], strides = [1, 1]} : vector<4x128xf32> to vector<1x128xf32>
    %squeeze3A = vector.shape_cast %slice3A : vector<1x128xf32> to vector<128xf32>
    %broadcast_in_dim3A_117 = vector.shape_cast %squeeze3A : vector<128xf32> to vector<1x128xf32>
    %mul3A_118 = arith.mulf %select_n3A, %select_n3A : vector<1000x128xf32>
    %reduce_sum3A_119 = arith.constant dense<0.000000e+00> : vector<1000xf32>
    %reduce_sum3A_120 = vector.multi_reduction <add>, %mul3A_118, %reduce_sum3A_119 [1] : vector<1000x128xf32> to vector<1000xf32>
    %broadcast_in_dim3A_121 = vector.shape_cast %reduce_sum3A_120 : vector<1000xf32> to vector<1000x1xf32>
    %mul3A_122 = arith.mulf %broadcast_in_dim3A_117, %broadcast_in_dim3A_117 : vector<1x128xf32>
    %reduce_sum3A_123 = arith.constant dense<0.000000e+00> : vector<1xf32>
    %reduce_sum3A_124 = vector.multi_reduction <add>, %mul3A_122, %reduce_sum3A_123 [1] : vector<1x128xf32> to vector<1xf32>
    %broadcast_in_dim3A_125 = vector.shape_cast %reduce_sum3A_124 : vector<1xf32> to vector<1x1xf32>
    %mul3A_126 = vector.broadcast %broadcast_in_dim3A_117 : vector<1x128xf32> to vector<1000x128xf32>
    %mul3A_127 = arith.mulf %select_n3A, %mul3A_126 : vector<1000x128xf32>
    %reduce_sum3A_128 = arith.constant dense<0.000000e+00> : vector<1000xf32>
    %reduce_sum3A_129 = vector.multi_reduction <add>, %mul3A_127, %reduce_sum3A_128 [1] : vector<1000x128xf32> to vector<1000xf32>
    %broadcast_in_dim3A_130 = vector.shape_cast %reduce_sum3A_129 : vector<1000xf32> to vector<1000x1xf32>
    %mul3A_131 = arith.constant 2.000000e+00 : f32
    %mul3A_132 = vector.broadcast %mul3A_131 : f32 to vector<1000x1xf32>
    %mul3A_133 = arith.mulf %mul3A_132, %broadcast_in_dim3A_130 : vector<1000x1xf32>
    %add3A_134 = arith.constant 1.000000e+00 : f32
    %add3A_135 = vector.broadcast %add3A_134 : f32 to vector<1000x1xf32>
    %add3A_136 = arith.addf %add3A_135, %mul3A_133 : vector<1000x1xf32>
    %add3A_137 = vector.broadcast %broadcast_in_dim3A_125 : vector<1x1xf32> to vector<1000x1xf32>
    %add3A_138 = arith.addf %add3A_136, %add3A_137 : vector<1000x1xf32>
    %mul3A_139 = vector.broadcast %add3A_138 : vector<1000x1xf32> to vector<1000x128xf32>
    %mul3A_140 = arith.mulf %mul3A_139, %select_n3A : vector<1000x128xf32>
    %sub3A_141 = arith.constant 1.000000e+00 : f32
    %sub3A_142 = vector.broadcast %sub3A_141 : f32 to vector<1000x1xf32>
    %sub3A_143 = arith.subf %sub3A_142, %broadcast_in_dim3A_121 : vector<1000x1xf32>
    %mul3A_144 = vector.broadcast %sub3A_143 : vector<1000x1xf32> to vector<1000x128xf32>
    %mul3A_145 = vector.broadcast %broadcast_in_dim3A_117 : vector<1x128xf32> to vector<1000x128xf32>
    %mul3A_146 = arith.mulf %mul3A_144, %mul3A_145 : vector<1000x128xf32>
    %add3A_147 = arith.addf %mul3A_140, %mul3A_146 : vector<1000x128xf32>
    %mul3A_148 = arith.constant 2.000000e+00 : f32
    %mul3A_149 = vector.broadcast %mul3A_148 : f32 to vector<1000x1xf32>
    %mul3A_150 = arith.mulf %mul3A_149, %broadcast_in_dim3A_130 : vector<1000x1xf32>
    %add3A_151 = arith.constant 1.000000e+00 : f32
    %add3A_152 = vector.broadcast %add3A_151 : f32 to vector<1000x1xf32>
    %add3A_153 = arith.addf %add3A_152, %mul3A_150 : vector<1000x1xf32>
    %mul3A_154 = vector.broadcast %broadcast_in_dim3A_125 : vector<1x1xf32> to vector<1000x1xf32>
    %mul3A_155 = arith.mulf %broadcast_in_dim3A_121, %mul3A_154 : vector<1000x1xf32>
    %add3A_156 = arith.addf %add3A_153, %mul3A_155 : vector<1000x1xf32>
    %jit3A_157 = arith.constant 1.000000e-15 : f32
    %max3A_158 = vector.broadcast %jit3A_157 : f32 to vector<1000x1xf32>
    %max3A_159 = arith.maximumf %max3A_158, %add3A_156 : vector<1000x1xf32>
    %div3A_160 = vector.broadcast %max3A_159 : vector<1000x1xf32> to vector<1000x128xf32>
    %div3A_161 = arith.divf %add3A_147, %div3A_160 : vector<1000x128xf32>
    %mul3A_162 = arith.mulf %div3A_161, %div3A_161 : vector<1000x128xf32>
    %reduce_sum3A_163 = arith.constant dense<0.000000e+00> : vector<1000xf32>
    %reduce_sum3A_164 = vector.multi_reduction <add>, %mul3A_162, %reduce_sum3A_163 [1] : vector<1000x128xf32> to vector<1000xf32>
    %broadcast_in_dim3A_165 = vector.shape_cast %reduce_sum3A_164 : vector<1000xf32> to vector<1000x1xf32>
    %sqrt3A_166 = math.sqrt %broadcast_in_dim3A_165 : vector<1000x1xf32>
    %jit3A_167 = arith.constant 1.000000e-15 : f32
    %max3A_168 = vector.broadcast %jit3A_167 : f32 to vector<1000x1xf32>
    %max3A_169 = arith.maximumf %max3A_168, %sqrt3A_166 : vector<1000x1xf32>
    %gt3A_170 = arith.constant 0.999989986 : f32
    %gt3A_171 = vector.broadcast %gt3A_170 : f32 to vector<1000x1xf32>
    %gt3A_172 = arith.cmpf ogt, %max3A_169, %gt3A_171 : vector<1000x1xf32>
    %div3A_173 = vector.broadcast %max3A_169 : vector<1000x1xf32> to vector<1000x128xf32>
    %div3A_174 = arith.divf %div3A_161, %div3A_173 : vector<1000x128xf32>
    %mul3A_175 = arith.constant 0.999989986 : f32
    %mul3A_176 = vector.broadcast %mul3A_175 : f32 to vector<1000x128xf32>
    %mul3A_177 = arith.mulf %div3A_174, %mul3A_176 : vector<1000x128xf32>
    %broadcast_in_dim3A_178 = vector.shape_cast %gt3A_172 : vector<1000x1xi1> to vector<1000x1xi1>
    %broadcast_in_dim3A_179 = vector.broadcast %broadcast_in_dim3A_178 : vector<1000x1xi1> to vector<1000x128xi1>
    %select_n3A_180 = arith.select %broadcast_in_dim3A_179, %mul3A_177, %div3A_161 : vector<1000x128xi1>, vector<1000x128xf32>
    %swap3A_181 = arith.constant 0 : index
    %swap3A_182 = arith.constant 0 : index
    %swap3A_183 = vector.load %arg6[%swap3A_181, %swap3A_182] : memref<1000x512xf32, #tpu.memory_space<vmem>>, vector<1000x128xf32>
    tpu.vector_store %arg6[%swap3A_181, %swap3A_182], %select_n3A_180 {strides = array<i32>} : memref<1000x512xf32, #tpu.memory_space<vmem>>, vector<1000x128xf32>,
    %get3A_184 = arith.constant 0 : index
    %get3A_185 = arith.constant 0 : index
    %get3A_186 = arith.constant 0 : index
    %get3A_187 = vector.load %arg3[%get3A_184, %get3A_185, %get3A_186] : memref<4x128x128xf32, #tpu.memory_space<vmem>>, vector<1x128x128xf32>
    %get3A_188 = vector.shape_cast %get3A_187 : vector<1x128x128xf32> to vector<128x128xf32>
    %dot_general3A = arith.constant dense<0.000000e+00> : vector<1000x128xf32>
    %dot_general3A_189 = tpu.matmul %select_n3A, %get3A_188, %dot_general3A {dimension_numbers = #tpu.dot_dimension_numbers<[1], [1], [0], [0], [0, 0, 1, 0], [], []>, transpose_lhs_hint = false} : vector<1000x128xf32>, vector<128x128xf32>, vector<1000x128xf32> -> vector<1000x128xf32>
    %mul3A_190 = arith.mulf %dot_general3A_189, %dot_general3A_189 : vector<1000x128xf32>
    %reduce_sum3A_191 = arith.constant dense<0.000000e+00> : vector<1000xf32>
    %reduce_sum3A_192 = vector.multi_reduction <add>, %mul3A_190, %reduce_sum3A_191 [1] : vector<1000x128xf32> to vector<1000xf32>
    %broadcast_in_dim3A_193 = vector.shape_cast %reduce_sum3A_192 : vector<1000xf32> to vector<1000x1xf32>
    %sqrt3A_194 = math.sqrt %broadcast_in_dim3A_193 : vector<1000x1xf32>
    %jit3A_195 = arith.constant 1.000000e-15 : f32
    %max3A_196 = vector.broadcast %jit3A_195 : f32 to vector<1000x1xf32>
    %max3A_197 = arith.maximumf %max3A_196, %sqrt3A_194 : vector<1000x1xf32>
    %div3A_198 = arith.divf %max3A_197, %max3A_103 : vector<1000x1xf32>
    %mul3A_199 = arith.mulf %div3A_198, %mul3A_116 : vector<1000x1xf32>
    %tanh3A_200 = math.tanh %mul3A_199 : vector<1000x1xf32>
    %mul3A_201 = vector.broadcast %tanh3A_200 : vector<1000x1xf32> to vector<1000x128xf32>
    %mul3A_202 = arith.mulf %mul3A_201, %dot_general3A_189 : vector<1000x128xf32>
    %div3A_203 = vector.broadcast %max3A_197 : vector<1000x1xf32> to vector<1000x128xf32>
    %div3A_204 = arith.divf %mul3A_202, %div3A_203 : vector<1000x128xf32>
    %mul3A_205 = arith.mulf %div3A_204, %div3A_204 : vector<1000x128xf32>
    %reduce_sum3A_206 = arith.constant dense<0.000000e+00> : vector<1000xf32>
    %reduce_sum3A_207 = vector.multi_reduction <add>, %mul3A_205, %reduce_sum3A_206 [1] : vector<1000x128xf32> to vector<1000xf32>
    %broadcast_in_dim3A_208 = vector.shape_cast %reduce_sum3A_207 : vector<1000xf32> to vector<1000x1xf32>
    %sqrt3A_209 = math.sqrt %broadcast_in_dim3A_208 : vector<1000x1xf32>
    %jit3A_210 = arith.constant 1.000000e-15 : f32
    %max3A_211 = vector.broadcast %jit3A_210 : f32 to vector<1000x1xf32>
    %max3A_212 = arith.maximumf %max3A_211, %sqrt3A_209 : vector<1000x1xf32>
    %gt3A_213 = arith.constant 0.999989986 : f32
    %gt3A_214 = vector.broadcast %gt3A_213 : f32 to vector<1000x1xf32>
    %gt3A_215 = arith.cmpf ogt, %max3A_212, %gt3A_214 : vector<1000x1xf32>
    %div3A_216 = vector.broadcast %max3A_212 : vector<1000x1xf32> to vector<1000x128xf32>
    %div3A_217 = arith.divf %div3A_204, %div3A_216 : vector<1000x128xf32>
    %mul3A_218 = arith.constant 0.999989986 : f32
    %mul3A_219 = vector.broadcast %mul3A_218 : f32 to vector<1000x128xf32>
    %mul3A_220 = arith.mulf %div3A_217, %mul3A_219 : vector<1000x128xf32>
    %broadcast_in_dim3A_221 = vector.shape_cast %gt3A_215 : vector<1000x1xi1> to vector<1000x1xi1>
    %broadcast_in_dim3A_222 = vector.broadcast %broadcast_in_dim3A_221 : vector<1000x1xi1> to vector<1000x128xi1>
    %select_n3A_223 = arith.select %broadcast_in_dim3A_222, %mul3A_220, %div3A_204 : vector<1000x128xi1>, vector<1000x128xf32>
    %slice3A_224 = vector.extract_strided_slice %select_n3A_93 {offsets = [0, 0], sizes = [1, 128], strides = [1, 1]} : vector<4x128xf32> to vector<1x128xf32>
    %squeeze3A_225 = vector.shape_cast %slice3A_224 : vector<1x128xf32> to vector<128xf32>
    %broadcast_in_dim3A_226 = vector.shape_cast %squeeze3A_225 : vector<128xf32> to vector<1x128xf32>
    %mul3A_227 = arith.mulf %select_n3A_223, %select_n3A_223 : vector<1000x128xf32>
    %reduce_sum3A_228 = arith.constant dense<0.000000e+00> : vector<1000xf32>
    %reduce_sum3A_229 = vector.multi_reduction <add>, %mul3A_227, %reduce_sum3A_228 [1] : vector<1000x128xf32> to vector<1000xf32>
    %broadcast_in_dim3A_230 = vector.shape_cast %reduce_sum3A_229 : vector<1000xf32> to vector<1000x1xf32>
    %mul3A_231 = arith.mulf %broadcast_in_dim3A_226, %broadcast_in_dim3A_226 : vector<1x128xf32>
    %reduce_sum3A_232 = arith.constant dense<0.000000e+00> : vector<1xf32>
    %reduce_sum3A_233 = vector.multi_reduction <add>, %mul3A_231, %reduce_sum3A_232 [1] : vector<1x128xf32> to vector<1xf32>
    %broadcast_in_dim3A_234 = vector.shape_cast %reduce_sum3A_233 : vector<1xf32> to vector<1x1xf32>
    %mul3A_235 = vector.broadcast %broadcast_in_dim3A_226 : vector<1x128xf32> to vector<1000x128xf32>
    %mul3A_236 = arith.mulf %select_n3A_223, %mul3A_235 : vector<1000x128xf32>
    %reduce_sum3A_237 = arith.constant dense<0.000000e+00> : vector<1000xf32>
    %reduce_sum3A_238 = vector.multi_reduction <add>, %mul3A_236, %reduce_sum3A_237 [1] : vector<1000x128xf32> to vector<1000xf32>
    %broadcast_in_dim3A_239 = vector.shape_cast %reduce_sum3A_238 : vector<1000xf32> to vector<1000x1xf32>
    %mul3A_240 = arith.constant 2.000000e+00 : f32
    %mul3A_241 = vector.broadcast %mul3A_240 : f32 to vector<1000x1xf32>
    %mul3A_242 = arith.mulf %mul3A_241, %broadcast_in_dim3A_239 : vector<1000x1xf32>
    %add3A_243 = arith.constant 1.000000e+00 : f32
    %add3A_244 = vector.broadcast %add3A_243 : f32 to vector<1000x1xf32>
    %add3A_245 = arith.addf %add3A_244, %mul3A_242 : vector<1000x1xf32>
    %add3A_246 = vector.broadcast %broadcast_in_dim3A_234 : vector<1x1xf32> to vector<1000x1xf32>
    %add3A_247 = arith.addf %add3A_245, %add3A_246 : vector<1000x1xf32>
    %mul3A_248 = vector.broadcast %add3A_247 : vector<1000x1xf32> to vector<1000x128xf32>
    %mul3A_249 = arith.mulf %mul3A_248, %select_n3A_223 : vector<1000x128xf32>
    %sub3A_250 = arith.constant 1.000000e+00 : f32
    %sub3A_251 = vector.broadcast %sub3A_250 : f32 to vector<1000x1xf32>
    %sub3A_252 = arith.subf %sub3A_251, %broadcast_in_dim3A_230 : vector<1000x1xf32>
    %mul3A_253 = vector.broadcast %sub3A_252 : vector<1000x1xf32> to vector<1000x128xf32>
    %mul3A_254 = vector.broadcast %broadcast_in_dim3A_226 : vector<1x128xf32> to vector<1000x128xf32>
    %mul3A_255 = arith.mulf %mul3A_253, %mul3A_254 : vector<1000x128xf32>
    %add3A_256 = arith.addf %mul3A_249, %mul3A_255 : vector<1000x128xf32>
    %mul3A_257 = arith.constant 2.000000e+00 : f32
    %mul3A_258 = vector.broadcast %mul3A_257 : f32 to vector<1000x1xf32>
    %mul3A_259 = arith.mulf %mul3A_258, %broadcast_in_dim3A_239 : vector<1000x1xf32>
    %add3A_260 = arith.constant 1.000000e+00 : f32
    %add3A_261 = vector.broadcast %add3A_260 : f32 to vector<1000x1xf32>
    %add3A_262 = arith.addf %add3A_261, %mul3A_259 : vector<1000x1xf32>
    %mul3A_263 = vector.broadcast %broadcast_in_dim3A_234 : vector<1x1xf32> to vector<1000x1xf32>
    %mul3A_264 = arith.mulf %broadcast_in_dim3A_230, %mul3A_263 : vector<1000x1xf32>
    %add3A_265 = arith.addf %add3A_262, %mul3A_264 : vector<1000x1xf32>
    %jit3A_266 = arith.constant 1.000000e-15 : f32
    %max3A_267 = vector.broadcast %jit3A_266 : f32 to vector<1000x1xf32>
    %max3A_268 = arith.maximumf %max3A_267, %add3A_265 : vector<1000x1xf32>
    %div3A_269 = vector.broadcast %max3A_268 : vector<1000x1xf32> to vector<1000x128xf32>
    %div3A_270 = arith.divf %add3A_256, %div3A_269 : vector<1000x128xf32>
    %mul3A_271 = arith.mulf %div3A_270, %div3A_270 : vector<1000x128xf32>
    %reduce_sum3A_272 = arith.constant dense<0.000000e+00> : vector<1000xf32>
    %reduce_sum3A_273 = vector.multi_reduction <add>, %mul3A_271, %reduce_sum3A_272 [1] : vector<1000x128xf32> to vector<1000xf32>
    %broadcast_in_dim3A_274 = vector.shape_cast %reduce_sum3A_273 : vector<1000xf32> to vector<1000x1xf32>
    %sqrt3A_275 = math.sqrt %broadcast_in_dim3A_274 : vector<1000x1xf32>
    %jit3A_276 = arith.constant 1.000000e-15 : f32
    %max3A_277 = vector.broadcast %jit3A_276 : f32 to vector<1000x1xf32>
    %max3A_278 = arith.maximumf %max3A_277, %sqrt3A_275 : vector<1000x1xf32>
    %gt3A_279 = arith.constant 0.999989986 : f32
    %gt3A_280 = vector.broadcast %gt3A_279 : f32 to vector<1000x1xf32>
    %gt3A_281 = arith.cmpf ogt, %max3A_278, %gt3A_280 : vector<1000x1xf32>
    %div3A_282 = vector.broadcast %max3A_278 : vector<1000x1xf32> to vector<1000x128xf32>
    %div3A_283 = arith.divf %div3A_270, %div3A_282 : vector<1000x128xf32>
    %mul3A_284 = arith.constant 0.999989986 : f32
    %mul3A_285 = vector.broadcast %mul3A_284 : f32 to vector<1000x128xf32>
    %mul3A_286 = arith.mulf %div3A_283, %mul3A_285 : vector<1000x128xf32>
    %broadcast_in_dim3A_287 = vector.shape_cast %gt3A_281 : vector<1000x1xi1> to vector<1000x1xi1>
    %broadcast_in_dim3A_288 = vector.broadcast %broadcast_in_dim3A_287 : vector<1000x1xi1> to vector<1000x128xi1>
    %select_n3A_289 = arith.select %broadcast_in_dim3A_288, %mul3A_286, %div3A_270 : vector<1000x128xi1>, vector<1000x128xf32>
    %mul3A_290 = arith.constant 2.000000e+00 : f32
    %mul3A_291 = vector.broadcast %mul3A_290 : f32 to vector<1000x128xf32>
    %mul3A_292 = arith.mulf %mul3A_291, %select_n3A_289 : vector<1000x128xf32>
    %mul3A_293 = arith.mulf %select_n3A_289, %select_n3A_289 : vector<1000x128xf32>
    %reduce_sum3A_294 = arith.constant dense<0.000000e+00> : vector<1000xf32>
    %reduce_sum3A_295 = vector.multi_reduction <add>, %mul3A_293, %reduce_sum3A_294 [1] : vector<1000x128xf32> to vector<1000xf32>
    %broadcast_in_dim3A_296 = vector.shape_cast %reduce_sum3A_295 : vector<1000xf32> to vector<1000x1xf32>
    %add3A_297 = arith.constant 1.000000e+00 : f32
    %add3A_298 = vector.broadcast %add3A_297 : f32 to vector<1000x1xf32>
    %add3A_299 = arith.addf %add3A_298, %broadcast_in_dim3A_296 : vector<1000x1xf32>
    %div3A_300 = vector.broadcast %add3A_299 : vector<1000x1xf32> to vector<1000x128xf32>
    %div3A_301 = arith.divf %mul3A_292, %div3A_300 : vector<1000x128xf32>
    %mul3A_302 = arith.mulf %div3A_301, %div3A_301 : vector<1000x128xf32>
    %reduce_sum3A_303 = arith.constant dense<0.000000e+00> : vector<1000xf32>
    %reduce_sum3A_304 = vector.multi_reduction <add>, %mul3A_302, %reduce_sum3A_303 [1] : vector<1000x128xf32> to vector<1000xf32>
    %broadcast_in_dim3A_305 = vector.shape_cast %reduce_sum3A_304 : vector<1000xf32> to vector<1000x1xf32>
    %sub3A_306 = arith.constant 1.000000e+00 : f32
    %sub3A_307 = vector.broadcast %sub3A_306 : f32 to vector<1000x1xf32>
    %sub3A_308 = arith.subf %sub3A_307, %broadcast_in_dim3A_305 : vector<1000x1xf32>
    %jit3A_309 = arith.constant 1.000000e-15 : f32
    %max3A_310 = vector.broadcast %jit3A_309 : f32 to vector<1000x1xf32>
    %max3A_311 = arith.maximumf %max3A_310, %sub3A_308 : vector<1000x1xf32>
    %sqrt3A_312 = math.sqrt %max3A_311 : vector<1000x1xf32>
    %div3A_313 = arith.constant 1.000000e+00 : f32
    %div3A_314 = vector.broadcast %div3A_313 : f32 to vector<1000x1xf32>
    %div3A_315 = arith.divf %div3A_314, %sqrt3A_312 : vector<1000x1xf32>
    %mul3A_316 = vector.broadcast %div3A_315 : vector<1000x1xf32> to vector<1000x128xf32>
    %mul3A_317 = arith.mulf %mul3A_316, %div3A_301 : vector<1000x128xf32>
    %slice3A_318 = vector.extract_strided_slice %select_n3A_58 {offsets = [1, 0], sizes = [1, 128], strides = [1, 1]} : vector<4x128xf32> to vector<1x128xf32>
    %squeeze3A_319 = vector.shape_cast %slice3A_318 : vector<1x128xf32> to vector<128xf32>
    %broadcast_in_dim3A_320 = vector.shape_cast %squeeze3A_319 : vector<128xf32> to vector<1x128xf32>
    %mul3A_321 = arith.mulf %select_n3A, %select_n3A : vector<1000x128xf32>
    %reduce_sum3A_322 = arith.constant dense<0.000000e+00> : vector<1000xf32>
    %reduce_sum3A_323 = vector.multi_reduction <add>, %mul3A_321, %reduce_sum3A_322 [1] : vector<1000x128xf32> to vector<1000xf32>
    %broadcast_in_dim3A_324 = vector.shape_cast %reduce_sum3A_323 : vector<1000xf32> to vector<1000x1xf32>
    %mul3A_325 = arith.mulf %broadcast_in_dim3A_320, %broadcast_in_dim3A_320 : vector<1x128xf32>
    %reduce_sum3A_326 = arith.constant dense<0.000000e+00> : vector<1xf32>
    %reduce_sum3A_327 = vector.multi_reduction <add>, %mul3A_325, %reduce_sum3A_326 [1] : vector<1x128xf32> to vector<1xf32>
    %broadcast_in_dim3A_328 = vector.shape_cast %reduce_sum3A_327 : vector<1xf32> to vector<1x1xf32>
    %mul3A_329 = vector.broadcast %broadcast_in_dim3A_320 : vector<1x128xf32> to vector<1000x128xf32>
    %mul3A_330 = arith.mulf %select_n3A, %mul3A_329 : vector<1000x128xf32>
    %reduce_sum3A_331 = arith.constant dense<0.000000e+00> : vector<1000xf32>
    %reduce_sum3A_332 = vector.multi_reduction <add>, %mul3A_330, %reduce_sum3A_331 [1] : vector<1000x128xf32> to vector<1000xf32>
    %broadcast_in_dim3A_333 = vector.shape_cast %reduce_sum3A_332 : vector<1000xf32> to vector<1000x1xf32>
    %mul3A_334 = arith.constant 2.000000e+00 : f32
    %mul3A_335 = vector.broadcast %mul3A_334 : f32 to vector<1000x1xf32>
    %mul3A_336 = arith.mulf %mul3A_335, %broadcast_in_dim3A_333 : vector<1000x1xf32>
    %add3A_337 = arith.constant 1.000000e+00 : f32
    %add3A_338 = vector.broadcast %add3A_337 : f32 to vector<1000x1xf32>
    %add3A_339 = arith.addf %add3A_338, %mul3A_336 : vector<1000x1xf32>
    %add3A_340 = vector.broadcast %broadcast_in_dim3A_328 : vector<1x1xf32> to vector<1000x1xf32>
    %add3A_341 = arith.addf %add3A_339, %add3A_340 : vector<1000x1xf32>
    %mul3A_342 = vector.broadcast %add3A_341 : vector<1000x1xf32> to vector<1000x128xf32>
    %mul3A_343 = arith.mulf %mul3A_342, %select_n3A : vector<1000x128xf32>
    %sub3A_344 = arith.constant 1.000000e+00 : f32
    %sub3A_345 = vector.broadcast %sub3A_344 : f32 to vector<1000x1xf32>
    %sub3A_346 = arith.subf %sub3A_345, %broadcast_in_dim3A_324 : vector<1000x1xf32>
    %mul3A_347 = vector.broadcast %sub3A_346 : vector<1000x1xf32> to vector<1000x128xf32>
    %mul3A_348 = vector.broadcast %broadcast_in_dim3A_320 : vector<1x128xf32> to vector<1000x128xf32>
    %mul3A_349 = arith.mulf %mul3A_347, %mul3A_348 : vector<1000x128xf32>
    %add3A_350 = arith.addf %mul3A_343, %mul3A_349 : vector<1000x128xf32>
    %mul3A_351 = arith.constant 2.000000e+00 : f32
    %mul3A_352 = vector.broadcast %mul3A_351 : f32 to vector<1000x1xf32>
    %mul3A_353 = arith.mulf %mul3A_352, %broadcast_in_dim3A_333 : vector<1000x1xf32>
    %add3A_354 = arith.constant 1.000000e+00 : f32
    %add3A_355 = vector.broadcast %add3A_354 : f32 to vector<1000x1xf32>
    %add3A_356 = arith.addf %add3A_355, %mul3A_353 : vector<1000x1xf32>
    %mul3A_357 = vector.broadcast %broadcast_in_dim3A_328 : vector<1x1xf32> to vector<1000x1xf32>
    %mul3A_358 = arith.mulf %broadcast_in_dim3A_324, %mul3A_357 : vector<1000x1xf32>
    %add3A_359 = arith.addf %add3A_356, %mul3A_358 : vector<1000x1xf32>
    %jit3A_360 = arith.constant 1.000000e-15 : f32
    %max3A_361 = vector.broadcast %jit3A_360 : f32 to vector<1000x1xf32>
    %max3A_362 = arith.maximumf %max3A_361, %add3A_359 : vector<1000x1xf32>
    %div3A_363 = vector.broadcast %max3A_362 : vector<1000x1xf32> to vector<1000x128xf32>
    %div3A_364 = arith.divf %add3A_350, %div3A_363 : vector<1000x128xf32>
    %mul3A_365 = arith.mulf %div3A_364, %div3A_364 : vector<1000x128xf32>
    %reduce_sum3A_366 = arith.constant dense<0.000000e+00> : vector<1000xf32>
    %reduce_sum3A_367 = vector.multi_reduction <add>, %mul3A_365, %reduce_sum3A_366 [1] : vector<1000x128xf32> to vector<1000xf32>
    %broadcast_in_dim3A_368 = vector.shape_cast %reduce_sum3A_367 : vector<1000xf32> to vector<1000x1xf32>
    %sqrt3A_369 = math.sqrt %broadcast_in_dim3A_368 : vector<1000x1xf32>
    %jit3A_370 = arith.constant 1.000000e-15 : f32
    %max3A_371 = vector.broadcast %jit3A_370 : f32 to vector<1000x1xf32>
    %max3A_372 = arith.maximumf %max3A_371, %sqrt3A_369 : vector<1000x1xf32>
    %gt3A_373 = arith.constant 0.999989986 : f32
    %gt3A_374 = vector.broadcast %gt3A_373 : f32 to vector<1000x1xf32>
    %gt3A_375 = arith.cmpf ogt, %max3A_372, %gt3A_374 : vector<1000x1xf32>
    %div3A_376 = vector.broadcast %max3A_372 : vector<1000x1xf32> to vector<1000x128xf32>
    %div3A_377 = arith.divf %div3A_364, %div3A_376 : vector<1000x128xf32>
    %mul3A_378 = arith.constant 0.999989986 : f32
    %mul3A_379 = vector.broadcast %mul3A_378 : f32 to vector<1000x128xf32>
    %mul3A_380 = arith.mulf %div3A_377, %mul3A_379 : vector<1000x128xf32>
    %broadcast_in_dim3A_381 = vector.shape_cast %gt3A_375 : vector<1000x1xi1> to vector<1000x1xi1>
    %broadcast_in_dim3A_382 = vector.broadcast %broadcast_in_dim3A_381 : vector<1000x1xi1> to vector<1000x128xi1>
    %select_n3A_383 = arith.select %broadcast_in_dim3A_382, %mul3A_380, %div3A_364 : vector<1000x128xi1>, vector<1000x128xf32>
    %swap3A_384 = arith.constant 0 : index
    %swap3A_385 = arith.constant 128 : index
    %swap3A_386 = vector.load %arg6[%swap3A_384, %swap3A_385] : memref<1000x512xf32, #tpu.memory_space<vmem>>, vector<1000x128xf32>
    tpu.vector_store %arg6[%swap3A_384, %swap3A_385], %select_n3A_383 {strides = array<i32>} : memref<1000x512xf32, #tpu.memory_space<vmem>>, vector<1000x128xf32>,
    %get3A_387 = arith.constant 1 : index
    %get3A_388 = arith.constant 0 : index
    %get3A_389 = arith.constant 0 : index
    %get3A_390 = vector.load %arg3[%get3A_387, %get3A_388, %get3A_389] : memref<4x128x128xf32, #tpu.memory_space<vmem>>, vector<1x128x128xf32>
    %get3A_391 = vector.shape_cast %get3A_390 : vector<1x128x128xf32> to vector<128x128xf32>
    %dot_general3A_392 = arith.constant dense<0.000000e+00> : vector<1000x128xf32>
    %dot_general3A_393 = tpu.matmul %select_n3A, %get3A_391, %dot_general3A_392 {dimension_numbers = #tpu.dot_dimension_numbers<[1], [1], [0], [0], [0, 0, 1, 0], [], []>, transpose_lhs_hint = false} : vector<1000x128xf32>, vector<128x128xf32>, vector<1000x128xf32> -> vector<1000x128xf32>
    %mul3A_394 = arith.mulf %dot_general3A_393, %dot_general3A_393 : vector<1000x128xf32>
    %reduce_sum3A_395 = arith.constant dense<0.000000e+00> : vector<1000xf32>
    %reduce_sum3A_396 = vector.multi_reduction <add>, %mul3A_394, %reduce_sum3A_395 [1] : vector<1000x128xf32> to vector<1000xf32>
    %broadcast_in_dim3A_397 = vector.shape_cast %reduce_sum3A_396 : vector<1000xf32> to vector<1000x1xf32>
    %sqrt3A_398 = math.sqrt %broadcast_in_dim3A_397 : vector<1000x1xf32>
    %jit3A_399 = arith.constant 1.000000e-15 : f32
    %max3A_400 = vector.broadcast %jit3A_399 : f32 to vector<1000x1xf32>
    %max3A_401 = arith.maximumf %max3A_400, %sqrt3A_398 : vector<1000x1xf32>
    %div3A_402 = arith.divf %max3A_401, %max3A_103 : vector<1000x1xf32>
    %mul3A_403 = arith.mulf %div3A_402, %mul3A_116 : vector<1000x1xf32>
    %tanh3A_404 = math.tanh %mul3A_403 : vector<1000x1xf32>
    %mul3A_405 = vector.broadcast %tanh3A_404 : vector<1000x1xf32> to vector<1000x128xf32>
    %mul3A_406 = arith.mulf %mul3A_405, %dot_general3A_393 : vector<1000x128xf32>
    %div3A_407 = vector.broadcast %max3A_401 : vector<1000x1xf32> to vector<1000x128xf32>
    %div3A_408 = arith.divf %mul3A_406, %div3A_407 : vector<1000x128xf32>
    %mul3A_409 = arith.mulf %div3A_408, %div3A_408 : vector<1000x128xf32>
    %reduce_sum3A_410 = arith.constant dense<0.000000e+00> : vector<1000xf32>
    %reduce_sum3A_411 = vector.multi_reduction <add>, %mul3A_409, %reduce_sum3A_410 [1] : vector<1000x128xf32> to vector<1000xf32>
    %broadcast_in_dim3A_412 = vector.shape_cast %reduce_sum3A_411 : vector<1000xf32> to vector<1000x1xf32>
    %sqrt3A_413 = math.sqrt %broadcast_in_dim3A_412 : vector<1000x1xf32>
    %jit3A_414 = arith.constant 1.000000e-15 : f32
    %max3A_415 = vector.broadcast %jit3A_414 : f32 to vector<1000x1xf32>
    %max3A_416 = arith.maximumf %max3A_415, %sqrt3A_413 : vector<1000x1xf32>
    %gt3A_417 = arith.constant 0.999989986 : f32
    %gt3A_418 = vector.broadcast %gt3A_417 : f32 to vector<1000x1xf32>
    %gt3A_419 = arith.cmpf ogt, %max3A_416, %gt3A_418 : vector<1000x1xf32>
    %div3A_420 = vector.broadcast %max3A_416 : vector<1000x1xf32> to vector<1000x128xf32>
    %div3A_421 = arith.divf %div3A_408, %div3A_420 : vector<1000x128xf32>
    %mul3A_422 = arith.constant 0.999989986 : f32
    %mul3A_423 = vector.broadcast %mul3A_422 : f32 to vector<1000x128xf32>
    %mul3A_424 = arith.mulf %div3A_421, %mul3A_423 : vector<1000x128xf32>
    %broadcast_in_dim3A_425 = vector.shape_cast %gt3A_419 : vector<1000x1xi1> to vector<1000x1xi1>
    %broadcast_in_dim3A_426 = vector.broadcast %broadcast_in_dim3A_425 : vector<1000x1xi1> to vector<1000x128xi1>
    %select_n3A_427 = arith.select %broadcast_in_dim3A_426, %mul3A_424, %div3A_408 : vector<1000x128xi1>, vector<1000x128xf32>
    %slice3A_428 = vector.extract_strided_slice %select_n3A_93 {offsets = [1, 0], sizes = [1, 128], strides = [1, 1]} : vector<4x128xf32> to vector<1x128xf32>
    %squeeze3A_429 = vector.shape_cast %slice3A_428 : vector<1x128xf32> to vector<128xf32>
    %broadcast_in_dim3A_430 = vector.shape_cast %squeeze3A_429 : vector<128xf32> to vector<1x128xf32>
    %mul3A_431 = arith.mulf %select_n3A_427, %select_n3A_427 : vector<1000x128xf32>
    %reduce_sum3A_432 = arith.constant dense<0.000000e+00> : vector<1000xf32>
    %reduce_sum3A_433 = vector.multi_reduction <add>, %mul3A_431, %reduce_sum3A_432 [1] : vector<1000x128xf32> to vector<1000xf32>
    %broadcast_in_dim3A_434 = vector.shape_cast %reduce_sum3A_433 : vector<1000xf32> to vector<1000x1xf32>
    %mul3A_435 = arith.mulf %broadcast_in_dim3A_430, %broadcast_in_dim3A_430 : vector<1x128xf32>
    %reduce_sum3A_436 = arith.constant dense<0.000000e+00> : vector<1xf32>
    %reduce_sum3A_437 = vector.multi_reduction <add>, %mul3A_435, %reduce_sum3A_436 [1] : vector<1x128xf32> to vector<1xf32>
    %broadcast_in_dim3A_438 = vector.shape_cast %reduce_sum3A_437 : vector<1xf32> to vector<1x1xf32>
    %mul3A_439 = vector.broadcast %broadcast_in_dim3A_430 : vector<1x128xf32> to vector<1000x128xf32>
    %mul3A_440 = arith.mulf %select_n3A_427, %mul3A_439 : vector<1000x128xf32>
    %reduce_sum3A_441 = arith.constant dense<0.000000e+00> : vector<1000xf32>
    %reduce_sum3A_442 = vector.multi_reduction <add>, %mul3A_440, %reduce_sum3A_441 [1] : vector<1000x128xf32> to vector<1000xf32>
    %broadcast_in_dim3A_443 = vector.shape_cast %reduce_sum3A_442 : vector<1000xf32> to vector<1000x1xf32>
    %mul3A_444 = arith.constant 2.000000e+00 : f32
    %mul3A_445 = vector.broadcast %mul3A_444 : f32 to vector<1000x1xf32>
    %mul3A_446 = arith.mulf %mul3A_445, %broadcast_in_dim3A_443 : vector<1000x1xf32>
    %add3A_447 = arith.constant 1.000000e+00 : f32
    %add3A_448 = vector.broadcast %add3A_447 : f32 to vector<1000x1xf32>
    %add3A_449 = arith.addf %add3A_448, %mul3A_446 : vector<1000x1xf32>
    %add3A_450 = vector.broadcast %broadcast_in_dim3A_438 : vector<1x1xf32> to vector<1000x1xf32>
    %add3A_451 = arith.addf %add3A_449, %add3A_450 : vector<1000x1xf32>
    %mul3A_452 = vector.broadcast %add3A_451 : vector<1000x1xf32> to vector<1000x128xf32>
    %mul3A_453 = arith.mulf %mul3A_452, %select_n3A_427 : vector<1000x128xf32>
    %sub3A_454 = arith.constant 1.000000e+00 : f32
    %sub3A_455 = vector.broadcast %sub3A_454 : f32 to vector<1000x1xf32>
    %sub3A_456 = arith.subf %sub3A_455, %broadcast_in_dim3A_434 : vector<1000x1xf32>
    %mul3A_457 = vector.broadcast %sub3A_456 : vector<1000x1xf32> to vector<1000x128xf32>
    %mul3A_458 = vector.broadcast %broadcast_in_dim3A_430 : vector<1x128xf32> to vector<1000x128xf32>
    %mul3A_459 = arith.mulf %mul3A_457, %mul3A_458 : vector<1000x128xf32>
    %add3A_460 = arith.addf %mul3A_453, %mul3A_459 : vector<1000x128xf32>
    %mul3A_461 = arith.constant 2.000000e+00 : f32
    %mul3A_462 = vector.broadcast %mul3A_461 : f32 to vector<1000x1xf32>
    %mul3A_463 = arith.mulf %mul3A_462, %broadcast_in_dim3A_443 : vector<1000x1xf32>
    %add3A_464 = arith.constant 1.000000e+00 : f32
    %add3A_465 = vector.broadcast %add3A_464 : f32 to vector<1000x1xf32>
    %add3A_466 = arith.addf %add3A_465, %mul3A_463 : vector<1000x1xf32>
    %mul3A_467 = vector.broadcast %broadcast_in_dim3A_438 : vector<1x1xf32> to vector<1000x1xf32>
    %mul3A_468 = arith.mulf %broadcast_in_dim3A_434, %mul3A_467 : vector<1000x1xf32>
    %add3A_469 = arith.addf %add3A_466, %mul3A_468 : vector<1000x1xf32>
    %jit3A_470 = arith.constant 1.000000e-15 : f32
    %max3A_471 = vector.broadcast %jit3A_470 : f32 to vector<1000x1xf32>
    %max3A_472 = arith.maximumf %max3A_471, %add3A_469 : vector<1000x1xf32>
    %div3A_473 = vector.broadcast %max3A_472 : vector<1000x1xf32> to vector<1000x128xf32>
    %div3A_474 = arith.divf %add3A_460, %div3A_473 : vector<1000x128xf32>
    %mul3A_475 = arith.mulf %div3A_474, %div3A_474 : vector<1000x128xf32>
    %reduce_sum3A_476 = arith.constant dense<0.000000e+00> : vector<1000xf32>
    %reduce_sum3A_477 = vector.multi_reduction <add>, %mul3A_475, %reduce_sum3A_476 [1] : vector<1000x128xf32> to vector<1000xf32>
    %broadcast_in_dim3A_478 = vector.shape_cast %reduce_sum3A_477 : vector<1000xf32> to vector<1000x1xf32>
    %sqrt3A_479 = math.sqrt %broadcast_in_dim3A_478 : vector<1000x1xf32>
    %jit3A_480 = arith.constant 1.000000e-15 : f32
    %max3A_481 = vector.broadcast %jit3A_480 : f32 to vector<1000x1xf32>
    %max3A_482 = arith.maximumf %max3A_481, %sqrt3A_479 : vector<1000x1xf32>
    %gt3A_483 = arith.constant 0.999989986 : f32
    %gt3A_484 = vector.broadcast %gt3A_483 : f32 to vector<1000x1xf32>
    %gt3A_485 = arith.cmpf ogt, %max3A_482, %gt3A_484 : vector<1000x1xf32>
    %div3A_486 = vector.broadcast %max3A_482 : vector<1000x1xf32> to vector<1000x128xf32>
    %div3A_487 = arith.divf %div3A_474, %div3A_486 : vector<1000x128xf32>
    %mul3A_488 = arith.constant 0.999989986 : f32
    %mul3A_489 = vector.broadcast %mul3A_488 : f32 to vector<1000x128xf32>
    %mul3A_490 = arith.mulf %div3A_487, %mul3A_489 : vector<1000x128xf32>
    %broadcast_in_dim3A_491 = vector.shape_cast %gt3A_485 : vector<1000x1xi1> to vector<1000x1xi1>
    %broadcast_in_dim3A_492 = vector.broadcast %broadcast_in_dim3A_491 : vector<1000x1xi1> to vector<1000x128xi1>
    %select_n3A_493 = arith.select %broadcast_in_dim3A_492, %mul3A_490, %div3A_474 : vector<1000x128xi1>, vector<1000x128xf32>
    %mul3A_494 = arith.constant 2.000000e+00 : f32
    %mul3A_495 = vector.broadcast %mul3A_494 : f32 to vector<1000x128xf32>
    %mul3A_496 = arith.mulf %mul3A_495, %select_n3A_493 : vector<1000x128xf32>
    %mul3A_497 = arith.mulf %select_n3A_493, %select_n3A_493 : vector<1000x128xf32>
    %reduce_sum3A_498 = arith.constant dense<0.000000e+00> : vector<1000xf32>
    %reduce_sum3A_499 = vector.multi_reduction <add>, %mul3A_497, %reduce_sum3A_498 [1] : vector<1000x128xf32> to vector<1000xf32>
    %broadcast_in_dim3A_500 = vector.shape_cast %reduce_sum3A_499 : vector<1000xf32> to vector<1000x1xf32>
    %add3A_501 = arith.constant 1.000000e+00 : f32
    %add3A_502 = vector.broadcast %add3A_501 : f32 to vector<1000x1xf32>
    %add3A_503 = arith.addf %add3A_502, %broadcast_in_dim3A_500 : vector<1000x1xf32>
    %div3A_504 = vector.broadcast %add3A_503 : vector<1000x1xf32> to vector<1000x128xf32>
    %div3A_505 = arith.divf %mul3A_496, %div3A_504 : vector<1000x128xf32>
    %mul3A_506 = arith.mulf %div3A_505, %div3A_505 : vector<1000x128xf32>
    %reduce_sum3A_507 = arith.constant dense<0.000000e+00> : vector<1000xf32>
    %reduce_sum3A_508 = vector.multi_reduction <add>, %mul3A_506, %reduce_sum3A_507 [1] : vector<1000x128xf32> to vector<1000xf32>
    %broadcast_in_dim3A_509 = vector.shape_cast %reduce_sum3A_508 : vector<1000xf32> to vector<1000x1xf32>
    %sub3A_510 = arith.constant 1.000000e+00 : f32
    %sub3A_511 = vector.broadcast %sub3A_510 : f32 to vector<1000x1xf32>
    %sub3A_512 = arith.subf %sub3A_511, %broadcast_in_dim3A_509 : vector<1000x1xf32>
    %jit3A_513 = arith.constant 1.000000e-15 : f32
    %max3A_514 = vector.broadcast %jit3A_513 : f32 to vector<1000x1xf32>
    %max3A_515 = arith.maximumf %max3A_514, %sub3A_512 : vector<1000x1xf32>
    %sqrt3A_516 = math.sqrt %max3A_515 : vector<1000x1xf32>
    %div3A_517 = arith.constant 1.000000e+00 : f32
    %div3A_518 = vector.broadcast %div3A_517 : f32 to vector<1000x1xf32>
    %div3A_519 = arith.divf %div3A_518, %sqrt3A_516 : vector<1000x1xf32>
    %mul3A_520 = vector.broadcast %div3A_519 : vector<1000x1xf32> to vector<1000x128xf32>
    %mul3A_521 = arith.mulf %mul3A_520, %div3A_505 : vector<1000x128xf32>
    %slice3A_522 = vector.extract_strided_slice %select_n3A_58 {offsets = [2, 0], sizes = [1, 128], strides = [1, 1]} : vector<4x128xf32> to vector<1x128xf32>
    %squeeze3A_523 = vector.shape_cast %slice3A_522 : vector<1x128xf32> to vector<128xf32>
    %broadcast_in_dim3A_524 = vector.shape_cast %squeeze3A_523 : vector<128xf32> to vector<1x128xf32>
    %mul3A_525 = arith.mulf %select_n3A, %select_n3A : vector<1000x128xf32>
    %reduce_sum3A_526 = arith.constant dense<0.000000e+00> : vector<1000xf32>
    %reduce_sum3A_527 = vector.multi_reduction <add>, %mul3A_525, %reduce_sum3A_526 [1] : vector<1000x128xf32> to vector<1000xf32>
    %broadcast_in_dim3A_528 = vector.shape_cast %reduce_sum3A_527 : vector<1000xf32> to vector<1000x1xf32>
    %mul3A_529 = arith.mulf %broadcast_in_dim3A_524, %broadcast_in_dim3A_524 : vector<1x128xf32>
    %reduce_sum3A_530 = arith.constant dense<0.000000e+00> : vector<1xf32>
    %reduce_sum3A_531 = vector.multi_reduction <add>, %mul3A_529, %reduce_sum3A_530 [1] : vector<1x128xf32> to vector<1xf32>
    %broadcast_in_dim3A_532 = vector.shape_cast %reduce_sum3A_531 : vector<1xf32> to vector<1x1xf32>
    %mul3A_533 = vector.broadcast %broadcast_in_dim3A_524 : vector<1x128xf32> to vector<1000x128xf32>
    %mul3A_534 = arith.mulf %select_n3A, %mul3A_533 : vector<1000x128xf32>
    %reduce_sum3A_535 = arith.constant dense<0.000000e+00> : vector<1000xf32>
    %reduce_sum3A_536 = vector.multi_reduction <add>, %mul3A_534, %reduce_sum3A_535 [1] : vector<1000x128xf32> to vector<1000xf32>
    %broadcast_in_dim3A_537 = vector.shape_cast %reduce_sum3A_536 : vector<1000xf32> to vector<1000x1xf32>
    %mul3A_538 = arith.constant 2.000000e+00 : f32
    %mul3A_539 = vector.broadcast %mul3A_538 : f32 to vector<1000x1xf32>
    %mul3A_540 = arith.mulf %mul3A_539, %broadcast_in_dim3A_537 : vector<1000x1xf32>
    %add3A_541 = arith.constant 1.000000e+00 : f32
    %add3A_542 = vector.broadcast %add3A_541 : f32 to vector<1000x1xf32>
    %add3A_543 = arith.addf %add3A_542, %mul3A_540 : vector<1000x1xf32>
    %add3A_544 = vector.broadcast %broadcast_in_dim3A_532 : vector<1x1xf32> to vector<1000x1xf32>
    %add3A_545 = arith.addf %add3A_543, %add3A_544 : vector<1000x1xf32>
    %mul3A_546 = vector.broadcast %add3A_545 : vector<1000x1xf32> to vector<1000x128xf32>
    %mul3A_547 = arith.mulf %mul3A_546, %select_n3A : vector<1000x128xf32>
    %sub3A_548 = arith.constant 1.000000e+00 : f32
    %sub3A_549 = vector.broadcast %sub3A_548 : f32 to vector<1000x1xf32>
    %sub3A_550 = arith.subf %sub3A_549, %broadcast_in_dim3A_528 : vector<1000x1xf32>
    %mul3A_551 = vector.broadcast %sub3A_550 : vector<1000x1xf32> to vector<1000x128xf32>
    %mul3A_552 = vector.broadcast %broadcast_in_dim3A_524 : vector<1x128xf32> to vector<1000x128xf32>
    %mul3A_553 = arith.mulf %mul3A_551, %mul3A_552 : vector<1000x128xf32>
    %add3A_554 = arith.addf %mul3A_547, %mul3A_553 : vector<1000x128xf32>
    %mul3A_555 = arith.constant 2.000000e+00 : f32
    %mul3A_556 = vector.broadcast %mul3A_555 : f32 to vector<1000x1xf32>
    %mul3A_557 = arith.mulf %mul3A_556, %broadcast_in_dim3A_537 : vector<1000x1xf32>
    %add3A_558 = arith.constant 1.000000e+00 : f32
    %add3A_559 = vector.broadcast %add3A_558 : f32 to vector<1000x1xf32>
    %add3A_560 = arith.addf %add3A_559, %mul3A_557 : vector<1000x1xf32>
    %mul3A_561 = vector.broadcast %broadcast_in_dim3A_532 : vector<1x1xf32> to vector<1000x1xf32>
    %mul3A_562 = arith.mulf %broadcast_in_dim3A_528, %mul3A_561 : vector<1000x1xf32>
    %add3A_563 = arith.addf %add3A_560, %mul3A_562 : vector<1000x1xf32>
    %jit3A_564 = arith.constant 1.000000e-15 : f32
    %max3A_565 = vector.broadcast %jit3A_564 : f32 to vector<1000x1xf32>
    %max3A_566 = arith.maximumf %max3A_565, %add3A_563 : vector<1000x1xf32>
    %div3A_567 = vector.broadcast %max3A_566 : vector<1000x1xf32> to vector<1000x128xf32>
    %div3A_568 = arith.divf %add3A_554, %div3A_567 : vector<1000x128xf32>
    %mul3A_569 = arith.mulf %div3A_568, %div3A_568 : vector<1000x128xf32>
    %reduce_sum3A_570 = arith.constant dense<0.000000e+00> : vector<1000xf32>
    %reduce_sum3A_571 = vector.multi_reduction <add>, %mul3A_569, %reduce_sum3A_570 [1] : vector<1000x128xf32> to vector<1000xf32>
    %broadcast_in_dim3A_572 = vector.shape_cast %reduce_sum3A_571 : vector<1000xf32> to vector<1000x1xf32>
    %sqrt3A_573 = math.sqrt %broadcast_in_dim3A_572 : vector<1000x1xf32>
    %jit3A_574 = arith.constant 1.000000e-15 : f32
    %max3A_575 = vector.broadcast %jit3A_574 : f32 to vector<1000x1xf32>
    %max3A_576 = arith.maximumf %max3A_575, %sqrt3A_573 : vector<1000x1xf32>
    %gt3A_577 = arith.constant 0.999989986 : f32
    %gt3A_578 = vector.broadcast %gt3A_577 : f32 to vector<1000x1xf32>
    %gt3A_579 = arith.cmpf ogt, %max3A_576, %gt3A_578 : vector<1000x1xf32>
    %div3A_580 = vector.broadcast %max3A_576 : vector<1000x1xf32> to vector<1000x128xf32>
    %div3A_581 = arith.divf %div3A_568, %div3A_580 : vector<1000x128xf32>
    %mul3A_582 = arith.constant 0.999989986 : f32
    %mul3A_583 = vector.broadcast %mul3A_582 : f32 to vector<1000x128xf32>
    %mul3A_584 = arith.mulf %div3A_581, %mul3A_583 : vector<1000x128xf32>
    %broadcast_in_dim3A_585 = vector.shape_cast %gt3A_579 : vector<1000x1xi1> to vector<1000x1xi1>
    %broadcast_in_dim3A_586 = vector.broadcast %broadcast_in_dim3A_585 : vector<1000x1xi1> to vector<1000x128xi1>
    %select_n3A_587 = arith.select %broadcast_in_dim3A_586, %mul3A_584, %div3A_568 : vector<1000x128xi1>, vector<1000x128xf32>
    %swap3A_588 = arith.constant 0 : index
    %swap3A_589 = arith.constant 256 : index
    %swap3A_590 = vector.load %arg6[%swap3A_588, %swap3A_589] : memref<1000x512xf32, #tpu.memory_space<vmem>>, vector<1000x128xf32>
    tpu.vector_store %arg6[%swap3A_588, %swap3A_589], %select_n3A_587 {strides = array<i32>} : memref<1000x512xf32, #tpu.memory_space<vmem>>, vector<1000x128xf32>,
    %get3A_591 = arith.constant 2 : index
    %get3A_592 = arith.constant 0 : index
    %get3A_593 = arith.constant 0 : index
    %get3A_594 = vector.load %arg3[%get3A_591, %get3A_592, %get3A_593] : memref<4x128x128xf32, #tpu.memory_space<vmem>>, vector<1x128x128xf32>
    %get3A_595 = vector.shape_cast %get3A_594 : vector<1x128x128xf32> to vector<128x128xf32>
    %dot_general3A_596 = arith.constant dense<0.000000e+00> : vector<1000x128xf32>
    %dot_general3A_597 = tpu.matmul %select_n3A, %get3A_595, %dot_general3A_596 {dimension_numbers = #tpu.dot_dimension_numbers<[1], [1], [0], [0], [0, 0, 1, 0], [], []>, transpose_lhs_hint = false} : vector<1000x128xf32>, vector<128x128xf32>, vector<1000x128xf32> -> vector<1000x128xf32>
    %mul3A_598 = arith.mulf %dot_general3A_597, %dot_general3A_597 : vector<1000x128xf32>
    %reduce_sum3A_599 = arith.constant dense<0.000000e+00> : vector<1000xf32>
    %reduce_sum3A_600 = vector.multi_reduction <add>, %mul3A_598, %reduce_sum3A_599 [1] : vector<1000x128xf32> to vector<1000xf32>
    %broadcast_in_dim3A_601 = vector.shape_cast %reduce_sum3A_600 : vector<1000xf32> to vector<1000x1xf32>
    %sqrt3A_602 = math.sqrt %broadcast_in_dim3A_601 : vector<1000x1xf32>
    %jit3A_603 = arith.constant 1.000000e-15 : f32
    %max3A_604 = vector.broadcast %jit3A_603 : f32 to vector<1000x1xf32>
    %max3A_605 = arith.maximumf %max3A_604, %sqrt3A_602 : vector<1000x1xf32>
    %div3A_606 = arith.divf %max3A_605, %max3A_103 : vector<1000x1xf32>
    %mul3A_607 = arith.mulf %div3A_606, %mul3A_116 : vector<1000x1xf32>
    %tanh3A_608 = math.tanh %mul3A_607 : vector<1000x1xf32>
    %mul3A_609 = vector.broadcast %tanh3A_608 : vector<1000x1xf32> to vector<1000x128xf32>
    %mul3A_610 = arith.mulf %mul3A_609, %dot_general3A_597 : vector<1000x128xf32>
    %div3A_611 = vector.broadcast %max3A_605 : vector<1000x1xf32> to vector<1000x128xf32>
    %div3A_612 = arith.divf %mul3A_610, %div3A_611 : vector<1000x128xf32>
    %mul3A_613 = arith.mulf %div3A_612, %div3A_612 : vector<1000x128xf32>
    %reduce_sum3A_614 = arith.constant dense<0.000000e+00> : vector<1000xf32>
    %reduce_sum3A_615 = vector.multi_reduction <add>, %mul3A_613, %reduce_sum3A_614 [1] : vector<1000x128xf32> to vector<1000xf32>
    %broadcast_in_dim3A_616 = vector.shape_cast %reduce_sum3A_615 : vector<1000xf32> to vector<1000x1xf32>
    %sqrt3A_617 = math.sqrt %broadcast_in_dim3A_616 : vector<1000x1xf32>
    %jit3A_618 = arith.constant 1.000000e-15 : f32
    %max3A_619 = vector.broadcast %jit3A_618 : f32 to vector<1000x1xf32>
    %max3A_620 = arith.maximumf %max3A_619, %sqrt3A_617 : vector<1000x1xf32>
    %gt3A_621 = arith.constant 0.999989986 : f32
    %gt3A_622 = vector.broadcast %gt3A_621 : f32 to vector<1000x1xf32>
    %gt3A_623 = arith.cmpf ogt, %max3A_620, %gt3A_622 : vector<1000x1xf32>
    %div3A_624 = vector.broadcast %max3A_620 : vector<1000x1xf32> to vector<1000x128xf32>
    %div3A_625 = arith.divf %div3A_612, %div3A_624 : vector<1000x128xf32>
    %mul3A_626 = arith.constant 0.999989986 : f32
    %mul3A_627 = vector.broadcast %mul3A_626 : f32 to vector<1000x128xf32>
    %mul3A_628 = arith.mulf %div3A_625, %mul3A_627 : vector<1000x128xf32>
    %broadcast_in_dim3A_629 = vector.shape_cast %gt3A_623 : vector<1000x1xi1> to vector<1000x1xi1>
    %broadcast_in_dim3A_630 = vector.broadcast %broadcast_in_dim3A_629 : vector<1000x1xi1> to vector<1000x128xi1>
    %select_n3A_631 = arith.select %broadcast_in_dim3A_630, %mul3A_628, %div3A_612 : vector<1000x128xi1>, vector<1000x128xf32>
    %slice3A_632 = vector.extract_strided_slice %select_n3A_93 {offsets = [2, 0], sizes = [1, 128], strides = [1, 1]} : vector<4x128xf32> to vector<1x128xf32>
    %squeeze3A_633 = vector.shape_cast %slice3A_632 : vector<1x128xf32> to vector<128xf32>
    %broadcast_in_dim3A_634 = vector.shape_cast %squeeze3A_633 : vector<128xf32> to vector<1x128xf32>
    %mul3A_635 = arith.mulf %select_n3A_631, %select_n3A_631 : vector<1000x128xf32>
    %reduce_sum3A_636 = arith.constant dense<0.000000e+00> : vector<1000xf32>
    %reduce_sum3A_637 = vector.multi_reduction <add>, %mul3A_635, %reduce_sum3A_636 [1] : vector<1000x128xf32> to vector<1000xf32>
    %broadcast_in_dim3A_638 = vector.shape_cast %reduce_sum3A_637 : vector<1000xf32> to vector<1000x1xf32>
    %mul3A_639 = arith.mulf %broadcast_in_dim3A_634, %broadcast_in_dim3A_634 : vector<1x128xf32>
    %reduce_sum3A_640 = arith.constant dense<0.000000e+00> : vector<1xf32>
    %reduce_sum3A_641 = vector.multi_reduction <add>, %mul3A_639, %reduce_sum3A_640 [1] : vector<1x128xf32> to vector<1xf32>
    %broadcast_in_dim3A_642 = vector.shape_cast %reduce_sum3A_641 : vector<1xf32> to vector<1x1xf32>
    %mul3A_643 = vector.broadcast %broadcast_in_dim3A_634 : vector<1x128xf32> to vector<1000x128xf32>
    %mul3A_644 = arith.mulf %select_n3A_631, %mul3A_643 : vector<1000x128xf32>
    %reduce_sum3A_645 = arith.constant dense<0.000000e+00> : vector<1000xf32>
    %reduce_sum3A_646 = vector.multi_reduction <add>, %mul3A_644, %reduce_sum3A_645 [1] : vector<1000x128xf32> to vector<1000xf32>
    %broadcast_in_dim3A_647 = vector.shape_cast %reduce_sum3A_646 : vector<1000xf32> to vector<1000x1xf32>
    %mul3A_648 = arith.constant 2.000000e+00 : f32
    %mul3A_649 = vector.broadcast %mul3A_648 : f32 to vector<1000x1xf32>
    %mul3A_650 = arith.mulf %mul3A_649, %broadcast_in_dim3A_647 : vector<1000x1xf32>
    %add3A_651 = arith.constant 1.000000e+00 : f32
    %add3A_652 = vector.broadcast %add3A_651 : f32 to vector<1000x1xf32>
    %add3A_653 = arith.addf %add3A_652, %mul3A_650 : vector<1000x1xf32>
    %add3A_654 = vector.broadcast %broadcast_in_dim3A_642 : vector<1x1xf32> to vector<1000x1xf32>
    %add3A_655 = arith.addf %add3A_653, %add3A_654 : vector<1000x1xf32>
    %mul3A_656 = vector.broadcast %add3A_655 : vector<1000x1xf32> to vector<1000x128xf32>
    %mul3A_657 = arith.mulf %mul3A_656, %select_n3A_631 : vector<1000x128xf32>
    %sub3A_658 = arith.constant 1.000000e+00 : f32
    %sub3A_659 = vector.broadcast %sub3A_658 : f32 to vector<1000x1xf32>
    %sub3A_660 = arith.subf %sub3A_659, %broadcast_in_dim3A_638 : vector<1000x1xf32>
    %mul3A_661 = vector.broadcast %sub3A_660 : vector<1000x1xf32> to vector<1000x128xf32>
    %mul3A_662 = vector.broadcast %broadcast_in_dim3A_634 : vector<1x128xf32> to vector<1000x128xf32>
    %mul3A_663 = arith.mulf %mul3A_661, %mul3A_662 : vector<1000x128xf32>
    %add3A_664 = arith.addf %mul3A_657, %mul3A_663 : vector<1000x128xf32>
    %mul3A_665 = arith.constant 2.000000e+00 : f32
    %mul3A_666 = vector.broadcast %mul3A_665 : f32 to vector<1000x1xf32>
    %mul3A_667 = arith.mulf %mul3A_666, %broadcast_in_dim3A_647 : vector<1000x1xf32>
    %add3A_668 = arith.constant 1.000000e+00 : f32
    %add3A_669 = vector.broadcast %add3A_668 : f32 to vector<1000x1xf32>
    %add3A_670 = arith.addf %add3A_669, %mul3A_667 : vector<1000x1xf32>
    %mul3A_671 = vector.broadcast %broadcast_in_dim3A_642 : vector<1x1xf32> to vector<1000x1xf32>
    %mul3A_672 = arith.mulf %broadcast_in_dim3A_638, %mul3A_671 : vector<1000x1xf32>
    %add3A_673 = arith.addf %add3A_670, %mul3A_672 : vector<1000x1xf32>
    %jit3A_674 = arith.constant 1.000000e-15 : f32
    %max3A_675 = vector.broadcast %jit3A_674 : f32 to vector<1000x1xf32>
    %max3A_676 = arith.maximumf %max3A_675, %add3A_673 : vector<1000x1xf32>
    %div3A_677 = vector.broadcast %max3A_676 : vector<1000x1xf32> to vector<1000x128xf32>
    %div3A_678 = arith.divf %add3A_664, %div3A_677 : vector<1000x128xf32>
    %mul3A_679 = arith.mulf %div3A_678, %div3A_678 : vector<1000x128xf32>
    %reduce_sum3A_680 = arith.constant dense<0.000000e+00> : vector<1000xf32>
    %reduce_sum3A_681 = vector.multi_reduction <add>, %mul3A_679, %reduce_sum3A_680 [1] : vector<1000x128xf32> to vector<1000xf32>
    %broadcast_in_dim3A_682 = vector.shape_cast %reduce_sum3A_681 : vector<1000xf32> to vector<1000x1xf32>
    %sqrt3A_683 = math.sqrt %broadcast_in_dim3A_682 : vector<1000x1xf32>
    %jit3A_684 = arith.constant 1.000000e-15 : f32
    %max3A_685 = vector.broadcast %jit3A_684 : f32 to vector<1000x1xf32>
    %max3A_686 = arith.maximumf %max3A_685, %sqrt3A_683 : vector<1000x1xf32>
    %gt3A_687 = arith.constant 0.999989986 : f32
    %gt3A_688 = vector.broadcast %gt3A_687 : f32 to vector<1000x1xf32>
    %gt3A_689 = arith.cmpf ogt, %max3A_686, %gt3A_688 : vector<1000x1xf32>
    %div3A_690 = vector.broadcast %max3A_686 : vector<1000x1xf32> to vector<1000x128xf32>
    %div3A_691 = arith.divf %div3A_678, %div3A_690 : vector<1000x128xf32>
    %mul3A_692 = arith.constant 0.999989986 : f32
    %mul3A_693 = vector.broadcast %mul3A_692 : f32 to vector<1000x128xf32>
    %mul3A_694 = arith.mulf %div3A_691, %mul3A_693 : vector<1000x128xf32>
    %broadcast_in_dim3A_695 = vector.shape_cast %gt3A_689 : vector<1000x1xi1> to vector<1000x1xi1>
    %broadcast_in_dim3A_696 = vector.broadcast %broadcast_in_dim3A_695 : vector<1000x1xi1> to vector<1000x128xi1>
    %select_n3A_697 = arith.select %broadcast_in_dim3A_696, %mul3A_694, %div3A_678 : vector<1000x128xi1>, vector<1000x128xf32>
    %mul3A_698 = arith.constant 2.000000e+00 : f32
    %mul3A_699 = vector.broadcast %mul3A_698 : f32 to vector<1000x128xf32>
    %mul3A_700 = arith.mulf %mul3A_699, %select_n3A_697 : vector<1000x128xf32>
    %mul3A_701 = arith.mulf %select_n3A_697, %select_n3A_697 : vector<1000x128xf32>
    %reduce_sum3A_702 = arith.constant dense<0.000000e+00> : vector<1000xf32>
    %reduce_sum3A_703 = vector.multi_reduction <add>, %mul3A_701, %reduce_sum3A_702 [1] : vector<1000x128xf32> to vector<1000xf32>
    %broadcast_in_dim3A_704 = vector.shape_cast %reduce_sum3A_703 : vector<1000xf32> to vector<1000x1xf32>
    %add3A_705 = arith.constant 1.000000e+00 : f32
    %add3A_706 = vector.broadcast %add3A_705 : f32 to vector<1000x1xf32>
    %add3A_707 = arith.addf %add3A_706, %broadcast_in_dim3A_704 : vector<1000x1xf32>
    %div3A_708 = vector.broadcast %add3A_707 : vector<1000x1xf32> to vector<1000x128xf32>
    %div3A_709 = arith.divf %mul3A_700, %div3A_708 : vector<1000x128xf32>
    %mul3A_710 = arith.mulf %div3A_709, %div3A_709 : vector<1000x128xf32>
    %reduce_sum3A_711 = arith.constant dense<0.000000e+00> : vector<1000xf32>
    %reduce_sum3A_712 = vector.multi_reduction <add>, %mul3A_710, %reduce_sum3A_711 [1] : vector<1000x128xf32> to vector<1000xf32>
    %broadcast_in_dim3A_713 = vector.shape_cast %reduce_sum3A_712 : vector<1000xf32> to vector<1000x1xf32>
    %sub3A_714 = arith.constant 1.000000e+00 : f32
    %sub3A_715 = vector.broadcast %sub3A_714 : f32 to vector<1000x1xf32>
    %sub3A_716 = arith.subf %sub3A_715, %broadcast_in_dim3A_713 : vector<1000x1xf32>
    %jit3A_717 = arith.constant 1.000000e-15 : f32
    %max3A_718 = vector.broadcast %jit3A_717 : f32 to vector<1000x1xf32>
    %max3A_719 = arith.maximumf %max3A_718, %sub3A_716 : vector<1000x1xf32>
    %sqrt3A_720 = math.sqrt %max3A_719 : vector<1000x1xf32>
    %div3A_721 = arith.constant 1.000000e+00 : f32
    %div3A_722 = vector.broadcast %div3A_721 : f32 to vector<1000x1xf32>
    %div3A_723 = arith.divf %div3A_722, %sqrt3A_720 : vector<1000x1xf32>
    %mul3A_724 = vector.broadcast %div3A_723 : vector<1000x1xf32> to vector<1000x128xf32>
    %mul3A_725 = arith.mulf %mul3A_724, %div3A_709 : vector<1000x128xf32>
    %slice3A_726 = vector.extract_strided_slice %select_n3A_58 {offsets = [3, 0], sizes = [1, 128], strides = [1, 1]} : vector<4x128xf32> to vector<1x128xf32>
    %squeeze3A_727 = vector.shape_cast %slice3A_726 : vector<1x128xf32> to vector<128xf32>
    %broadcast_in_dim3A_728 = vector.shape_cast %squeeze3A_727 : vector<128xf32> to vector<1x128xf32>
    %mul3A_729 = arith.mulf %select_n3A, %select_n3A : vector<1000x128xf32>
    %reduce_sum3A_730 = arith.constant dense<0.000000e+00> : vector<1000xf32>
    %reduce_sum3A_731 = vector.multi_reduction <add>, %mul3A_729, %reduce_sum3A_730 [1] : vector<1000x128xf32> to vector<1000xf32>
    %broadcast_in_dim3A_732 = vector.shape_cast %reduce_sum3A_731 : vector<1000xf32> to vector<1000x1xf32>
    %mul3A_733 = arith.mulf %broadcast_in_dim3A_728, %broadcast_in_dim3A_728 : vector<1x128xf32>
    %reduce_sum3A_734 = arith.constant dense<0.000000e+00> : vector<1xf32>
    %reduce_sum3A_735 = vector.multi_reduction <add>, %mul3A_733, %reduce_sum3A_734 [1] : vector<1x128xf32> to vector<1xf32>
    %broadcast_in_dim3A_736 = vector.shape_cast %reduce_sum3A_735 : vector<1xf32> to vector<1x1xf32>
    %mul3A_737 = vector.broadcast %broadcast_in_dim3A_728 : vector<1x128xf32> to vector<1000x128xf32>
    %mul3A_738 = arith.mulf %select_n3A, %mul3A_737 : vector<1000x128xf32>
    %reduce_sum3A_739 = arith.constant dense<0.000000e+00> : vector<1000xf32>
    %reduce_sum3A_740 = vector.multi_reduction <add>, %mul3A_738, %reduce_sum3A_739 [1] : vector<1000x128xf32> to vector<1000xf32>
    %broadcast_in_dim3A_741 = vector.shape_cast %reduce_sum3A_740 : vector<1000xf32> to vector<1000x1xf32>
    %mul3A_742 = arith.constant 2.000000e+00 : f32
    %mul3A_743 = vector.broadcast %mul3A_742 : f32 to vector<1000x1xf32>
    %mul3A_744 = arith.mulf %mul3A_743, %broadcast_in_dim3A_741 : vector<1000x1xf32>
    %add3A_745 = arith.constant 1.000000e+00 : f32
    %add3A_746 = vector.broadcast %add3A_745 : f32 to vector<1000x1xf32>
    %add3A_747 = arith.addf %add3A_746, %mul3A_744 : vector<1000x1xf32>
    %add3A_748 = vector.broadcast %broadcast_in_dim3A_736 : vector<1x1xf32> to vector<1000x1xf32>
    %add3A_749 = arith.addf %add3A_747, %add3A_748 : vector<1000x1xf32>
    %mul3A_750 = vector.broadcast %add3A_749 : vector<1000x1xf32> to vector<1000x128xf32>
    %mul3A_751 = arith.mulf %mul3A_750, %select_n3A : vector<1000x128xf32>
    %sub3A_752 = arith.constant 1.000000e+00 : f32
    %sub3A_753 = vector.broadcast %sub3A_752 : f32 to vector<1000x1xf32>
    %sub3A_754 = arith.subf %sub3A_753, %broadcast_in_dim3A_732 : vector<1000x1xf32>
    %mul3A_755 = vector.broadcast %sub3A_754 : vector<1000x1xf32> to vector<1000x128xf32>
    %mul3A_756 = vector.broadcast %broadcast_in_dim3A_728 : vector<1x128xf32> to vector<1000x128xf32>
    %mul3A_757 = arith.mulf %mul3A_755, %mul3A_756 : vector<1000x128xf32>
    %add3A_758 = arith.addf %mul3A_751, %mul3A_757 : vector<1000x128xf32>
    %mul3A_759 = arith.constant 2.000000e+00 : f32
    %mul3A_760 = vector.broadcast %mul3A_759 : f32 to vector<1000x1xf32>
    %mul3A_761 = arith.mulf %mul3A_760, %broadcast_in_dim3A_741 : vector<1000x1xf32>
    %add3A_762 = arith.constant 1.000000e+00 : f32
    %add3A_763 = vector.broadcast %add3A_762 : f32 to vector<1000x1xf32>
    %add3A_764 = arith.addf %add3A_763, %mul3A_761 : vector<1000x1xf32>
    %mul3A_765 = vector.broadcast %broadcast_in_dim3A_736 : vector<1x1xf32> to vector<1000x1xf32>
    %mul3A_766 = arith.mulf %broadcast_in_dim3A_732, %mul3A_765 : vector<1000x1xf32>
    %add3A_767 = arith.addf %add3A_764, %mul3A_766 : vector<1000x1xf32>
    %jit3A_768 = arith.constant 1.000000e-15 : f32
    %max3A_769 = vector.broadcast %jit3A_768 : f32 to vector<1000x1xf32>
    %max3A_770 = arith.maximumf %max3A_769, %add3A_767 : vector<1000x1xf32>
    %div3A_771 = vector.broadcast %max3A_770 : vector<1000x1xf32> to vector<1000x128xf32>
    %div3A_772 = arith.divf %add3A_758, %div3A_771 : vector<1000x128xf32>
    %mul3A_773 = arith.mulf %div3A_772, %div3A_772 : vector<1000x128xf32>
    %reduce_sum3A_774 = arith.constant dense<0.000000e+00> : vector<1000xf32>
    %reduce_sum3A_775 = vector.multi_reduction <add>, %mul3A_773, %reduce_sum3A_774 [1] : vector<1000x128xf32> to vector<1000xf32>
    %broadcast_in_dim3A_776 = vector.shape_cast %reduce_sum3A_775 : vector<1000xf32> to vector<1000x1xf32>
    %sqrt3A_777 = math.sqrt %broadcast_in_dim3A_776 : vector<1000x1xf32>
    %jit3A_778 = arith.constant 1.000000e-15 : f32
    %max3A_779 = vector.broadcast %jit3A_778 : f32 to vector<1000x1xf32>
    %max3A_780 = arith.maximumf %max3A_779, %sqrt3A_777 : vector<1000x1xf32>
    %gt3A_781 = arith.constant 0.999989986 : f32
    %gt3A_782 = vector.broadcast %gt3A_781 : f32 to vector<1000x1xf32>
    %gt3A_783 = arith.cmpf ogt, %max3A_780, %gt3A_782 : vector<1000x1xf32>
    %div3A_784 = vector.broadcast %max3A_780 : vector<1000x1xf32> to vector<1000x128xf32>
    %div3A_785 = arith.divf %div3A_772, %div3A_784 : vector<1000x128xf32>
    %mul3A_786 = arith.constant 0.999989986 : f32
    %mul3A_787 = vector.broadcast %mul3A_786 : f32 to vector<1000x128xf32>
    %mul3A_788 = arith.mulf %div3A_785, %mul3A_787 : vector<1000x128xf32>
    %broadcast_in_dim3A_789 = vector.shape_cast %gt3A_783 : vector<1000x1xi1> to vector<1000x1xi1>
    %broadcast_in_dim3A_790 = vector.broadcast %broadcast_in_dim3A_789 : vector<1000x1xi1> to vector<1000x128xi1>
    %select_n3A_791 = arith.select %broadcast_in_dim3A_790, %mul3A_788, %div3A_772 : vector<1000x128xi1>, vector<1000x128xf32>
    %swap3A_792 = arith.constant 0 : index
    %swap3A_793 = arith.constant 384 : index
    %swap3A_794 = vector.load %arg6[%swap3A_792, %swap3A_793] : memref<1000x512xf32, #tpu.memory_space<vmem>>, vector<1000x128xf32>
    tpu.vector_store %arg6[%swap3A_792, %swap3A_793], %select_n3A_791 {strides = array<i32>} : memref<1000x512xf32, #tpu.memory_space<vmem>>, vector<1000x128xf32>,
    %get3A_795 = arith.constant 3 : index
    %get3A_796 = arith.constant 0 : index
    %get3A_797 = arith.constant 0 : index
    %get3A_798 = vector.load %arg3[%get3A_795, %get3A_796, %get3A_797] : memref<4x128x128xf32, #tpu.memory_space<vmem>>, vector<1x128x128xf32>
    %get3A_799 = vector.shape_cast %get3A_798 : vector<1x128x128xf32> to vector<128x128xf32>
    %dot_general3A_800 = arith.constant dense<0.000000e+00> : vector<1000x128xf32>
    %dot_general3A_801 = tpu.matmul %select_n3A, %get3A_799, %dot_general3A_800 {dimension_numbers = #tpu.dot_dimension_numbers<[1], [1], [0], [0], [0, 0, 1, 0], [], []>, transpose_lhs_hint = false} : vector<1000x128xf32>, vector<128x128xf32>, vector<1000x128xf32> -> vector<1000x128xf32>
    %mul3A_802 = arith.mulf %dot_general3A_801, %dot_general3A_801 : vector<1000x128xf32>
    %reduce_sum3A_803 = arith.constant dense<0.000000e+00> : vector<1000xf32>
    %reduce_sum3A_804 = vector.multi_reduction <add>, %mul3A_802, %reduce_sum3A_803 [1] : vector<1000x128xf32> to vector<1000xf32>
    %broadcast_in_dim3A_805 = vector.shape_cast %reduce_sum3A_804 : vector<1000xf32> to vector<1000x1xf32>
    %sqrt3A_806 = math.sqrt %broadcast_in_dim3A_805 : vector<1000x1xf32>
    %jit3A_807 = arith.constant 1.000000e-15 : f32
    %max3A_808 = vector.broadcast %jit3A_807 : f32 to vector<1000x1xf32>
    %max3A_809 = arith.maximumf %max3A_808, %sqrt3A_806 : vector<1000x1xf32>
    %div3A_810 = arith.divf %max3A_809, %max3A_103 : vector<1000x1xf32>
    %mul3A_811 = arith.mulf %div3A_810, %mul3A_116 : vector<1000x1xf32>
    %tanh3A_812 = math.tanh %mul3A_811 : vector<1000x1xf32>
    %mul3A_813 = vector.broadcast %tanh3A_812 : vector<1000x1xf32> to vector<1000x128xf32>
    %mul3A_814 = arith.mulf %mul3A_813, %dot_general3A_801 : vector<1000x128xf32>
    %div3A_815 = vector.broadcast %max3A_809 : vector<1000x1xf32> to vector<1000x128xf32>
    %div3A_816 = arith.divf %mul3A_814, %div3A_815 : vector<1000x128xf32>
    %mul3A_817 = arith.mulf %div3A_816, %div3A_816 : vector<1000x128xf32>
    %reduce_sum3A_818 = arith.constant dense<0.000000e+00> : vector<1000xf32>
    %reduce_sum3A_819 = vector.multi_reduction <add>, %mul3A_817, %reduce_sum3A_818 [1] : vector<1000x128xf32> to vector<1000xf32>
    %broadcast_in_dim3A_820 = vector.shape_cast %reduce_sum3A_819 : vector<1000xf32> to vector<1000x1xf32>
    %sqrt3A_821 = math.sqrt %broadcast_in_dim3A_820 : vector<1000x1xf32>
    %jit3A_822 = arith.constant 1.000000e-15 : f32
    %max3A_823 = vector.broadcast %jit3A_822 : f32 to vector<1000x1xf32>
    %max3A_824 = arith.maximumf %max3A_823, %sqrt3A_821 : vector<1000x1xf32>
    %gt3A_825 = arith.constant 0.999989986 : f32
    %gt3A_826 = vector.broadcast %gt3A_825 : f32 to vector<1000x1xf32>
    %gt3A_827 = arith.cmpf ogt, %max3A_824, %gt3A_826 : vector<1000x1xf32>
    %div3A_828 = vector.broadcast %max3A_824 : vector<1000x1xf32> to vector<1000x128xf32>
    %div3A_829 = arith.divf %div3A_816, %div3A_828 : vector<1000x128xf32>
    %mul3A_830 = arith.constant 0.999989986 : f32
    %mul3A_831 = vector.broadcast %mul3A_830 : f32 to vector<1000x128xf32>
    %mul3A_832 = arith.mulf %div3A_829, %mul3A_831 : vector<1000x128xf32>
    %broadcast_in_dim3A_833 = vector.shape_cast %gt3A_827 : vector<1000x1xi1> to vector<1000x1xi1>
    %broadcast_in_dim3A_834 = vector.broadcast %broadcast_in_dim3A_833 : vector<1000x1xi1> to vector<1000x128xi1>
    %select_n3A_835 = arith.select %broadcast_in_dim3A_834, %mul3A_832, %div3A_816 : vector<1000x128xi1>, vector<1000x128xf32>
    %slice3A_836 = vector.extract_strided_slice %select_n3A_93 {offsets = [3, 0], sizes = [1, 128], strides = [1, 1]} : vector<4x128xf32> to vector<1x128xf32>
    %squeeze3A_837 = vector.shape_cast %slice3A_836 : vector<1x128xf32> to vector<128xf32>
    %broadcast_in_dim3A_838 = vector.shape_cast %squeeze3A_837 : vector<128xf32> to vector<1x128xf32>
    %mul3A_839 = arith.mulf %select_n3A_835, %select_n3A_835 : vector<1000x128xf32>
    %reduce_sum3A_840 = arith.constant dense<0.000000e+00> : vector<1000xf32>
    %reduce_sum3A_841 = vector.multi_reduction <add>, %mul3A_839, %reduce_sum3A_840 [1] : vector<1000x128xf32> to vector<1000xf32>
    %broadcast_in_dim3A_842 = vector.shape_cast %reduce_sum3A_841 : vector<1000xf32> to vector<1000x1xf32>
    %mul3A_843 = arith.mulf %broadcast_in_dim3A_838, %broadcast_in_dim3A_838 : vector<1x128xf32>
    %reduce_sum3A_844 = arith.constant dense<0.000000e+00> : vector<1xf32>
    %reduce_sum3A_845 = vector.multi_reduction <add>, %mul3A_843, %reduce_sum3A_844 [1] : vector<1x128xf32> to vector<1xf32>
    %broadcast_in_dim3A_846 = vector.shape_cast %reduce_sum3A_845 : vector<1xf32> to vector<1x1xf32>
    %mul3A_847 = vector.broadcast %broadcast_in_dim3A_838 : vector<1x128xf32> to vector<1000x128xf32>
    %mul3A_848 = arith.mulf %select_n3A_835, %mul3A_847 : vector<1000x128xf32>
    %reduce_sum3A_849 = arith.constant dense<0.000000e+00> : vector<1000xf32>
    %reduce_sum3A_850 = vector.multi_reduction <add>, %mul3A_848, %reduce_sum3A_849 [1] : vector<1000x128xf32> to vector<1000xf32>
    %broadcast_in_dim3A_851 = vector.shape_cast %reduce_sum3A_850 : vector<1000xf32> to vector<1000x1xf32>
    %mul3A_852 = arith.constant 2.000000e+00 : f32
    %mul3A_853 = vector.broadcast %mul3A_852 : f32 to vector<1000x1xf32>
    %mul3A_854 = arith.mulf %mul3A_853, %broadcast_in_dim3A_851 : vector<1000x1xf32>
    %add3A_855 = arith.constant 1.000000e+00 : f32
    %add3A_856 = vector.broadcast %add3A_855 : f32 to vector<1000x1xf32>
    %add3A_857 = arith.addf %add3A_856, %mul3A_854 : vector<1000x1xf32>
    %add3A_858 = vector.broadcast %broadcast_in_dim3A_846 : vector<1x1xf32> to vector<1000x1xf32>
    %add3A_859 = arith.addf %add3A_857, %add3A_858 : vector<1000x1xf32>
    %mul3A_860 = vector.broadcast %add3A_859 : vector<1000x1xf32> to vector<1000x128xf32>
    %mul3A_861 = arith.mulf %mul3A_860, %select_n3A_835 : vector<1000x128xf32>
    %sub3A_862 = arith.constant 1.000000e+00 : f32
    %sub3A_863 = vector.broadcast %sub3A_862 : f32 to vector<1000x1xf32>
    %sub3A_864 = arith.subf %sub3A_863, %broadcast_in_dim3A_842 : vector<1000x1xf32>
    %mul3A_865 = vector.broadcast %sub3A_864 : vector<1000x1xf32> to vector<1000x128xf32>
    %mul3A_866 = vector.broadcast %broadcast_in_dim3A_838 : vector<1x128xf32> to vector<1000x128xf32>
    %mul3A_867 = arith.mulf %mul3A_865, %mul3A_866 : vector<1000x128xf32>
    %add3A_868 = arith.addf %mul3A_861, %mul3A_867 : vector<1000x128xf32>
    %mul3A_869 = arith.constant 2.000000e+00 : f32
    %mul3A_870 = vector.broadcast %mul3A_869 : f32 to vector<1000x1xf32>
    %mul3A_871 = arith.mulf %mul3A_870, %broadcast_in_dim3A_851 : vector<1000x1xf32>
    %add3A_872 = arith.constant 1.000000e+00 : f32
    %add3A_873 = vector.broadcast %add3A_872 : f32 to vector<1000x1xf32>
    %add3A_874 = arith.addf %add3A_873, %mul3A_871 : vector<1000x1xf32>
    %mul3A_875 = vector.broadcast %broadcast_in_dim3A_846 : vector<1x1xf32> to vector<1000x1xf32>
    %mul3A_876 = arith.mulf %broadcast_in_dim3A_842, %mul3A_875 : vector<1000x1xf32>
    %add3A_877 = arith.addf %add3A_874, %mul3A_876 : vector<1000x1xf32>
    %jit3A_878 = arith.constant 1.000000e-15 : f32
    %max3A_879 = vector.broadcast %jit3A_878 : f32 to vector<1000x1xf32>
    %max3A_880 = arith.maximumf %max3A_879, %add3A_877 : vector<1000x1xf32>
    %div3A_881 = vector.broadcast %max3A_880 : vector<1000x1xf32> to vector<1000x128xf32>
    %div3A_882 = arith.divf %add3A_868, %div3A_881 : vector<1000x128xf32>
    %mul3A_883 = arith.mulf %div3A_882, %div3A_882 : vector<1000x128xf32>
    %reduce_sum3A_884 = arith.constant dense<0.000000e+00> : vector<1000xf32>
    %reduce_sum3A_885 = vector.multi_reduction <add>, %mul3A_883, %reduce_sum3A_884 [1] : vector<1000x128xf32> to vector<1000xf32>
    %broadcast_in_dim3A_886 = vector.shape_cast %reduce_sum3A_885 : vector<1000xf32> to vector<1000x1xf32>
    %sqrt3A_887 = math.sqrt %broadcast_in_dim3A_886 : vector<1000x1xf32>
    %jit3A_888 = arith.constant 1.000000e-15 : f32
    %max3A_889 = vector.broadcast %jit3A_888 : f32 to vector<1000x1xf32>
    %max3A_890 = arith.maximumf %max3A_889, %sqrt3A_887 : vector<1000x1xf32>
    %gt3A_891 = arith.constant 0.999989986 : f32
    %gt3A_892 = vector.broadcast %gt3A_891 : f32 to vector<1000x1xf32>
    %gt3A_893 = arith.cmpf ogt, %max3A_890, %gt3A_892 : vector<1000x1xf32>
    %div3A_894 = vector.broadcast %max3A_890 : vector<1000x1xf32> to vector<1000x128xf32>
    %div3A_895 = arith.divf %div3A_882, %div3A_894 : vector<1000x128xf32>
    %mul3A_896 = arith.constant 0.999989986 : f32
    %mul3A_897 = vector.broadcast %mul3A_896 : f32 to vector<1000x128xf32>
    %mul3A_898 = arith.mulf %div3A_895, %mul3A_897 : vector<1000x128xf32>
    %broadcast_in_dim3A_899 = vector.shape_cast %gt3A_893 : vector<1000x1xi1> to vector<1000x1xi1>
    %broadcast_in_dim3A_900 = vector.broadcast %broadcast_in_dim3A_899 : vector<1000x1xi1> to vector<1000x128xi1>
    %select_n3A_901 = arith.select %broadcast_in_dim3A_900, %mul3A_898, %div3A_882 : vector<1000x128xi1>, vector<1000x128xf32>
    %mul3A_902 = arith.constant 2.000000e+00 : f32
    %mul3A_903 = vector.broadcast %mul3A_902 : f32 to vector<1000x128xf32>
    %mul3A_904 = arith.mulf %mul3A_903, %select_n3A_901 : vector<1000x128xf32>
    %mul3A_905 = arith.mulf %select_n3A_901, %select_n3A_901 : vector<1000x128xf32>
    %reduce_sum3A_906 = arith.constant dense<0.000000e+00> : vector<1000xf32>
    %reduce_sum3A_907 = vector.multi_reduction <add>, %mul3A_905, %reduce_sum3A_906 [1] : vector<1000x128xf32> to vector<1000xf32>
    %broadcast_in_dim3A_908 = vector.shape_cast %reduce_sum3A_907 : vector<1000xf32> to vector<1000x1xf32>
    %add3A_909 = arith.constant 1.000000e+00 : f32
    %add3A_910 = vector.broadcast %add3A_909 : f32 to vector<1000x1xf32>
    %add3A_911 = arith.addf %add3A_910, %broadcast_in_dim3A_908 : vector<1000x1xf32>
    %div3A_912 = vector.broadcast %add3A_911 : vector<1000x1xf32> to vector<1000x128xf32>
    %div3A_913 = arith.divf %mul3A_904, %div3A_912 : vector<1000x128xf32>
    %mul3A_914 = arith.mulf %div3A_913, %div3A_913 : vector<1000x128xf32>
    %reduce_sum3A_915 = arith.constant dense<0.000000e+00> : vector<1000xf32>
    %reduce_sum3A_916 = vector.multi_reduction <add>, %mul3A_914, %reduce_sum3A_915 [1] : vector<1000x128xf32> to vector<1000xf32>
    %broadcast_in_dim3A_917 = vector.shape_cast %reduce_sum3A_916 : vector<1000xf32> to vector<1000x1xf32>
    %sub3A_918 = arith.constant 1.000000e+00 : f32
    %sub3A_919 = vector.broadcast %sub3A_918 : f32 to vector<1000x1xf32>
    %sub3A_920 = arith.subf %sub3A_919, %broadcast_in_dim3A_917 : vector<1000x1xf32>
    %jit3A_921 = arith.constant 1.000000e-15 : f32
    %max3A_922 = vector.broadcast %jit3A_921 : f32 to vector<1000x1xf32>
    %max3A_923 = arith.maximumf %max3A_922, %sub3A_920 : vector<1000x1xf32>
    %sqrt3A_924 = math.sqrt %max3A_923 : vector<1000x1xf32>
    %div3A_925 = arith.constant 1.000000e+00 : f32
    %div3A_926 = vector.broadcast %div3A_925 : f32 to vector<1000x1xf32>
    %div3A_927 = arith.divf %div3A_926, %sqrt3A_924 : vector<1000x1xf32>
    %mul3A_928 = vector.broadcast %div3A_927 : vector<1000x1xf32> to vector<1000x128xf32>
    %mul3A_929 = arith.mulf %mul3A_928, %div3A_913 : vector<1000x128xf32>
    %convert_element_type3A = arith.truncf %mul3A_317 : vector<1000x128xf32> to vector<1000x128xbf16>
    %bitcast_convert_type3A = tpu.bitcast %convert_element_type3A : vector<1000x128xbf16> -> vector<1000x128xi16>
    %convert_element_type3A_930 = arith.extui %bitcast_convert_type3A : vector<1000x128xi16> to vector<1000x128xi32>
    %convert_element_type3A_931 = arith.truncf %mul3A_521 : vector<1000x128xf32> to vector<1000x128xbf16>
    %bitcast_convert_type3A_932 = tpu.bitcast %convert_element_type3A_931 : vector<1000x128xbf16> -> vector<1000x128xi16>
    %convert_element_type3A_933 = arith.extui %bitcast_convert_type3A_932 : vector<1000x128xi16> to vector<1000x128xi32>
    %shift_left3A = arith.constant 16 : i32
    %shift_left3A_934 = vector.broadcast %shift_left3A : i32 to vector<1000x128xi32>
    %shift_left3A_935 = arith.shli %convert_element_type3A_933, %shift_left3A_934 : vector<1000x128xi32>
    %or3A = arith.ori %convert_element_type3A_930, %shift_left3A_935 : vector<1000x128xi32>
    %bitcast_convert_type3A_936 = tpu.bitcast %or3A : vector<1000x128xi32> -> vector<1000x128xf32>
    %swap3A_937 = arith.constant 0 : index
    %swap3A_938 = arith.constant 128 : index
    %swap3A_939 = vector.load %arg5[%swap3A_937, %swap3A_938] : memref<1000x384xf32, #tpu.memory_space<vmem>>, vector<1000x128xf32>
    tpu.vector_store %arg5[%swap3A_937, %swap3A_938], %bitcast_convert_type3A_936 {strides = array<i32>} : memref<1000x384xf32, #tpu.memory_space<vmem>>, vector<1000x128xf32>,
    %convert_element_type3A_940 = arith.truncf %mul3A_725 : vector<1000x128xf32> to vector<1000x128xbf16>
    %bitcast_convert_type3A_941 = tpu.bitcast %convert_element_type3A_940 : vector<1000x128xbf16> -> vector<1000x128xi16>
    %convert_element_type3A_942 = arith.extui %bitcast_convert_type3A_941 : vector<1000x128xi16> to vector<1000x128xi32>
    %convert_element_type3A_943 = arith.truncf %mul3A_929 : vector<1000x128xf32> to vector<1000x128xbf16>
    %bitcast_convert_type3A_944 = tpu.bitcast %convert_element_type3A_943 : vector<1000x128xbf16> -> vector<1000x128xi16>
    %convert_element_type3A_945 = arith.extui %bitcast_convert_type3A_944 : vector<1000x128xi16> to vector<1000x128xi32>
    %shift_left3A_946 = arith.constant 16 : i32
    %shift_left3A_947 = vector.broadcast %shift_left3A_946 : i32 to vector<1000x128xi32>
    %shift_left3A_948 = arith.shli %convert_element_type3A_945, %shift_left3A_947 : vector<1000x128xi32>
    %or3A_949 = arith.ori %convert_element_type3A_942, %shift_left3A_948 : vector<1000x128xi32>
    %bitcast_convert_type3A_950 = tpu.bitcast %or3A_949 : vector<1000x128xi32> -> vector<1000x128xf32>
    %swap3A_951 = arith.constant 0 : index
    %swap3A_952 = arith.constant 256 : index
    %swap3A_953 = vector.load %arg5[%swap3A_951, %swap3A_952] : memref<1000x384xf32, #tpu.memory_space<vmem>>, vector<1000x128xf32>
    tpu.vector_store %arg5[%swap3A_951, %swap3A_952], %bitcast_convert_type3A_950 {strides = array<i32>} : memref<1000x384xf32, #tpu.memory_space<vmem>>, vector<1000x128xf32>,
    return
  }
  func.func @transform_0(%arg0: i32) -> (i32, i32) {
    %c0_i32 = arith.constant 0 : i32
    %c0_i32_0 = arith.constant 0 : i32
    return %arg0, %c0_i32 : i32, i32
  }
  func.func @transform_1(%arg0: i32) -> (i32, i32) {
    %c0_i32 = arith.constant 0 : i32
    %c0_i32_0 = arith.constant 0 : i32
    %c0_i32_1 = arith.constant 0 : i32
    return %c0_i32, %c0_i32_0 : i32, i32
  }
  func.func @transform_2(%arg0: i32) -> (i32, i32, i32) {
    %c0_i32 = arith.constant 0 : i32
    %c0_i32_0 = arith.constant 0 : i32
    %c0_i32_1 = arith.constant 0 : i32
    %c0_i32_2 = arith.constant 0 : i32
    return %c0_i32, %c0_i32_0, %c0_i32_1 : i32, i32, i32
  }
  func.func @transform_3(%arg0: i32) -> (i32, i32) {
    %c0_i32 = arith.constant 0 : i32
    %c0_i32_0 = arith.constant 0 : i32
    %c0_i32_1 = arith.constant 0 : i32
    return %c0_i32, %c0_i32_0 : i32, i32
  }
  func.func @transform_4(%arg0: i32) -> (i32, i32) {
    %c0_i32 = arith.constant 0 : i32
    %c0_i32_0 = arith.constant 0 : i32
    return %arg0, %c0_i32 : i32, i32
  }
  func.func @transform_5(%arg0: i32) -> (i32, i32) {
    %c0_i32 = arith.constant 0 : i32
    %c0_i32_0 = arith.constant 0 : i32
    return %arg0, %c0_i32 : i32, i32
  }
}

module attributes {stable_mosaic.version = 14 : i64} {
  func.func @body(%arg0: i32, %arg1: memref<3200x128xf32, #tpu.memory_space<vmem>>, %arg2: memref<3200x128xf32, #tpu.memory_space<vmem>>, %arg3: memref<3200x128xf32, #tpu.memory_space<vmem>>, %arg4: memref<200x512xf32, #tpu.memory_space<vmem>>, %arg5: memref<200x16xf32, #tpu.memory_space<vmem>>, %arg6: memref<200x128xf32, #tpu.memory_space<vmem>>) attributes {dimension_semantics = [#tpu.dimension_semantics<arbitrary>], iteration_bounds = array<i64: 10>, scalar_prefetch = 0 : i64, scratch_operands = 0 : i64, tpu.core_type = #tpu.core_type<tc>, window_params = [{transform_indices = @transform_0, window_bounds = array<i64: 3200, 128>}, {transform_indices = @transform_1, window_bounds = array<i64: 3200, 128>}, {transform_indices = @transform_2, window_bounds = array<i64: 3200, 128>}, {transform_indices = @transform_3, window_bounds = array<i64: 200, 512>}, {transform_indices = @transform_4, window_bounds = array<i64: 200, 16>}, {transform_indices = @transform_5, window_bounds = array<i64: 200, 128>}]} {
    %iota3A = tpu.iota {dimensions = array<i32: 0>} : vector<2048x16xi32>
    %iota3A_0 = tpu.iota {dimensions = array<i32: 1>} : vector<2048x16xi32>
    %jit3A = arith.constant 128 : i32
    %div3A = vector.broadcast %jit3A : i32 to vector<2048x16xi32>
    %div3A_1 = arith.divsi %iota3A, %div3A : vector<2048x16xi32>
    %sign3A = arith.constant 0 : i32
    %sign3A_2 = vector.broadcast %sign3A : i32 to vector<2048x16xi32>
    %sign3A_3 = arith.cmpi sgt, %iota3A, %sign3A_2 : vector<2048x16xi32>
    %sign3A_4 = arith.extui %sign3A_3 : vector<2048x16xi1> to vector<2048x16xi32>
    %sign3A_5 = arith.constant 0 : i32
    %sign3A_6 = vector.broadcast %sign3A_5 : i32 to vector<2048x16xi32>
    %sign3A_7 = arith.cmpi slt, %iota3A, %sign3A_6 : vector<2048x16xi32>
    %sign3A_8 = arith.extui %sign3A_7 : vector<2048x16xi1> to vector<2048x16xi32>
    %sign3A_9 = arith.subi %sign3A_4, %sign3A_8 : vector<2048x16xi32>
    %sign3A_10 = arith.constant 0 : i32
    %sign3A_11 = arith.cmpi sgt, %jit3A, %sign3A_10 : i32
    %sign3A_12 = arith.extui %sign3A_11 : i1 to i32
    %sign3A_13 = arith.constant 0 : i32
    %sign3A_14 = arith.cmpi slt, %jit3A, %sign3A_13 : i32
    %sign3A_15 = arith.extui %sign3A_14 : i1 to i32
    %sign3A_16 = arith.subi %sign3A_12, %sign3A_15 : i32
    %ne3A = vector.broadcast %sign3A_16 : i32 to vector<2048x16xi32>
    %ne3A_17 = arith.cmpi ne, %sign3A_9, %ne3A : vector<2048x16xi32>
    %rem3A = vector.broadcast %jit3A : i32 to vector<2048x16xi32>
    %rem3A_18 = arith.remsi %iota3A, %rem3A : vector<2048x16xi32>
    %ne3A_19 = arith.constant 0 : i32
    %ne3A_20 = vector.broadcast %ne3A_19 : i32 to vector<2048x16xi32>
    %ne3A_21 = arith.cmpi ne, %rem3A_18, %ne3A_20 : vector<2048x16xi32>
    %and3A = arith.andi %ne3A_17, %ne3A_21 : vector<2048x16xi1>
    %sub3A = arith.constant 1 : i32
    %sub3A_22 = vector.broadcast %sub3A : i32 to vector<2048x16xi32>
    %sub3A_23 = arith.subi %div3A_1, %sub3A_22 : vector<2048x16xi32>
    %select_n3A = arith.select %and3A, %sub3A_23, %div3A_1 : vector<2048x16xi1>, vector<2048x16xi32>
    %eq3A = arith.cmpi eq, %select_n3A, %iota3A_0 : vector<2048x16xi32>
    %convert_element_type3A = arith.extui %eq3A : vector<2048x16xi1> to vector<2048x16xi32>
    %convert_element_type3A_24 = arith.sitofp %convert_element_type3A : vector<2048x16xi32> to vector<2048x16xf32>
    %iota3A_25 = tpu.iota {dimensions = array<i32: 0>} : vector<16x2048xi32>
    %iota3A_26 = tpu.iota {dimensions = array<i32: 1>} : vector<16x2048xi32>
    %jit3A_27 = arith.constant 128 : i32
    %div3A_28 = vector.broadcast %jit3A_27 : i32 to vector<16x2048xi32>
    %div3A_29 = arith.divsi %iota3A_26, %div3A_28 : vector<16x2048xi32>
    %sign3A_30 = arith.constant 0 : i32
    %sign3A_31 = vector.broadcast %sign3A_30 : i32 to vector<16x2048xi32>
    %sign3A_32 = arith.cmpi sgt, %iota3A_26, %sign3A_31 : vector<16x2048xi32>
    %sign3A_33 = arith.extui %sign3A_32 : vector<16x2048xi1> to vector<16x2048xi32>
    %sign3A_34 = arith.constant 0 : i32
    %sign3A_35 = vector.broadcast %sign3A_34 : i32 to vector<16x2048xi32>
    %sign3A_36 = arith.cmpi slt, %iota3A_26, %sign3A_35 : vector<16x2048xi32>
    %sign3A_37 = arith.extui %sign3A_36 : vector<16x2048xi1> to vector<16x2048xi32>
    %sign3A_38 = arith.subi %sign3A_33, %sign3A_37 : vector<16x2048xi32>
    %sign3A_39 = arith.constant 0 : i32
    %sign3A_40 = arith.cmpi sgt, %jit3A_27, %sign3A_39 : i32
    %sign3A_41 = arith.extui %sign3A_40 : i1 to i32
    %sign3A_42 = arith.constant 0 : i32
    %sign3A_43 = arith.cmpi slt, %jit3A_27, %sign3A_42 : i32
    %sign3A_44 = arith.extui %sign3A_43 : i1 to i32
    %sign3A_45 = arith.subi %sign3A_41, %sign3A_44 : i32
    %ne3A_46 = vector.broadcast %sign3A_45 : i32 to vector<16x2048xi32>
    %ne3A_47 = arith.cmpi ne, %sign3A_38, %ne3A_46 : vector<16x2048xi32>
    %rem3A_48 = vector.broadcast %jit3A_27 : i32 to vector<16x2048xi32>
    %rem3A_49 = arith.remsi %iota3A_26, %rem3A_48 : vector<16x2048xi32>
    %ne3A_50 = arith.constant 0 : i32
    %ne3A_51 = vector.broadcast %ne3A_50 : i32 to vector<16x2048xi32>
    %ne3A_52 = arith.cmpi ne, %rem3A_49, %ne3A_51 : vector<16x2048xi32>
    %and3A_53 = arith.andi %ne3A_47, %ne3A_52 : vector<16x2048xi1>
    %sub3A_54 = arith.constant 1 : i32
    %sub3A_55 = vector.broadcast %sub3A_54 : i32 to vector<16x2048xi32>
    %sub3A_56 = arith.subi %div3A_29, %sub3A_55 : vector<16x2048xi32>
    %select_n3A_57 = arith.select %and3A_53, %sub3A_56, %div3A_29 : vector<16x2048xi1>, vector<16x2048xi32>
    %eq3A_58 = arith.cmpi eq, %iota3A_25, %select_n3A_57 : vector<16x2048xi32>
    %convert_element_type3A_59 = arith.extui %eq3A_58 : vector<16x2048xi1> to vector<16x2048xi32>
    %convert_element_type3A_60 = arith.sitofp %convert_element_type3A_59 : vector<16x2048xi32> to vector<16x2048xf32>
    %broadcast_in_dim3A = arith.constant 1.000000e+00 : f32
    %broadcast_in_dim3A_61 = vector.broadcast %broadcast_in_dim3A : f32 to vector<128x16xf32>
    %get3A = arith.constant 0 : index
    %get3A_62 = arith.constant 0 : index
    %get3A_63 = vector.load %arg1[%get3A, %get3A_62] : memref<3200x128xf32, #tpu.memory_space<vmem>>, vector<3200x128xf32>
    %reshape3A = vector.shape_cast %get3A_63 : vector<3200x128xf32> to vector<200x16x128xf32>
    %get3A_64 = arith.constant 0 : index
    %get3A_65 = arith.constant 0 : index
    %get3A_66 = vector.load %arg5[%get3A_64, %get3A_65] : memref<200x16xf32, #tpu.memory_space<vmem>>, vector<200x16xf32>
    %mul3A = arith.mulf %reshape3A, %reshape3A : vector<200x16x128xf32>
    %reshape3A_67 = vector.shape_cast %mul3A : vector<200x16x128xf32> to vector<200x2048xf32>
    %dot_general3A = arith.constant dense<0.000000e+00> : vector<200x16xf32>
    %dot_general3A_68 = tpu.matmul %reshape3A_67, %convert_element_type3A_24, %dot_general3A {dimension_numbers = #tpu.dot_dimension_numbers<[1], [0], [0], [1], [0, 0, 1, 1], [], []>, transpose_lhs_hint = false} : vector<200x2048xf32>, vector<2048x16xf32>, vector<200x16xf32> -> vector<200x16xf32>
    %sub3A_69 = arith.constant 1.000000e+00 : f32
    %sub3A_70 = vector.broadcast %sub3A_69 : f32 to vector<200x16xf32>
    %sub3A_71 = arith.subf %sub3A_70, %dot_general3A_68 : vector<200x16xf32>
    %broadcast_in_dim3A_72 = arith.constant 0.000000e+00 : f32
    %broadcast_in_dim3A_73 = vector.broadcast %broadcast_in_dim3A_72 : f32 to vector<200x16x128xf32>
    %broadcast_in_dim3A_74 = arith.constant 0.000000e+00 : f32
    %broadcast_in_dim3A_75 = vector.broadcast %broadcast_in_dim3A_74 : f32 to vector<200x16xf32>
    %get3A_76 = arith.constant 0 : index
    %get3A_77 = arith.constant 0 : index
    %get3A_78 = vector.load %arg4[%get3A_76, %get3A_77] : memref<200x512xf32, #tpu.memory_space<vmem>>, vector<200x128xf32>
    %mul3A_79 = arith.mulf %get3A_78, %get3A_78 : vector<200x128xf32>
    %dot_general3A_80 = arith.constant dense<0.000000e+00> : vector<200x16xf32>
    %dot_general3A_81 = tpu.matmul %mul3A_79, %broadcast_in_dim3A_61, %dot_general3A_80 {dimension_numbers = #tpu.dot_dimension_numbers<[1], [0], [0], [1], [0, 0, 1, 1], [], []>, transpose_lhs_hint = false} : vector<200x128xf32>, vector<128x16xf32>, vector<200x16xf32> -> vector<200x16xf32>
    %broadcast_in_dim3A_82 = vector.shape_cast %get3A_78 : vector<200x128xf32> to vector<200x1x128xf32>
    %mul3A_83 = vector.broadcast %broadcast_in_dim3A_82 : vector<200x1x128xf32> to vector<200x16x128xf32>
    %mul3A_84 = arith.mulf %reshape3A, %mul3A_83 : vector<200x16x128xf32>
    %reshape3A_85 = vector.shape_cast %mul3A_84 : vector<200x16x128xf32> to vector<200x2048xf32>
    %dot_general3A_86 = arith.constant dense<0.000000e+00> : vector<200x16xf32>
    %dot_general3A_87 = tpu.matmul %reshape3A_85, %convert_element_type3A_24, %dot_general3A_86 {dimension_numbers = #tpu.dot_dimension_numbers<[1], [0], [0], [1], [0, 0, 1, 1], [], []>, transpose_lhs_hint = false} : vector<200x2048xf32>, vector<2048x16xf32>, vector<200x16xf32> -> vector<200x16xf32>
    %mul3A_88 = arith.constant 2.000000e+00 : f32
    %mul3A_89 = vector.broadcast %mul3A_88 : f32 to vector<200x16xf32>
    %mul3A_90 = arith.mulf %mul3A_89, %dot_general3A_87 : vector<200x16xf32>
    %sub3A_91 = arith.constant 1.000000e+00 : f32
    %sub3A_92 = vector.broadcast %sub3A_91 : f32 to vector<200x16xf32>
    %sub3A_93 = arith.subf %sub3A_92, %mul3A_90 : vector<200x16xf32>
    %add3A = arith.addf %sub3A_93, %dot_general3A_81 : vector<200x16xf32>
    %mul3A_94 = arith.constant 2.000000e+00 : f32
    %mul3A_95 = vector.broadcast %mul3A_94 : f32 to vector<200x16xf32>
    %mul3A_96 = arith.mulf %mul3A_95, %dot_general3A_87 : vector<200x16xf32>
    %sub3A_97 = arith.constant 1.000000e+00 : f32
    %sub3A_98 = vector.broadcast %sub3A_97 : f32 to vector<200x16xf32>
    %sub3A_99 = arith.subf %sub3A_98, %mul3A_96 : vector<200x16xf32>
    %mul3A_100 = arith.mulf %dot_general3A_68, %dot_general3A_81 : vector<200x16xf32>
    %add3A_101 = arith.addf %sub3A_99, %mul3A_100 : vector<200x16xf32>
    %jit3A_102 = arith.constant 1.000000e-15 : f32
    %max3A = vector.broadcast %jit3A_102 : f32 to vector<200x16xf32>
    %max3A_103 = arith.maximumf %max3A, %add3A_101 : vector<200x16xf32>
    %mul3A_104 = arith.mulf %add3A, %add3A : vector<200x16xf32>
    %mul3A_105 = arith.mulf %mul3A_104, %dot_general3A_68 : vector<200x16xf32>
    %mul3A_106 = arith.constant 2.000000e+00 : f32
    %mul3A_107 = vector.broadcast %mul3A_106 : f32 to vector<200x16xf32>
    %mul3A_108 = arith.mulf %mul3A_107, %add3A : vector<200x16xf32>
    %mul3A_109 = arith.mulf %mul3A_108, %sub3A_71 : vector<200x16xf32>
    %mul3A_110 = arith.mulf %mul3A_109, %dot_general3A_87 : vector<200x16xf32>
    %sub3A_111 = arith.subf %mul3A_105, %mul3A_110 : vector<200x16xf32>
    %mul3A_112 = arith.mulf %sub3A_71, %sub3A_71 : vector<200x16xf32>
    %mul3A_113 = arith.mulf %mul3A_112, %dot_general3A_81 : vector<200x16xf32>
    %add3A_114 = arith.addf %sub3A_111, %mul3A_113 : vector<200x16xf32>
    %jit3A_115 = arith.constant 0.000000e+00 : f32
    %max3A_116 = vector.broadcast %jit3A_115 : f32 to vector<200x16xf32>
    %max3A_117 = arith.maximumf %max3A_116, %add3A_114 : vector<200x16xf32>
    %sqrt3A = math.sqrt %max3A_117 : vector<200x16xf32>
    %div3A_118 = arith.divf %sqrt3A, %max3A_103 : vector<200x16xf32>
    %jit3A_119 = arith.constant 0.000000e+00 : f32
    %jit3A_120 = arith.constant 0.999989986 : f32
    %max3A_121 = vector.broadcast %jit3A_119 : f32 to vector<200x16xf32>
    %max3A_122 = arith.maximumf %max3A_121, %div3A_118 : vector<200x16xf32>
    %min3A = vector.broadcast %jit3A_120 : f32 to vector<200x16xf32>
    %min3A_123 = arith.minimumf %min3A, %max3A_122 : vector<200x16xf32>
    %add3A_124 = arith.constant 1.000000e+00 : f32
    %add3A_125 = vector.broadcast %add3A_124 : f32 to vector<200x16xf32>
    %add3A_126 = arith.addf %add3A_125, %min3A_123 : vector<200x16xf32>
    %sub3A_127 = arith.constant 1.000000e+00 : f32
    %sub3A_128 = vector.broadcast %sub3A_127 : f32 to vector<200x16xf32>
    %sub3A_129 = arith.subf %sub3A_128, %min3A_123 : vector<200x16xf32>
    %div3A_130 = arith.divf %add3A_126, %sub3A_129 : vector<200x16xf32>
    %log3A = math.log %div3A_130 : vector<200x16xf32>
    %sub3A_131 = arith.constant 1.000000e+00 : f32
    %sub3A_132 = vector.broadcast %sub3A_131 : f32 to vector<200x16xf32>
    %sub3A_133 = arith.subf %sub3A_132, %log3A : vector<200x16xf32>
    %max3A_134 = arith.constant 0.000000e+00 : f32
    %max3A_135 = vector.broadcast %max3A_134 : f32 to vector<200x16xf32>
    %max3A_136 = arith.maximumf %sub3A_133, %max3A_135 : vector<200x16xf32>
    %mul3A_137 = arith.mulf %max3A_136, %get3A_66 : vector<200x16xf32>
    %get3A_138 = arith.constant 0 : index
    %get3A_139 = arith.constant 0 : index
    %get3A_140 = vector.load %arg2[%get3A_138, %get3A_139] : memref<3200x128xf32, #tpu.memory_space<vmem>>, vector<3200x128xf32>
    %bitcast_convert_type3A = tpu.bitcast %get3A_140 : vector<3200x128xf32> -> vector<3200x128xi32>
    %shift_left3A = arith.constant 16 : i32
    %shift_left3A_141 = vector.broadcast %shift_left3A : i32 to vector<3200x128xi32>
    %shift_left3A_142 = arith.shli %bitcast_convert_type3A, %shift_left3A_141 : vector<3200x128xi32>
    %bitcast_convert_type3A_143 = tpu.bitcast %shift_left3A_142 : vector<3200x128xi32> -> vector<3200x128xf32>
    %reshape3A_144 = vector.shape_cast %bitcast_convert_type3A_143 : vector<3200x128xf32> to vector<200x16x128xf32>
    %mul3A_145 = arith.mulf %reshape3A_144, %reshape3A_144 : vector<200x16x128xf32>
    %reshape3A_146 = vector.shape_cast %mul3A_145 : vector<200x16x128xf32> to vector<200x2048xf32>
    %dot_general3A_147 = arith.constant dense<0.000000e+00> : vector<200x16xf32>
    %dot_general3A_148 = tpu.matmul %reshape3A_146, %convert_element_type3A_24, %dot_general3A_147 {dimension_numbers = #tpu.dot_dimension_numbers<[1], [0], [0], [1], [0, 0, 1, 1], [], []>, transpose_lhs_hint = false} : vector<200x2048xf32>, vector<2048x16xf32>, vector<200x16xf32> -> vector<200x16xf32>
    %add3A_149 = arith.constant 1.000000e+00 : f32
    %add3A_150 = vector.broadcast %add3A_149 : f32 to vector<200x16xf32>
    %add3A_151 = arith.addf %add3A_150, %dot_general3A_148 : vector<200x16xf32>
    %sqrt3A_152 = math.sqrt %add3A_151 : vector<200x16xf32>
    %dot_general3A_153 = arith.constant dense<0.000000e+00> : vector<200x2048xf32>
    %dot_general3A_154 = tpu.matmul %mul3A_137, %convert_element_type3A_60, %dot_general3A_153 {dimension_numbers = #tpu.dot_dimension_numbers<[1], [0], [0], [1], [0, 0, 1, 1], [], []>, transpose_lhs_hint = false} : vector<200x16xf32>, vector<16x2048xf32>, vector<200x2048xf32> -> vector<200x2048xf32>
    %reshape3A_155 = vector.shape_cast %dot_general3A_154 : vector<200x2048xf32> to vector<200x16x128xf32>
    %mul3A_156 = arith.mulf %reshape3A_155, %reshape3A_144 : vector<200x16x128xf32>
    %add3A_157 = arith.addf %broadcast_in_dim3A_73, %mul3A_156 : vector<200x16x128xf32>
    %mul3A_158 = arith.mulf %mul3A_137, %sqrt3A_152 : vector<200x16xf32>
    %add3A_159 = arith.addf %broadcast_in_dim3A_75, %mul3A_158 : vector<200x16xf32>
    %get3A_160 = arith.constant 0 : index
    %get3A_161 = arith.constant 128 : index
    %get3A_162 = vector.load %arg4[%get3A_160, %get3A_161] : memref<200x512xf32, #tpu.memory_space<vmem>>, vector<200x128xf32>
    %mul3A_163 = arith.mulf %get3A_162, %get3A_162 : vector<200x128xf32>
    %dot_general3A_164 = arith.constant dense<0.000000e+00> : vector<200x16xf32>
    %dot_general3A_165 = tpu.matmul %mul3A_163, %broadcast_in_dim3A_61, %dot_general3A_164 {dimension_numbers = #tpu.dot_dimension_numbers<[1], [0], [0], [1], [0, 0, 1, 1], [], []>, transpose_lhs_hint = false} : vector<200x128xf32>, vector<128x16xf32>, vector<200x16xf32> -> vector<200x16xf32>
    %broadcast_in_dim3A_166 = vector.shape_cast %get3A_162 : vector<200x128xf32> to vector<200x1x128xf32>
    %mul3A_167 = vector.broadcast %broadcast_in_dim3A_166 : vector<200x1x128xf32> to vector<200x16x128xf32>
    %mul3A_168 = arith.mulf %reshape3A, %mul3A_167 : vector<200x16x128xf32>
    %reshape3A_169 = vector.shape_cast %mul3A_168 : vector<200x16x128xf32> to vector<200x2048xf32>
    %dot_general3A_170 = arith.constant dense<0.000000e+00> : vector<200x16xf32>
    %dot_general3A_171 = tpu.matmul %reshape3A_169, %convert_element_type3A_24, %dot_general3A_170 {dimension_numbers = #tpu.dot_dimension_numbers<[1], [0], [0], [1], [0, 0, 1, 1], [], []>, transpose_lhs_hint = false} : vector<200x2048xf32>, vector<2048x16xf32>, vector<200x16xf32> -> vector<200x16xf32>
    %mul3A_172 = arith.constant 2.000000e+00 : f32
    %mul3A_173 = vector.broadcast %mul3A_172 : f32 to vector<200x16xf32>
    %mul3A_174 = arith.mulf %mul3A_173, %dot_general3A_171 : vector<200x16xf32>
    %sub3A_175 = arith.constant 1.000000e+00 : f32
    %sub3A_176 = vector.broadcast %sub3A_175 : f32 to vector<200x16xf32>
    %sub3A_177 = arith.subf %sub3A_176, %mul3A_174 : vector<200x16xf32>
    %add3A_178 = arith.addf %sub3A_177, %dot_general3A_165 : vector<200x16xf32>
    %mul3A_179 = arith.constant 2.000000e+00 : f32
    %mul3A_180 = vector.broadcast %mul3A_179 : f32 to vector<200x16xf32>
    %mul3A_181 = arith.mulf %mul3A_180, %dot_general3A_171 : vector<200x16xf32>
    %sub3A_182 = arith.constant 1.000000e+00 : f32
    %sub3A_183 = vector.broadcast %sub3A_182 : f32 to vector<200x16xf32>
    %sub3A_184 = arith.subf %sub3A_183, %mul3A_181 : vector<200x16xf32>
    %mul3A_185 = arith.mulf %dot_general3A_68, %dot_general3A_165 : vector<200x16xf32>
    %add3A_186 = arith.addf %sub3A_184, %mul3A_185 : vector<200x16xf32>
    %jit3A_187 = arith.constant 1.000000e-15 : f32
    %max3A_188 = vector.broadcast %jit3A_187 : f32 to vector<200x16xf32>
    %max3A_189 = arith.maximumf %max3A_188, %add3A_186 : vector<200x16xf32>
    %mul3A_190 = arith.mulf %add3A_178, %add3A_178 : vector<200x16xf32>
    %mul3A_191 = arith.mulf %mul3A_190, %dot_general3A_68 : vector<200x16xf32>
    %mul3A_192 = arith.constant 2.000000e+00 : f32
    %mul3A_193 = vector.broadcast %mul3A_192 : f32 to vector<200x16xf32>
    %mul3A_194 = arith.mulf %mul3A_193, %add3A_178 : vector<200x16xf32>
    %mul3A_195 = arith.mulf %mul3A_194, %sub3A_71 : vector<200x16xf32>
    %mul3A_196 = arith.mulf %mul3A_195, %dot_general3A_171 : vector<200x16xf32>
    %sub3A_197 = arith.subf %mul3A_191, %mul3A_196 : vector<200x16xf32>
    %mul3A_198 = arith.mulf %sub3A_71, %sub3A_71 : vector<200x16xf32>
    %mul3A_199 = arith.mulf %mul3A_198, %dot_general3A_165 : vector<200x16xf32>
    %add3A_200 = arith.addf %sub3A_197, %mul3A_199 : vector<200x16xf32>
    %jit3A_201 = arith.constant 0.000000e+00 : f32
    %max3A_202 = vector.broadcast %jit3A_201 : f32 to vector<200x16xf32>
    %max3A_203 = arith.maximumf %max3A_202, %add3A_200 : vector<200x16xf32>
    %sqrt3A_204 = math.sqrt %max3A_203 : vector<200x16xf32>
    %div3A_205 = arith.divf %sqrt3A_204, %max3A_189 : vector<200x16xf32>
    %jit3A_206 = arith.constant 0.000000e+00 : f32
    %jit3A_207 = arith.constant 0.999989986 : f32
    %max3A_208 = vector.broadcast %jit3A_206 : f32 to vector<200x16xf32>
    %max3A_209 = arith.maximumf %max3A_208, %div3A_205 : vector<200x16xf32>
    %min3A_210 = vector.broadcast %jit3A_207 : f32 to vector<200x16xf32>
    %min3A_211 = arith.minimumf %min3A_210, %max3A_209 : vector<200x16xf32>
    %add3A_212 = arith.constant 1.000000e+00 : f32
    %add3A_213 = vector.broadcast %add3A_212 : f32 to vector<200x16xf32>
    %add3A_214 = arith.addf %add3A_213, %min3A_211 : vector<200x16xf32>
    %sub3A_215 = arith.constant 1.000000e+00 : f32
    %sub3A_216 = vector.broadcast %sub3A_215 : f32 to vector<200x16xf32>
    %sub3A_217 = arith.subf %sub3A_216, %min3A_211 : vector<200x16xf32>
    %div3A_218 = arith.divf %add3A_214, %sub3A_217 : vector<200x16xf32>
    %log3A_219 = math.log %div3A_218 : vector<200x16xf32>
    %sub3A_220 = arith.constant 1.000000e+00 : f32
    %sub3A_221 = vector.broadcast %sub3A_220 : f32 to vector<200x16xf32>
    %sub3A_222 = arith.subf %sub3A_221, %log3A_219 : vector<200x16xf32>
    %max3A_223 = arith.constant 0.000000e+00 : f32
    %max3A_224 = vector.broadcast %max3A_223 : f32 to vector<200x16xf32>
    %max3A_225 = arith.maximumf %sub3A_222, %max3A_224 : vector<200x16xf32>
    %mul3A_226 = arith.mulf %max3A_225, %get3A_66 : vector<200x16xf32>
    %get3A_227 = arith.constant 0 : index
    %get3A_228 = arith.constant 0 : index
    %get3A_229 = vector.load %arg2[%get3A_227, %get3A_228] : memref<3200x128xf32, #tpu.memory_space<vmem>>, vector<3200x128xf32>
    %bitcast_convert_type3A_230 = tpu.bitcast %get3A_229 : vector<3200x128xf32> -> vector<3200x128xi32>
    %and3A_231 = arith.constant -65536 : i32
    %and3A_232 = vector.broadcast %and3A_231 : i32 to vector<3200x128xi32>
    %and3A_233 = arith.andi %bitcast_convert_type3A_230, %and3A_232 : vector<3200x128xi32>
    %bitcast_convert_type3A_234 = tpu.bitcast %and3A_233 : vector<3200x128xi32> -> vector<3200x128xf32>
    %reshape3A_235 = vector.shape_cast %bitcast_convert_type3A_234 : vector<3200x128xf32> to vector<200x16x128xf32>
    %mul3A_236 = arith.mulf %reshape3A_235, %reshape3A_235 : vector<200x16x128xf32>
    %reshape3A_237 = vector.shape_cast %mul3A_236 : vector<200x16x128xf32> to vector<200x2048xf32>
    %dot_general3A_238 = arith.constant dense<0.000000e+00> : vector<200x16xf32>
    %dot_general3A_239 = tpu.matmul %reshape3A_237, %convert_element_type3A_24, %dot_general3A_238 {dimension_numbers = #tpu.dot_dimension_numbers<[1], [0], [0], [1], [0, 0, 1, 1], [], []>, transpose_lhs_hint = false} : vector<200x2048xf32>, vector<2048x16xf32>, vector<200x16xf32> -> vector<200x16xf32>
    %add3A_240 = arith.constant 1.000000e+00 : f32
    %add3A_241 = vector.broadcast %add3A_240 : f32 to vector<200x16xf32>
    %add3A_242 = arith.addf %add3A_241, %dot_general3A_239 : vector<200x16xf32>
    %sqrt3A_243 = math.sqrt %add3A_242 : vector<200x16xf32>
    %dot_general3A_244 = arith.constant dense<0.000000e+00> : vector<200x2048xf32>
    %dot_general3A_245 = tpu.matmul %mul3A_226, %convert_element_type3A_60, %dot_general3A_244 {dimension_numbers = #tpu.dot_dimension_numbers<[1], [0], [0], [1], [0, 0, 1, 1], [], []>, transpose_lhs_hint = false} : vector<200x16xf32>, vector<16x2048xf32>, vector<200x2048xf32> -> vector<200x2048xf32>
    %reshape3A_246 = vector.shape_cast %dot_general3A_245 : vector<200x2048xf32> to vector<200x16x128xf32>
    %mul3A_247 = arith.mulf %reshape3A_246, %reshape3A_235 : vector<200x16x128xf32>
    %add3A_248 = arith.addf %add3A_157, %mul3A_247 : vector<200x16x128xf32>
    %mul3A_249 = arith.mulf %mul3A_226, %sqrt3A_243 : vector<200x16xf32>
    %add3A_250 = arith.addf %add3A_159, %mul3A_249 : vector<200x16xf32>
    %get3A_251 = arith.constant 0 : index
    %get3A_252 = arith.constant 256 : index
    %get3A_253 = vector.load %arg4[%get3A_251, %get3A_252] : memref<200x512xf32, #tpu.memory_space<vmem>>, vector<200x128xf32>
    %mul3A_254 = arith.mulf %get3A_253, %get3A_253 : vector<200x128xf32>
    %dot_general3A_255 = arith.constant dense<0.000000e+00> : vector<200x16xf32>
    %dot_general3A_256 = tpu.matmul %mul3A_254, %broadcast_in_dim3A_61, %dot_general3A_255 {dimension_numbers = #tpu.dot_dimension_numbers<[1], [0], [0], [1], [0, 0, 1, 1], [], []>, transpose_lhs_hint = false} : vector<200x128xf32>, vector<128x16xf32>, vector<200x16xf32> -> vector<200x16xf32>
    %broadcast_in_dim3A_257 = vector.shape_cast %get3A_253 : vector<200x128xf32> to vector<200x1x128xf32>
    %mul3A_258 = vector.broadcast %broadcast_in_dim3A_257 : vector<200x1x128xf32> to vector<200x16x128xf32>
    %mul3A_259 = arith.mulf %reshape3A, %mul3A_258 : vector<200x16x128xf32>
    %reshape3A_260 = vector.shape_cast %mul3A_259 : vector<200x16x128xf32> to vector<200x2048xf32>
    %dot_general3A_261 = arith.constant dense<0.000000e+00> : vector<200x16xf32>
    %dot_general3A_262 = tpu.matmul %reshape3A_260, %convert_element_type3A_24, %dot_general3A_261 {dimension_numbers = #tpu.dot_dimension_numbers<[1], [0], [0], [1], [0, 0, 1, 1], [], []>, transpose_lhs_hint = false} : vector<200x2048xf32>, vector<2048x16xf32>, vector<200x16xf32> -> vector<200x16xf32>
    %mul3A_263 = arith.constant 2.000000e+00 : f32
    %mul3A_264 = vector.broadcast %mul3A_263 : f32 to vector<200x16xf32>
    %mul3A_265 = arith.mulf %mul3A_264, %dot_general3A_262 : vector<200x16xf32>
    %sub3A_266 = arith.constant 1.000000e+00 : f32
    %sub3A_267 = vector.broadcast %sub3A_266 : f32 to vector<200x16xf32>
    %sub3A_268 = arith.subf %sub3A_267, %mul3A_265 : vector<200x16xf32>
    %add3A_269 = arith.addf %sub3A_268, %dot_general3A_256 : vector<200x16xf32>
    %mul3A_270 = arith.constant 2.000000e+00 : f32
    %mul3A_271 = vector.broadcast %mul3A_270 : f32 to vector<200x16xf32>
    %mul3A_272 = arith.mulf %mul3A_271, %dot_general3A_262 : vector<200x16xf32>
    %sub3A_273 = arith.constant 1.000000e+00 : f32
    %sub3A_274 = vector.broadcast %sub3A_273 : f32 to vector<200x16xf32>
    %sub3A_275 = arith.subf %sub3A_274, %mul3A_272 : vector<200x16xf32>
    %mul3A_276 = arith.mulf %dot_general3A_68, %dot_general3A_256 : vector<200x16xf32>
    %add3A_277 = arith.addf %sub3A_275, %mul3A_276 : vector<200x16xf32>
    %jit3A_278 = arith.constant 1.000000e-15 : f32
    %max3A_279 = vector.broadcast %jit3A_278 : f32 to vector<200x16xf32>
    %max3A_280 = arith.maximumf %max3A_279, %add3A_277 : vector<200x16xf32>
    %mul3A_281 = arith.mulf %add3A_269, %add3A_269 : vector<200x16xf32>
    %mul3A_282 = arith.mulf %mul3A_281, %dot_general3A_68 : vector<200x16xf32>
    %mul3A_283 = arith.constant 2.000000e+00 : f32
    %mul3A_284 = vector.broadcast %mul3A_283 : f32 to vector<200x16xf32>
    %mul3A_285 = arith.mulf %mul3A_284, %add3A_269 : vector<200x16xf32>
    %mul3A_286 = arith.mulf %mul3A_285, %sub3A_71 : vector<200x16xf32>
    %mul3A_287 = arith.mulf %mul3A_286, %dot_general3A_262 : vector<200x16xf32>
    %sub3A_288 = arith.subf %mul3A_282, %mul3A_287 : vector<200x16xf32>
    %mul3A_289 = arith.mulf %sub3A_71, %sub3A_71 : vector<200x16xf32>
    %mul3A_290 = arith.mulf %mul3A_289, %dot_general3A_256 : vector<200x16xf32>
    %add3A_291 = arith.addf %sub3A_288, %mul3A_290 : vector<200x16xf32>
    %jit3A_292 = arith.constant 0.000000e+00 : f32
    %max3A_293 = vector.broadcast %jit3A_292 : f32 to vector<200x16xf32>
    %max3A_294 = arith.maximumf %max3A_293, %add3A_291 : vector<200x16xf32>
    %sqrt3A_295 = math.sqrt %max3A_294 : vector<200x16xf32>
    %div3A_296 = arith.divf %sqrt3A_295, %max3A_280 : vector<200x16xf32>
    %jit3A_297 = arith.constant 0.000000e+00 : f32
    %jit3A_298 = arith.constant 0.999989986 : f32
    %max3A_299 = vector.broadcast %jit3A_297 : f32 to vector<200x16xf32>
    %max3A_300 = arith.maximumf %max3A_299, %div3A_296 : vector<200x16xf32>
    %min3A_301 = vector.broadcast %jit3A_298 : f32 to vector<200x16xf32>
    %min3A_302 = arith.minimumf %min3A_301, %max3A_300 : vector<200x16xf32>
    %add3A_303 = arith.constant 1.000000e+00 : f32
    %add3A_304 = vector.broadcast %add3A_303 : f32 to vector<200x16xf32>
    %add3A_305 = arith.addf %add3A_304, %min3A_302 : vector<200x16xf32>
    %sub3A_306 = arith.constant 1.000000e+00 : f32
    %sub3A_307 = vector.broadcast %sub3A_306 : f32 to vector<200x16xf32>
    %sub3A_308 = arith.subf %sub3A_307, %min3A_302 : vector<200x16xf32>
    %div3A_309 = arith.divf %add3A_305, %sub3A_308 : vector<200x16xf32>
    %log3A_310 = math.log %div3A_309 : vector<200x16xf32>
    %sub3A_311 = arith.constant 1.000000e+00 : f32
    %sub3A_312 = vector.broadcast %sub3A_311 : f32 to vector<200x16xf32>
    %sub3A_313 = arith.subf %sub3A_312, %log3A_310 : vector<200x16xf32>
    %max3A_314 = arith.constant 0.000000e+00 : f32
    %max3A_315 = vector.broadcast %max3A_314 : f32 to vector<200x16xf32>
    %max3A_316 = arith.maximumf %sub3A_313, %max3A_315 : vector<200x16xf32>
    %mul3A_317 = arith.mulf %max3A_316, %get3A_66 : vector<200x16xf32>
    %get3A_318 = arith.constant 0 : index
    %get3A_319 = arith.constant 0 : index
    %get3A_320 = vector.load %arg3[%get3A_318, %get3A_319] : memref<3200x128xf32, #tpu.memory_space<vmem>>, vector<3200x128xf32>
    %bitcast_convert_type3A_321 = tpu.bitcast %get3A_320 : vector<3200x128xf32> -> vector<3200x128xi32>
    %shift_left3A_322 = arith.constant 16 : i32
    %shift_left3A_323 = vector.broadcast %shift_left3A_322 : i32 to vector<3200x128xi32>
    %shift_left3A_324 = arith.shli %bitcast_convert_type3A_321, %shift_left3A_323 : vector<3200x128xi32>
    %bitcast_convert_type3A_325 = tpu.bitcast %shift_left3A_324 : vector<3200x128xi32> -> vector<3200x128xf32>
    %reshape3A_326 = vector.shape_cast %bitcast_convert_type3A_325 : vector<3200x128xf32> to vector<200x16x128xf32>
    %mul3A_327 = arith.mulf %reshape3A_326, %reshape3A_326 : vector<200x16x128xf32>
    %reshape3A_328 = vector.shape_cast %mul3A_327 : vector<200x16x128xf32> to vector<200x2048xf32>
    %dot_general3A_329 = arith.constant dense<0.000000e+00> : vector<200x16xf32>
    %dot_general3A_330 = tpu.matmul %reshape3A_328, %convert_element_type3A_24, %dot_general3A_329 {dimension_numbers = #tpu.dot_dimension_numbers<[1], [0], [0], [1], [0, 0, 1, 1], [], []>, transpose_lhs_hint = false} : vector<200x2048xf32>, vector<2048x16xf32>, vector<200x16xf32> -> vector<200x16xf32>
    %add3A_331 = arith.constant 1.000000e+00 : f32
    %add3A_332 = vector.broadcast %add3A_331 : f32 to vector<200x16xf32>
    %add3A_333 = arith.addf %add3A_332, %dot_general3A_330 : vector<200x16xf32>
    %sqrt3A_334 = math.sqrt %add3A_333 : vector<200x16xf32>
    %dot_general3A_335 = arith.constant dense<0.000000e+00> : vector<200x2048xf32>
    %dot_general3A_336 = tpu.matmul %mul3A_317, %convert_element_type3A_60, %dot_general3A_335 {dimension_numbers = #tpu.dot_dimension_numbers<[1], [0], [0], [1], [0, 0, 1, 1], [], []>, transpose_lhs_hint = false} : vector<200x16xf32>, vector<16x2048xf32>, vector<200x2048xf32> -> vector<200x2048xf32>
    %reshape3A_337 = vector.shape_cast %dot_general3A_336 : vector<200x2048xf32> to vector<200x16x128xf32>
    %mul3A_338 = arith.mulf %reshape3A_337, %reshape3A_326 : vector<200x16x128xf32>
    %add3A_339 = arith.addf %add3A_248, %mul3A_338 : vector<200x16x128xf32>
    %mul3A_340 = arith.mulf %mul3A_317, %sqrt3A_334 : vector<200x16xf32>
    %add3A_341 = arith.addf %add3A_250, %mul3A_340 : vector<200x16xf32>
    %get3A_342 = arith.constant 0 : index
    %get3A_343 = arith.constant 384 : index
    %get3A_344 = vector.load %arg4[%get3A_342, %get3A_343] : memref<200x512xf32, #tpu.memory_space<vmem>>, vector<200x128xf32>
    %mul3A_345 = arith.mulf %get3A_344, %get3A_344 : vector<200x128xf32>
    %dot_general3A_346 = arith.constant dense<0.000000e+00> : vector<200x16xf32>
    %dot_general3A_347 = tpu.matmul %mul3A_345, %broadcast_in_dim3A_61, %dot_general3A_346 {dimension_numbers = #tpu.dot_dimension_numbers<[1], [0], [0], [1], [0, 0, 1, 1], [], []>, transpose_lhs_hint = false} : vector<200x128xf32>, vector<128x16xf32>, vector<200x16xf32> -> vector<200x16xf32>
    %broadcast_in_dim3A_348 = vector.shape_cast %get3A_344 : vector<200x128xf32> to vector<200x1x128xf32>
    %mul3A_349 = vector.broadcast %broadcast_in_dim3A_348 : vector<200x1x128xf32> to vector<200x16x128xf32>
    %mul3A_350 = arith.mulf %reshape3A, %mul3A_349 : vector<200x16x128xf32>
    %reshape3A_351 = vector.shape_cast %mul3A_350 : vector<200x16x128xf32> to vector<200x2048xf32>
    %dot_general3A_352 = arith.constant dense<0.000000e+00> : vector<200x16xf32>
    %dot_general3A_353 = tpu.matmul %reshape3A_351, %convert_element_type3A_24, %dot_general3A_352 {dimension_numbers = #tpu.dot_dimension_numbers<[1], [0], [0], [1], [0, 0, 1, 1], [], []>, transpose_lhs_hint = false} : vector<200x2048xf32>, vector<2048x16xf32>, vector<200x16xf32> -> vector<200x16xf32>
    %mul3A_354 = arith.constant 2.000000e+00 : f32
    %mul3A_355 = vector.broadcast %mul3A_354 : f32 to vector<200x16xf32>
    %mul3A_356 = arith.mulf %mul3A_355, %dot_general3A_353 : vector<200x16xf32>
    %sub3A_357 = arith.constant 1.000000e+00 : f32
    %sub3A_358 = vector.broadcast %sub3A_357 : f32 to vector<200x16xf32>
    %sub3A_359 = arith.subf %sub3A_358, %mul3A_356 : vector<200x16xf32>
    %add3A_360 = arith.addf %sub3A_359, %dot_general3A_347 : vector<200x16xf32>
    %mul3A_361 = arith.constant 2.000000e+00 : f32
    %mul3A_362 = vector.broadcast %mul3A_361 : f32 to vector<200x16xf32>
    %mul3A_363 = arith.mulf %mul3A_362, %dot_general3A_353 : vector<200x16xf32>
    %sub3A_364 = arith.constant 1.000000e+00 : f32
    %sub3A_365 = vector.broadcast %sub3A_364 : f32 to vector<200x16xf32>
    %sub3A_366 = arith.subf %sub3A_365, %mul3A_363 : vector<200x16xf32>
    %mul3A_367 = arith.mulf %dot_general3A_68, %dot_general3A_347 : vector<200x16xf32>
    %add3A_368 = arith.addf %sub3A_366, %mul3A_367 : vector<200x16xf32>
    %jit3A_369 = arith.constant 1.000000e-15 : f32
    %max3A_370 = vector.broadcast %jit3A_369 : f32 to vector<200x16xf32>
    %max3A_371 = arith.maximumf %max3A_370, %add3A_368 : vector<200x16xf32>
    %mul3A_372 = arith.mulf %add3A_360, %add3A_360 : vector<200x16xf32>
    %mul3A_373 = arith.mulf %mul3A_372, %dot_general3A_68 : vector<200x16xf32>
    %mul3A_374 = arith.constant 2.000000e+00 : f32
    %mul3A_375 = vector.broadcast %mul3A_374 : f32 to vector<200x16xf32>
    %mul3A_376 = arith.mulf %mul3A_375, %add3A_360 : vector<200x16xf32>
    %mul3A_377 = arith.mulf %mul3A_376, %sub3A_71 : vector<200x16xf32>
    %mul3A_378 = arith.mulf %mul3A_377, %dot_general3A_353 : vector<200x16xf32>
    %sub3A_379 = arith.subf %mul3A_373, %mul3A_378 : vector<200x16xf32>
    %mul3A_380 = arith.mulf %sub3A_71, %sub3A_71 : vector<200x16xf32>
    %mul3A_381 = arith.mulf %mul3A_380, %dot_general3A_347 : vector<200x16xf32>
    %add3A_382 = arith.addf %sub3A_379, %mul3A_381 : vector<200x16xf32>
    %jit3A_383 = arith.constant 0.000000e+00 : f32
    %max3A_384 = vector.broadcast %jit3A_383 : f32 to vector<200x16xf32>
    %max3A_385 = arith.maximumf %max3A_384, %add3A_382 : vector<200x16xf32>
    %sqrt3A_386 = math.sqrt %max3A_385 : vector<200x16xf32>
    %div3A_387 = arith.divf %sqrt3A_386, %max3A_371 : vector<200x16xf32>
    %jit3A_388 = arith.constant 0.000000e+00 : f32
    %jit3A_389 = arith.constant 0.999989986 : f32
    %max3A_390 = vector.broadcast %jit3A_388 : f32 to vector<200x16xf32>
    %max3A_391 = arith.maximumf %max3A_390, %div3A_387 : vector<200x16xf32>
    %min3A_392 = vector.broadcast %jit3A_389 : f32 to vector<200x16xf32>
    %min3A_393 = arith.minimumf %min3A_392, %max3A_391 : vector<200x16xf32>
    %add3A_394 = arith.constant 1.000000e+00 : f32
    %add3A_395 = vector.broadcast %add3A_394 : f32 to vector<200x16xf32>
    %add3A_396 = arith.addf %add3A_395, %min3A_393 : vector<200x16xf32>
    %sub3A_397 = arith.constant 1.000000e+00 : f32
    %sub3A_398 = vector.broadcast %sub3A_397 : f32 to vector<200x16xf32>
    %sub3A_399 = arith.subf %sub3A_398, %min3A_393 : vector<200x16xf32>
    %div3A_400 = arith.divf %add3A_396, %sub3A_399 : vector<200x16xf32>
    %log3A_401 = math.log %div3A_400 : vector<200x16xf32>
    %sub3A_402 = arith.constant 1.000000e+00 : f32
    %sub3A_403 = vector.broadcast %sub3A_402 : f32 to vector<200x16xf32>
    %sub3A_404 = arith.subf %sub3A_403, %log3A_401 : vector<200x16xf32>
    %max3A_405 = arith.constant 0.000000e+00 : f32
    %max3A_406 = vector.broadcast %max3A_405 : f32 to vector<200x16xf32>
    %max3A_407 = arith.maximumf %sub3A_404, %max3A_406 : vector<200x16xf32>
    %mul3A_408 = arith.mulf %max3A_407, %get3A_66 : vector<200x16xf32>
    %get3A_409 = arith.constant 0 : index
    %get3A_410 = arith.constant 0 : index
    %get3A_411 = vector.load %arg3[%get3A_409, %get3A_410] : memref<3200x128xf32, #tpu.memory_space<vmem>>, vector<3200x128xf32>
    %bitcast_convert_type3A_412 = tpu.bitcast %get3A_411 : vector<3200x128xf32> -> vector<3200x128xi32>
    %and3A_413 = arith.constant -65536 : i32
    %and3A_414 = vector.broadcast %and3A_413 : i32 to vector<3200x128xi32>
    %and3A_415 = arith.andi %bitcast_convert_type3A_412, %and3A_414 : vector<3200x128xi32>
    %bitcast_convert_type3A_416 = tpu.bitcast %and3A_415 : vector<3200x128xi32> -> vector<3200x128xf32>
    %reshape3A_417 = vector.shape_cast %bitcast_convert_type3A_416 : vector<3200x128xf32> to vector<200x16x128xf32>
    %mul3A_418 = arith.mulf %reshape3A_417, %reshape3A_417 : vector<200x16x128xf32>
    %reshape3A_419 = vector.shape_cast %mul3A_418 : vector<200x16x128xf32> to vector<200x2048xf32>
    %dot_general3A_420 = arith.constant dense<0.000000e+00> : vector<200x16xf32>
    %dot_general3A_421 = tpu.matmul %reshape3A_419, %convert_element_type3A_24, %dot_general3A_420 {dimension_numbers = #tpu.dot_dimension_numbers<[1], [0], [0], [1], [0, 0, 1, 1], [], []>, transpose_lhs_hint = false} : vector<200x2048xf32>, vector<2048x16xf32>, vector<200x16xf32> -> vector<200x16xf32>
    %add3A_422 = arith.constant 1.000000e+00 : f32
    %add3A_423 = vector.broadcast %add3A_422 : f32 to vector<200x16xf32>
    %add3A_424 = arith.addf %add3A_423, %dot_general3A_421 : vector<200x16xf32>
    %sqrt3A_425 = math.sqrt %add3A_424 : vector<200x16xf32>
    %dot_general3A_426 = arith.constant dense<0.000000e+00> : vector<200x2048xf32>
    %dot_general3A_427 = tpu.matmul %mul3A_408, %convert_element_type3A_60, %dot_general3A_426 {dimension_numbers = #tpu.dot_dimension_numbers<[1], [0], [0], [1], [0, 0, 1, 1], [], []>, transpose_lhs_hint = false} : vector<200x16xf32>, vector<16x2048xf32>, vector<200x2048xf32> -> vector<200x2048xf32>
    %reshape3A_428 = vector.shape_cast %dot_general3A_427 : vector<200x2048xf32> to vector<200x16x128xf32>
    %mul3A_429 = arith.mulf %reshape3A_428, %reshape3A_417 : vector<200x16x128xf32>
    %add3A_430 = arith.addf %add3A_339, %mul3A_429 : vector<200x16x128xf32>
    %mul3A_431 = arith.mulf %mul3A_408, %sqrt3A_425 : vector<200x16xf32>
    %add3A_432 = arith.addf %add3A_341, %mul3A_431 : vector<200x16xf32>
    %jit3A_433 = arith.constant 9.99999971E-10 : f32
    %max3A_434 = vector.broadcast %jit3A_433 : f32 to vector<200x16xf32>
    %max3A_435 = arith.maximumf %max3A_434, %add3A_432 : vector<200x16xf32>
    %mul3A_436 = arith.mulf %add3A_430, %add3A_430 : vector<200x16x128xf32>
    %reshape3A_437 = vector.shape_cast %mul3A_436 : vector<200x16x128xf32> to vector<200x2048xf32>
    %dot_general3A_438 = arith.constant dense<0.000000e+00> : vector<200x16xf32>
    %dot_general3A_439 = tpu.matmul %reshape3A_437, %convert_element_type3A_24, %dot_general3A_438 {dimension_numbers = #tpu.dot_dimension_numbers<[1], [0], [0], [1], [0, 0, 1, 1], [], []>, transpose_lhs_hint = false} : vector<200x2048xf32>, vector<2048x16xf32>, vector<200x16xf32> -> vector<200x16xf32>
    %mul3A_440 = arith.mulf %max3A_435, %max3A_435 : vector<200x16xf32>
    %div3A_441 = arith.divf %dot_general3A_439, %mul3A_440 : vector<200x16xf32>
    %sub3A_442 = arith.constant 1.000000e+00 : f32
    %sub3A_443 = vector.broadcast %sub3A_442 : f32 to vector<200x16xf32>
    %sub3A_444 = arith.subf %sub3A_443, %div3A_441 : vector<200x16xf32>
    %jit3A_445 = arith.constant 1.000000e-15 : f32
    %max3A_446 = vector.broadcast %jit3A_445 : f32 to vector<200x16xf32>
    %max3A_447 = arith.maximumf %max3A_446, %sub3A_444 : vector<200x16xf32>
    %sqrt3A_448 = math.sqrt %max3A_447 : vector<200x16xf32>
    %div3A_449 = arith.constant 1.000000e+00 : f32
    %div3A_450 = vector.broadcast %div3A_449 : f32 to vector<200x16xf32>
    %div3A_451 = arith.divf %div3A_450, %sqrt3A_448 : vector<200x16xf32>
    %mul3A_452 = arith.mulf %get3A_66, %div3A_451 : vector<200x16xf32>
    %div3A_453 = arith.divf %mul3A_452, %max3A_435 : vector<200x16xf32>
    %dot_general3A_454 = arith.constant dense<0.000000e+00> : vector<200x2048xf32>
    %dot_general3A_455 = tpu.matmul %div3A_453, %convert_element_type3A_60, %dot_general3A_454 {dimension_numbers = #tpu.dot_dimension_numbers<[1], [0], [0], [1], [0, 0, 1, 1], [], []>, transpose_lhs_hint = false} : vector<200x16xf32>, vector<16x2048xf32>, vector<200x2048xf32> -> vector<200x2048xf32>
    %reshape3A_456 = vector.shape_cast %dot_general3A_455 : vector<200x2048xf32> to vector<200x16x128xf32>
    %mul3A_457 = arith.mulf %reshape3A_456, %add3A_430 : vector<200x16x128xf32>
    %reduce_sum3A = arith.constant dense<0.000000e+00> : vector<200x128xf32>
    %reduce_sum3A_458 = vector.multi_reduction <add>, %mul3A_457, %reduce_sum3A [1] : vector<200x16x128xf32> to vector<200x128xf32>
    %reduce_sum3A_459 = arith.constant dense<0.000000e+00> : vector<200xf32>
    %reduce_sum3A_460 = vector.multi_reduction <add>, %mul3A_452, %reduce_sum3A_459 [1] : vector<200x16xf32> to vector<200xf32>
    %broadcast_in_dim3A_461 = vector.shape_cast %reduce_sum3A_460 : vector<200xf32> to vector<200x1xf32>
    %jit3A_462 = arith.constant 9.99999971E-10 : f32
    %max3A_463 = vector.broadcast %jit3A_462 : f32 to vector<200x1xf32>
    %max3A_464 = arith.maximumf %max3A_463, %broadcast_in_dim3A_461 : vector<200x1xf32>
    %div3A_465 = vector.broadcast %max3A_464 : vector<200x1xf32> to vector<200x128xf32>
    %div3A_466 = arith.divf %reduce_sum3A_458, %div3A_465 : vector<200x128xf32>
    %mul3A_467 = arith.mulf %div3A_466, %div3A_466 : vector<200x128xf32>
    %reduce_sum3A_468 = arith.constant dense<0.000000e+00> : vector<200xf32>
    %reduce_sum3A_469 = vector.multi_reduction <add>, %mul3A_467, %reduce_sum3A_468 [1] : vector<200x128xf32> to vector<200xf32>
    %broadcast_in_dim3A_470 = vector.shape_cast %reduce_sum3A_469 : vector<200xf32> to vector<200x1xf32>
    %sub3A_471 = arith.constant 1.000000e+00 : f32
    %sub3A_472 = vector.broadcast %sub3A_471 : f32 to vector<200x1xf32>
    %sub3A_473 = arith.subf %sub3A_472, %broadcast_in_dim3A_470 : vector<200x1xf32>
    %jit3A_474 = arith.constant 1.000000e-15 : f32
    %max3A_475 = vector.broadcast %jit3A_474 : f32 to vector<200x1xf32>
    %max3A_476 = arith.maximumf %max3A_475, %sub3A_473 : vector<200x1xf32>
    %sqrt3A_477 = math.sqrt %max3A_476 : vector<200x1xf32>
    %add3A_478 = arith.constant 1.000000e+00 : f32
    %add3A_479 = vector.broadcast %add3A_478 : f32 to vector<200x1xf32>
    %add3A_480 = arith.addf %add3A_479, %sqrt3A_477 : vector<200x1xf32>
    %div3A_481 = vector.broadcast %add3A_480 : vector<200x1xf32> to vector<200x128xf32>
    %div3A_482 = arith.divf %div3A_466, %div3A_481 : vector<200x128xf32>
    %mul3A_483 = arith.mulf %div3A_482, %div3A_482 : vector<200x128xf32>
    %reduce_sum3A_484 = arith.constant dense<0.000000e+00> : vector<200xf32>
    %reduce_sum3A_485 = vector.multi_reduction <add>, %mul3A_483, %reduce_sum3A_484 [1] : vector<200x128xf32> to vector<200xf32>
    %broadcast_in_dim3A_486 = vector.shape_cast %reduce_sum3A_485 : vector<200xf32> to vector<200x1xf32>
    %sqrt3A_487 = math.sqrt %broadcast_in_dim3A_486 : vector<200x1xf32>
    %jit3A_488 = arith.constant 1.000000e-15 : f32
    %max3A_489 = vector.broadcast %jit3A_488 : f32 to vector<200x1xf32>
    %max3A_490 = arith.maximumf %max3A_489, %sqrt3A_487 : vector<200x1xf32>
    %gt3A = arith.constant 0.999989986 : f32
    %gt3A_491 = vector.broadcast %gt3A : f32 to vector<200x1xf32>
    %gt3A_492 = arith.cmpf ogt, %max3A_490, %gt3A_491 : vector<200x1xf32>
    %div3A_493 = vector.broadcast %max3A_490 : vector<200x1xf32> to vector<200x128xf32>
    %div3A_494 = arith.divf %div3A_482, %div3A_493 : vector<200x128xf32>
    %mul3A_495 = arith.constant 0.999989986 : f32
    %mul3A_496 = vector.broadcast %mul3A_495 : f32 to vector<200x128xf32>
    %mul3A_497 = arith.mulf %div3A_494, %mul3A_496 : vector<200x128xf32>
    %broadcast_in_dim3A_498 = vector.shape_cast %gt3A_492 : vector<200x1xi1> to vector<200x1xi1>
    %broadcast_in_dim3A_499 = vector.broadcast %broadcast_in_dim3A_498 : vector<200x1xi1> to vector<200x128xi1>
    %select_n3A_500 = arith.select %broadcast_in_dim3A_499, %mul3A_497, %div3A_482 : vector<200x128xi1>, vector<200x128xf32>
    %mul3A_501 = arith.mulf %select_n3A_500, %select_n3A_500 : vector<200x128xf32>
    %reduce_sum3A_502 = arith.constant dense<0.000000e+00> : vector<200xf32>
    %reduce_sum3A_503 = vector.multi_reduction <add>, %mul3A_501, %reduce_sum3A_502 [1] : vector<200x128xf32> to vector<200xf32>
    %broadcast_in_dim3A_504 = vector.shape_cast %reduce_sum3A_503 : vector<200xf32> to vector<200x1xf32>
    %sqrt3A_505 = math.sqrt %broadcast_in_dim3A_504 : vector<200x1xf32>
    %jit3A_506 = arith.constant 1.000000e-15 : f32
    %max3A_507 = vector.broadcast %jit3A_506 : f32 to vector<200x1xf32>
    %max3A_508 = arith.maximumf %max3A_507, %sqrt3A_505 : vector<200x1xf32>
    %jit3A_509 = arith.constant -0.99999988 : f32
    %jit3A_510 = arith.constant 0.99999988 : f32
    %max3A_511 = vector.broadcast %jit3A_509 : f32 to vector<200x1xf32>
    %max3A_512 = arith.maximumf %max3A_511, %max3A_508 : vector<200x1xf32>
    %min3A_513 = vector.broadcast %jit3A_510 : f32 to vector<200x1xf32>
    %min3A_514 = arith.minimumf %min3A_513, %max3A_512 : vector<200x1xf32>
    %add3A_515 = arith.constant 1.000000e+00 : f32
    %add3A_516 = vector.broadcast %add3A_515 : f32 to vector<200x1xf32>
    %add3A_517 = arith.addf %add3A_516, %min3A_514 : vector<200x1xf32>
    %sub3A_518 = arith.constant 1.000000e+00 : f32
    %sub3A_519 = vector.broadcast %sub3A_518 : f32 to vector<200x1xf32>
    %sub3A_520 = arith.subf %sub3A_519, %min3A_514 : vector<200x1xf32>
    %div3A_521 = arith.divf %add3A_517, %sub3A_520 : vector<200x1xf32>
    %log3A_522 = math.log %div3A_521 : vector<200x1xf32>
    %mul3A_523 = arith.constant 5.000000e-01 : f32
    %mul3A_524 = vector.broadcast %mul3A_523 : f32 to vector<200x1xf32>
    %mul3A_525 = arith.mulf %mul3A_524, %log3A_522 : vector<200x1xf32>
    %mul3A_526 = vector.broadcast %mul3A_525 : vector<200x1xf32> to vector<200x128xf32>
    %mul3A_527 = arith.mulf %mul3A_526, %select_n3A_500 : vector<200x128xf32>
    %div3A_528 = vector.broadcast %max3A_508 : vector<200x1xf32> to vector<200x128xf32>
    %div3A_529 = arith.divf %mul3A_527, %div3A_528 : vector<200x128xf32>
    %max3A_530 = arith.constant 0.000000e+00 : f32
    %max3A_531 = vector.broadcast %max3A_530 : f32 to vector<200x128xf32>
    %max3A_532 = arith.maximumf %div3A_529, %max3A_531 : vector<200x128xf32>
    %mul3A_533 = arith.mulf %max3A_532, %max3A_532 : vector<200x128xf32>
    %reduce_sum3A_534 = arith.constant dense<0.000000e+00> : vector<200xf32>
    %reduce_sum3A_535 = vector.multi_reduction <add>, %mul3A_533, %reduce_sum3A_534 [1] : vector<200x128xf32> to vector<200xf32>
    %broadcast_in_dim3A_536 = vector.shape_cast %reduce_sum3A_535 : vector<200xf32> to vector<200x1xf32>
    %sqrt3A_537 = math.sqrt %broadcast_in_dim3A_536 : vector<200x1xf32>
    %jit3A_538 = arith.constant 1.000000e-15 : f32
    %max3A_539 = vector.broadcast %jit3A_538 : f32 to vector<200x1xf32>
    %max3A_540 = arith.maximumf %max3A_539, %sqrt3A_537 : vector<200x1xf32>
    %tanh3A = math.tanh %max3A_540 : vector<200x1xf32>
    %mul3A_541 = vector.broadcast %tanh3A : vector<200x1xf32> to vector<200x128xf32>
    %mul3A_542 = arith.mulf %mul3A_541, %max3A_532 : vector<200x128xf32>
    %div3A_543 = vector.broadcast %max3A_540 : vector<200x1xf32> to vector<200x128xf32>
    %div3A_544 = arith.divf %mul3A_542, %div3A_543 : vector<200x128xf32>
    %mul3A_545 = arith.mulf %div3A_544, %div3A_544 : vector<200x128xf32>
    %reduce_sum3A_546 = arith.constant dense<0.000000e+00> : vector<200xf32>
    %reduce_sum3A_547 = vector.multi_reduction <add>, %mul3A_545, %reduce_sum3A_546 [1] : vector<200x128xf32> to vector<200xf32>
    %broadcast_in_dim3A_548 = vector.shape_cast %reduce_sum3A_547 : vector<200xf32> to vector<200x1xf32>
    %sqrt3A_549 = math.sqrt %broadcast_in_dim3A_548 : vector<200x1xf32>
    %jit3A_550 = arith.constant 1.000000e-15 : f32
    %max3A_551 = vector.broadcast %jit3A_550 : f32 to vector<200x1xf32>
    %max3A_552 = arith.maximumf %max3A_551, %sqrt3A_549 : vector<200x1xf32>
    %gt3A_553 = arith.constant 0.999989986 : f32
    %gt3A_554 = vector.broadcast %gt3A_553 : f32 to vector<200x1xf32>
    %gt3A_555 = arith.cmpf ogt, %max3A_552, %gt3A_554 : vector<200x1xf32>
    %div3A_556 = vector.broadcast %max3A_552 : vector<200x1xf32> to vector<200x128xf32>
    %div3A_557 = arith.divf %div3A_544, %div3A_556 : vector<200x128xf32>
    %mul3A_558 = arith.constant 0.999989986 : f32
    %mul3A_559 = vector.broadcast %mul3A_558 : f32 to vector<200x128xf32>
    %mul3A_560 = arith.mulf %div3A_557, %mul3A_559 : vector<200x128xf32>
    %broadcast_in_dim3A_561 = vector.shape_cast %gt3A_555 : vector<200x1xi1> to vector<200x1xi1>
    %broadcast_in_dim3A_562 = vector.broadcast %broadcast_in_dim3A_561 : vector<200x1xi1> to vector<200x128xi1>
    %select_n3A_563 = arith.select %broadcast_in_dim3A_562, %mul3A_560, %div3A_544 : vector<200x128xi1>, vector<200x128xf32>
    %swap3A = arith.constant 0 : index
    %swap3A_564 = arith.constant 0 : index
    %swap3A_565 = vector.load %arg6[%swap3A, %swap3A_564] : memref<200x128xf32, #tpu.memory_space<vmem>>, vector<200x128xf32>
    tpu.vector_store %arg6[%swap3A, %swap3A_564], %select_n3A_563 {strides = array<i32>} : memref<200x128xf32, #tpu.memory_space<vmem>>, vector<200x128xf32>,
    return
  }
  func.func @transform_0(%arg0: i32) -> (i32, i32) {
    %c0_i32 = arith.constant 0 : i32
    %c0_i32_0 = arith.constant 0 : i32
    return %arg0, %c0_i32 : i32, i32
  }
  func.func @transform_1(%arg0: i32) -> (i32, i32) {
    %c0_i32 = arith.constant 0 : i32
    %c0_i32_0 = arith.constant 0 : i32
    return %arg0, %c0_i32 : i32, i32
  }
  func.func @transform_2(%arg0: i32) -> (i32, i32) {
    %c0_i32 = arith.constant 0 : i32
    %c0_i32_0 = arith.constant 0 : i32
    return %arg0, %c0_i32 : i32, i32
  }
  func.func @transform_3(%arg0: i32) -> (i32, i32) {
    %c0_i32 = arith.constant 0 : i32
    %c0_i32_0 = arith.constant 0 : i32
    return %arg0, %c0_i32 : i32, i32
  }
  func.func @transform_4(%arg0: i32) -> (i32, i32) {
    %c0_i32 = arith.constant 0 : i32
    %c0_i32_0 = arith.constant 0 : i32
    return %arg0, %c0_i32 : i32, i32
  }
  func.func @transform_5(%arg0: i32) -> (i32, i32) {
    %c0_i32 = arith.constant 0 : i32
    %c0_i32_0 = arith.constant 0 : i32
    return %arg0, %c0_i32 : i32, i32
  }
}

</mosaic_0001>

<sc_bundles>
// kernel: kernel.13.cloned.1.call-start
scs
__scs_entry_jumppad:
0x0: {  	(pc) =	sbr.rel $0x88, $3  }
0x1: {  	(tag) =	ssettag $0x0;
	lr =	simm.s32 $0x1  }
0x2: {  	[smem:$0x3F9B] =	sst lr;
	_ =	strace $0xD0000000  }
0x3: {  	_ = 	snop  }
0x4: {  	_ = 	snop  }
0x5: {  	_ = 	snop  }
0x6: {  	_ = 	snop  }
0x7: {  	_ = 	snop  }
__scs_overlays_trampoline_lowered:
0x8: {  	[smem:$0x3FAA] =	sst s0  }
0x9: {  	[smem:$0x3FAB] =	sst s1  }
0xa: {  	[smem:$0x3FAC] =	sst s2  }
0xb: {  	[smem:$0x3FAD] =	sst s3  }
0xc: {  	[smem:$0x3FAE] =	sst s4  }
0xd: {  	[smem:$0x3FAF] =	sst s5  }
0xe: {  	[smem:$0x3FB0] =	sst s6  }
0xf: {  	[smem:$0x3FB1] =	sst s7  }
0x10: {  	[smem:$0x3FB2] =	sst s8  }
0x11: {  	[smem:$0x3FB3] =	sst s9;
	s0 =	simm.s32 @!p0 $0x0  }
0x12: {  	s1 =	sld [smem:$0x3F99];
	s0 =	simm.s32 @p0 $0x1  }
0x13: {  	[smem:$0x3FB4] =	sst s0;
	s0 =	simm.s32 @!p1 $0x0  }
0x14: {  	s2 =	sld [smem:$0x3F98];
	s0 =	simm.s32 @p1 $0x1  }
0x15: {  	[smem:$0x3FB5] =	sst s0;
	s0 =	simm.s32 @!p2 $0x0  }
0x16: {  	s3 =	sld [smem:$0x3FDB];
	s0 =	simm.s32 @p2 $0x1  }
0x17: {  	s4 =	simm.s32 $0x1BF5;
	[smem:$0x3FB7] =	sst s0  }
0x18: {  	s0 =	sld [smem:$0x3F9A];
	_ =	swait.ge [sflag:s4], $0x0  }
0x19: {  	s7 =	sld [smem:$0x3F9B]  }
0x1a: {  	s8 =	sadd.s32 $0xFFFFE003, lr  }
0x1b: {  	s9 =	sadd.s32 $0xFFFFFEF7, lr;
	s5 =	simm.s32 $0xFFFFFFFF;
	p2 =	slt.u32 s8, $0xFFFFF086  }
0x1c: {  	p1 =	slt.u32 s9, $0xF7A;
	s5 =	simm.s32 @!p2 $0x0  }
0x1d: {  	s5 =	simm.s32 @p1 $0x1;
	p0 =	seq.s32 s7, s2  }
0x1e: {  	s7 =	smul.u32 @!p0 $0xF7A, s2;
	p2 =	seq.s32 @!p0 s5, $0x0  }
0x1f: {  	s9 =	smul.u32 $0xF7A, s1;
	s8 =	simm.s32 @!p0 $0x1BF5;
	p2 =	por !p2, p0  }
0x20: {  	[sflag:s8] =	ssyncset.s32 @!p0 $0xFFFFF086;
	s6 =	sadd.s32 @!p0 s3, s7;
	s7 =	simm.s32 @!p0 $0x108  }
0x21: {  	s3 =	sadd.s32 s3, s9;
	s6 =	sadd.s32 @!p0 $0x88, s6;
	s7 =	simm.s32 @p2 $0x1082  }
0x22: {  	[simem:s7], [sflag:s8] =	dma.local @!p0 [hbm:s6], $0xF7A  }
0x23: {  	s9 =	sor.u32 $0xD0000000, s2;
	s6 =	simm.s32 $0x108;
	_ =	swait.ge @!p0 [sflag:s8], $0x0  }
0x24: {  	s3 =	sadd.s32 $0x88, s3;
	s6 =	simm.s32 @!p1 $0x1082;
	[sflag:s4] =	ssyncset.s32 $0xFFFFF086  }
0x25: {  	[simem:s6], [sflag:s4] =	dma.local [hbm:s3], $0xF7A  }
0x26: {  	[smem:$0x3F9B] =	sst s1;
	(tag) =	ssettag s2;
	_ =	strace s9  }
0x27: {  	s1 =	sld [smem:$0x3FAB]  }
0x28: {  	s2 =	sld [smem:$0x3FAC]  }
0x29: {  	s4 =	sld [smem:$0x3FAE]  }
0x2a: {  	p0 =	seq.s32 s5, $0x0;
	s5 =	sld [smem:$0x3FAF]  }
0x2b: {  	s6 =	sld [smem:$0x3FB0]  }
0x2c: {  	s7 =	sld [smem:$0x3FB1]  }
0x2d: {  	s3 =	simm.s32 $0x108;
	s8 =	sld [smem:$0x3FB2]  }
0x2e: {  	s3 =	simm.s32 @!p0 $0x1082;
	s9 =	sld [smem:$0x3FB3]  }
0x2f: {  	lr =	sadd.s32 s0, s3;
	s0 =	sld [smem:$0x3FAA]  }
0x30: {  	s3 =	sld [smem:$0x3FAD]  }
0x31: {  	[smem:$0x3FB6] =	sst s10  }
0x32: {  	s10 =	sld [smem:$0x3FB4];
	_ =	sdelay $0x3  }
0x33: {  	p0 =	seq.s32 s10, $0x1;
	s10 =	sld [smem:$0x3FB6];
	_ =	sdelay $0x3  }
0x34: {  	[smem:$0x3FB6] =	sst s10  }
0x35: {  	s10 =	sld [smem:$0x3FB5];
	_ =	sdelay $0x3  }
0x36: {  	p1 =	seq.s32 s10, $0x1;
	s10 =	sld [smem:$0x3FB6];
	_ =	sdelay $0x3  }
0x37: {  	[smem:$0x3FB6] =	sst s10  }
0x38: {  	s10 =	sld [smem:$0x3FB7]  }
0x39: {  	_ = 	snop;
	(pc) =	sbr.ind lr, $3  }
0x3a: {  	_ = 	snop  }
0x3b: {  	_ = 	snop  }
0x3c: {  	p2 =	seq.s32 s10, $0x1;
	s10 =	sld [smem:$0x3FB6]  }
0x3d: {  	_ =	shalt  }
0x3e: {  	_ =	shalt  }
0x3f: {  	_ =	shalt  }
0x40: {  	_ =	shalt  }
0x41: {  	_ =	shalt  }
0x42: {  	_ =	shalt  }
0x43: {  	_ =	shalt  }
0x44: {  	_ =	shalt  }
0x45: {  	_ =	shalt  }
0x46: {  	_ =	shalt  }
0x47: {  	_ =	shalt  }
0x48: {  	_ =	shalt  }
0x49: {  	_ =	shalt  }
0x4a: {  	_ =	shalt  }
0x4b: {  	_ =	shalt  }
0x4c: {  	_ =	shalt  }
0x4d: {  	_ =	shalt  }
0x4e: {  	_ =	shalt  }
0x4f: {  	_ =	shalt  }
0x50: {  	_ =	shalt  }
0x51: {  	_ =	shalt  }
0x52: {  	_ =	shalt  }
0x53: {  	_ =	shalt  }
0x54: {  	_ =	shalt  }
0x55: {  	_ =	shalt  }
0x56: {  	_ =	shalt  }
0x57: {  	_ =	shalt  }
0x58: {  	_ =	shalt  }
0x59: {  	_ =	shalt  }
0x5a: {  	_ =	shalt  }
0x5b: {  	_ =	shalt  }
0x5c: {  	_ =	shalt  }
0x5d: {  	_ =	shalt  }
0x5e: {  	_ =	shalt  }
0x5f: {  	_ =	shalt  }
0x60: {  	_ =	shalt  }
0x61: {  	_ =	shalt  }
0x62: {  	_ =	shalt  }
0x63: {  	_ =	shalt  }
0x64: {  	_ =	shalt  }
0x65: {  	_ =	shalt  }
0x66: {  	_ =	shalt  }
0x67: {  	_ =	shalt  }
0x68: {  	_ =	shalt  }
0x69: {  	_ =	shalt  }
0x6a: {  	_ =	shalt  }
0x6b: {  	_ =	shalt  }
0x6c: {  	_ =	shalt  }
0x6d: {  	_ =	shalt  }
0x6e: {  	_ =	shalt  }
0x6f: {  	_ =	shalt  }
0x70: {  	_ =	shalt  }
0x71: {  	_ =	shalt  }
0x72: {  	_ =	shalt  }
0x73: {  	_ =	shalt  }
0x74: {  	_ =	shalt  }
0x75: {  	_ =	shalt  }
0x76: {  	_ =	shalt  }
0x77: {  	_ =	shalt  }
0x78: {  	_ =	shalt  }
0x79: {  	_ =	shalt  }
0x7a: {  	_ =	shalt  }
0x7b: {  	_ =	shalt  }
0x7c: {  	_ =	shalt  }
0x7d: {  	_ =	shalt  }
0x7e: {  	_ =	shalt  }
0x7f: {  	_ =	shalt  }
0x80: {  	_ =	shalt  }
0x81: {  	_ =	shalt  }
0x82: {  	_ =	shalt  }
0x83: {  	_ =	shalt  }
0x84: {  	_ =	shalt  }
0x85: {  	_ =	shalt  }
0x86: {  	_ =	shalt  }
0x87: {  	_ =	shalt  }
.Lfunc_end0:
.L_simem_size_0:
called_computation_lowered:
.L_overlay_start_0:
0x88: {  	s2 =	sld [smem:$0x3FD9]  }
0x89: {  	s3 =	sld [smem:$0x3FFE];
	_ =	sdelay $0x1  }
0x8a: {  	s1 =	srdreg.scid  }
0x8b: {  	s0 =	sand.u32 $0x1, s1  }
0x8c: {  	s17 =	sshll.u32 s0, $0xA;
	s2 =	sadd.s32 s3, s2  }
0x8d: {  	s2 =	sadd.s32 s2, s17  }
0x8e: {  	[smem:$0x3FC2] =	sst s2  }
0x8f: {  	_ = 	snop  }
0x90: {  	(tm) =	ssettm $0x1  }
0x91: {  	s18 =	sld [smem:$0x3FFB];
	_ =	sdelay $0x3  }
0x92: {  	_ =	strace s18  }
0x93: {  	s2 =	sld [smem:$0x3FFC];
	_ =	sdelay $0x3  }
0x94: {  	_ =	strace s2  }
0x95: {  	s2 =	sld [smem:$0x3FFD];
	_ =	sdelay $0x3  }
0x96: {  	_ =	strace s2  }
0x97: {  	_ =	strace $0x8FFFFFFF  }
0x98: {  	s19 =	sld [smem:$0x3FDB];
	_ =	sdelay $0x1  }
0x99: {  	s20 =	simm.s32 $_scs_section_size  }
0x9a: {  	s4 =	simm.s32 $_size__tile_overlayer_lowered;
	s5 =	simm.s32 $_tile_overlayer_lowered  }
0x9b: {  	s6 =	simm.s32 $0x1BFF;
	s21 =	sshll.u32 s5, $0x1;
	s3 =	sadd.s32 s20, s19  }
0x9c: {  	s22 =	simm.s32 $0x0;
	s4 =	sshll.u32 s4, $0x1;
	s5 =	sadd.s32 s21, s3  }
0x9d: {  	[timem:s22], [sflag:s6] =	dma.local [hbm:s5], s4  }
0x9e: {  	_ =	swait.ge [sflag:s6], s4  }
0x9f: {  	s4 =	ssub.s32 $0x0, s4;
	[sflag:s6] =	ssyncset.done $0x0  }
0xa0: {  	[sflag:s6] =	ssyncadd.s32 s4;
	_ =	sdelay $0x1  }
0xa1: {  	s23 =	simm.s32 $0x1B8B  }
0xa2: {  	_ =	swait.ge [sflag:s23], $0x1  }
0xa3: {  	[sflag:s23] =	ssyncset.done $0x0  }
0xa4: {  	[sflag:s23] =	ssyncadd.s32 $0xFFFFFFFF  }
0xa5: {  	s4 =	sld [smem:$0x0]  }
0xa6: {  	s5 =	sand.u32 $0xFFFFFFFE, s1  }
0xa7: {  	p0 =	sne.s32 s1, s5  }
0xa8: {  	s5 =	sshll.u32 @p0 s5, $0xE  }
0xa9: {  	s5 =	sadd.s32 @p0 $0x11B8D, s5;
	s6 =	sshll.u32 @p0 s4, $0x11  }
0xaa: {  	s5 =	sor.u32 @p0 s6, s5  }
0xab: {  	[sflag:s5] =	ssyncadd.remote.s32 @p0 $0x1;
	_ =	sdelay $0x1  }
0xac: {  	s5 =	simm.s32 @p0 $0x1B8D  }
0xad: {  	_ =	swait.eq @p0 [sflag:s5], $0x1  }
0xae: {  	[sflag:s5] =	ssyncadd.s32 @p0 $0xFFFFFFFF  }
0xaf: {  	s6 =	sshll.u32 @!p0 s1, $0xE  }
0xb0: {  	s6 =	sor.u32 @!p0 $0x4000, s6;
	s5 =	simm.s32 @!p0 $0x1B8D  }
0xb1: {  	s4 =	sshll.u32 @!p0 s4, $0x11;
	s6 =	sadd.s32 @!p0 $0x11B8D, s6;
	_ =	swait.eq @!p0 [sflag:s5], $0x1  }
0xb2: {  	s4 =	sor.u32 @!p0 s4, s6;
	[sflag:s5] =	ssyncadd.s32 @!p0 $0xFFFFFFFF  }
0xb3: {  	s25 =	simm.s32 $0x1B8E;
	s24 =	sld [smem:$0x3FFE];
	[sflag:s4] =	ssyncadd.remote.s32 @!p0 $0x1  }
0xb4: {  	s26 =	simm.s32 $execute0_lowered;
	[smem:$0x3FD2] =	sst s25  }
0xb5: {  	s5 =	sshll.u32 s26, $0x1;
	_ =	strace $0x8000004F;
	[dreg:$0x1] =	wrdreg $0xFFFFFFFF  }
0xb6: {  	s28 =	simm.s32 $_size_execute0_lowered;
	s3 =	sadd.s32 s3, s5;
	[dreg:$0x0] =	wrdreg $0x0  }
0xb7: {  	s5 =	sshll.u32 s28, $0x1;
	[dreg:$0x2] =	wrdreg s3  }
0xb8: {  	[dreg:$0x3] =	wrdreg s5  }
0xb9: {  	[dreg:$0x4] =	wrdreg $0xC0  }
0xba: {  	_ =	task [dreg:s22], $0x5FFFF  }
0xbb: {  	[dreg:$0x1] =	wrdreg $0xFFFFFFFF  }
0xbc: {  	[dreg:$0x0] =	wrdreg $0x60  }
0xbd: {  	[dreg:$0x2] =	wrdreg s24  }
0xbe: {  	[dreg:$0x3] =	wrdreg $0x9  }
0xbf: {  	_ =	task.clear_ibuf [dreg:s22], $0x4FFFF;
	_ =	strace $0x9000004F  }
0xc0: {  	s29 =	simm.s32 $0x9;
	_ =	strace $0x80000051  }
0xc1: {  	_ =	swait.ge [sflag:s29], $0x1  }
0xc2: {  	[sflag:s29] =	ssyncadd.s32 $0xFFFFFFFF  }
0xc3: {  	_ =	strace $0x90000051  }
0xc4: {  	_ =	sfence  }
0xc5: {  	s30 =	sld [smem:$0x0];
	_ =	sdelay $0x2  }
0xc6: {  	s31 =	sshll.u32 s1, $0xD;
	s1 =	sshrl.u32 s1, $0x2  }
0xc7: {  	s4 =	sand.u32 $0x4000, s31;
	s1 =	sadd.s32 s1, s30  }
0xc8: {  	s0 =	sor.u32 s4, s0;
	s1 =	sshll.u32 s1, $0x11  }
0xc9: {  	s0 =	sor.u32 s1, s0  }
0xca: {  	s0 =	sadd.s32 $0x8F2B, s0  }
0xcb: {  	[sflag:s0] =	ssyncadd.remote.s32 $0x1  }
0xcc: {  	_ =	sfence.sel $0xFFFF  }
0xcd: {  	[dreg:$0x0] =	wrdreg $0xFFFFFFFF;
	(pc) =	sbr.abs _section_cstart, $3  }
0xce: {  	[dreg:$0x1] =	wrdreg $0xFFFFFFFF  }
0xcf: {  	_ =	task.clear_ibuf [dreg:s22], $0x2FFFF;
	_ =	strace $0x9FFFFFFF  }
0xd0: {  	(tm) =	ssettm $0x7FFFFFFF  }
0xd1: {  	_ =	shalt  }
tec
execute0_lowered:
.L_overlay_start_1:
0x0: {  	(tag) =	ssettag $0x1  }
0x1: {  	s6 =	rddreg [dreg:$0x0]  }
0x2: {  	s2 =	simm.s32 $0x0;
	s1 =	stileid.u32;
	s3 =	srdreg.scid  }
0x3: {  	s13 =	simm.s32 $0x100;
	s14 =	simm.s32 $0x900;
	s15 =	simm.s32 $0xD00  }
0x4: {  	s16 =	simm.s32 $0x1500;
	s17 =	simm.s32 $0x1900;
	s18 =	simm.s32 $0x2100  }
0x5: {  	s19 =	simm.s32 $0x2500;
	s20 =	simm.s32 $0x2D00;
	s21 =	simm.s32 $0x3100  }
0x6: {  	s22 =	simm.s32 $0x3900;
	s23 =	simm.s32 $0x0;
	s7 =	smul.u32 $0x7D00, s1  }
0x7: {  	[smem:$0x7FF] =	sst s2;
	s5 =	sand.u32 $0x1, s3;
	s12 =	smul.u32 $0x7D0, s1  }
0x8: {  	s30 =	sshll.u32 s1, $0x1;
	s3 =	sadd.s32 $0x580800, s6;
	s10 =	smul.u32 $0x3E80, s5  }
0x9: {  	_ =	strace $0x80000050;
	s4 =	sor.u32 s5, s30;
	s31 =	smul.u32 $0x3E8, s5  }
0xa: {  	s9 =	ssub.s32 $0x2, s5;
	s8 =	smul.u32 $0x3E8, s4;
	s4 =	sadd.s32 $0xA6400, s6  }
.Ltmp0:
0xb: {  	s7 =	sadd.s32 s7, s6;
	s11 =	sshrl.u32 s9, $0x1;
	(pc) =	sbr.rel .LBB2_1-.Ltmp0, $4  }
0xc: {  	s6 =	sadd.s32 $0xA6500, s6;
	s9 =	ssub.s32 s9, s11;
	s10 =	sadd.s32 s10, s7  }
0xd: {  	v2 =	vlaneseq.u32;
	s11 =	sadd.s32 s31, s12;
	s12 =	simm.s32 $0x3;
	s8 =	sshrl.u32 s8, $0x3  }
0xe: {  	vm0 =	vmmov $0xffff;
	vm1 =	vmmov $0xff;
	v1 =	vshrl.u32 v2, $0x3;
	s7 =	sadd.s32 $0x581800, s10;
	s9 =	smax.u32 s9, $0x1;
	s11 =	sadd.s32 $0x28, s11  }
0xf: {  	v0 =	vand.u32 $0x7, v2;
	v2 =	vor.u32 $0x8, v2;
	v1 =	vmul.u32 $0x8, v1;
	s5 =	sadd.s32 s3, s8;
	s8 =	sadd.s32 $0x5FE800, s10;
	s10 =	sadd.s32 $0x67B800, s10  }
.LBB2_5:
0x10: {  	s23 =	sadd.s32 $0x1, s23  }
0x11: {  	p0 =	sne.s32 s23, s9  }
.Ltmp1:
0x12: {  	_ = 	snop;
	(pc) =	sbr.rel @!p0 .LBB2_6-.Ltmp1, $1  }
0x13: {  	_ =	sdelay $0x3  }
.LBB2_1:
0x14: {  	[tilespmem:s2], [sflag:$0x3] =	stream.linear.gather [hbm4b:s5+s2], $0x28, $0x38;
	[tilespmem:$0x7900] =	vst v63  }
0x15: {  	_ =	swait.ge [sflag:s12], $0x28  }
0x16: {  	[sflag:s12] =	ssyncset.done $0x0  }
0x17: {  	[sflag:s12] =	ssyncadd.s32 $0xFFFFFFD8  }
0x18: {  	v3 =	vld [tilespmem:$0x0];
	_ =	sdelay $0x4  }
0x19: {  	v4 =	vshrl.u32 v3, $0x3  }
0x1a: {  	v4 =	vmul.u32 $0x18, v4  }
0x1b: {  	v3 =	vand.u32 $0x7, v3  }
0x1c: {  	v3 =	vor.u32 v3, v4  }
0x1d: {  	v4 =	vperm.xlane v3, v0;
	_ =	sdelay $0x1  }
0x1e: {  	v4 =	vadd.s32 v1, v4;
	_ =	sdelay $0x1  }
0x1f: {  	v3 =	vperm.xlane v3, v2;
	_ =	sdelay $0x1  }
0x20: {  	v3 =	vadd.s32 v1, v3  }
0x21: {  	[tilespmem:s13], [sflag:$0x1] =	stream.indirect_vreg.gather [hbm4b:s4+s2], $0x80, v4, vm0, $0xb8;
	[tilespmem:$0x7900] =	vst v63  }
0x22: {  	_ = 	snop  }
0x23: {  	[tilespmem:s14], [sflag:$0x1] =	stream.indirect_vreg.gather [hbm4b:s6+s2], $0x80, v4, vm1, $0xb8;
	[tilespmem:$0x7900] =	vst v63  }
0x24: {  	_ = 	snop  }
0x25: {  	[tilespmem:s15], [sflag:$0x1] =	stream.indirect_vreg.gather [hbm4b:s4+s2], $0x80, v3, vm0, $0xb8;
	[tilespmem:$0x7900] =	vst v63  }
0x26: {  	_ = 	snop  }
0x27: {  	[tilespmem:s16], [sflag:$0x1] =	stream.indirect_vreg.gather [hbm4b:s6+s2], $0x80, v3, vm1, $0xb8;
	[tilespmem:$0x7900] =	vst v63  }
0x28: {  	v3 =	vld [tilespmem:$0x10];
	_ =	sdelay $0x4  }
0x29: {  	v62 =	vshrl.u32 v3, $0x3  }
0x2a: {  	v4 =	vmul.u32 $0x18, v62  }
0x2b: {  	v3 =	vand.u32 $0x7, v3  }
0x2c: {  	v3 =	vor.u32 v3, v4  }
0x2d: {  	v4 =	vperm.xlane v3, v0;
	_ =	sdelay $0x1  }
0x2e: {  	v4 =	vadd.s32 v1, v4;
	_ =	sdelay $0x1  }
0x2f: {  	v3 =	vperm.xlane v3, v2;
	_ =	sdelay $0x1  }
0x30: {  	v3 =	vadd.s32 v1, v3  }
0x31: {  	[tilespmem:s17], [sflag:$0x1] =	stream.indirect_vreg.gather [hbm4b:s4+s2], $0x80, v4, vm0, $0xb8;
	[tilespmem:$0x7900] =	vst v63  }
0x32: {  	_ = 	snop  }
0x33: {  	[tilespmem:s18], [sflag:$0x1] =	stream.indirect_vreg.gather [hbm4b:s6+s2], $0x80, v4, vm1, $0xb8;
	[tilespmem:$0x7900] =	vst v63  }
0x34: {  	_ = 	snop  }
0x35: {  	[tilespmem:s19], [sflag:$0x1] =	stream.indirect_vreg.gather [hbm4b:s4+s2], $0x80, v3, vm0, $0xb8;
	[tilespmem:$0x7900] =	vst v63  }
0x36: {  	_ = 	snop  }
0x37: {  	[tilespmem:s20], [sflag:$0x1] =	stream.indirect_vreg.gather [hbm4b:s6+s2], $0x80, v3, vm1, $0xb8;
	[tilespmem:$0x7900] =	vst v63  }
0x38: {  	v3 =	vld.msk [tilespmem:$0x20], $0xff;
	_ =	sdelay $0x4  }
0x39: {  	v63 =	vshrl.u32 v3, $0x3  }
0x3a: {  	v4 =	vmul.u32 $0x18, v63  }
0x3b: {  	v3 =	vand.u32 $0x7, v3  }
0x3c: {  	v3 =	vor.u32 v3, v4  }
0x3d: {  	v3 =	vperm.xlane v3, v0;
	_ =	sdelay $0x1  }
0x3e: {  	v3 =	vadd.s32 v1, v3;
	_ =	sdelay $0x2  }
.Ltmp2:
0x3f: {  	_ = 	snop;
	(pc) =	sbr.rel .LBB2_2-.Ltmp2, $4  }
0x40: {  	_ = 	snop  }
0x41: {  	[tilespmem:s21], [sflag:$0x1] =	stream.indirect_vreg.gather [hbm4b:s4+s2], $0x80, v3, vm0, $0xb8;
	[tilespmem:$0x7900] =	vst v63  }
0x42: {  	s24 =	smov.u32 s11;
	s25 =	simm.s32 $0x0;
	s26 =	simm.s32 $0x0  }
0x43: {  	[tilespmem:s22], [sflag:$0x1] =	stream.indirect_vreg.gather [hbm4b:s6+s2], $0x80, v3, vm1, $0xb8;
	[tilespmem:$0x7900] =	vst v63  }
.LBB2_4:
0x44: {  	s0 =	sadd.s32 $0x1, s28;
	s29 =	smul.u32 $0xF000, s28  }
0x45: {  	_ =	swait.ge [sflag:s0], $0x3C00  }
0x46: {  	[sflag:s0] =	ssyncset.done $0x0;
	s28 =	sshrl.u32 s29, $0x2  }
0x47: {  	s29 =	sadd.s32 s25, s7;
	[sflag:s0] =	ssyncadd.s32 $0xFFFFC400;
	s30 =	sor.u32 $0x100, s28  }
0x48: {  	[hbm4b:s29+s2] =	stream.linear.scatter [tilespmem:s30], [sflag:$0x3], $0x400, $0x38;
	[tilespmem:$0x7900] =	vst v63  }
0x49: {  	s31 =	sadd.s32 $0xD00, s28;
	s30 =	sadd.s32 $0x80, s29  }
0x4a: {  	[hbm4b:s30+s2] =	stream.linear.scatter [tilespmem:s31], [sflag:$0x3], $0x400, $0x38;
	[tilespmem:$0x7900] =	vst v63  }
0x4b: {  	s0 =	sadd.s32 $0x1900, s28;
	s31 =	sadd.s32 $0x100, s29  }
0x4c: {  	[hbm4b:s31+s2] =	stream.linear.scatter [tilespmem:s0], [sflag:$0x3], $0x400, $0x38;
	[tilespmem:$0x7900] =	vst v63  }
0x4d: {  	s0 =	sadd.s32 $0x2500, s28;
	s31 =	sadd.s32 $0x180, s29  }
0x4e: {  	[hbm4b:s31+s2] =	stream.linear.scatter [tilespmem:s0], [sflag:$0x3], $0x400, $0x38;
	[tilespmem:$0x7900] =	vst v63  }
0x4f: {  	s29 =	sadd.s32 $0x200, s29;
	s31 =	sadd.s32 $0x3100, s28  }
0x50: {  	[hbm4b:s29+s2] =	stream.linear.scatter [tilespmem:s31], [sflag:$0x3], $0x400, $0x38;
	[tilespmem:$0x7900] =	vst v63  }
0x51: {  	_ =	swait.ge [sflag:s12], $0x1400  }
0x52: {  	[sflag:s12] =	ssyncset.done $0x0  }
0x53: {  	s30 =	sadd.s32 $0x500, s28;
	s29 =	sadd.s32 s25, s8;
	[sflag:s12] =	ssyncadd.s32 $0xFFFFEC00  }
0x54: {  	[hbm4b:s29+s2] =	stream.linear.scatter [tilespmem:s30], [sflag:$0x3], $0x400, $0x38;
	[tilespmem:$0x7900] =	vst v63  }
0x55: {  	s0 =	sadd.s32 $0x1100, s28;
	s31 =	sadd.s32 $0x80, s29  }
0x56: {  	[hbm4b:s31+s2] =	stream.linear.scatter [tilespmem:s0], [sflag:$0x3], $0x400, $0x38;
	[tilespmem:$0x7900] =	vst v63  }
0x57: {  	s0 =	sadd.s32 $0x1D00, s28;
	s31 =	sadd.s32 $0x100, s29  }
0x58: {  	[hbm4b:s31+s2] =	stream.linear.scatter [tilespmem:s0], [sflag:$0x3], $0x400, $0x38;
	[tilespmem:$0x7900] =	vst v63  }
0x59: {  	s0 =	sadd.s32 $0x2900, s28;
	s31 =	sadd.s32 $0x180, s29  }
0x5a: {  	[hbm4b:s31+s2] =	stream.linear.scatter [tilespmem:s0], [sflag:$0x3], $0x400, $0x38;
	[tilespmem:$0x7900] =	vst v63  }
0x5b: {  	s29 =	sadd.s32 $0x200, s29;
	s31 =	sadd.s32 $0x3500, s28  }
0x5c: {  	[hbm4b:s29+s2] =	stream.linear.scatter [tilespmem:s31], [sflag:$0x3], $0x400, $0x38;
	[tilespmem:$0x7900] =	vst v63  }
0x5d: {  	_ =	swait.ge [sflag:s12], $0x1400  }
0x5e: {  	[sflag:s12] =	ssyncset.done $0x0  }
0x5f: {  	s30 =	sadd.s32 $0x900, s28;
	s29 =	sadd.s32 s25, s10;
	[sflag:s12] =	ssyncadd.s32 $0xFFFFEC00  }
0x60: {  	[hbm4b:s29+s2] =	stream.linear.scatter [tilespmem:s30], [sflag:$0x3], $0x400, $0x38;
	[tilespmem:$0x7900] =	vst v63  }
0x61: {  	s0 =	sadd.s32 $0x1500, s28;
	s31 =	sadd.s32 $0x80, s29  }
0x62: {  	[hbm4b:s31+s2] =	stream.linear.scatter [tilespmem:s0], [sflag:$0x3], $0x400, $0x38;
	[tilespmem:$0x7900] =	vst v63  }
0x63: {  	s25 =	sadd.s32 $0x280, s25;
	s0 =	sadd.s32 $0x2100, s28;
	s31 =	sadd.s32 $0x100, s29  }
0x64: {  	[hbm4b:s31+s2] =	stream.linear.scatter [tilespmem:s0], [sflag:$0x3], $0x400, $0x38;
	[tilespmem:$0x7900] =	vst v63  }
0x65: {  	p0 =	sne.s32 s25, $0x3E80;
	s0 =	sadd.s32 $0x2D00, s28;
	s31 =	sadd.s32 $0x180, s29  }
0x66: {  	[hbm4b:s31+s2] =	stream.linear.scatter [tilespmem:s0], [sflag:$0x3], $0x400, $0x38;
	[tilespmem:$0x7900] =	vst v63  }
.Ltmp3:
0x67: {  	s30 =	sadd.s32 $0x3900, s28;
	s31 =	sadd.s32 $0x200, s29;
	(pc) =	sbr.rel @!p0 .LBB2_5-.Ltmp3, $4  }
0x68: {  	[hbm4b:s31+s2] =	stream.linear.scatter [tilespmem:s30], [sflag:$0x3], $0x400, $0x38;
	[tilespmem:$0x7900] =	vst v63  }
0x69: {  	_ =	swait.ge [sflag:s12], $0x1400  }
0x6a: {  	[sflag:s12] =	ssyncset.done $0x0  }
0x6b: {  	s24 =	sadd.s32 $0x28, s24;
	s26 =	sadd.s32 $0x1, s26;
	[sflag:s12] =	ssyncadd.s32 $0xFFFFEC00  }
.LBB2_2:
0x6c: {  	p0 =	seq.s32 s25, $0x3C00  }
.Ltmp4:
0x6d: {  	_ = 	snop;
	(pc) =	sbr.rel @p0 .LBB2_4-.Ltmp4, $2  }
0x6e: {  	_ =	sdelay $0x2  }
0x6f: {  	s28 =	sand.u32 $0x1, s26  }
0x70: {  	s29 =	sxor.u32 $0x1, s28;
	s30 =	sshrl.u32 s24, $0x3  }
0x71: {  	s31 =	sshll.u32 s29, $0x7;
	s30 =	sadd.s32 s3, s30  }
0x72: {  	[tilespmem:s31], [sflag:$0x3] =	stream.linear.gather [hbm4b:s30+s2], $0x28, $0x38;
	[tilespmem:$0x7900] =	vst v63  }
0x73: {  	_ =	swait.ge [sflag:s12], $0x28  }
0x74: {  	[sflag:s12] =	ssyncset.done $0x0  }
0x75: {  	[sflag:s12] =	ssyncadd.s32 $0xFFFFFFD8  }
0x76: {  	v3 =	vld [tilespmem:s31+$0x0];
	_ =	sdelay $0x4  }
0x77: {  	v4 =	vshrl.u32 v3, $0x3  }
0x78: {  	v4 =	vmul.u32 $0x18, v4  }
0x79: {  	v3 =	vand.u32 $0x7, v3  }
0x7a: {  	v3 =	vor.u32 v3, v4  }
0x7b: {  	v4 =	vperm.xlane v3, v0;
	_ =	sdelay $0x1  }
0x7c: {  	v4 =	vadd.s32 v1, v4  }
0x7d: {  	s0 =	smul.u32 $0xF000, s29  }
0x7e: {  	v3 =	vperm.xlane v3, v2  }
0x7f: {  	s30 =	sshrl.u32 s0, $0x2  }
0x80: {  	s29 =	sadd.s32 $0x1, s29;
	s0 =	sor.u32 $0x100, s30;
	v3 =	vadd.s32 v1, v3  }
0x81: {  	[tilespmem:s0], [sflag:s29] =	stream.indirect_vreg.gather [hbm4b:s4+s2], $0x80, v4, vm0, $0xb8;
	[tilespmem:$0x7900] =	vst v63  }
0x82: {  	s0 =	sadd.s32 $0x900, s30  }
0x83: {  	[tilespmem:s0], [sflag:s29] =	stream.indirect_vreg.gather [hbm4b:s6+s2], $0x80, v4, vm1, $0xb8;
	[tilespmem:$0x7900] =	vst v63  }
0x84: {  	s0 =	sadd.s32 $0xD00, s30  }
0x85: {  	[tilespmem:s0], [sflag:s29] =	stream.indirect_vreg.gather [hbm4b:s4+s2], $0x80, v3, vm0, $0xb8;
	[tilespmem:$0x7900] =	vst v63  }
0x86: {  	s0 =	sadd.s32 $0x1500, s30  }
0x87: {  	[tilespmem:s0], [sflag:s29] =	stream.indirect_vreg.gather [hbm4b:s6+s2], $0x80, v3, vm1, $0xb8;
	[tilespmem:$0x7900] =	vst v63  }
0x88: {  	v3 =	vld [tilespmem:s31+$0x10];
	_ =	sdelay $0x4  }
0x89: {  	v62 =	vshrl.u32 v3, $0x3  }
0x8a: {  	v4 =	vmul.u32 $0x18, v62  }
0x8b: {  	v3 =	vand.u32 $0x7, v3  }
0x8c: {  	v3 =	vor.u32 v3, v4  }
0x8d: {  	v4 =	vperm.xlane v3, v0;
	_ =	sdelay $0x1  }
0x8e: {  	v4 =	vadd.s32 v1, v4;
	_ =	sdelay $0x1  }
0x8f: {  	v3 =	vperm.xlane v3, v2;
	_ =	sdelay $0x1  }
0x90: {  	s0 =	sadd.s32 $0x1900, s30;
	v3 =	vadd.s32 v1, v3  }
0x91: {  	[tilespmem:s0], [sflag:s29] =	stream.indirect_vreg.gather [hbm4b:s4+s2], $0x80, v4, vm0, $0xb8;
	[tilespmem:$0x7900] =	vst v63  }
0x92: {  	s0 =	sadd.s32 $0x2100, s30  }
0x93: {  	[tilespmem:s0], [sflag:s29] =	stream.indirect_vreg.gather [hbm4b:s6+s2], $0x80, v4, vm1, $0xb8;
	[tilespmem:$0x7900] =	vst v63  }
0x94: {  	s0 =	sadd.s32 $0x2500, s30  }
0x95: {  	[tilespmem:s0], [sflag:s29] =	stream.indirect_vreg.gather [hbm4b:s4+s2], $0x80, v3, vm0, $0xb8;
	[tilespmem:$0x7900] =	vst v63  }
0x96: {  	s31 =	sor.u32 $0x20, s31;
	s0 =	sadd.s32 $0x2D00, s30  }
0x97: {  	[tilespmem:s0], [sflag:s29] =	stream.indirect_vreg.gather [hbm4b:s6+s2], $0x80, v3, vm1, $0xb8;
	[tilespmem:$0x7900] =	vst v63  }
0x98: {  	v3 =	vld.msk [tilespmem:s31+$0x0], $0xff;
	_ =	sdelay $0x4  }
0x99: {  	v63 =	vshrl.u32 v3, $0x3  }
0x9a: {  	v4 =	vmul.u32 $0x18, v63  }
0x9b: {  	v3 =	vand.u32 $0x7, v3  }
0x9c: {  	v3 =	vor.u32 v3, v4  }
0x9d: {  	v3 =	vperm.xlane v3, v0;
	_ =	sdelay $0x1  }
0x9e: {  	v3 =	vadd.s32 v1, v3;
	_ =	sdelay $0x2  }
.Ltmp5:
0x9f: {  	_ = 	snop;
	(pc) =	sbr.rel .LBB2_4-.Ltmp5, $4  }
0xa0: {  	s31 =	sadd.s32 $0x3100, s30  }
0xa1: {  	[tilespmem:s31], [sflag:s29] =	stream.indirect_vreg.gather [hbm4b:s4+s2], $0x80, v3, vm0, $0xb8;
	[tilespmem:$0x7900] =	vst v63  }
0xa2: {  	s31 =	sadd.s32 $0x3900, s30  }
0xa3: {  	[tilespmem:s31], [sflag:s29] =	stream.indirect_vreg.gather [hbm4b:s6+s2], $0x80, v3, vm1, $0xb8;
	[tilespmem:$0x7900] =	vst v63  }
.LBB2_6:
0xa4: {  	_ =	sfence.sel $0x180000  }
0xa5: {  	[bflag:$0x0] =	sbarrier.arrive $0xFFFF  }
0xa6: {  	_ =	strace $0x90000050  }
0xa7: {  	[bflag:$0x2] =	sbarrier.arrive $0xFFFF  }
0xa8: {  	p0 =	sne.s32 s1, $0x0;
	s0 =	rddreg [dreg:$0x1]  }
0xa9: {  	s0 =	sadd.s32 @!p0 $0x100000, s0  }
0xaa: {  	[sflag:s0] =	ssyncadd.tile.s32 @!p0 $0x1;
	_ =	shalt  }
.Lfunc_end2:
_tile_overlayer_lowered:
.L_overlay_start_2:
0xab: {  	(tag) =	ssettag $0x2  }
0xac: {  	s0 =	rddreg [dreg:$0x0];
	s2 =	stileid.u32  }
0xad: {  	s1 =	rddreg [dreg:$0x1];
	p0 =	sne.s32 s2, $0x0  }
0xae: {  	s3 =	rddreg [dreg:$0x2];
	[bflag:$0x3] =	sbarrier.arrive $0xFFFF;
	s2 =	simm.s32 @!p0 $0x1C03  }
0xaf: {  	[timem:s3], [sflag:s2] =	dma.local @!p0 [hbm:s0], s1  }
0xb0: {  	s0 =	simm.s32 @!p0 $0x3  }
0xb1: {  	_ =	swait.ge @!p0 [sflag:s0], s1  }
0xb2: {  	s1 =	ssub.s32 @!p0 $0x0, s1;
	[sflag:s0] =	ssyncset.done @!p0 $0x0  }
0xb3: {  	[sflag:s0] =	ssyncadd.s32 @!p0 s1  }
0xb4: {  	[bflag:$0x3] =	sbarrier.arrive $0xFFFF  }
0xb5: {  	_ =	shalt  }

// kernel: kernel.16.cloned.1.call-start
scs
__scs_entry_jumppad:
0x0: {  	(pc) =	sbr.rel $0x88, $3  }
0x1: {  	(tag) =	ssettag $0x0;
	lr =	simm.s32 $0x1  }
0x2: {  	[smem:$0x3F9B] =	sst lr;
	_ =	strace $0xD0000000  }
0x3: {  	_ = 	snop  }
0x4: {  	_ = 	snop  }
0x5: {  	_ = 	snop  }
0x6: {  	_ = 	snop  }
0x7: {  	_ = 	snop  }
__scs_overlays_trampoline_lowered:
0x8: {  	[smem:$0x3FAA] =	sst s0  }
0x9: {  	[smem:$0x3FAB] =	sst s1  }
0xa: {  	[smem:$0x3FAC] =	sst s2  }
0xb: {  	[smem:$0x3FAD] =	sst s3  }
0xc: {  	[smem:$0x3FAE] =	sst s4  }
0xd: {  	[smem:$0x3FAF] =	sst s5  }
0xe: {  	[smem:$0x3FB0] =	sst s6  }
0xf: {  	[smem:$0x3FB1] =	sst s7  }
0x10: {  	[smem:$0x3FB2] =	sst s8  }
0x11: {  	[smem:$0x3FB3] =	sst s9;
	s0 =	simm.s32 @!p0 $0x0  }
0x12: {  	s1 =	sld [smem:$0x3F99];
	s0 =	simm.s32 @p0 $0x1  }
0x13: {  	[smem:$0x3FB4] =	sst s0;
	s0 =	simm.s32 @!p1 $0x0  }
0x14: {  	s2 =	sld [smem:$0x3F98];
	s0 =	simm.s32 @p1 $0x1  }
0x15: {  	[smem:$0x3FB5] =	sst s0;
	s0 =	simm.s32 @!p2 $0x0  }
0x16: {  	s3 =	sld [smem:$0x3FDB];
	s0 =	simm.s32 @p2 $0x1  }
0x17: {  	s4 =	simm.s32 $0x1BF5;
	[smem:$0x3FB7] =	sst s0  }
0x18: {  	s0 =	sld [smem:$0x3F9A];
	_ =	swait.ge [sflag:s4], $0x0  }
0x19: {  	s7 =	sld [smem:$0x3F9B]  }
0x1a: {  	s8 =	sadd.s32 $0xFFFFE003, lr  }
0x1b: {  	s9 =	sadd.s32 $0xFFFFFEF7, lr;
	s5 =	simm.s32 $0xFFFFFFFF;
	p2 =	slt.u32 s8, $0xFFFFF086  }
0x1c: {  	p1 =	slt.u32 s9, $0xF7A;
	s5 =	simm.s32 @!p2 $0x0  }
0x1d: {  	s5 =	simm.s32 @p1 $0x1;
	p0 =	seq.s32 s7, s2  }
0x1e: {  	s7 =	smul.u32 @!p0 $0xF7A, s2;
	p2 =	seq.s32 @!p0 s5, $0x0  }
0x1f: {  	s9 =	smul.u32 $0xF7A, s1;
	s8 =	simm.s32 @!p0 $0x1BF5;
	p2 =	por !p2, p0  }
0x20: {  	[sflag:s8] =	ssyncset.s32 @!p0 $0xFFFFF086;
	s6 =	sadd.s32 @!p0 s3, s7;
	s7 =	simm.s32 @!p0 $0x108  }
0x21: {  	s3 =	sadd.s32 s3, s9;
	s6 =	sadd.s32 @!p0 $0x88, s6;
	s7 =	simm.s32 @p2 $0x1082  }
0x22: {  	[simem:s7], [sflag:s8] =	dma.local @!p0 [hbm:s6], $0xF7A  }
0x23: {  	s9 =	sor.u32 $0xD0000000, s2;
	s6 =	simm.s32 $0x108;
	_ =	swait.ge @!p0 [sflag:s8], $0x0  }
0x24: {  	s3 =	sadd.s32 $0x88, s3;
	s6 =	simm.s32 @!p1 $0x1082;
	[sflag:s4] =	ssyncset.s32 $0xFFFFF086  }
0x25: {  	[simem:s6], [sflag:s4] =	dma.local [hbm:s3], $0xF7A  }
0x26: {  	[smem:$0x3F9B] =	sst s1;
	(tag) =	ssettag s2;
	_ =	strace s9  }
0x27: {  	s1 =	sld [smem:$0x3FAB]  }
0x28: {  	s2 =	sld [smem:$0x3FAC]  }
0x29: {  	s4 =	sld [smem:$0x3FAE]  }
0x2a: {  	p0 =	seq.s32 s5, $0x0;
	s5 =	sld [smem:$0x3FAF]  }
0x2b: {  	s6 =	sld [smem:$0x3FB0]  }
0x2c: {  	s7 =	sld [smem:$0x3FB1]  }
0x2d: {  	s3 =	simm.s32 $0x108;
	s8 =	sld [smem:$0x3FB2]  }
0x2e: {  	s3 =	simm.s32 @!p0 $0x1082;
	s9 =	sld [smem:$0x3FB3]  }
0x2f: {  	lr =	sadd.s32 s0, s3;
	s0 =	sld [smem:$0x3FAA]  }
0x30: {  	s3 =	sld [smem:$0x3FAD]  }
0x31: {  	[smem:$0x3FB6] =	sst s10  }
0x32: {  	s10 =	sld [smem:$0x3FB4];
	_ =	sdelay $0x3  }
0x33: {  	p0 =	seq.s32 s10, $0x1;
	s10 =	sld [smem:$0x3FB6];
	_ =	sdelay $0x3  }
0x34: {  	[smem:$0x3FB6] =	sst s10  }
0x35: {  	s10 =	sld [smem:$0x3FB5];
	_ =	sdelay $0x3  }
0x36: {  	p1 =	seq.s32 s10, $0x1;
	s10 =	sld [smem:$0x3FB6];
	_ =	sdelay $0x3  }
0x37: {  	[smem:$0x3FB6] =	sst s10  }
0x38: {  	s10 =	sld [smem:$0x3FB7]  }
0x39: {  	_ = 	snop;
	(pc) =	sbr.ind lr, $3  }
0x3a: {  	_ = 	snop  }
0x3b: {  	_ = 	snop  }
0x3c: {  	p2 =	seq.s32 s10, $0x1;
	s10 =	sld [smem:$0x3FB6]  }
0x3d: {  	_ =	shalt  }
0x3e: {  	_ =	shalt  }
0x3f: {  	_ =	shalt  }
0x40: {  	_ =	shalt  }
0x41: {  	_ =	shalt  }
0x42: {  	_ =	shalt  }
0x43: {  	_ =	shalt  }
0x44: {  	_ =	shalt  }
0x45: {  	_ =	shalt  }
0x46: {  	_ =	shalt  }
0x47: {  	_ =	shalt  }
0x48: {  	_ =	shalt  }
0x49: {  	_ =	shalt  }
0x4a: {  	_ =	shalt  }
0x4b: {  	_ =	shalt  }
0x4c: {  	_ =	shalt  }
0x4d: {  	_ =	shalt  }
0x4e: {  	_ =	shalt  }
0x4f: {  	_ =	shalt  }
0x50: {  	_ =	shalt  }
0x51: {  	_ =	shalt  }
0x52: {  	_ =	shalt  }
0x53: {  	_ =	shalt  }
0x54: {  	_ =	shalt  }
0x55: {  	_ =	shalt  }
0x56: {  	_ =	shalt  }
0x57: {  	_ =	shalt  }
0x58: {  	_ =	shalt  }
0x59: {  	_ =	shalt  }
0x5a: {  	_ =	shalt  }
0x5b: {  	_ =	shalt  }
0x5c: {  	_ =	shalt  }
0x5d: {  	_ =	shalt  }
0x5e: {  	_ =	shalt  }
0x5f: {  	_ =	shalt  }
0x60: {  	_ =	shalt  }
0x61: {  	_ =	shalt  }
0x62: {  	_ =	shalt  }
0x63: {  	_ =	shalt  }
0x64: {  	_ =	shalt  }
0x65: {  	_ =	shalt  }
0x66: {  	_ =	shalt  }
0x67: {  	_ =	shalt  }
0x68: {  	_ =	shalt  }
0x69: {  	_ =	shalt  }
0x6a: {  	_ =	shalt  }
0x6b: {  	_ =	shalt  }
0x6c: {  	_ =	shalt  }
0x6d: {  	_ =	shalt  }
0x6e: {  	_ =	shalt  }
0x6f: {  	_ =	shalt  }
0x70: {  	_ =	shalt  }
0x71: {  	_ =	shalt  }
0x72: {  	_ =	shalt  }
0x73: {  	_ =	shalt  }
0x74: {  	_ =	shalt  }
0x75: {  	_ =	shalt  }
0x76: {  	_ =	shalt  }
0x77: {  	_ =	shalt  }
0x78: {  	_ =	shalt  }
0x79: {  	_ =	shalt  }
0x7a: {  	_ =	shalt  }
0x7b: {  	_ =	shalt  }
0x7c: {  	_ =	shalt  }
0x7d: {  	_ =	shalt  }
0x7e: {  	_ =	shalt  }
0x7f: {  	_ =	shalt  }
0x80: {  	_ =	shalt  }
0x81: {  	_ =	shalt  }
0x82: {  	_ =	shalt  }
0x83: {  	_ =	shalt  }
0x84: {  	_ =	shalt  }
0x85: {  	_ =	shalt  }
0x86: {  	_ =	shalt  }
0x87: {  	_ =	shalt  }
.Lfunc_end0:
.L_simem_size_0:
called_computation.1_lowered:
.L_overlay_start_0:
0x88: {  	s2 =	sld [smem:$0x3FD9]  }
0x89: {  	s3 =	sld [smem:$0x3FFE];
	_ =	sdelay $0x1  }
0x8a: {  	s1 =	srdreg.scid  }
0x8b: {  	s0 =	sand.u32 $0x1, s1  }
0x8c: {  	s17 =	sshll.u32 s0, $0xA;
	s2 =	sadd.s32 s3, s2  }
0x8d: {  	s2 =	sadd.s32 s2, s17  }
0x8e: {  	[smem:$0x3FC2] =	sst s2  }
0x8f: {  	_ = 	snop  }
0x90: {  	(tm) =	ssettm $0x1  }
0x91: {  	s18 =	sld [smem:$0x3FFB];
	_ =	sdelay $0x3  }
0x92: {  	_ =	strace s18  }
0x93: {  	s2 =	sld [smem:$0x3FFC];
	_ =	sdelay $0x3  }
0x94: {  	_ =	strace s2  }
0x95: {  	s2 =	sld [smem:$0x3FFD];
	_ =	sdelay $0x3  }
0x96: {  	_ =	strace s2  }
0x97: {  	_ =	strace $0x8FFFFFFF  }
0x98: {  	s19 =	sld [smem:$0x3FDB];
	_ =	sdelay $0x1  }
0x99: {  	s20 =	simm.s32 $_scs_section_size  }
0x9a: {  	s4 =	simm.s32 $_size__tile_overlayer_lowered;
	s5 =	simm.s32 $_tile_overlayer_lowered  }
0x9b: {  	s6 =	simm.s32 $0x1BFF;
	s21 =	sshll.u32 s5, $0x1;
	s3 =	sadd.s32 s20, s19  }
0x9c: {  	s22 =	simm.s32 $0x0;
	s4 =	sshll.u32 s4, $0x1;
	s5 =	sadd.s32 s21, s3  }
0x9d: {  	[timem:s22], [sflag:s6] =	dma.local [hbm:s5], s4  }
0x9e: {  	_ =	swait.ge [sflag:s6], s4  }
0x9f: {  	s4 =	ssub.s32 $0x0, s4;
	[sflag:s6] =	ssyncset.done $0x0  }
0xa0: {  	[sflag:s6] =	ssyncadd.s32 s4;
	_ =	sdelay $0x1  }
0xa1: {  	s23 =	simm.s32 $0x1B8B  }
0xa2: {  	_ =	swait.ge [sflag:s23], $0x1  }
0xa3: {  	[sflag:s23] =	ssyncset.done $0x0  }
0xa4: {  	[sflag:s23] =	ssyncadd.s32 $0xFFFFFFFF  }
0xa5: {  	s4 =	sld [smem:$0x0]  }
0xa6: {  	s5 =	sand.u32 $0xFFFFFFFE, s1  }
0xa7: {  	p0 =	sne.s32 s1, s5  }
0xa8: {  	s5 =	sshll.u32 @p0 s5, $0xE  }
0xa9: {  	s5 =	sadd.s32 @p0 $0x11B8D, s5;
	s6 =	sshll.u32 @p0 s4, $0x11  }
0xaa: {  	s5 =	sor.u32 @p0 s6, s5  }
0xab: {  	[sflag:s5] =	ssyncadd.remote.s32 @p0 $0x1;
	_ =	sdelay $0x1  }
0xac: {  	s5 =	simm.s32 @p0 $0x1B8D  }
0xad: {  	_ =	swait.eq @p0 [sflag:s5], $0x1  }
0xae: {  	[sflag:s5] =	ssyncadd.s32 @p0 $0xFFFFFFFF  }
0xaf: {  	s6 =	sshll.u32 @!p0 s1, $0xE  }
0xb0: {  	s6 =	sor.u32 @!p0 $0x4000, s6;
	s5 =	simm.s32 @!p0 $0x1B8D  }
0xb1: {  	s4 =	sshll.u32 @!p0 s4, $0x11;
	s6 =	sadd.s32 @!p0 $0x11B8D, s6;
	_ =	swait.eq @!p0 [sflag:s5], $0x1  }
0xb2: {  	s4 =	sor.u32 @!p0 s4, s6;
	[sflag:s5] =	ssyncadd.s32 @!p0 $0xFFFFFFFF  }
0xb3: {  	s25 =	simm.s32 $0x1B8E;
	s24 =	sld [smem:$0x3FFE];
	[sflag:s4] =	ssyncadd.remote.s32 @!p0 $0x1  }
0xb4: {  	s26 =	simm.s32 $execute0_lowered;
	[smem:$0x3FD2] =	sst s25  }
0xb5: {  	s5 =	sshll.u32 s26, $0x1;
	_ =	strace $0x8000004C;
	[dreg:$0x1] =	wrdreg $0xFFFFFFFF  }
0xb6: {  	s28 =	simm.s32 $_size_execute0_lowered;
	s3 =	sadd.s32 s3, s5;
	[dreg:$0x0] =	wrdreg $0x0  }
0xb7: {  	s5 =	sshll.u32 s28, $0x1;
	[dreg:$0x2] =	wrdreg s3  }
0xb8: {  	[dreg:$0x3] =	wrdreg s5  }
0xb9: {  	[dreg:$0x4] =	wrdreg $0xC0  }
0xba: {  	_ =	task [dreg:s22], $0x5FFFF  }
0xbb: {  	[dreg:$0x1] =	wrdreg $0xFFFFFFFF  }
0xbc: {  	[dreg:$0x0] =	wrdreg $0x60  }
0xbd: {  	[dreg:$0x2] =	wrdreg s24  }
0xbe: {  	[dreg:$0x3] =	wrdreg $0xA  }
0xbf: {  	_ =	task.clear_ibuf [dreg:s22], $0x4FFFF;
	_ =	strace $0x9000004C  }
0xc0: {  	s29 =	simm.s32 $0xA;
	_ =	strace $0x8000004E  }
0xc1: {  	_ =	swait.ge [sflag:s29], $0x1  }
0xc2: {  	[sflag:s29] =	ssyncadd.s32 $0xFFFFFFFF  }
0xc3: {  	_ =	strace $0x9000004E  }
0xc4: {  	_ =	sfence  }
0xc5: {  	s30 =	sld [smem:$0x0];
	_ =	sdelay $0x2  }
0xc6: {  	s31 =	sshll.u32 s1, $0xD;
	s1 =	sshrl.u32 s1, $0x2  }
0xc7: {  	s4 =	sand.u32 $0x4000, s31;
	s1 =	sadd.s32 s1, s30  }
0xc8: {  	s0 =	sor.u32 s4, s0;
	s1 =	sshll.u32 s1, $0x11  }
0xc9: {  	s0 =	sor.u32 s1, s0  }
0xca: {  	s0 =	sadd.s32 $0x8F2B, s0  }
0xcb: {  	[sflag:s0] =	ssyncadd.remote.s32 $0x1  }
0xcc: {  	_ =	sfence.sel $0xFFFF  }
0xcd: {  	[dreg:$0x0] =	wrdreg $0xFFFFFFFF;
	(pc) =	sbr.abs _section_cstart, $3  }
0xce: {  	[dreg:$0x1] =	wrdreg $0xFFFFFFFF  }
0xcf: {  	_ =	task.clear_ibuf [dreg:s22], $0x2FFFF;
	_ =	strace $0x9FFFFFFF  }
0xd0: {  	(tm) =	ssettm $0x7FFFFFFF  }
0xd1: {  	_ =	shalt  }
tec
execute0_lowered:
.L_overlay_start_1:
0x0: {  	(tag) =	ssettag $0x1  }
0x1: {  	s6 =	rddreg [dreg:$0x0]  }
0x2: {  	s1 =	stileid.u32;
	s3 =	srdreg.scid;
	s2 =	simm.s32 $0x0  }
0x3: {  	s13 =	simm.s32 $0x100;
	s14 =	simm.s32 $0x900;
	s15 =	simm.s32 $0xD00  }
0x4: {  	s16 =	simm.s32 $0x1500;
	s17 =	simm.s32 $0x1900;
	s18 =	simm.s32 $0x2100  }
0x5: {  	s19 =	simm.s32 $0x2500;
	s20 =	simm.s32 $0x2D00;
	s21 =	simm.s32 $0x3100  }
0x6: {  	s22 =	simm.s32 $0x3900;
	s23 =	simm.s32 $0x0;
	s7 =	smul.u32 $0x7D00, s1  }
0x7: {  	s5 =	sand.u32 $0x1, s3;
	s30 =	sshll.u32 s1, $0x1;
	s12 =	smul.u32 $0x7D0, s1  }
0x8: {  	[smem:$0x7FF] =	sst s2;
	s3 =	sadd.s32 $0x8000, s6;
	s10 =	smul.u32 $0x3E80, s5  }
0x9: {  	s4 =	sor.u32 s5, s30;
	_ =	strace $0x8000004D;
	s31 =	smul.u32 $0x3E8, s5  }
0xa: {  	s9 =	ssub.s32 $0x2, s5;
	s8 =	smul.u32 $0x3E8, s4;
	s4 =	sadd.s32 $0xA6400, s6  }
.Ltmp0:
0xb: {  	s7 =	sadd.s32 s7, s6;
	s11 =	sshrl.u32 s9, $0x1;
	(pc) =	sbr.rel .LBB2_1-.Ltmp0, $4  }
0xc: {  	s6 =	sadd.s32 $0xA6500, s6;
	s9 =	ssub.s32 s9, s11;
	s10 =	sadd.s32 s10, s7  }
0xd: {  	v2 =	vlaneseq.u32;
	s11 =	sadd.s32 s31, s12;
	s12 =	simm.s32 $0x3;
	s8 =	sshrl.u32 s8, $0x3  }
0xe: {  	vm0 =	vmmov $0xffff;
	vm1 =	vmmov $0xff;
	v1 =	vshrl.u32 v2, $0x3;
	s7 =	sadd.s32 $0x409800, s10;
	s9 =	smax.u32 s9, $0x1;
	s11 =	sadd.s32 $0x28, s11  }
0xf: {  	v0 =	vand.u32 $0x7, v2;
	v2 =	vor.u32 $0x8, v2;
	v1 =	vmul.u32 $0x8, v1;
	s5 =	sadd.s32 s3, s8;
	s8 =	sadd.s32 $0x486800, s10;
	s10 =	sadd.s32 $0x503800, s10  }
.LBB2_5:
0x10: {  	s23 =	sadd.s32 $0x1, s23  }
0x11: {  	p0 =	sne.s32 s23, s9  }
.Ltmp1:
0x12: {  	_ = 	snop;
	(pc) =	sbr.rel @!p0 .LBB2_6-.Ltmp1, $1  }
0x13: {  	_ =	sdelay $0x3  }
.LBB2_1:
0x14: {  	[tilespmem:s2], [sflag:$0x3] =	stream.linear.gather [hbm4b:s5+s2], $0x28, $0x38;
	[tilespmem:$0x7900] =	vst v63  }
0x15: {  	_ =	swait.ge [sflag:s12], $0x28  }
0x16: {  	[sflag:s12] =	ssyncset.done $0x0  }
0x17: {  	[sflag:s12] =	ssyncadd.s32 $0xFFFFFFD8  }
0x18: {  	v3 =	vld [tilespmem:$0x0];
	_ =	sdelay $0x4  }
0x19: {  	v4 =	vshrl.u32 v3, $0x3  }
0x1a: {  	v4 =	vmul.u32 $0x18, v4  }
0x1b: {  	v3 =	vand.u32 $0x7, v3  }
0x1c: {  	v3 =	vor.u32 v3, v4  }
0x1d: {  	v4 =	vperm.xlane v3, v0;
	_ =	sdelay $0x1  }
0x1e: {  	v4 =	vadd.s32 v1, v4;
	_ =	sdelay $0x1  }
0x1f: {  	v3 =	vperm.xlane v3, v2;
	_ =	sdelay $0x1  }
0x20: {  	v3 =	vadd.s32 v1, v3  }
0x21: {  	[tilespmem:s13], [sflag:$0x1] =	stream.indirect_vreg.gather [hbm4b:s4+s2], $0x80, v4, vm0, $0xb8;
	[tilespmem:$0x7900] =	vst v63  }
0x22: {  	_ = 	snop  }
0x23: {  	[tilespmem:s14], [sflag:$0x1] =	stream.indirect_vreg.gather [hbm4b:s6+s2], $0x80, v4, vm1, $0xb8;
	[tilespmem:$0x7900] =	vst v63  }
0x24: {  	_ = 	snop  }
0x25: {  	[tilespmem:s15], [sflag:$0x1] =	stream.indirect_vreg.gather [hbm4b:s4+s2], $0x80, v3, vm0, $0xb8;
	[tilespmem:$0x7900] =	vst v63  }
0x26: {  	_ = 	snop  }
0x27: {  	[tilespmem:s16], [sflag:$0x1] =	stream.indirect_vreg.gather [hbm4b:s6+s2], $0x80, v3, vm1, $0xb8;
	[tilespmem:$0x7900] =	vst v63  }
0x28: {  	v3 =	vld [tilespmem:$0x10];
	_ =	sdelay $0x4  }
0x29: {  	v62 =	vshrl.u32 v3, $0x3  }
0x2a: {  	v4 =	vmul.u32 $0x18, v62  }
0x2b: {  	v3 =	vand.u32 $0x7, v3  }
0x2c: {  	v3 =	vor.u32 v3, v4  }
0x2d: {  	v4 =	vperm.xlane v3, v0;
	_ =	sdelay $0x1  }
0x2e: {  	v4 =	vadd.s32 v1, v4;
	_ =	sdelay $0x1  }
0x2f: {  	v3 =	vperm.xlane v3, v2;
	_ =	sdelay $0x1  }
0x30: {  	v3 =	vadd.s32 v1, v3  }
0x31: {  	[tilespmem:s17], [sflag:$0x1] =	stream.indirect_vreg.gather [hbm4b:s4+s2], $0x80, v4, vm0, $0xb8;
	[tilespmem:$0x7900] =	vst v63  }
0x32: {  	_ = 	snop  }
0x33: {  	[tilespmem:s18], [sflag:$0x1] =	stream.indirect_vreg.gather [hbm4b:s6+s2], $0x80, v4, vm1, $0xb8;
	[tilespmem:$0x7900] =	vst v63  }
0x34: {  	_ = 	snop  }
0x35: {  	[tilespmem:s19], [sflag:$0x1] =	stream.indirect_vreg.gather [hbm4b:s4+s2], $0x80, v3, vm0, $0xb8;
	[tilespmem:$0x7900] =	vst v63  }
0x36: {  	_ = 	snop  }
0x37: {  	[tilespmem:s20], [sflag:$0x1] =	stream.indirect_vreg.gather [hbm4b:s6+s2], $0x80, v3, vm1, $0xb8;
	[tilespmem:$0x7900] =	vst v63  }
0x38: {  	v3 =	vld.msk [tilespmem:$0x20], $0xff;
	_ =	sdelay $0x4  }
0x39: {  	v63 =	vshrl.u32 v3, $0x3  }
0x3a: {  	v4 =	vmul.u32 $0x18, v63  }
0x3b: {  	v3 =	vand.u32 $0x7, v3  }
0x3c: {  	v3 =	vor.u32 v3, v4  }
0x3d: {  	v3 =	vperm.xlane v3, v0;
	_ =	sdelay $0x1  }
0x3e: {  	v3 =	vadd.s32 v1, v3;
	_ =	sdelay $0x2  }
.Ltmp2:
0x3f: {  	_ = 	snop;
	(pc) =	sbr.rel .LBB2_2-.Ltmp2, $4  }
0x40: {  	_ = 	snop  }
0x41: {  	[tilespmem:s21], [sflag:$0x1] =	stream.indirect_vreg.gather [hbm4b:s4+s2], $0x80, v3, vm0, $0xb8;
	[tilespmem:$0x7900] =	vst v63  }
0x42: {  	s24 =	smov.u32 s11;
	s25 =	simm.s32 $0x0;
	s26 =	simm.s32 $0x0  }
0x43: {  	[tilespmem:s22], [sflag:$0x1] =	stream.indirect_vreg.gather [hbm4b:s6+s2], $0x80, v3, vm1, $0xb8;
	[tilespmem:$0x7900] =	vst v63  }
.LBB2_4:
0x44: {  	s0 =	sadd.s32 $0x1, s28;
	s29 =	smul.u32 $0xF000, s28  }
0x45: {  	_ =	swait.ge [sflag:s0], $0x3C00  }
0x46: {  	[sflag:s0] =	ssyncset.done $0x0;
	s28 =	sshrl.u32 s29, $0x2  }
0x47: {  	s29 =	sadd.s32 s25, s7;
	[sflag:s0] =	ssyncadd.s32 $0xFFFFC400;
	s30 =	sor.u32 $0x100, s28  }
0x48: {  	[hbm4b:s29+s2] =	stream.linear.scatter [tilespmem:s30], [sflag:$0x3], $0x400, $0x38;
	[tilespmem:$0x7900] =	vst v63  }
0x49: {  	s31 =	sadd.s32 $0xD00, s28;
	s30 =	sadd.s32 $0x80, s29  }
0x4a: {  	[hbm4b:s30+s2] =	stream.linear.scatter [tilespmem:s31], [sflag:$0x3], $0x400, $0x38;
	[tilespmem:$0x7900] =	vst v63  }
0x4b: {  	s0 =	sadd.s32 $0x1900, s28;
	s31 =	sadd.s32 $0x100, s29  }
0x4c: {  	[hbm4b:s31+s2] =	stream.linear.scatter [tilespmem:s0], [sflag:$0x3], $0x400, $0x38;
	[tilespmem:$0x7900] =	vst v63  }
0x4d: {  	s0 =	sadd.s32 $0x2500, s28;
	s31 =	sadd.s32 $0x180, s29  }
0x4e: {  	[hbm4b:s31+s2] =	stream.linear.scatter [tilespmem:s0], [sflag:$0x3], $0x400, $0x38;
	[tilespmem:$0x7900] =	vst v63  }
0x4f: {  	s29 =	sadd.s32 $0x200, s29;
	s31 =	sadd.s32 $0x3100, s28  }
0x50: {  	[hbm4b:s29+s2] =	stream.linear.scatter [tilespmem:s31], [sflag:$0x3], $0x400, $0x38;
	[tilespmem:$0x7900] =	vst v63  }
0x51: {  	_ =	swait.ge [sflag:s12], $0x1400  }
0x52: {  	[sflag:s12] =	ssyncset.done $0x0  }
0x53: {  	s30 =	sadd.s32 $0x500, s28;
	s29 =	sadd.s32 s25, s8;
	[sflag:s12] =	ssyncadd.s32 $0xFFFFEC00  }
0x54: {  	[hbm4b:s29+s2] =	stream.linear.scatter [tilespmem:s30], [sflag:$0x3], $0x400, $0x38;
	[tilespmem:$0x7900] =	vst v63  }
0x55: {  	s0 =	sadd.s32 $0x1100, s28;
	s31 =	sadd.s32 $0x80, s29  }
0x56: {  	[hbm4b:s31+s2] =	stream.linear.scatter [tilespmem:s0], [sflag:$0x3], $0x400, $0x38;
	[tilespmem:$0x7900] =	vst v63  }
0x57: {  	s0 =	sadd.s32 $0x1D00, s28;
	s31 =	sadd.s32 $0x100, s29  }
0x58: {  	[hbm4b:s31+s2] =	stream.linear.scatter [tilespmem:s0], [sflag:$0x3], $0x400, $0x38;
	[tilespmem:$0x7900] =	vst v63  }
0x59: {  	s0 =	sadd.s32 $0x2900, s28;
	s31 =	sadd.s32 $0x180, s29  }
0x5a: {  	[hbm4b:s31+s2] =	stream.linear.scatter [tilespmem:s0], [sflag:$0x3], $0x400, $0x38;
	[tilespmem:$0x7900] =	vst v63  }
0x5b: {  	s29 =	sadd.s32 $0x200, s29;
	s31 =	sadd.s32 $0x3500, s28  }
0x5c: {  	[hbm4b:s29+s2] =	stream.linear.scatter [tilespmem:s31], [sflag:$0x3], $0x400, $0x38;
	[tilespmem:$0x7900] =	vst v63  }
0x5d: {  	_ =	swait.ge [sflag:s12], $0x1400  }
0x5e: {  	[sflag:s12] =	ssyncset.done $0x0  }
0x5f: {  	s30 =	sadd.s32 $0x900, s28;
	s29 =	sadd.s32 s25, s10;
	[sflag:s12] =	ssyncadd.s32 $0xFFFFEC00  }
0x60: {  	[hbm4b:s29+s2] =	stream.linear.scatter [tilespmem:s30], [sflag:$0x3], $0x400, $0x38;
	[tilespmem:$0x7900] =	vst v63  }
0x61: {  	s0 =	sadd.s32 $0x1500, s28;
	s31 =	sadd.s32 $0x80, s29  }
0x62: {  	[hbm4b:s31+s2] =	stream.linear.scatter [tilespmem:s0], [sflag:$0x3], $0x400, $0x38;
	[tilespmem:$0x7900] =	vst v63  }
0x63: {  	s25 =	sadd.s32 $0x280, s25;
	s0 =	sadd.s32 $0x2100, s28;
	s31 =	sadd.s32 $0x100, s29  }
0x64: {  	[hbm4b:s31+s2] =	stream.linear.scatter [tilespmem:s0], [sflag:$0x3], $0x400, $0x38;
	[tilespmem:$0x7900] =	vst v63  }
0x65: {  	p0 =	sne.s32 s25, $0x3E80;
	s0 =	sadd.s32 $0x2D00, s28;
	s31 =	sadd.s32 $0x180, s29  }
0x66: {  	[hbm4b:s31+s2] =	stream.linear.scatter [tilespmem:s0], [sflag:$0x3], $0x400, $0x38;
	[tilespmem:$0x7900] =	vst v63  }
.Ltmp3:
0x67: {  	s30 =	sadd.s32 $0x3900, s28;
	s31 =	sadd.s32 $0x200, s29;
	(pc) =	sbr.rel @!p0 .LBB2_5-.Ltmp3, $4  }
0x68: {  	[hbm4b:s31+s2] =	stream.linear.scatter [tilespmem:s30], [sflag:$0x3], $0x400, $0x38;
	[tilespmem:$0x7900] =	vst v63  }
0x69: {  	_ =	swait.ge [sflag:s12], $0x1400  }
0x6a: {  	[sflag:s12] =	ssyncset.done $0x0  }
0x6b: {  	s24 =	sadd.s32 $0x28, s24;
	s26 =	sadd.s32 $0x1, s26;
	[sflag:s12] =	ssyncadd.s32 $0xFFFFEC00  }
.LBB2_2:
0x6c: {  	p0 =	seq.s32 s25, $0x3C00  }
.Ltmp4:
0x6d: {  	_ = 	snop;
	(pc) =	sbr.rel @p0 .LBB2_4-.Ltmp4, $2  }
0x6e: {  	_ =	sdelay $0x2  }
0x6f: {  	s28 =	sand.u32 $0x1, s26  }
0x70: {  	s29 =	sxor.u32 $0x1, s28;
	s30 =	sshrl.u32 s24, $0x3  }
0x71: {  	s31 =	sshll.u32 s29, $0x7;
	s30 =	sadd.s32 s3, s30  }
0x72: {  	[tilespmem:s31], [sflag:$0x3] =	stream.linear.gather [hbm4b:s30+s2], $0x28, $0x38;
	[tilespmem:$0x7900] =	vst v63  }
0x73: {  	_ =	swait.ge [sflag:s12], $0x28  }
0x74: {  	[sflag:s12] =	ssyncset.done $0x0  }
0x75: {  	[sflag:s12] =	ssyncadd.s32 $0xFFFFFFD8  }
0x76: {  	v3 =	vld [tilespmem:s31+$0x0];
	_ =	sdelay $0x4  }
0x77: {  	v4 =	vshrl.u32 v3, $0x3  }
0x78: {  	v4 =	vmul.u32 $0x18, v4  }
0x79: {  	v3 =	vand.u32 $0x7, v3  }
0x7a: {  	v3 =	vor.u32 v3, v4  }
0x7b: {  	v4 =	vperm.xlane v3, v0;
	_ =	sdelay $0x1  }
0x7c: {  	v4 =	vadd.s32 v1, v4  }
0x7d: {  	s0 =	smul.u32 $0xF000, s29  }
0x7e: {  	v3 =	vperm.xlane v3, v2  }
0x7f: {  	s30 =	sshrl.u32 s0, $0x2  }
0x80: {  	s29 =	sadd.s32 $0x1, s29;
	s0 =	sor.u32 $0x100, s30;
	v3 =	vadd.s32 v1, v3  }
0x81: {  	[tilespmem:s0], [sflag:s29] =	stream.indirect_vreg.gather [hbm4b:s4+s2], $0x80, v4, vm0, $0xb8;
	[tilespmem:$0x7900] =	vst v63  }
0x82: {  	s0 =	sadd.s32 $0x900, s30  }
0x83: {  	[tilespmem:s0], [sflag:s29] =	stream.indirect_vreg.gather [hbm4b:s6+s2], $0x80, v4, vm1, $0xb8;
	[tilespmem:$0x7900] =	vst v63  }
0x84: {  	s0 =	sadd.s32 $0xD00, s30  }
0x85: {  	[tilespmem:s0], [sflag:s29] =	stream.indirect_vreg.gather [hbm4b:s4+s2], $0x80, v3, vm0, $0xb8;
	[tilespmem:$0x7900] =	vst v63  }
0x86: {  	s0 =	sadd.s32 $0x1500, s30  }
0x87: {  	[tilespmem:s0], [sflag:s29] =	stream.indirect_vreg.gather [hbm4b:s6+s2], $0x80, v3, vm1, $0xb8;
	[tilespmem:$0x7900] =	vst v63  }
0x88: {  	v3 =	vld [tilespmem:s31+$0x10];
	_ =	sdelay $0x4  }
0x89: {  	v62 =	vshrl.u32 v3, $0x3  }
0x8a: {  	v4 =	vmul.u32 $0x18, v62  }
0x8b: {  	v3 =	vand.u32 $0x7, v3  }
0x8c: {  	v3 =	vor.u32 v3, v4  }
0x8d: {  	v4 =	vperm.xlane v3, v0;
	_ =	sdelay $0x1  }
0x8e: {  	v4 =	vadd.s32 v1, v4;
	_ =	sdelay $0x1  }
0x8f: {  	v3 =	vperm.xlane v3, v2;
	_ =	sdelay $0x1  }
0x90: {  	s0 =	sadd.s32 $0x1900, s30;
	v3 =	vadd.s32 v1, v3  }
0x91: {  	[tilespmem:s0], [sflag:s29] =	stream.indirect_vreg.gather [hbm4b:s4+s2], $0x80, v4, vm0, $0xb8;
	[tilespmem:$0x7900] =	vst v63  }
0x92: {  	s0 =	sadd.s32 $0x2100, s30  }
0x93: {  	[tilespmem:s0], [sflag:s29] =	stream.indirect_vreg.gather [hbm4b:s6+s2], $0x80, v4, vm1, $0xb8;
	[tilespmem:$0x7900] =	vst v63  }
0x94: {  	s0 =	sadd.s32 $0x2500, s30  }
0x95: {  	[tilespmem:s0], [sflag:s29] =	stream.indirect_vreg.gather [hbm4b:s4+s2], $0x80, v3, vm0, $0xb8;
	[tilespmem:$0x7900] =	vst v63  }
0x96: {  	s31 =	sor.u32 $0x20, s31;
	s0 =	sadd.s32 $0x2D00, s30  }
0x97: {  	[tilespmem:s0], [sflag:s29] =	stream.indirect_vreg.gather [hbm4b:s6+s2], $0x80, v3, vm1, $0xb8;
	[tilespmem:$0x7900] =	vst v63  }
0x98: {  	v3 =	vld.msk [tilespmem:s31+$0x0], $0xff;
	_ =	sdelay $0x4  }
0x99: {  	v63 =	vshrl.u32 v3, $0x3  }
0x9a: {  	v4 =	vmul.u32 $0x18, v63  }
0x9b: {  	v3 =	vand.u32 $0x7, v3  }
0x9c: {  	v3 =	vor.u32 v3, v4  }
0x9d: {  	v3 =	vperm.xlane v3, v0;
	_ =	sdelay $0x1  }
0x9e: {  	v3 =	vadd.s32 v1, v3;
	_ =	sdelay $0x2  }
.Ltmp5:
0x9f: {  	_ = 	snop;
	(pc) =	sbr.rel .LBB2_4-.Ltmp5, $4  }
0xa0: {  	s31 =	sadd.s32 $0x3100, s30  }
0xa1: {  	[tilespmem:s31], [sflag:s29] =	stream.indirect_vreg.gather [hbm4b:s4+s2], $0x80, v3, vm0, $0xb8;
	[tilespmem:$0x7900] =	vst v63  }
0xa2: {  	s31 =	sadd.s32 $0x3900, s30  }
0xa3: {  	[tilespmem:s31], [sflag:s29] =	stream.indirect_vreg.gather [hbm4b:s6+s2], $0x80, v3, vm1, $0xb8;
	[tilespmem:$0x7900] =	vst v63  }
.LBB2_6:
0xa4: {  	_ =	sfence.sel $0x180000  }
0xa5: {  	[bflag:$0x0] =	sbarrier.arrive $0xFFFF  }
0xa6: {  	_ =	strace $0x9000004D  }
0xa7: {  	[bflag:$0x2] =	sbarrier.arrive $0xFFFF  }
0xa8: {  	p0 =	sne.s32 s1, $0x0;
	s0 =	rddreg [dreg:$0x1]  }
0xa9: {  	s0 =	sadd.s32 @!p0 $0x100000, s0  }
0xaa: {  	[sflag:s0] =	ssyncadd.tile.s32 @!p0 $0x1;
	_ =	shalt  }
.Lfunc_end2:
_tile_overlayer_lowered:
.L_overlay_start_2:
0xab: {  	(tag) =	ssettag $0x2  }
0xac: {  	s0 =	rddreg [dreg:$0x0];
	s2 =	stileid.u32  }
0xad: {  	s1 =	rddreg [dreg:$0x1];
	p0 =	sne.s32 s2, $0x0  }
0xae: {  	s3 =	rddreg [dreg:$0x2];
	[bflag:$0x3] =	sbarrier.arrive $0xFFFF;
	s2 =	simm.s32 @!p0 $0x1C03  }
0xaf: {  	[timem:s3], [sflag:s2] =	dma.local @!p0 [hbm:s0], s1  }
0xb0: {  	s0 =	simm.s32 @!p0 $0x3  }
0xb1: {  	_ =	swait.ge @!p0 [sflag:s0], s1  }
0xb2: {  	s1 =	ssub.s32 @!p0 $0x0, s1;
	[sflag:s0] =	ssyncset.done @!p0 $0x0  }
0xb3: {  	[sflag:s0] =	ssyncadd.s32 @!p0 s1  }
0xb4: {  	[bflag:$0x3] =	sbarrier.arrive $0xFFFF  }
0xb5: {  	_ =	shalt  }

// kernel: kernel.19.cloned.1.call-start
scs
__scs_entry_jumppad:
0x0: {  	(pc) =	sbr.rel $0x88, $3  }
0x1: {  	(tag) =	ssettag $0x0;
	lr =	simm.s32 $0x1  }
0x2: {  	[smem:$0x3F9B] =	sst lr;
	_ =	strace $0xD0000000  }
0x3: {  	_ = 	snop  }
0x4: {  	_ = 	snop  }
0x5: {  	_ = 	snop  }
0x6: {  	_ = 	snop  }
0x7: {  	_ = 	snop  }
__scs_overlays_trampoline_lowered:
0x8: {  	[smem:$0x3FAA] =	sst s0  }
0x9: {  	[smem:$0x3FAB] =	sst s1  }
0xa: {  	[smem:$0x3FAC] =	sst s2  }
0xb: {  	[smem:$0x3FAD] =	sst s3  }
0xc: {  	[smem:$0x3FAE] =	sst s4  }
0xd: {  	[smem:$0x3FAF] =	sst s5  }
0xe: {  	[smem:$0x3FB0] =	sst s6  }
0xf: {  	[smem:$0x3FB1] =	sst s7  }
0x10: {  	[smem:$0x3FB2] =	sst s8  }
0x11: {  	[smem:$0x3FB3] =	sst s9;
	s0 =	simm.s32 @!p0 $0x0  }
0x12: {  	s1 =	sld [smem:$0x3F99];
	s0 =	simm.s32 @p0 $0x1  }
0x13: {  	[smem:$0x3FB4] =	sst s0;
	s0 =	simm.s32 @!p1 $0x0  }
0x14: {  	s2 =	sld [smem:$0x3F98];
	s0 =	simm.s32 @p1 $0x1  }
0x15: {  	[smem:$0x3FB5] =	sst s0;
	s0 =	simm.s32 @!p2 $0x0  }
0x16: {  	s3 =	sld [smem:$0x3FDB];
	s0 =	simm.s32 @p2 $0x1  }
0x17: {  	s4 =	simm.s32 $0x1BF5;
	[smem:$0x3FB7] =	sst s0  }
0x18: {  	s0 =	sld [smem:$0x3F9A];
	_ =	swait.ge [sflag:s4], $0x0  }
0x19: {  	s7 =	sld [smem:$0x3F9B]  }
0x1a: {  	s8 =	sadd.s32 $0xFFFFE003, lr  }
0x1b: {  	s9 =	sadd.s32 $0xFFFFFEF7, lr;
	s5 =	simm.s32 $0xFFFFFFFF;
	p2 =	slt.u32 s8, $0xFFFFF086  }
0x1c: {  	p1 =	slt.u32 s9, $0xF7A;
	s5 =	simm.s32 @!p2 $0x0  }
0x1d: {  	s5 =	simm.s32 @p1 $0x1;
	p0 =	seq.s32 s7, s2  }
0x1e: {  	s7 =	smul.u32 @!p0 $0xF7A, s2;
	p2 =	seq.s32 @!p0 s5, $0x0  }
0x1f: {  	s9 =	smul.u32 $0xF7A, s1;
	s8 =	simm.s32 @!p0 $0x1BF5;
	p2 =	por !p2, p0  }
0x20: {  	[sflag:s8] =	ssyncset.s32 @!p0 $0xFFFFF086;
	s6 =	sadd.s32 @!p0 s3, s7;
	s7 =	simm.s32 @!p0 $0x108  }
0x21: {  	s3 =	sadd.s32 s3, s9;
	s6 =	sadd.s32 @!p0 $0x88, s6;
	s7 =	simm.s32 @p2 $0x1082  }
0x22: {  	[simem:s7], [sflag:s8] =	dma.local @!p0 [hbm:s6], $0xF7A  }
0x23: {  	s9 =	sor.u32 $0xD0000000, s2;
	s6 =	simm.s32 $0x108;
	_ =	swait.ge @!p0 [sflag:s8], $0x0  }
0x24: {  	s3 =	sadd.s32 $0x88, s3;
	s6 =	simm.s32 @!p1 $0x1082;
	[sflag:s4] =	ssyncset.s32 $0xFFFFF086  }
0x25: {  	[simem:s6], [sflag:s4] =	dma.local [hbm:s3], $0xF7A  }
0x26: {  	[smem:$0x3F9B] =	sst s1;
	(tag) =	ssettag s2;
	_ =	strace s9  }
0x27: {  	s1 =	sld [smem:$0x3FAB]  }
0x28: {  	s2 =	sld [smem:$0x3FAC]  }
0x29: {  	s4 =	sld [smem:$0x3FAE]  }
0x2a: {  	p0 =	seq.s32 s5, $0x0;
	s5 =	sld [smem:$0x3FAF]  }
0x2b: {  	s6 =	sld [smem:$0x3FB0]  }
0x2c: {  	s7 =	sld [smem:$0x3FB1]  }
0x2d: {  	s3 =	simm.s32 $0x108;
	s8 =	sld [smem:$0x3FB2]  }
0x2e: {  	s3 =	simm.s32 @!p0 $0x1082;
	s9 =	sld [smem:$0x3FB3]  }
0x2f: {  	lr =	sadd.s32 s0, s3;
	s0 =	sld [smem:$0x3FAA]  }
0x30: {  	s3 =	sld [smem:$0x3FAD]  }
0x31: {  	[smem:$0x3FB6] =	sst s10  }
0x32: {  	s10 =	sld [smem:$0x3FB4];
	_ =	sdelay $0x3  }
0x33: {  	p0 =	seq.s32 s10, $0x1;
	s10 =	sld [smem:$0x3FB6];
	_ =	sdelay $0x3  }
0x34: {  	[smem:$0x3FB6] =	sst s10  }
0x35: {  	s10 =	sld [smem:$0x3FB5];
	_ =	sdelay $0x3  }
0x36: {  	p1 =	seq.s32 s10, $0x1;
	s10 =	sld [smem:$0x3FB6];
	_ =	sdelay $0x3  }
0x37: {  	[smem:$0x3FB6] =	sst s10  }
0x38: {  	s10 =	sld [smem:$0x3FB7]  }
0x39: {  	_ = 	snop;
	(pc) =	sbr.ind lr, $3  }
0x3a: {  	_ = 	snop  }
0x3b: {  	_ = 	snop  }
0x3c: {  	p2 =	seq.s32 s10, $0x1;
	s10 =	sld [smem:$0x3FB6]  }
0x3d: {  	_ =	shalt  }
0x3e: {  	_ =	shalt  }
0x3f: {  	_ =	shalt  }
0x40: {  	_ =	shalt  }
0x41: {  	_ =	shalt  }
0x42: {  	_ =	shalt  }
0x43: {  	_ =	shalt  }
0x44: {  	_ =	shalt  }
0x45: {  	_ =	shalt  }
0x46: {  	_ =	shalt  }
0x47: {  	_ =	shalt  }
0x48: {  	_ =	shalt  }
0x49: {  	_ =	shalt  }
0x4a: {  	_ =	shalt  }
0x4b: {  	_ =	shalt  }
0x4c: {  	_ =	shalt  }
0x4d: {  	_ =	shalt  }
0x4e: {  	_ =	shalt  }
0x4f: {  	_ =	shalt  }
0x50: {  	_ =	shalt  }
0x51: {  	_ =	shalt  }
0x52: {  	_ =	shalt  }
0x53: {  	_ =	shalt  }
0x54: {  	_ =	shalt  }
0x55: {  	_ =	shalt  }
0x56: {  	_ =	shalt  }
0x57: {  	_ =	shalt  }
0x58: {  	_ =	shalt  }
0x59: {  	_ =	shalt  }
0x5a: {  	_ =	shalt  }
0x5b: {  	_ =	shalt  }
0x5c: {  	_ =	shalt  }
0x5d: {  	_ =	shalt  }
0x5e: {  	_ =	shalt  }
0x5f: {  	_ =	shalt  }
0x60: {  	_ =	shalt  }
0x61: {  	_ =	shalt  }
0x62: {  	_ =	shalt  }
0x63: {  	_ =	shalt  }
0x64: {  	_ =	shalt  }
0x65: {  	_ =	shalt  }
0x66: {  	_ =	shalt  }
0x67: {  	_ =	shalt  }
0x68: {  	_ =	shalt  }
0x69: {  	_ =	shalt  }
0x6a: {  	_ =	shalt  }
0x6b: {  	_ =	shalt  }
0x6c: {  	_ =	shalt  }
0x6d: {  	_ =	shalt  }
0x6e: {  	_ =	shalt  }
0x6f: {  	_ =	shalt  }
0x70: {  	_ =	shalt  }
0x71: {  	_ =	shalt  }
0x72: {  	_ =	shalt  }
0x73: {  	_ =	shalt  }
0x74: {  	_ =	shalt  }
0x75: {  	_ =	shalt  }
0x76: {  	_ =	shalt  }
0x77: {  	_ =	shalt  }
0x78: {  	_ =	shalt  }
0x79: {  	_ =	shalt  }
0x7a: {  	_ =	shalt  }
0x7b: {  	_ =	shalt  }
0x7c: {  	_ =	shalt  }
0x7d: {  	_ =	shalt  }
0x7e: {  	_ =	shalt  }
0x7f: {  	_ =	shalt  }
0x80: {  	_ =	shalt  }
0x81: {  	_ =	shalt  }
0x82: {  	_ =	shalt  }
0x83: {  	_ =	shalt  }
0x84: {  	_ =	shalt  }
0x85: {  	_ =	shalt  }
0x86: {  	_ =	shalt  }
0x87: {  	_ =	shalt  }
.Lfunc_end0:
.L_simem_size_0:
called_computation.2_lowered:
.L_overlay_start_0:
0x88: {  	s2 =	sld [smem:$0x3FD9]  }
0x89: {  	s3 =	sld [smem:$0x3FFE];
	_ =	sdelay $0x1  }
0x8a: {  	s1 =	srdreg.scid  }
0x8b: {  	s0 =	sand.u32 $0x1, s1  }
0x8c: {  	s17 =	sshll.u32 s0, $0xA;
	s2 =	sadd.s32 s3, s2  }
0x8d: {  	s2 =	sadd.s32 s2, s17  }
0x8e: {  	[smem:$0x3FC2] =	sst s2  }
0x8f: {  	_ = 	snop  }
0x90: {  	(tm) =	ssettm $0x1  }
0x91: {  	s18 =	sld [smem:$0x3FFB];
	_ =	sdelay $0x3  }
0x92: {  	_ =	strace s18  }
0x93: {  	s2 =	sld [smem:$0x3FFC];
	_ =	sdelay $0x3  }
0x94: {  	_ =	strace s2  }
0x95: {  	s2 =	sld [smem:$0x3FFD];
	_ =	sdelay $0x3  }
0x96: {  	_ =	strace s2  }
0x97: {  	_ =	strace $0x8FFFFFFF  }
0x98: {  	s19 =	sld [smem:$0x3FDB];
	_ =	sdelay $0x1  }
0x99: {  	s20 =	simm.s32 $_scs_section_size  }
0x9a: {  	s4 =	simm.s32 $_size__tile_overlayer_lowered;
	s5 =	simm.s32 $_tile_overlayer_lowered  }
0x9b: {  	s6 =	simm.s32 $0x1BFF;
	s21 =	sshll.u32 s5, $0x1;
	s3 =	sadd.s32 s20, s19  }
0x9c: {  	s22 =	simm.s32 $0x0;
	s4 =	sshll.u32 s4, $0x1;
	s5 =	sadd.s32 s21, s3  }
0x9d: {  	[timem:s22], [sflag:s6] =	dma.local [hbm:s5], s4  }
0x9e: {  	_ =	swait.ge [sflag:s6], s4  }
0x9f: {  	s4 =	ssub.s32 $0x0, s4;
	[sflag:s6] =	ssyncset.done $0x0  }
0xa0: {  	[sflag:s6] =	ssyncadd.s32 s4;
	_ =	sdelay $0x1  }
0xa1: {  	s23 =	simm.s32 $0x1B8B  }
0xa2: {  	_ =	swait.ge [sflag:s23], $0x1  }
0xa3: {  	[sflag:s23] =	ssyncset.done $0x0  }
0xa4: {  	[sflag:s23] =	ssyncadd.s32 $0xFFFFFFFF  }
0xa5: {  	s4 =	sld [smem:$0x0]  }
0xa6: {  	s5 =	sand.u32 $0xFFFFFFFE, s1  }
0xa7: {  	p0 =	sne.s32 s1, s5  }
0xa8: {  	s5 =	sshll.u32 @p0 s5, $0xE  }
0xa9: {  	s5 =	sadd.s32 @p0 $0x11B8D, s5;
	s6 =	sshll.u32 @p0 s4, $0x11  }
0xaa: {  	s5 =	sor.u32 @p0 s6, s5  }
0xab: {  	[sflag:s5] =	ssyncadd.remote.s32 @p0 $0x1;
	_ =	sdelay $0x1  }
0xac: {  	s5 =	simm.s32 @p0 $0x1B8D  }
0xad: {  	_ =	swait.eq @p0 [sflag:s5], $0x1  }
0xae: {  	[sflag:s5] =	ssyncadd.s32 @p0 $0xFFFFFFFF  }
0xaf: {  	s6 =	sshll.u32 @!p0 s1, $0xE  }
0xb0: {  	s6 =	sor.u32 @!p0 $0x4000, s6;
	s5 =	simm.s32 @!p0 $0x1B8D  }
0xb1: {  	s4 =	sshll.u32 @!p0 s4, $0x11;
	s6 =	sadd.s32 @!p0 $0x11B8D, s6;
	_ =	swait.eq @!p0 [sflag:s5], $0x1  }
0xb2: {  	s4 =	sor.u32 @!p0 s4, s6;
	[sflag:s5] =	ssyncadd.s32 @!p0 $0xFFFFFFFF  }
0xb3: {  	s25 =	simm.s32 $0x1B8E;
	s24 =	sld [smem:$0x3FFE];
	[sflag:s4] =	ssyncadd.remote.s32 @!p0 $0x1  }
0xb4: {  	s26 =	simm.s32 $execute0_lowered;
	[smem:$0x3FD2] =	sst s25  }
0xb5: {  	s5 =	sshll.u32 s26, $0x1;
	_ =	strace $0x80000049;
	[dreg:$0x1] =	wrdreg $0xFFFFFFFF  }
0xb6: {  	s28 =	simm.s32 $_size_execute0_lowered;
	s3 =	sadd.s32 s3, s5;
	[dreg:$0x0] =	wrdreg $0x0  }
0xb7: {  	s5 =	sshll.u32 s28, $0x1;
	[dreg:$0x2] =	wrdreg s3  }
0xb8: {  	[dreg:$0x3] =	wrdreg s5  }
0xb9: {  	[dreg:$0x4] =	wrdreg $0xC0  }
0xba: {  	_ =	task [dreg:s22], $0x5FFFF  }
0xbb: {  	[dreg:$0x1] =	wrdreg $0xFFFFFFFF  }
0xbc: {  	[dreg:$0x0] =	wrdreg $0x60  }
0xbd: {  	[dreg:$0x2] =	wrdreg s24  }
0xbe: {  	[dreg:$0x3] =	wrdreg $0xB  }
0xbf: {  	_ =	task.clear_ibuf [dreg:s22], $0x4FFFF;
	_ =	strace $0x90000049  }
0xc0: {  	s29 =	simm.s32 $0xB;
	_ =	strace $0x8000004B  }
0xc1: {  	_ =	swait.ge [sflag:s29], $0x1  }
0xc2: {  	[sflag:s29] =	ssyncadd.s32 $0xFFFFFFFF  }
0xc3: {  	_ =	strace $0x9000004B  }
0xc4: {  	_ =	sfence  }
0xc5: {  	s30 =	sld [smem:$0x0];
	_ =	sdelay $0x2  }
0xc6: {  	s31 =	sshll.u32 s1, $0xD;
	s1 =	sshrl.u32 s1, $0x2  }
0xc7: {  	s4 =	sand.u32 $0x4000, s31;
	s1 =	sadd.s32 s1, s30  }
0xc8: {  	s0 =	sor.u32 s4, s0;
	s1 =	sshll.u32 s1, $0x11  }
0xc9: {  	s0 =	sor.u32 s1, s0  }
0xca: {  	s0 =	sadd.s32 $0x8F2B, s0  }
0xcb: {  	[sflag:s0] =	ssyncadd.remote.s32 $0x1  }
0xcc: {  	_ =	sfence.sel $0xFFFF  }
0xcd: {  	[dreg:$0x0] =	wrdreg $0xFFFFFFFF;
	(pc) =	sbr.abs _section_cstart, $3  }
0xce: {  	[dreg:$0x1] =	wrdreg $0xFFFFFFFF  }
0xcf: {  	_ =	task.clear_ibuf [dreg:s22], $0x2FFFF;
	_ =	strace $0x9FFFFFFF  }
0xd0: {  	(tm) =	ssettm $0x7FFFFFFF  }
0xd1: {  	_ =	shalt  }
tec
execute0_lowered:
.L_overlay_start_1:
0x0: {  	(tag) =	ssettag $0x1  }
0x1: {  	s6 =	rddreg [dreg:$0x0]  }
0x2: {  	s1 =	stileid.u32;
	s3 =	srdreg.scid;
	s2 =	simm.s32 $0x0  }
0x3: {  	s13 =	simm.s32 $0x100;
	s14 =	simm.s32 $0x900;
	s15 =	simm.s32 $0xD00  }
0x4: {  	s16 =	simm.s32 $0x1500;
	s17 =	simm.s32 $0x1900;
	s18 =	simm.s32 $0x2100  }
0x5: {  	s19 =	simm.s32 $0x2500;
	s20 =	simm.s32 $0x2D00;
	s21 =	simm.s32 $0x3100  }
0x6: {  	s22 =	simm.s32 $0x3900;
	s23 =	simm.s32 $0x0;
	s7 =	smul.u32 $0x7D00, s1  }
0x7: {  	s5 =	sand.u32 $0x1, s3;
	s30 =	sshll.u32 s1, $0x1;
	s12 =	smul.u32 $0x7D0, s1  }
0x8: {  	[smem:$0x7FF] =	sst s2;
	s3 =	sadd.s32 $0x7000, s6;
	s10 =	smul.u32 $0x3E80, s5  }
0x9: {  	s4 =	sor.u32 s5, s30;
	_ =	strace $0x8000004A;
	s31 =	smul.u32 $0x3E8, s5  }
0xa: {  	s9 =	ssub.s32 $0x2, s5;
	s8 =	smul.u32 $0x3E8, s4;
	s4 =	sadd.s32 $0xA6400, s6  }
.Ltmp0:
0xb: {  	s7 =	sadd.s32 s7, s6;
	s11 =	sshrl.u32 s9, $0x1;
	(pc) =	sbr.rel .LBB2_1-.Ltmp0, $4  }
0xc: {  	s6 =	sadd.s32 $0xA6500, s6;
	s9 =	ssub.s32 s9, s11;
	s10 =	sadd.s32 s10, s7  }
0xd: {  	v2 =	vlaneseq.u32;
	s11 =	sadd.s32 s31, s12;
	s12 =	simm.s32 $0x3;
	s8 =	sshrl.u32 s8, $0x3  }
0xe: {  	vm0 =	vmmov $0xffff;
	vm1 =	vmmov $0xff;
	v1 =	vshrl.u32 v2, $0x3;
	s7 =	sadd.s32 $0x292800, s10;
	s9 =	smax.u32 s9, $0x1;
	s11 =	sadd.s32 $0x28, s11  }
0xf: {  	v0 =	vand.u32 $0x7, v2;
	v2 =	vor.u32 $0x8, v2;
	v1 =	vmul.u32 $0x8, v1;
	s5 =	sadd.s32 s3, s8;
	s8 =	sadd.s32 $0x30F800, s10;
	s10 =	sadd.s32 $0x38C800, s10  }
.LBB2_5:
0x10: {  	s23 =	sadd.s32 $0x1, s23  }
0x11: {  	p0 =	sne.s32 s23, s9  }
.Ltmp1:
0x12: {  	_ = 	snop;
	(pc) =	sbr.rel @!p0 .LBB2_6-.Ltmp1, $1  }
0x13: {  	_ =	sdelay $0x3  }
.LBB2_1:
0x14: {  	[tilespmem:s2], [sflag:$0x3] =	stream.linear.gather [hbm4b:s5+s2], $0x28, $0x38;
	[tilespmem:$0x7900] =	vst v63  }
0x15: {  	_ =	swait.ge [sflag:s12], $0x28  }
0x16: {  	[sflag:s12] =	ssyncset.done $0x0  }
0x17: {  	[sflag:s12] =	ssyncadd.s32 $0xFFFFFFD8  }
0x18: {  	v3 =	vld [tilespmem:$0x0];
	_ =	sdelay $0x4  }
0x19: {  	v4 =	vshrl.u32 v3, $0x3  }
0x1a: {  	v4 =	vmul.u32 $0x18, v4  }
0x1b: {  	v3 =	vand.u32 $0x7, v3  }
0x1c: {  	v3 =	vor.u32 v3, v4  }
0x1d: {  	v4 =	vperm.xlane v3, v0;
	_ =	sdelay $0x1  }
0x1e: {  	v4 =	vadd.s32 v1, v4;
	_ =	sdelay $0x1  }
0x1f: {  	v3 =	vperm.xlane v3, v2;
	_ =	sdelay $0x1  }
0x20: {  	v3 =	vadd.s32 v1, v3  }
0x21: {  	[tilespmem:s13], [sflag:$0x1] =	stream.indirect_vreg.gather [hbm4b:s4+s2], $0x80, v4, vm0, $0xb8;
	[tilespmem:$0x7900] =	vst v63  }
0x22: {  	_ = 	snop  }
0x23: {  	[tilespmem:s14], [sflag:$0x1] =	stream.indirect_vreg.gather [hbm4b:s6+s2], $0x80, v4, vm1, $0xb8;
	[tilespmem:$0x7900] =	vst v63  }
0x24: {  	_ = 	snop  }
0x25: {  	[tilespmem:s15], [sflag:$0x1] =	stream.indirect_vreg.gather [hbm4b:s4+s2], $0x80, v3, vm0, $0xb8;
	[tilespmem:$0x7900] =	vst v63  }
0x26: {  	_ = 	snop  }
0x27: {  	[tilespmem:s16], [sflag:$0x1] =	stream.indirect_vreg.gather [hbm4b:s6+s2], $0x80, v3, vm1, $0xb8;
	[tilespmem:$0x7900] =	vst v63  }
0x28: {  	v3 =	vld [tilespmem:$0x10];
	_ =	sdelay $0x4  }
0x29: {  	v62 =	vshrl.u32 v3, $0x3  }
0x2a: {  	v4 =	vmul.u32 $0x18, v62  }
0x2b: {  	v3 =	vand.u32 $0x7, v3  }
0x2c: {  	v3 =	vor.u32 v3, v4  }
0x2d: {  	v4 =	vperm.xlane v3, v0;
	_ =	sdelay $0x1  }
0x2e: {  	v4 =	vadd.s32 v1, v4;
	_ =	sdelay $0x1  }
0x2f: {  	v3 =	vperm.xlane v3, v2;
	_ =	sdelay $0x1  }
0x30: {  	v3 =	vadd.s32 v1, v3  }
0x31: {  	[tilespmem:s17], [sflag:$0x1] =	stream.indirect_vreg.gather [hbm4b:s4+s2], $0x80, v4, vm0, $0xb8;
	[tilespmem:$0x7900] =	vst v63  }
0x32: {  	_ = 	snop  }
0x33: {  	[tilespmem:s18], [sflag:$0x1] =	stream.indirect_vreg.gather [hbm4b:s6+s2], $0x80, v4, vm1, $0xb8;
	[tilespmem:$0x7900] =	vst v63  }
0x34: {  	_ = 	snop  }
0x35: {  	[tilespmem:s19], [sflag:$0x1] =	stream.indirect_vreg.gather [hbm4b:s4+s2], $0x80, v3, vm0, $0xb8;
	[tilespmem:$0x7900] =	vst v63  }
0x36: {  	_ = 	snop  }
0x37: {  	[tilespmem:s20], [sflag:$0x1] =	stream.indirect_vreg.gather [hbm4b:s6+s2], $0x80, v3, vm1, $0xb8;
	[tilespmem:$0x7900] =	vst v63  }
0x38: {  	v3 =	vld.msk [tilespmem:$0x20], $0xff;
	_ =	sdelay $0x4  }
0x39: {  	v63 =	vshrl.u32 v3, $0x3  }
0x3a: {  	v4 =	vmul.u32 $0x18, v63  }
0x3b: {  	v3 =	vand.u32 $0x7, v3  }
0x3c: {  	v3 =	vor.u32 v3, v4  }
0x3d: {  	v3 =	vperm.xlane v3, v0;
	_ =	sdelay $0x1  }
0x3e: {  	v3 =	vadd.s32 v1, v3;
	_ =	sdelay $0x2  }
.Ltmp2:
0x3f: {  	_ = 	snop;
	(pc) =	sbr.rel .LBB2_2-.Ltmp2, $4  }
0x40: {  	_ = 	snop  }
0x41: {  	[tilespmem:s21], [sflag:$0x1] =	stream.indirect_vreg.gather [hbm4b:s4+s2], $0x80, v3, vm0, $0xb8;
	[tilespmem:$0x7900] =	vst v63  }
0x42: {  	s24 =	smov.u32 s11;
	s25 =	simm.s32 $0x0;
	s26 =	simm.s32 $0x0  }
0x43: {  	[tilespmem:s22], [sflag:$0x1] =	stream.indirect_vreg.gather [hbm4b:s6+s2], $0x80, v3, vm1, $0xb8;
	[tilespmem:$0x7900] =	vst v63  }
.LBB2_4:
0x44: {  	s0 =	sadd.s32 $0x1, s28;
	s29 =	smul.u32 $0xF000, s28  }
0x45: {  	_ =	swait.ge [sflag:s0], $0x3C00  }
0x46: {  	[sflag:s0] =	ssyncset.done $0x0;
	s28 =	sshrl.u32 s29, $0x2  }
0x47: {  	s29 =	sadd.s32 s25, s7;
	[sflag:s0] =	ssyncadd.s32 $0xFFFFC400;
	s30 =	sor.u32 $0x100, s28  }
0x48: {  	[hbm4b:s29+s2] =	stream.linear.scatter [tilespmem:s30], [sflag:$0x3], $0x400, $0x38;
	[tilespmem:$0x7900] =	vst v63  }
0x49: {  	s31 =	sadd.s32 $0xD00, s28;
	s30 =	sadd.s32 $0x80, s29  }
0x4a: {  	[hbm4b:s30+s2] =	stream.linear.scatter [tilespmem:s31], [sflag:$0x3], $0x400, $0x38;
	[tilespmem:$0x7900] =	vst v63  }
0x4b: {  	s0 =	sadd.s32 $0x1900, s28;
	s31 =	sadd.s32 $0x100, s29  }
0x4c: {  	[hbm4b:s31+s2] =	stream.linear.scatter [tilespmem:s0], [sflag:$0x3], $0x400, $0x38;
	[tilespmem:$0x7900] =	vst v63  }
0x4d: {  	s0 =	sadd.s32 $0x2500, s28;
	s31 =	sadd.s32 $0x180, s29  }
0x4e: {  	[hbm4b:s31+s2] =	stream.linear.scatter [tilespmem:s0], [sflag:$0x3], $0x400, $0x38;
	[tilespmem:$0x7900] =	vst v63  }
0x4f: {  	s29 =	sadd.s32 $0x200, s29;
	s31 =	sadd.s32 $0x3100, s28  }
0x50: {  	[hbm4b:s29+s2] =	stream.linear.scatter [tilespmem:s31], [sflag:$0x3], $0x400, $0x38;
	[tilespmem:$0x7900] =	vst v63  }
0x51: {  	_ =	swait.ge [sflag:s12], $0x1400  }
0x52: {  	[sflag:s12] =	ssyncset.done $0x0  }
0x53: {  	s30 =	sadd.s32 $0x500, s28;
	s29 =	sadd.s32 s25, s8;
	[sflag:s12] =	ssyncadd.s32 $0xFFFFEC00  }
0x54: {  	[hbm4b:s29+s2] =	stream.linear.scatter [tilespmem:s30], [sflag:$0x3], $0x400, $0x38;
	[tilespmem:$0x7900] =	vst v63  }
0x55: {  	s0 =	sadd.s32 $0x1100, s28;
	s31 =	sadd.s32 $0x80, s29  }
0x56: {  	[hbm4b:s31+s2] =	stream.linear.scatter [tilespmem:s0], [sflag:$0x3], $0x400, $0x38;
	[tilespmem:$0x7900] =	vst v63  }
0x57: {  	s0 =	sadd.s32 $0x1D00, s28;
	s31 =	sadd.s32 $0x100, s29  }
0x58: {  	[hbm4b:s31+s2] =	stream.linear.scatter [tilespmem:s0], [sflag:$0x3], $0x400, $0x38;
	[tilespmem:$0x7900] =	vst v63  }
0x59: {  	s0 =	sadd.s32 $0x2900, s28;
	s31 =	sadd.s32 $0x180, s29  }
0x5a: {  	[hbm4b:s31+s2] =	stream.linear.scatter [tilespmem:s0], [sflag:$0x3], $0x400, $0x38;
	[tilespmem:$0x7900] =	vst v63  }
0x5b: {  	s29 =	sadd.s32 $0x200, s29;
	s31 =	sadd.s32 $0x3500, s28  }
0x5c: {  	[hbm4b:s29+s2] =	stream.linear.scatter [tilespmem:s31], [sflag:$0x3], $0x400, $0x38;
	[tilespmem:$0x7900] =	vst v63  }
0x5d: {  	_ =	swait.ge [sflag:s12], $0x1400  }
0x5e: {  	[sflag:s12] =	ssyncset.done $0x0  }
0x5f: {  	s30 =	sadd.s32 $0x900, s28;
	s29 =	sadd.s32 s25, s10;
	[sflag:s12] =	ssyncadd.s32 $0xFFFFEC00  }
0x60: {  	[hbm4b:s29+s2] =	stream.linear.scatter [tilespmem:s30], [sflag:$0x3], $0x400, $0x38;
	[tilespmem:$0x7900] =	vst v63  }
0x61: {  	s0 =	sadd.s32 $0x1500, s28;
	s31 =	sadd.s32 $0x80, s29  }
0x62: {  	[hbm4b:s31+s2] =	stream.linear.scatter [tilespmem:s0], [sflag:$0x3], $0x400, $0x38;
	[tilespmem:$0x7900] =	vst v63  }
0x63: {  	s25 =	sadd.s32 $0x280, s25;
	s0 =	sadd.s32 $0x2100, s28;
	s31 =	sadd.s32 $0x100, s29  }
0x64: {  	[hbm4b:s31+s2] =	stream.linear.scatter [tilespmem:s0], [sflag:$0x3], $0x400, $0x38;
	[tilespmem:$0x7900] =	vst v63  }
0x65: {  	p0 =	sne.s32 s25, $0x3E80;
	s0 =	sadd.s32 $0x2D00, s28;
	s31 =	sadd.s32 $0x180, s29  }
0x66: {  	[hbm4b:s31+s2] =	stream.linear.scatter [tilespmem:s0], [sflag:$0x3], $0x400, $0x38;
	[tilespmem:$0x7900] =	vst v63  }
.Ltmp3:
0x67: {  	s30 =	sadd.s32 $0x3900, s28;
	s31 =	sadd.s32 $0x200, s29;
	(pc) =	sbr.rel @!p0 .LBB2_5-.Ltmp3, $4  }
0x68: {  	[hbm4b:s31+s2] =	stream.linear.scatter [tilespmem:s30], [sflag:$0x3], $0x400, $0x38;
	[tilespmem:$0x7900] =	vst v63  }
0x69: {  	_ =	swait.ge [sflag:s12], $0x1400  }
0x6a: {  	[sflag:s12] =	ssyncset.done $0x0  }
0x6b: {  	s24 =	sadd.s32 $0x28, s24;
	s26 =	sadd.s32 $0x1, s26;
	[sflag:s12] =	ssyncadd.s32 $0xFFFFEC00  }
.LBB2_2:
0x6c: {  	p0 =	seq.s32 s25, $0x3C00  }
.Ltmp4:
0x6d: {  	_ = 	snop;
	(pc) =	sbr.rel @p0 .LBB2_4-.Ltmp4, $2  }
0x6e: {  	_ =	sdelay $0x2  }
0x6f: {  	s28 =	sand.u32 $0x1, s26  }
0x70: {  	s29 =	sxor.u32 $0x1, s28;
	s30 =	sshrl.u32 s24, $0x3  }
0x71: {  	s31 =	sshll.u32 s29, $0x7;
	s30 =	sadd.s32 s3, s30  }
0x72: {  	[tilespmem:s31], [sflag:$0x3] =	stream.linear.gather [hbm4b:s30+s2], $0x28, $0x38;
	[tilespmem:$0x7900] =	vst v63  }
0x73: {  	_ =	swait.ge [sflag:s12], $0x28  }
0x74: {  	[sflag:s12] =	ssyncset.done $0x0  }
0x75: {  	[sflag:s12] =	ssyncadd.s32 $0xFFFFFFD8  }
0x76: {  	v3 =	vld [tilespmem:s31+$0x0];
	_ =	sdelay $0x4  }
0x77: {  	v4 =	vshrl.u32 v3, $0x3  }
0x78: {  	v4 =	vmul.u32 $0x18, v4  }
0x79: {  	v3 =	vand.u32 $0x7, v3  }
0x7a: {  	v3 =	vor.u32 v3, v4  }
0x7b: {  	v4 =	vperm.xlane v3, v0;
	_ =	sdelay $0x1  }
0x7c: {  	v4 =	vadd.s32 v1, v4  }
0x7d: {  	s0 =	smul.u32 $0xF000, s29  }
0x7e: {  	v3 =	vperm.xlane v3, v2  }
0x7f: {  	s30 =	sshrl.u32 s0, $0x2  }
0x80: {  	s29 =	sadd.s32 $0x1, s29;
	s0 =	sor.u32 $0x100, s30;
	v3 =	vadd.s32 v1, v3  }
0x81: {  	[tilespmem:s0], [sflag:s29] =	stream.indirect_vreg.gather [hbm4b:s4+s2], $0x80, v4, vm0, $0xb8;
	[tilespmem:$0x7900] =	vst v63  }
0x82: {  	s0 =	sadd.s32 $0x900, s30  }
0x83: {  	[tilespmem:s0], [sflag:s29] =	stream.indirect_vreg.gather [hbm4b:s6+s2], $0x80, v4, vm1, $0xb8;
	[tilespmem:$0x7900] =	vst v63  }
0x84: {  	s0 =	sadd.s32 $0xD00, s30  }
0x85: {  	[tilespmem:s0], [sflag:s29] =	stream.indirect_vreg.gather [hbm4b:s4+s2], $0x80, v3, vm0, $0xb8;
	[tilespmem:$0x7900] =	vst v63  }
0x86: {  	s0 =	sadd.s32 $0x1500, s30  }
0x87: {  	[tilespmem:s0], [sflag:s29] =	stream.indirect_vreg.gather [hbm4b:s6+s2], $0x80, v3, vm1, $0xb8;
	[tilespmem:$0x7900] =	vst v63  }
0x88: {  	v3 =	vld [tilespmem:s31+$0x10];
	_ =	sdelay $0x4  }
0x89: {  	v62 =	vshrl.u32 v3, $0x3  }
0x8a: {  	v4 =	vmul.u32 $0x18, v62  }
0x8b: {  	v3 =	vand.u32 $0x7, v3  }
0x8c: {  	v3 =	vor.u32 v3, v4  }
0x8d: {  	v4 =	vperm.xlane v3, v0;
	_ =	sdelay $0x1  }
0x8e: {  	v4 =	vadd.s32 v1, v4;
	_ =	sdelay $0x1  }
0x8f: {  	v3 =	vperm.xlane v3, v2;
	_ =	sdelay $0x1  }
0x90: {  	s0 =	sadd.s32 $0x1900, s30;
	v3 =	vadd.s32 v1, v3  }
0x91: {  	[tilespmem:s0], [sflag:s29] =	stream.indirect_vreg.gather [hbm4b:s4+s2], $0x80, v4, vm0, $0xb8;
	[tilespmem:$0x7900] =	vst v63  }
0x92: {  	s0 =	sadd.s32 $0x2100, s30  }
0x93: {  	[tilespmem:s0], [sflag:s29] =	stream.indirect_vreg.gather [hbm4b:s6+s2], $0x80, v4, vm1, $0xb8;
	[tilespmem:$0x7900] =	vst v63  }
0x94: {  	s0 =	sadd.s32 $0x2500, s30  }
0x95: {  	[tilespmem:s0], [sflag:s29] =	stream.indirect_vreg.gather [hbm4b:s4+s2], $0x80, v3, vm0, $0xb8;
	[tilespmem:$0x7900] =	vst v63  }
0x96: {  	s31 =	sor.u32 $0x20, s31;
	s0 =	sadd.s32 $0x2D00, s30  }
0x97: {  	[tilespmem:s0], [sflag:s29] =	stream.indirect_vreg.gather [hbm4b:s6+s2], $0x80, v3, vm1, $0xb8;
	[tilespmem:$0x7900] =	vst v63  }
0x98: {  	v3 =	vld.msk [tilespmem:s31+$0x0], $0xff;
	_ =	sdelay $0x4  }
0x99: {  	v63 =	vshrl.u32 v3, $0x3  }
0x9a: {  	v4 =	vmul.u32 $0x18, v63  }
0x9b: {  	v3 =	vand.u32 $0x7, v3  }
0x9c: {  	v3 =	vor.u32 v3, v4  }
0x9d: {  	v3 =	vperm.xlane v3, v0;
	_ =	sdelay $0x1  }
0x9e: {  	v3 =	vadd.s32 v1, v3;
	_ =	sdelay $0x2  }
.Ltmp5:
0x9f: {  	_ = 	snop;
	(pc) =	sbr.rel .LBB2_4-.Ltmp5, $4  }
0xa0: {  	s31 =	sadd.s32 $0x3100, s30  }
0xa1: {  	[tilespmem:s31], [sflag:s29] =	stream.indirect_vreg.gather [hbm4b:s4+s2], $0x80, v3, vm0, $0xb8;
	[tilespmem:$0x7900] =	vst v63  }
0xa2: {  	s31 =	sadd.s32 $0x3900, s30  }
0xa3: {  	[tilespmem:s31], [sflag:s29] =	stream.indirect_vreg.gather [hbm4b:s6+s2], $0x80, v3, vm1, $0xb8;
	[tilespmem:$0x7900] =	vst v63  }
.LBB2_6:
0xa4: {  	_ =	sfence.sel $0x180000  }
0xa5: {  	[bflag:$0x0] =	sbarrier.arrive $0xFFFF  }
0xa6: {  	_ =	strace $0x9000004A  }
0xa7: {  	[bflag:$0x2] =	sbarrier.arrive $0xFFFF  }
0xa8: {  	p0 =	sne.s32 s1, $0x0;
	s0 =	rddreg [dreg:$0x1]  }
0xa9: {  	s0 =	sadd.s32 @!p0 $0x100000, s0  }
0xaa: {  	[sflag:s0] =	ssyncadd.tile.s32 @!p0 $0x1;
	_ =	shalt  }
.Lfunc_end2:
_tile_overlayer_lowered:
.L_overlay_start_2:
0xab: {  	(tag) =	ssettag $0x2  }
0xac: {  	s0 =	rddreg [dreg:$0x0];
	s2 =	stileid.u32  }
0xad: {  	s1 =	rddreg [dreg:$0x1];
	p0 =	sne.s32 s2, $0x0  }
0xae: {  	s3 =	rddreg [dreg:$0x2];
	[bflag:$0x3] =	sbarrier.arrive $0xFFFF;
	s2 =	simm.s32 @!p0 $0x1C03  }
0xaf: {  	[timem:s3], [sflag:s2] =	dma.local @!p0 [hbm:s0], s1  }
0xb0: {  	s0 =	simm.s32 @!p0 $0x3  }
0xb1: {  	_ =	swait.ge @!p0 [sflag:s0], s1  }
0xb2: {  	s1 =	ssub.s32 @!p0 $0x0, s1;
	[sflag:s0] =	ssyncset.done @!p0 $0x0  }
0xb3: {  	[sflag:s0] =	ssyncadd.s32 @!p0 s1  }
0xb4: {  	[bflag:$0x3] =	sbarrier.arrive $0xFFFF  }
0xb5: {  	_ =	shalt  }

// kernel: kernel.22.cloned.1.call-start
scs
__scs_entry_jumppad:
0x0: {  	(pc) =	sbr.rel $0x88, $3  }
0x1: {  	(tag) =	ssettag $0x0;
	lr =	simm.s32 $0x1  }
0x2: {  	[smem:$0x3F9B] =	sst lr;
	_ =	strace $0xD0000000  }
0x3: {  	_ = 	snop  }
0x4: {  	_ = 	snop  }
0x5: {  	_ = 	snop  }
0x6: {  	_ = 	snop  }
0x7: {  	_ = 	snop  }
__scs_overlays_trampoline_lowered:
0x8: {  	[smem:$0x3FAA] =	sst s0  }
0x9: {  	[smem:$0x3FAB] =	sst s1  }
0xa: {  	[smem:$0x3FAC] =	sst s2  }
0xb: {  	[smem:$0x3FAD] =	sst s3  }
0xc: {  	[smem:$0x3FAE] =	sst s4  }
0xd: {  	[smem:$0x3FAF] =	sst s5  }
0xe: {  	[smem:$0x3FB0] =	sst s6  }
0xf: {  	[smem:$0x3FB1] =	sst s7  }
0x10: {  	[smem:$0x3FB2] =	sst s8  }
0x11: {  	[smem:$0x3FB3] =	sst s9;
	s0 =	simm.s32 @!p0 $0x0  }
0x12: {  	s1 =	sld [smem:$0x3F99];
	s0 =	simm.s32 @p0 $0x1  }
0x13: {  	[smem:$0x3FB4] =	sst s0;
	s0 =	simm.s32 @!p1 $0x0  }
0x14: {  	s2 =	sld [smem:$0x3F98];
	s0 =	simm.s32 @p1 $0x1  }
0x15: {  	[smem:$0x3FB5] =	sst s0;
	s0 =	simm.s32 @!p2 $0x0  }
0x16: {  	s3 =	sld [smem:$0x3FDB];
	s0 =	simm.s32 @p2 $0x1  }
0x17: {  	s4 =	simm.s32 $0x1BF5;
	[smem:$0x3FB7] =	sst s0  }
0x18: {  	s0 =	sld [smem:$0x3F9A];
	_ =	swait.ge [sflag:s4], $0x0  }
0x19: {  	s7 =	sld [smem:$0x3F9B]  }
0x1a: {  	s8 =	sadd.s32 $0xFFFFE003, lr  }
0x1b: {  	s9 =	sadd.s32 $0xFFFFFEF7, lr;
	s5 =	simm.s32 $0xFFFFFFFF;
	p2 =	slt.u32 s8, $0xFFFFF086  }
0x1c: {  	p1 =	slt.u32 s9, $0xF7A;
	s5 =	simm.s32 @!p2 $0x0  }
0x1d: {  	s5 =	simm.s32 @p1 $0x1;
	p0 =	seq.s32 s7, s2  }
0x1e: {  	s7 =	smul.u32 @!p0 $0xF7A, s2;
	p2 =	seq.s32 @!p0 s5, $0x0  }
0x1f: {  	s9 =	smul.u32 $0xF7A, s1;
	s8 =	simm.s32 @!p0 $0x1BF5;
	p2 =	por !p2, p0  }
0x20: {  	[sflag:s8] =	ssyncset.s32 @!p0 $0xFFFFF086;
	s6 =	sadd.s32 @!p0 s3, s7;
	s7 =	simm.s32 @!p0 $0x108  }
0x21: {  	s3 =	sadd.s32 s3, s9;
	s6 =	sadd.s32 @!p0 $0x88, s6;
	s7 =	simm.s32 @p2 $0x1082  }
0x22: {  	[simem:s7], [sflag:s8] =	dma.local @!p0 [hbm:s6], $0xF7A  }
0x23: {  	s9 =	sor.u32 $0xD0000000, s2;
	s6 =	simm.s32 $0x108;
	_ =	swait.ge @!p0 [sflag:s8], $0x0  }
0x24: {  	s3 =	sadd.s32 $0x88, s3;
	s6 =	simm.s32 @!p1 $0x1082;
	[sflag:s4] =	ssyncset.s32 $0xFFFFF086  }
0x25: {  	[simem:s6], [sflag:s4] =	dma.local [hbm:s3], $0xF7A  }
0x26: {  	[smem:$0x3F9B] =	sst s1;
	(tag) =	ssettag s2;
	_ =	strace s9  }
0x27: {  	s1 =	sld [smem:$0x3FAB]  }
0x28: {  	s2 =	sld [smem:$0x3FAC]  }
0x29: {  	s4 =	sld [smem:$0x3FAE]  }
0x2a: {  	p0 =	seq.s32 s5, $0x0;
	s5 =	sld [smem:$0x3FAF]  }
0x2b: {  	s6 =	sld [smem:$0x3FB0]  }
0x2c: {  	s7 =	sld [smem:$0x3FB1]  }
0x2d: {  	s3 =	simm.s32 $0x108;
	s8 =	sld [smem:$0x3FB2]  }
0x2e: {  	s3 =	simm.s32 @!p0 $0x1082;
	s9 =	sld [smem:$0x3FB3]  }
0x2f: {  	lr =	sadd.s32 s0, s3;
	s0 =	sld [smem:$0x3FAA]  }
0x30: {  	s3 =	sld [smem:$0x3FAD]  }
0x31: {  	[smem:$0x3FB6] =	sst s10  }
0x32: {  	s10 =	sld [smem:$0x3FB4];
	_ =	sdelay $0x3  }
0x33: {  	p0 =	seq.s32 s10, $0x1;
	s10 =	sld [smem:$0x3FB6];
	_ =	sdelay $0x3  }
0x34: {  	[smem:$0x3FB6] =	sst s10  }
0x35: {  	s10 =	sld [smem:$0x3FB5];
	_ =	sdelay $0x3  }
0x36: {  	p1 =	seq.s32 s10, $0x1;
	s10 =	sld [smem:$0x3FB6];
	_ =	sdelay $0x3  }
0x37: {  	[smem:$0x3FB6] =	sst s10  }
0x38: {  	s10 =	sld [smem:$0x3FB7]  }
0x39: {  	_ = 	snop;
	(pc) =	sbr.ind lr, $3  }
0x3a: {  	_ = 	snop  }
0x3b: {  	_ = 	snop  }
0x3c: {  	p2 =	seq.s32 s10, $0x1;
	s10 =	sld [smem:$0x3FB6]  }
0x3d: {  	_ =	shalt  }
0x3e: {  	_ =	shalt  }
0x3f: {  	_ =	shalt  }
0x40: {  	_ =	shalt  }
0x41: {  	_ =	shalt  }
0x42: {  	_ =	shalt  }
0x43: {  	_ =	shalt  }
0x44: {  	_ =	shalt  }
0x45: {  	_ =	shalt  }
0x46: {  	_ =	shalt  }
0x47: {  	_ =	shalt  }
0x48: {  	_ =	shalt  }
0x49: {  	_ =	shalt  }
0x4a: {  	_ =	shalt  }
0x4b: {  	_ =	shalt  }
0x4c: {  	_ =	shalt  }
0x4d: {  	_ =	shalt  }
0x4e: {  	_ =	shalt  }
0x4f: {  	_ =	shalt  }
0x50: {  	_ =	shalt  }
0x51: {  	_ =	shalt  }
0x52: {  	_ =	shalt  }
0x53: {  	_ =	shalt  }
0x54: {  	_ =	shalt  }
0x55: {  	_ =	shalt  }
0x56: {  	_ =	shalt  }
0x57: {  	_ =	shalt  }
0x58: {  	_ =	shalt  }
0x59: {  	_ =	shalt  }
0x5a: {  	_ =	shalt  }
0x5b: {  	_ =	shalt  }
0x5c: {  	_ =	shalt  }
0x5d: {  	_ =	shalt  }
0x5e: {  	_ =	shalt  }
0x5f: {  	_ =	shalt  }
0x60: {  	_ =	shalt  }
0x61: {  	_ =	shalt  }
0x62: {  	_ =	shalt  }
0x63: {  	_ =	shalt  }
0x64: {  	_ =	shalt  }
0x65: {  	_ =	shalt  }
0x66: {  	_ =	shalt  }
0x67: {  	_ =	shalt  }
0x68: {  	_ =	shalt  }
0x69: {  	_ =	shalt  }
0x6a: {  	_ =	shalt  }
0x6b: {  	_ =	shalt  }
0x6c: {  	_ =	shalt  }
0x6d: {  	_ =	shalt  }
0x6e: {  	_ =	shalt  }
0x6f: {  	_ =	shalt  }
0x70: {  	_ =	shalt  }
0x71: {  	_ =	shalt  }
0x72: {  	_ =	shalt  }
0x73: {  	_ =	shalt  }
0x74: {  	_ =	shalt  }
0x75: {  	_ =	shalt  }
0x76: {  	_ =	shalt  }
0x77: {  	_ =	shalt  }
0x78: {  	_ =	shalt  }
0x79: {  	_ =	shalt  }
0x7a: {  	_ =	shalt  }
0x7b: {  	_ =	shalt  }
0x7c: {  	_ =	shalt  }
0x7d: {  	_ =	shalt  }
0x7e: {  	_ =	shalt  }
0x7f: {  	_ =	shalt  }
0x80: {  	_ =	shalt  }
0x81: {  	_ =	shalt  }
0x82: {  	_ =	shalt  }
0x83: {  	_ =	shalt  }
0x84: {  	_ =	shalt  }
0x85: {  	_ =	shalt  }
0x86: {  	_ =	shalt  }
0x87: {  	_ =	shalt  }
.Lfunc_end0:
.L_simem_size_0:
called_computation.3_lowered:
.L_overlay_start_0:
0x88: {  	s2 =	sld [smem:$0x3FD9]  }
0x89: {  	s3 =	sld [smem:$0x3FFE];
	_ =	sdelay $0x1  }
0x8a: {  	s1 =	srdreg.scid  }
0x8b: {  	s0 =	sand.u32 $0x1, s1  }
0x8c: {  	s16 =	sshll.u32 s0, $0xA;
	s2 =	sadd.s32 s3, s2  }
0x8d: {  	s2 =	sadd.s32 s2, s16  }
0x8e: {  	[smem:$0x3FC2] =	sst s2  }
0x8f: {  	_ = 	snop  }
0x90: {  	(tm) =	ssettm $0x1  }
0x91: {  	s17 =	sld [smem:$0x3FFB];
	_ =	sdelay $0x3  }
0x92: {  	_ =	strace s17  }
0x93: {  	s2 =	sld [smem:$0x3FFC];
	_ =	sdelay $0x3  }
0x94: {  	_ =	strace s2  }
0x95: {  	s2 =	sld [smem:$0x3FFD];
	_ =	sdelay $0x3  }
0x96: {  	_ =	strace s2  }
0x97: {  	_ =	strace $0x8FFFFFFF  }
0x98: {  	s18 =	sld [smem:$0x3FDB];
	_ =	sdelay $0x1  }
0x99: {  	s19 =	simm.s32 $_scs_section_size  }
0x9a: {  	s4 =	simm.s32 $_size__tile_overlayer_lowered;
	s5 =	simm.s32 $_tile_overlayer_lowered  }
0x9b: {  	s22 =	simm.s32 $0x1BFF;
	s21 =	sshll.u32 s5, $0x1;
	s2 =	sadd.s32 s19, s18  }
0x9c: {  	s6 =	simm.s32 $0x0;
	s20 =	sshll.u32 s4, $0x1;
	s4 =	sadd.s32 s21, s2  }
0x9d: {  	[timem:s6], [sflag:s22] =	dma.local [hbm:s4], s20  }
0x9e: {  	_ =	swait.ge [sflag:s22], s20  }
0x9f: {  	s3 =	ssub.s32 $0x0, s20;
	[sflag:s22] =	ssyncset.done $0x0  }
0xa0: {  	[sflag:s22] =	ssyncadd.s32 s3;
	_ =	sdelay $0x1  }
0xa1: {  	s23 =	simm.s32 $0x1B8B  }
0xa2: {  	_ =	swait.ge [sflag:s23], $0x1  }
0xa3: {  	[sflag:s23] =	ssyncset.done $0x0  }
0xa4: {  	s25 =	simm.s32 $0x1B8E;
	s24 =	sld [smem:$0x3FFE];
	[sflag:s23] =	ssyncadd.s32 $0xFFFFFFFF  }
0xa5: {  	s26 =	simm.s32 $execute0_lowered;
	[smem:$0x3FD2] =	sst s25  }
0xa6: {  	s4 =	sshll.u32 s26, $0x1;
	_ =	strace $0x80000046;
	[dreg:$0x1] =	wrdreg $0xFFFFFFFF  }
0xa7: {  	s28 =	simm.s32 $_size_execute0_lowered;
	s2 =	sadd.s32 s2, s4;
	[dreg:$0x0] =	wrdreg $0x0  }
0xa8: {  	s4 =	sshll.u32 s28, $0x1;
	[dreg:$0x2] =	wrdreg s2  }
0xa9: {  	[dreg:$0x3] =	wrdreg s4  }
0xaa: {  	[dreg:$0x4] =	wrdreg $0xC0  }
0xab: {  	_ =	task [dreg:s6], $0x5FFFF  }
0xac: {  	[dreg:$0x1] =	wrdreg $0xFFFFFFFF  }
0xad: {  	[dreg:$0x0] =	wrdreg $0x60  }
0xae: {  	[dreg:$0x2] =	wrdreg s24  }
0xaf: {  	[dreg:$0x3] =	wrdreg $0xC  }
0xb0: {  	_ =	task.clear_ibuf [dreg:s6], $0x4FFFF;
	_ =	strace $0x90000046  }
0xb1: {  	s29 =	simm.s32 $0xC;
	_ =	strace $0x80000048  }
0xb2: {  	_ =	swait.ge [sflag:s29], $0x1  }
0xb3: {  	[sflag:s29] =	ssyncadd.s32 $0xFFFFFFFF  }
0xb4: {  	_ =	strace $0x90000048  }
0xb5: {  	_ =	sfence  }
0xb6: {  	s30 =	sld [smem:$0x0];
	_ =	sdelay $0x2  }
0xb7: {  	s31 =	sshll.u32 s1, $0xD;
	s1 =	sshrl.u32 s1, $0x2  }
0xb8: {  	s3 =	sand.u32 $0x4000, s31;
	s1 =	sadd.s32 s1, s30  }
0xb9: {  	s0 =	sor.u32 s3, s0;
	s1 =	sshll.u32 s1, $0x11  }
0xba: {  	s0 =	sor.u32 s1, s0  }
0xbb: {  	s0 =	sadd.s32 $0x8F2B, s0  }
0xbc: {  	[sflag:s0] =	ssyncadd.remote.s32 $0x1  }
0xbd: {  	_ =	sfence.sel $0xFFFF  }
0xbe: {  	[dreg:$0x0] =	wrdreg $0xFFFFFFFF;
	(pc) =	sbr.abs _section_cstart, $3  }
0xbf: {  	[dreg:$0x1] =	wrdreg $0xFFFFFFFF  }
0xc0: {  	_ =	task.clear_ibuf [dreg:s6], $0x2FFFF;
	_ =	strace $0x9FFFFFFF  }
0xc1: {  	(tm) =	ssettm $0x7FFFFFFF  }
tec
execute0_lowered:
.L_overlay_start_1:
0x0: {  	(tag) =	ssettag $0x1  }
0x1: {  	s6 =	rddreg [dreg:$0x0]  }
0x2: {  	s1 =	stileid.u32;
	s3 =	srdreg.scid;
	s2 =	simm.s32 $0x0  }
0x3: {  	s13 =	simm.s32 $0x100;
	s14 =	simm.s32 $0x900;
	s15 =	simm.s32 $0xD00  }
0x4: {  	s16 =	simm.s32 $0x1500;
	s17 =	simm.s32 $0x1900;
	s18 =	simm.s32 $0x2100  }
0x5: {  	s19 =	simm.s32 $0x2500;
	s20 =	simm.s32 $0x2D00;
	s21 =	simm.s32 $0x3100  }
0x6: {  	s22 =	simm.s32 $0x3900;
	s23 =	simm.s32 $0x0;
	s7 =	smul.u32 $0x7D00, s1  }
0x7: {  	s5 =	sand.u32 $0x1, s3;
	s30 =	sshll.u32 s1, $0x1;
	s12 =	smul.u32 $0x7D0, s1  }
0x8: {  	[smem:$0x7FF] =	sst s2;
	s3 =	sadd.s32 $0x6000, s6;
	s10 =	smul.u32 $0x3E80, s5  }
0x9: {  	s4 =	sor.u32 s5, s30;
	_ =	strace $0x80000047;
	s31 =	smul.u32 $0x3E8, s5  }
0xa: {  	s9 =	ssub.s32 $0x2, s5;
	s8 =	smul.u32 $0x3E8, s4;
	s4 =	sadd.s32 $0xA6400, s6  }
.Ltmp0:
0xb: {  	s7 =	sadd.s32 s7, s6;
	s11 =	sshrl.u32 s9, $0x1;
	(pc) =	sbr.rel .LBB2_1-.Ltmp0, $4  }
0xc: {  	s6 =	sadd.s32 $0xA6500, s6;
	s9 =	ssub.s32 s9, s11;
	s10 =	sadd.s32 s10, s7  }
0xd: {  	v2 =	vlaneseq.u32;
	s11 =	sadd.s32 s31, s12;
	s12 =	simm.s32 $0x3;
	s8 =	sshrl.u32 s8, $0x3  }
0xe: {  	vm0 =	vmmov $0xffff;
	vm1 =	vmmov $0xff;
	v1 =	vshrl.u32 v2, $0x3;
	s7 =	sadd.s32 $0x11B800, s10;
	s9 =	smax.u32 s9, $0x1;
	s11 =	sadd.s32 $0x28, s11  }
0xf: {  	v0 =	vand.u32 $0x7, v2;
	v2 =	vor.u32 $0x8, v2;
	v1 =	vmul.u32 $0x8, v1;
	s5 =	sadd.s32 s3, s8;
	s8 =	sadd.s32 $0x198800, s10;
	s10 =	sadd.s32 $0x215800, s10  }
.LBB2_5:
0x10: {  	s23 =	sadd.s32 $0x1, s23  }
0x11: {  	p0 =	sne.s32 s23, s9  }
.Ltmp1:
0x12: {  	_ = 	snop;
	(pc) =	sbr.rel @!p0 .LBB2_6-.Ltmp1, $1  }
0x13: {  	_ =	sdelay $0x3  }
.LBB2_1:
0x14: {  	[tilespmem:s2], [sflag:$0x3] =	stream.linear.gather [hbm4b:s5+s2], $0x28, $0x38;
	[tilespmem:$0x7900] =	vst v63  }
0x15: {  	_ =	swait.ge [sflag:s12], $0x28  }
0x16: {  	[sflag:s12] =	ssyncset.done $0x0  }
0x17: {  	[sflag:s12] =	ssyncadd.s32 $0xFFFFFFD8  }
0x18: {  	v3 =	vld [tilespmem:$0x0];
	_ =	sdelay $0x4  }
0x19: {  	v4 =	vshrl.u32 v3, $0x3  }
0x1a: {  	v4 =	vmul.u32 $0x18, v4  }
0x1b: {  	v3 =	vand.u32 $0x7, v3  }
0x1c: {  	v3 =	vor.u32 v3, v4  }
0x1d: {  	v4 =	vperm.xlane v3, v0;
	_ =	sdelay $0x1  }
0x1e: {  	v4 =	vadd.s32 v1, v4;
	_ =	sdelay $0x1  }
0x1f: {  	v3 =	vperm.xlane v3, v2;
	_ =	sdelay $0x1  }
0x20: {  	v3 =	vadd.s32 v1, v3  }
0x21: {  	[tilespmem:s13], [sflag:$0x1] =	stream.indirect_vreg.gather [hbm4b:s4+s2], $0x80, v4, vm0, $0xb8;
	[tilespmem:$0x7900] =	vst v63  }
0x22: {  	_ = 	snop  }
0x23: {  	[tilespmem:s14], [sflag:$0x1] =	stream.indirect_vreg.gather [hbm4b:s6+s2], $0x80, v4, vm1, $0xb8;
	[tilespmem:$0x7900] =	vst v63  }
0x24: {  	_ = 	snop  }
0x25: {  	[tilespmem:s15], [sflag:$0x1] =	stream.indirect_vreg.gather [hbm4b:s4+s2], $0x80, v3, vm0, $0xb8;
	[tilespmem:$0x7900] =	vst v63  }
0x26: {  	_ = 	snop  }
0x27: {  	[tilespmem:s16], [sflag:$0x1] =	stream.indirect_vreg.gather [hbm4b:s6+s2], $0x80, v3, vm1, $0xb8;
	[tilespmem:$0x7900] =	vst v63  }
0x28: {  	v3 =	vld [tilespmem:$0x10];
	_ =	sdelay $0x4  }
0x29: {  	v62 =	vshrl.u32 v3, $0x3  }
0x2a: {  	v4 =	vmul.u32 $0x18, v62  }
0x2b: {  	v3 =	vand.u32 $0x7, v3  }
0x2c: {  	v3 =	vor.u32 v3, v4  }
0x2d: {  	v4 =	vperm.xlane v3, v0;
	_ =	sdelay $0x1  }
0x2e: {  	v4 =	vadd.s32 v1, v4;
	_ =	sdelay $0x1  }
0x2f: {  	v3 =	vperm.xlane v3, v2;
	_ =	sdelay $0x1  }
0x30: {  	v3 =	vadd.s32 v1, v3  }
0x31: {  	[tilespmem:s17], [sflag:$0x1] =	stream.indirect_vreg.gather [hbm4b:s4+s2], $0x80, v4, vm0, $0xb8;
	[tilespmem:$0x7900] =	vst v63  }
0x32: {  	_ = 	snop  }
0x33: {  	[tilespmem:s18], [sflag:$0x1] =	stream.indirect_vreg.gather [hbm4b:s6+s2], $0x80, v4, vm1, $0xb8;
	[tilespmem:$0x7900] =	vst v63  }
0x34: {  	_ = 	snop  }
0x35: {  	[tilespmem:s19], [sflag:$0x1] =	stream.indirect_vreg.gather [hbm4b:s4+s2], $0x80, v3, vm0, $0xb8;
	[tilespmem:$0x7900] =	vst v63  }
0x36: {  	_ = 	snop  }
0x37: {  	[tilespmem:s20], [sflag:$0x1] =	stream.indirect_vreg.gather [hbm4b:s6+s2], $0x80, v3, vm1, $0xb8;
	[tilespmem:$0x7900] =	vst v63  }
0x38: {  	v3 =	vld.msk [tilespmem:$0x20], $0xff;
	_ =	sdelay $0x4  }
0x39: {  	v63 =	vshrl.u32 v3, $0x3  }
0x3a: {  	v4 =	vmul.u32 $0x18, v63  }
0x3b: {  	v3 =	vand.u32 $0x7, v3  }
0x3c: {  	v3 =	vor.u32 v3, v4  }
0x3d: {  	v3 =	vperm.xlane v3, v0;
	_ =	sdelay $0x1  }
0x3e: {  	v3 =	vadd.s32 v1, v3;
	_ =	sdelay $0x2  }
.Ltmp2:
0x3f: {  	_ = 	snop;
	(pc) =	sbr.rel .LBB2_2-.Ltmp2, $4  }
0x40: {  	_ = 	snop  }
0x41: {  	[tilespmem:s21], [sflag:$0x1] =	stream.indirect_vreg.gather [hbm4b:s4+s2], $0x80, v3, vm0, $0xb8;
	[tilespmem:$0x7900] =	vst v63  }
0x42: {  	s24 =	smov.u32 s11;
	s25 =	simm.s32 $0x0;
	s26 =	simm.s32 $0x0  }
0x43: {  	[tilespmem:s22], [sflag:$0x1] =	stream.indirect_vreg.gather [hbm4b:s6+s2], $0x80, v3, vm1, $0xb8;
	[tilespmem:$0x7900] =	vst v63  }
.LBB2_4:
0x44: {  	s0 =	sadd.s32 $0x1, s28;
	s29 =	smul.u32 $0xF000, s28  }
0x45: {  	_ =	swait.ge [sflag:s0], $0x3C00  }
0x46: {  	[sflag:s0] =	ssyncset.done $0x0;
	s28 =	sshrl.u32 s29, $0x2  }
0x47: {  	s29 =	sadd.s32 s25, s7;
	[sflag:s0] =	ssyncadd.s32 $0xFFFFC400;
	s30 =	sor.u32 $0x100, s28  }
0x48: {  	[hbm4b:s29+s2] =	stream.linear.scatter [tilespmem:s30], [sflag:$0x3], $0x400, $0x38;
	[tilespmem:$0x7900] =	vst v63  }
0x49: {  	s31 =	sadd.s32 $0xD00, s28;
	s30 =	sadd.s32 $0x80, s29  }
0x4a: {  	[hbm4b:s30+s2] =	stream.linear.scatter [tilespmem:s31], [sflag:$0x3], $0x400, $0x38;
	[tilespmem:$0x7900] =	vst v63  }
0x4b: {  	s0 =	sadd.s32 $0x1900, s28;
	s31 =	sadd.s32 $0x100, s29  }
0x4c: {  	[hbm4b:s31+s2] =	stream.linear.scatter [tilespmem:s0], [sflag:$0x3], $0x400, $0x38;
	[tilespmem:$0x7900] =	vst v63  }
0x4d: {  	s0 =	sadd.s32 $0x2500, s28;
	s31 =	sadd.s32 $0x180, s29  }
0x4e: {  	[hbm4b:s31+s2] =	stream.linear.scatter [tilespmem:s0], [sflag:$0x3], $0x400, $0x38;
	[tilespmem:$0x7900] =	vst v63  }
0x4f: {  	s29 =	sadd.s32 $0x200, s29;
	s31 =	sadd.s32 $0x3100, s28  }
0x50: {  	[hbm4b:s29+s2] =	stream.linear.scatter [tilespmem:s31], [sflag:$0x3], $0x400, $0x38;
	[tilespmem:$0x7900] =	vst v63  }
0x51: {  	_ =	swait.ge [sflag:s12], $0x1400  }
0x52: {  	[sflag:s12] =	ssyncset.done $0x0  }
0x53: {  	s30 =	sadd.s32 $0x500, s28;
	s29 =	sadd.s32 s25, s8;
	[sflag:s12] =	ssyncadd.s32 $0xFFFFEC00  }
0x54: {  	[hbm4b:s29+s2] =	stream.linear.scatter [tilespmem:s30], [sflag:$0x3], $0x400, $0x38;
	[tilespmem:$0x7900] =	vst v63  }
0x55: {  	s0 =	sadd.s32 $0x1100, s28;
	s31 =	sadd.s32 $0x80, s29  }
0x56: {  	[hbm4b:s31+s2] =	stream.linear.scatter [tilespmem:s0], [sflag:$0x3], $0x400, $0x38;
	[tilespmem:$0x7900] =	vst v63  }
0x57: {  	s0 =	sadd.s32 $0x1D00, s28;
	s31 =	sadd.s32 $0x100, s29  }
0x58: {  	[hbm4b:s31+s2] =	stream.linear.scatter [tilespmem:s0], [sflag:$0x3], $0x400, $0x38;
	[tilespmem:$0x7900] =	vst v63  }
0x59: {  	s0 =	sadd.s32 $0x2900, s28;
	s31 =	sadd.s32 $0x180, s29  }
0x5a: {  	[hbm4b:s31+s2] =	stream.linear.scatter [tilespmem:s0], [sflag:$0x3], $0x400, $0x38;
	[tilespmem:$0x7900] =	vst v63  }
0x5b: {  	s29 =	sadd.s32 $0x200, s29;
	s31 =	sadd.s32 $0x3500, s28  }
0x5c: {  	[hbm4b:s29+s2] =	stream.linear.scatter [tilespmem:s31], [sflag:$0x3], $0x400, $0x38;
	[tilespmem:$0x7900] =	vst v63  }
0x5d: {  	_ =	swait.ge [sflag:s12], $0x1400  }
0x5e: {  	[sflag:s12] =	ssyncset.done $0x0  }
0x5f: {  	s30 =	sadd.s32 $0x900, s28;
	s29 =	sadd.s32 s25, s10;
	[sflag:s12] =	ssyncadd.s32 $0xFFFFEC00  }
0x60: {  	[hbm4b:s29+s2] =	stream.linear.scatter [tilespmem:s30], [sflag:$0x3], $0x400, $0x38;
	[tilespmem:$0x7900] =	vst v63  }
0x61: {  	s0 =	sadd.s32 $0x1500, s28;
	s31 =	sadd.s32 $0x80, s29  }
0x62: {  	[hbm4b:s31+s2] =	stream.linear.scatter [tilespmem:s0], [sflag:$0x3], $0x400, $0x38;
	[tilespmem:$0x7900] =	vst v63  }
0x63: {  	s25 =	sadd.s32 $0x280, s25;
	s0 =	sadd.s32 $0x2100, s28;
	s31 =	sadd.s32 $0x100, s29  }
0x64: {  	[hbm4b:s31+s2] =	stream.linear.scatter [tilespmem:s0], [sflag:$0x3], $0x400, $0x38;
	[tilespmem:$0x7900] =	vst v63  }
0x65: {  	p0 =	sne.s32 s25, $0x3E80;
	s0 =	sadd.s32 $0x2D00, s28;
	s31 =	sadd.s32 $0x180, s29  }
0x66: {  	[hbm4b:s31+s2] =	stream.linear.scatter [tilespmem:s0], [sflag:$0x3], $0x400, $0x38;
	[tilespmem:$0x7900] =	vst v63  }
.Ltmp3:
0x67: {  	s30 =	sadd.s32 $0x3900, s28;
	s31 =	sadd.s32 $0x200, s29;
	(pc) =	sbr.rel @!p0 .LBB2_5-.Ltmp3, $4  }
0x68: {  	[hbm4b:s31+s2] =	stream.linear.scatter [tilespmem:s30], [sflag:$0x3], $0x400, $0x38;
	[tilespmem:$0x7900] =	vst v63  }
0x69: {  	_ =	swait.ge [sflag:s12], $0x1400  }
0x6a: {  	[sflag:s12] =	ssyncset.done $0x0  }
0x6b: {  	s24 =	sadd.s32 $0x28, s24;
	s26 =	sadd.s32 $0x1, s26;
	[sflag:s12] =	ssyncadd.s32 $0xFFFFEC00  }
.LBB2_2:
0x6c: {  	p0 =	seq.s32 s25, $0x3C00  }
.Ltmp4:
0x6d: {  	_ = 	snop;
	(pc) =	sbr.rel @p0 .LBB2_4-.Ltmp4, $2  }
0x6e: {  	_ =	sdelay $0x2  }
0x6f: {  	s28 =	sand.u32 $0x1, s26  }
0x70: {  	s29 =	sxor.u32 $0x1, s28;
	s30 =	sshrl.u32 s24, $0x3  }
0x71: {  	s31 =	sshll.u32 s29, $0x7;
	s30 =	sadd.s32 s3, s30  }
0x72: {  	[tilespmem:s31], [sflag:$0x3] =	stream.linear.gather [hbm4b:s30+s2], $0x28, $0x38;
	[tilespmem:$0x7900] =	vst v63  }
0x73: {  	_ =	swait.ge [sflag:s12], $0x28  }
0x74: {  	[sflag:s12] =	ssyncset.done $0x0  }
0x75: {  	[sflag:s12] =	ssyncadd.s32 $0xFFFFFFD8  }
0x76: {  	v3 =	vld [tilespmem:s31+$0x0];
	_ =	sdelay $0x4  }
0x77: {  	v4 =	vshrl.u32 v3, $0x3  }
0x78: {  	v4 =	vmul.u32 $0x18, v4  }
0x79: {  	v3 =	vand.u32 $0x7, v3  }
0x7a: {  	v3 =	vor.u32 v3, v4  }
0x7b: {  	v4 =	vperm.xlane v3, v0;
	_ =	sdelay $0x1  }
0x7c: {  	v4 =	vadd.s32 v1, v4  }
0x7d: {  	s0 =	smul.u32 $0xF000, s29  }
0x7e: {  	v3 =	vperm.xlane v3, v2  }
0x7f: {  	s30 =	sshrl.u32 s0, $0x2  }
0x80: {  	s29 =	sadd.s32 $0x1, s29;
	s0 =	sor.u32 $0x100, s30;
	v3 =	vadd.s32 v1, v3  }
0x81: {  	[tilespmem:s0], [sflag:s29] =	stream.indirect_vreg.gather [hbm4b:s4+s2], $0x80, v4, vm0, $0xb8;
	[tilespmem:$0x7900] =	vst v63  }
0x82: {  	s0 =	sadd.s32 $0x900, s30  }
0x83: {  	[tilespmem:s0], [sflag:s29] =	stream.indirect_vreg.gather [hbm4b:s6+s2], $0x80, v4, vm1, $0xb8;
	[tilespmem:$0x7900] =	vst v63  }
0x84: {  	s0 =	sadd.s32 $0xD00, s30  }
0x85: {  	[tilespmem:s0], [sflag:s29] =	stream.indirect_vreg.gather [hbm4b:s4+s2], $0x80, v3, vm0, $0xb8;
	[tilespmem:$0x7900] =	vst v63  }
0x86: {  	s0 =	sadd.s32 $0x1500, s30  }
0x87: {  	[tilespmem:s0], [sflag:s29] =	stream.indirect_vreg.gather [hbm4b:s6+s2], $0x80, v3, vm1, $0xb8;
	[tilespmem:$0x7900] =	vst v63  }
0x88: {  	v3 =	vld [tilespmem:s31+$0x10];
	_ =	sdelay $0x4  }
0x89: {  	v62 =	vshrl.u32 v3, $0x3  }
0x8a: {  	v4 =	vmul.u32 $0x18, v62  }
0x8b: {  	v3 =	vand.u32 $0x7, v3  }
0x8c: {  	v3 =	vor.u32 v3, v4  }
0x8d: {  	v4 =	vperm.xlane v3, v0;
	_ =	sdelay $0x1  }
0x8e: {  	v4 =	vadd.s32 v1, v4;
	_ =	sdelay $0x1  }
0x8f: {  	v3 =	vperm.xlane v3, v2;
	_ =	sdelay $0x1  }
0x90: {  	s0 =	sadd.s32 $0x1900, s30;
	v3 =	vadd.s32 v1, v3  }
0x91: {  	[tilespmem:s0], [sflag:s29] =	stream.indirect_vreg.gather [hbm4b:s4+s2], $0x80, v4, vm0, $0xb8;
	[tilespmem:$0x7900] =	vst v63  }
0x92: {  	s0 =	sadd.s32 $0x2100, s30  }
0x93: {  	[tilespmem:s0], [sflag:s29] =	stream.indirect_vreg.gather [hbm4b:s6+s2], $0x80, v4, vm1, $0xb8;
	[tilespmem:$0x7900] =	vst v63  }
0x94: {  	s0 =	sadd.s32 $0x2500, s30  }
0x95: {  	[tilespmem:s0], [sflag:s29] =	stream.indirect_vreg.gather [hbm4b:s4+s2], $0x80, v3, vm0, $0xb8;
	[tilespmem:$0x7900] =	vst v63  }
0x96: {  	s31 =	sor.u32 $0x20, s31;
	s0 =	sadd.s32 $0x2D00, s30  }
0x97: {  	[tilespmem:s0], [sflag:s29] =	stream.indirect_vreg.gather [hbm4b:s6+s2], $0x80, v3, vm1, $0xb8;
	[tilespmem:$0x7900] =	vst v63  }
0x98: {  	v3 =	vld.msk [tilespmem:s31+$0x0], $0xff;
	_ =	sdelay $0x4  }
0x99: {  	v63 =	vshrl.u32 v3, $0x3  }
0x9a: {  	v4 =	vmul.u32 $0x18, v63  }
0x9b: {  	v3 =	vand.u32 $0x7, v3  }
0x9c: {  	v3 =	vor.u32 v3, v4  }
0x9d: {  	v3 =	vperm.xlane v3, v0;
	_ =	sdelay $0x1  }
0x9e: {  	v3 =	vadd.s32 v1, v3;
	_ =	sdelay $0x2  }
.Ltmp5:
0x9f: {  	_ = 	snop;
	(pc) =	sbr.rel .LBB2_4-.Ltmp5, $4  }
0xa0: {  	s31 =	sadd.s32 $0x3100, s30  }
0xa1: {  	[tilespmem:s31], [sflag:s29] =	stream.indirect_vreg.gather [hbm4b:s4+s2], $0x80, v3, vm0, $0xb8;
	[tilespmem:$0x7900] =	vst v63  }
0xa2: {  	s31 =	sadd.s32 $0x3900, s30  }
0xa3: {  	[tilespmem:s31], [sflag:s29] =	stream.indirect_vreg.gather [hbm4b:s6+s2], $0x80, v3, vm1, $0xb8;
	[tilespmem:$0x7900] =	vst v63  }
.LBB2_6:
0xa4: {  	_ =	sfence.sel $0x180000  }
0xa5: {  	[bflag:$0x0] =	sbarrier.arrive $0xFFFF  }
0xa6: {  	_ =	strace $0x90000047  }
0xa7: {  	[bflag:$0x2] =	sbarrier.arrive $0xFFFF  }
0xa8: {  	p0 =	sne.s32 s1, $0x0;
	s0 =	rddreg [dreg:$0x1]  }
0xa9: {  	s0 =	sadd.s32 @!p0 $0x100000, s0  }
0xaa: {  	[sflag:s0] =	ssyncadd.tile.s32 @!p0 $0x1;
	_ =	shalt  }
.Lfunc_end2:
_tile_overlayer_lowered:
.L_overlay_start_2:
0xab: {  	(tag) =	ssettag $0x2  }
0xac: {  	s0 =	rddreg [dreg:$0x0];
	s2 =	stileid.u32  }
0xad: {  	s1 =	rddreg [dreg:$0x1];
	p0 =	sne.s32 s2, $0x0  }
0xae: {  	s3 =	rddreg [dreg:$0x2];
	[bflag:$0x3] =	sbarrier.arrive $0xFFFF;
	s2 =	simm.s32 @!p0 $0x1C03  }
0xaf: {  	[timem:s3], [sflag:s2] =	dma.local @!p0 [hbm:s0], s1  }
0xb0: {  	s0 =	simm.s32 @!p0 $0x3  }
0xb1: {  	_ =	swait.ge @!p0 [sflag:s0], s1  }
0xb2: {  	s1 =	ssub.s32 @!p0 $0x0, s1;
	[sflag:s0] =	ssyncset.done @!p0 $0x0  }
0xb3: {  	[sflag:s0] =	ssyncadd.s32 @!p0 s1  }
0xb4: {  	[bflag:$0x3] =	sbarrier.arrive $0xFFFF  }
0xb5: {  	_ =	shalt  }

// kernel: kernel.25.cloned.1.call-start
scs
__scs_entry_jumppad:
0x0: {  	(pc) =	sbr.rel $0x88, $3  }
0x1: {  	(tag) =	ssettag $0x0;
	lr =	simm.s32 $0x1  }
0x2: {  	[smem:$0x3F9B] =	sst lr;
	_ =	strace $0xD0000000  }
0x3: {  	_ = 	snop  }
0x4: {  	_ = 	snop  }
0x5: {  	_ = 	snop  }
0x6: {  	_ = 	snop  }
0x7: {  	_ = 	snop  }
__scs_overlays_trampoline_lowered:
0x8: {  	[smem:$0x3FAA] =	sst s0  }
0x9: {  	[smem:$0x3FAB] =	sst s1  }
0xa: {  	[smem:$0x3FAC] =	sst s2  }
0xb: {  	[smem:$0x3FAD] =	sst s3  }
0xc: {  	[smem:$0x3FAE] =	sst s4  }
0xd: {  	[smem:$0x3FAF] =	sst s5  }
0xe: {  	[smem:$0x3FB0] =	sst s6  }
0xf: {  	[smem:$0x3FB1] =	sst s7  }
0x10: {  	[smem:$0x3FB2] =	sst s8  }
0x11: {  	[smem:$0x3FB3] =	sst s9;
	s0 =	simm.s32 @!p0 $0x0  }
0x12: {  	s1 =	sld [smem:$0x3F99];
	s0 =	simm.s32 @p0 $0x1  }
0x13: {  	[smem:$0x3FB4] =	sst s0;
	s0 =	simm.s32 @!p1 $0x0  }
0x14: {  	s2 =	sld [smem:$0x3F98];
	s0 =	simm.s32 @p1 $0x1  }
0x15: {  	[smem:$0x3FB5] =	sst s0;
	s0 =	simm.s32 @!p2 $0x0  }
0x16: {  	s3 =	sld [smem:$0x3FDB];
	s0 =	simm.s32 @p2 $0x1  }
0x17: {  	s4 =	simm.s32 $0x1BF5;
	[smem:$0x3FB7] =	sst s0  }
0x18: {  	s0 =	sld [smem:$0x3F9A];
	_ =	swait.ge [sflag:s4], $0x0  }
0x19: {  	s7 =	sld [smem:$0x3F9B]  }
0x1a: {  	s8 =	sadd.s32 $0xFFFFE003, lr  }
0x1b: {  	s9 =	sadd.s32 $0xFFFFFEF7, lr;
	s5 =	simm.s32 $0xFFFFFFFF;
	p2 =	slt.u32 s8, $0xFFFFF086  }
0x1c: {  	p1 =	slt.u32 s9, $0xF7A;
	s5 =	simm.s32 @!p2 $0x0  }
0x1d: {  	s5 =	simm.s32 @p1 $0x1;
	p0 =	seq.s32 s7, s2  }
0x1e: {  	s7 =	smul.u32 @!p0 $0xF7A, s2;
	p2 =	seq.s32 @!p0 s5, $0x0  }
0x1f: {  	s9 =	smul.u32 $0xF7A, s1;
	s8 =	simm.s32 @!p0 $0x1BF5;
	p2 =	por !p2, p0  }
0x20: {  	[sflag:s8] =	ssyncset.s32 @!p0 $0xFFFFF086;
	s6 =	sadd.s32 @!p0 s3, s7;
	s7 =	simm.s32 @!p0 $0x108  }
0x21: {  	s3 =	sadd.s32 s3, s9;
	s6 =	sadd.s32 @!p0 $0x88, s6;
	s7 =	simm.s32 @p2 $0x1082  }
0x22: {  	[simem:s7], [sflag:s8] =	dma.local @!p0 [hbm:s6], $0xF7A  }
0x23: {  	s9 =	sor.u32 $0xD0000000, s2;
	s6 =	simm.s32 $0x108;
	_ =	swait.ge @!p0 [sflag:s8], $0x0  }
0x24: {  	s3 =	sadd.s32 $0x88, s3;
	s6 =	simm.s32 @!p1 $0x1082;
	[sflag:s4] =	ssyncset.s32 $0xFFFFF086  }
0x25: {  	[simem:s6], [sflag:s4] =	dma.local [hbm:s3], $0xF7A  }
0x26: {  	[smem:$0x3F9B] =	sst s1;
	(tag) =	ssettag s2;
	_ =	strace s9  }
0x27: {  	s1 =	sld [smem:$0x3FAB]  }
0x28: {  	s2 =	sld [smem:$0x3FAC]  }
0x29: {  	s4 =	sld [smem:$0x3FAE]  }
0x2a: {  	p0 =	seq.s32 s5, $0x0;
	s5 =	sld [smem:$0x3FAF]  }
0x2b: {  	s6 =	sld [smem:$0x3FB0]  }
0x2c: {  	s7 =	sld [smem:$0x3FB1]  }
0x2d: {  	s3 =	simm.s32 $0x108;
	s8 =	sld [smem:$0x3FB2]  }
0x2e: {  	s3 =	simm.s32 @!p0 $0x1082;
	s9 =	sld [smem:$0x3FB3]  }
0x2f: {  	lr =	sadd.s32 s0, s3;
	s0 =	sld [smem:$0x3FAA]  }
0x30: {  	s3 =	sld [smem:$0x3FAD]  }
0x31: {  	[smem:$0x3FB6] =	sst s10  }
0x32: {  	s10 =	sld [smem:$0x3FB4];
	_ =	sdelay $0x3  }
0x33: {  	p0 =	seq.s32 s10, $0x1;
	s10 =	sld [smem:$0x3FB6];
	_ =	sdelay $0x3  }
0x34: {  	[smem:$0x3FB6] =	sst s10  }
0x35: {  	s10 =	sld [smem:$0x3FB5];
	_ =	sdelay $0x3  }
0x36: {  	p1 =	seq.s32 s10, $0x1;
	s10 =	sld [smem:$0x3FB6];
	_ =	sdelay $0x3  }
0x37: {  	[smem:$0x3FB6] =	sst s10  }
0x38: {  	s10 =	sld [smem:$0x3FB7]  }
0x39: {  	_ = 	snop;
	(pc) =	sbr.ind lr, $3  }
0x3a: {  	_ = 	snop  }
0x3b: {  	_ = 	snop  }
0x3c: {  	p2 =	seq.s32 s10, $0x1;
	s10 =	sld [smem:$0x3FB6]  }
0x3d: {  	_ =	shalt  }
0x3e: {  	_ =	shalt  }
0x3f: {  	_ =	shalt  }
0x40: {  	_ =	shalt  }
0x41: {  	_ =	shalt  }
0x42: {  	_ =	shalt  }
0x43: {  	_ =	shalt  }
0x44: {  	_ =	shalt  }
0x45: {  	_ =	shalt  }
0x46: {  	_ =	shalt  }
0x47: {  	_ =	shalt  }
0x48: {  	_ =	shalt  }
0x49: {  	_ =	shalt  }
0x4a: {  	_ =	shalt  }
0x4b: {  	_ =	shalt  }
0x4c: {  	_ =	shalt  }
0x4d: {  	_ =	shalt  }
0x4e: {  	_ =	shalt  }
0x4f: {  	_ =	shalt  }
0x50: {  	_ =	shalt  }
0x51: {  	_ =	shalt  }
0x52: {  	_ =	shalt  }
0x53: {  	_ =	shalt  }
0x54: {  	_ =	shalt  }
0x55: {  	_ =	shalt  }
0x56: {  	_ =	shalt  }
0x57: {  	_ =	shalt  }
0x58: {  	_ =	shalt  }
0x59: {  	_ =	shalt  }
0x5a: {  	_ =	shalt  }
0x5b: {  	_ =	shalt  }
0x5c: {  	_ =	shalt  }
0x5d: {  	_ =	shalt  }
0x5e: {  	_ =	shalt  }
0x5f: {  	_ =	shalt  }
0x60: {  	_ =	shalt  }
0x61: {  	_ =	shalt  }
0x62: {  	_ =	shalt  }
0x63: {  	_ =	shalt  }
0x64: {  	_ =	shalt  }
0x65: {  	_ =	shalt  }
0x66: {  	_ =	shalt  }
0x67: {  	_ =	shalt  }
0x68: {  	_ =	shalt  }
0x69: {  	_ =	shalt  }
0x6a: {  	_ =	shalt  }
0x6b: {  	_ =	shalt  }
0x6c: {  	_ =	shalt  }
0x6d: {  	_ =	shalt  }
0x6e: {  	_ =	shalt  }
0x6f: {  	_ =	shalt  }
0x70: {  	_ =	shalt  }
0x71: {  	_ =	shalt  }
0x72: {  	_ =	shalt  }
0x73: {  	_ =	shalt  }
0x74: {  	_ =	shalt  }
0x75: {  	_ =	shalt  }
0x76: {  	_ =	shalt  }
0x77: {  	_ =	shalt  }
0x78: {  	_ =	shalt  }
0x79: {  	_ =	shalt  }
0x7a: {  	_ =	shalt  }
0x7b: {  	_ =	shalt  }
0x7c: {  	_ =	shalt  }
0x7d: {  	_ =	shalt  }
0x7e: {  	_ =	shalt  }
0x7f: {  	_ =	shalt  }
0x80: {  	_ =	shalt  }
0x81: {  	_ =	shalt  }
0x82: {  	_ =	shalt  }
0x83: {  	_ =	shalt  }
0x84: {  	_ =	shalt  }
0x85: {  	_ =	shalt  }
0x86: {  	_ =	shalt  }
0x87: {  	_ =	shalt  }
.Lfunc_end0:
.L_simem_size_0:
called_computation.4_lowered:
.L_overlay_start_0:
0x88: {  	s2 =	sld [smem:$0x3FD9]  }
0x89: {  	s3 =	sld [smem:$0x3FFE];
	_ =	sdelay $0x1  }
0x8a: {  	s1 =	srdreg.scid  }
0x8b: {  	s0 =	sand.u32 $0x1, s1  }
0x8c: {  	s17 =	sshll.u32 s0, $0xA;
	s2 =	sadd.s32 s3, s2  }
0x8d: {  	s2 =	sadd.s32 s2, s17  }
0x8e: {  	[smem:$0x3FC2] =	sst s2  }
0x8f: {  	_ = 	snop  }
0x90: {  	(tm) =	ssettm $0x1  }
0x91: {  	s18 =	sld [smem:$0x3FFB];
	_ =	sdelay $0x3  }
0x92: {  	_ =	strace s18  }
0x93: {  	s2 =	sld [smem:$0x3FFC];
	_ =	sdelay $0x3  }
0x94: {  	_ =	strace s2  }
0x95: {  	s2 =	sld [smem:$0x3FFD];
	_ =	sdelay $0x3  }
0x96: {  	_ =	strace s2  }
0x97: {  	_ =	strace $0x8FFFFFFF  }
0x98: {  	s19 =	sld [smem:$0x3FDB];
	_ =	sdelay $0x1  }
0x99: {  	s20 =	simm.s32 $_scs_section_size  }
0x9a: {  	s4 =	simm.s32 $_size__tile_overlayer_lowered;
	s5 =	simm.s32 $_tile_overlayer_lowered  }
0x9b: {  	s6 =	simm.s32 $0x1BFF;
	s21 =	sshll.u32 s5, $0x1;
	s3 =	sadd.s32 s20, s19  }
0x9c: {  	s22 =	simm.s32 $0x0;
	s4 =	sshll.u32 s4, $0x1;
	s5 =	sadd.s32 s21, s3  }
0x9d: {  	[timem:s22], [sflag:s6] =	dma.local [hbm:s5], s4  }
0x9e: {  	_ =	swait.ge [sflag:s6], s4  }
0x9f: {  	s4 =	ssub.s32 $0x0, s4;
	[sflag:s6] =	ssyncset.done $0x0  }
0xa0: {  	[sflag:s6] =	ssyncadd.s32 s4;
	_ =	sdelay $0x1  }
0xa1: {  	s23 =	simm.s32 $0x1B8B  }
0xa2: {  	_ =	swait.ge [sflag:s23], $0x1  }
0xa3: {  	[sflag:s23] =	ssyncset.done $0x0  }
0xa4: {  	[sflag:s23] =	ssyncadd.s32 $0xFFFFFFFF  }
0xa5: {  	s4 =	sld [smem:$0x0]  }
0xa6: {  	s5 =	sand.u32 $0xFFFFFFFE, s1  }
0xa7: {  	p0 =	sne.s32 s1, s5  }
0xa8: {  	s5 =	sshll.u32 @p0 s5, $0xE  }
0xa9: {  	s5 =	sadd.s32 @p0 $0x11B8D, s5;
	s6 =	sshll.u32 @p0 s4, $0x11  }
0xaa: {  	s5 =	sor.u32 @p0 s6, s5  }
0xab: {  	[sflag:s5] =	ssyncadd.remote.s32 @p0 $0x1;
	_ =	sdelay $0x1  }
0xac: {  	s5 =	simm.s32 @p0 $0x1B8D  }
0xad: {  	_ =	swait.eq @p0 [sflag:s5], $0x1  }
0xae: {  	[sflag:s5] =	ssyncadd.s32 @p0 $0xFFFFFFFF  }
0xaf: {  	s6 =	sshll.u32 @!p0 s1, $0xE  }
0xb0: {  	s6 =	sor.u32 @!p0 $0x4000, s6;
	s5 =	simm.s32 @!p0 $0x1B8D  }
0xb1: {  	s4 =	sshll.u32 @!p0 s4, $0x11;
	s6 =	sadd.s32 @!p0 $0x11B8D, s6;
	_ =	swait.eq @!p0 [sflag:s5], $0x1  }
0xb2: {  	s4 =	sor.u32 @!p0 s4, s6;
	[sflag:s5] =	ssyncadd.s32 @!p0 $0xFFFFFFFF  }
0xb3: {  	s25 =	simm.s32 $0x1B8E;
	s24 =	sld [smem:$0x3FFE];
	[sflag:s4] =	ssyncadd.remote.s32 @!p0 $0x1  }
0xb4: {  	s26 =	simm.s32 $execute0_lowered;
	[smem:$0x3FD2] =	sst s25  }
0xb5: {  	s5 =	sshll.u32 s26, $0x1;
	_ =	strace $0x80000052;
	[dreg:$0x1] =	wrdreg $0xFFFFFFFF  }
0xb6: {  	s28 =	simm.s32 $_size_execute0_lowered;
	s3 =	sadd.s32 s3, s5;
	[dreg:$0x0] =	wrdreg $0x0  }
0xb7: {  	s5 =	sshll.u32 s28, $0x1;
	[dreg:$0x2] =	wrdreg s3  }
0xb8: {  	[dreg:$0x3] =	wrdreg s5  }
0xb9: {  	[dreg:$0x4] =	wrdreg $0xC0  }
0xba: {  	_ =	task [dreg:s22], $0x5FFFF  }
0xbb: {  	[dreg:$0x1] =	wrdreg $0xFFFFFFFF  }
0xbc: {  	[dreg:$0x0] =	wrdreg $0x60  }
0xbd: {  	[dreg:$0x2] =	wrdreg s24  }
0xbe: {  	[dreg:$0x3] =	wrdreg $0xD  }
0xbf: {  	_ =	task.clear_ibuf [dreg:s22], $0x4FFFF;
	_ =	strace $0x90000052  }
0xc0: {  	s29 =	simm.s32 $0xD;
	_ =	strace $0x80000054  }
0xc1: {  	_ =	swait.ge [sflag:s29], $0x1  }
0xc2: {  	[sflag:s29] =	ssyncadd.s32 $0xFFFFFFFF  }
0xc3: {  	_ =	strace $0x90000054  }
0xc4: {  	_ =	sfence  }
0xc5: {  	s30 =	sld [smem:$0x0];
	_ =	sdelay $0x2  }
0xc6: {  	s31 =	sshll.u32 s1, $0xD;
	s1 =	sshrl.u32 s1, $0x2  }
0xc7: {  	s4 =	sand.u32 $0x4000, s31;
	s1 =	sadd.s32 s1, s30  }
0xc8: {  	s0 =	sor.u32 s4, s0;
	s1 =	sshll.u32 s1, $0x11  }
0xc9: {  	s0 =	sor.u32 s1, s0  }
0xca: {  	s0 =	sadd.s32 $0x8F2B, s0  }
0xcb: {  	[sflag:s0] =	ssyncadd.remote.s32 $0x1  }
0xcc: {  	_ =	sfence.sel $0xFFFF  }
0xcd: {  	[dreg:$0x0] =	wrdreg $0xFFFFFFFF;
	(pc) =	sbr.abs _section_cstart, $3  }
0xce: {  	[dreg:$0x1] =	wrdreg $0xFFFFFFFF  }
0xcf: {  	_ =	task.clear_ibuf [dreg:s22], $0x2FFFF;
	_ =	strace $0x9FFFFFFF  }
0xd0: {  	(tm) =	ssettm $0x7FFFFFFF  }
0xd1: {  	_ =	shalt  }
tec
execute0_lowered:
.L_overlay_start_1:
0x0: {  	(tag) =	ssettag $0x1  }
0x1: {  	s6 =	rddreg [dreg:$0x0]  }
0x2: {  	s1 =	stileid.u32;
	s3 =	srdreg.scid;
	s2 =	simm.s32 $0x0  }
0x3: {  	s13 =	simm.s32 $0x100;
	s14 =	simm.s32 $0x900;
	s15 =	simm.s32 $0xD00  }
0x4: {  	s16 =	simm.s32 $0x1500;
	s17 =	simm.s32 $0x1900;
	s18 =	simm.s32 $0x2100  }
0x5: {  	s19 =	simm.s32 $0x2500;
	s20 =	simm.s32 $0x2D00;
	s21 =	simm.s32 $0x3100  }
0x6: {  	s22 =	simm.s32 $0x3900;
	s23 =	simm.s32 $0x0;
	s7 =	smul.u32 $0x7D00, s1  }
0x7: {  	s5 =	sand.u32 $0x1, s3;
	s30 =	sshll.u32 s1, $0x1;
	s12 =	smul.u32 $0x7D0, s1  }
0x8: {  	[smem:$0x7FF] =	sst s2;
	s3 =	sadd.s32 $0x9000, s6;
	s10 =	smul.u32 $0x3E80, s5  }
0x9: {  	s4 =	sor.u32 s5, s30;
	_ =	strace $0x80000053;
	s31 =	smul.u32 $0x3E8, s5  }
0xa: {  	s9 =	ssub.s32 $0x2, s5;
	s8 =	smul.u32 $0x3E8, s4;
	s4 =	sadd.s32 $0xA6400, s6  }
.Ltmp0:
0xb: {  	s7 =	sadd.s32 s7, s6;
	s11 =	sshrl.u32 s9, $0x1;
	(pc) =	sbr.rel .LBB2_1-.Ltmp0, $4  }
0xc: {  	s6 =	sadd.s32 $0xA6500, s6;
	s9 =	ssub.s32 s9, s11;
	s10 =	sadd.s32 s10, s7  }
0xd: {  	v2 =	vlaneseq.u32;
	s11 =	sadd.s32 s31, s12;
	s12 =	simm.s32 $0x3;
	s8 =	sshrl.u32 s8, $0x3  }
0xe: {  	vm0 =	vmmov $0xffff;
	vm1 =	vmmov $0xff;
	v1 =	vshrl.u32 v2, $0x3;
	s7 =	sadd.s32 $0x6F8800, s10;
	s9 =	smax.u32 s9, $0x1;
	s11 =	sadd.s32 $0x28, s11  }
0xf: {  	v0 =	vand.u32 $0x7, v2;
	v2 =	vor.u32 $0x8, v2;
	v1 =	vmul.u32 $0x8, v1;
	s5 =	sadd.s32 s3, s8;
	s8 =	sadd.s32 $0x775800, s10;
	s10 =	sadd.s32 $0x7F2800, s10  }
.LBB2_5:
0x10: {  	s23 =	sadd.s32 $0x1, s23  }
0x11: {  	p0 =	sne.s32 s23, s9  }
.Ltmp1:
0x12: {  	_ = 	snop;
	(pc) =	sbr.rel @!p0 .LBB2_6-.Ltmp1, $1  }
0x13: {  	_ =	sdelay $0x3  }
.LBB2_1:
0x14: {  	[tilespmem:s2], [sflag:$0x3] =	stream.linear.gather [hbm4b:s5+s2], $0x28, $0x38;
	[tilespmem:$0x7900] =	vst v63  }
0x15: {  	_ =	swait.ge [sflag:s12], $0x28  }
0x16: {  	[sflag:s12] =	ssyncset.done $0x0  }
0x17: {  	[sflag:s12] =	ssyncadd.s32 $0xFFFFFFD8  }
0x18: {  	v3 =	vld [tilespmem:$0x0];
	_ =	sdelay $0x4  }
0x19: {  	v4 =	vshrl.u32 v3, $0x3  }
0x1a: {  	v4 =	vmul.u32 $0x18, v4  }
0x1b: {  	v3 =	vand.u32 $0x7, v3  }
0x1c: {  	v3 =	vor.u32 v3, v4  }
0x1d: {  	v4 =	vperm.xlane v3, v0;
	_ =	sdelay $0x1  }
0x1e: {  	v4 =	vadd.s32 v1, v4;
	_ =	sdelay $0x1  }
0x1f: {  	v3 =	vperm.xlane v3, v2;
	_ =	sdelay $0x1  }
0x20: {  	v3 =	vadd.s32 v1, v3  }
0x21: {  	[tilespmem:s13], [sflag:$0x1] =	stream.indirect_vreg.gather [hbm4b:s4+s2], $0x80, v4, vm0, $0xb8;
	[tilespmem:$0x7900] =	vst v63  }
0x22: {  	_ = 	snop  }
0x23: {  	[tilespmem:s14], [sflag:$0x1] =	stream.indirect_vreg.gather [hbm4b:s6+s2], $0x80, v4, vm1, $0xb8;
	[tilespmem:$0x7900] =	vst v63  }
0x24: {  	_ = 	snop  }
0x25: {  	[tilespmem:s15], [sflag:$0x1] =	stream.indirect_vreg.gather [hbm4b:s4+s2], $0x80, v3, vm0, $0xb8;
	[tilespmem:$0x7900] =	vst v63  }
0x26: {  	_ = 	snop  }
0x27: {  	[tilespmem:s16], [sflag:$0x1] =	stream.indirect_vreg.gather [hbm4b:s6+s2], $0x80, v3, vm1, $0xb8;
	[tilespmem:$0x7900] =	vst v63  }
0x28: {  	v3 =	vld [tilespmem:$0x10];
	_ =	sdelay $0x4  }
0x29: {  	v62 =	vshrl.u32 v3, $0x3  }
0x2a: {  	v4 =	vmul.u32 $0x18, v62  }
0x2b: {  	v3 =	vand.u32 $0x7, v3  }
0x2c: {  	v3 =	vor.u32 v3, v4  }
0x2d: {  	v4 =	vperm.xlane v3, v0;
	_ =	sdelay $0x1  }
0x2e: {  	v4 =	vadd.s32 v1, v4;
	_ =	sdelay $0x1  }
0x2f: {  	v3 =	vperm.xlane v3, v2;
	_ =	sdelay $0x1  }
0x30: {  	v3 =	vadd.s32 v1, v3  }
0x31: {  	[tilespmem:s17], [sflag:$0x1] =	stream.indirect_vreg.gather [hbm4b:s4+s2], $0x80, v4, vm0, $0xb8;
	[tilespmem:$0x7900] =	vst v63  }
0x32: {  	_ = 	snop  }
0x33: {  	[tilespmem:s18], [sflag:$0x1] =	stream.indirect_vreg.gather [hbm4b:s6+s2], $0x80, v4, vm1, $0xb8;
	[tilespmem:$0x7900] =	vst v63  }
0x34: {  	_ = 	snop  }
0x35: {  	[tilespmem:s19], [sflag:$0x1] =	stream.indirect_vreg.gather [hbm4b:s4+s2], $0x80, v3, vm0, $0xb8;
	[tilespmem:$0x7900] =	vst v63  }
0x36: {  	_ = 	snop  }
0x37: {  	[tilespmem:s20], [sflag:$0x1] =	stream.indirect_vreg.gather [hbm4b:s6+s2], $0x80, v3, vm1, $0xb8;
	[tilespmem:$0x7900] =	vst v63  }
0x38: {  	v3 =	vld.msk [tilespmem:$0x20], $0xff;
	_ =	sdelay $0x4  }
0x39: {  	v63 =	vshrl.u32 v3, $0x3  }
0x3a: {  	v4 =	vmul.u32 $0x18, v63  }
0x3b: {  	v3 =	vand.u32 $0x7, v3  }
0x3c: {  	v3 =	vor.u32 v3, v4  }
0x3d: {  	v3 =	vperm.xlane v3, v0;
	_ =	sdelay $0x1  }
0x3e: {  	v3 =	vadd.s32 v1, v3;
	_ =	sdelay $0x2  }
.Ltmp2:
0x3f: {  	_ = 	snop;
	(pc) =	sbr.rel .LBB2_2-.Ltmp2, $4  }
0x40: {  	_ = 	snop  }
0x41: {  	[tilespmem:s21], [sflag:$0x1] =	stream.indirect_vreg.gather [hbm4b:s4+s2], $0x80, v3, vm0, $0xb8;
	[tilespmem:$0x7900] =	vst v63  }
0x42: {  	s24 =	smov.u32 s11;
	s25 =	simm.s32 $0x0;
	s26 =	simm.s32 $0x0  }
0x43: {  	[tilespmem:s22], [sflag:$0x1] =	stream.indirect_vreg.gather [hbm4b:s6+s2], $0x80, v3, vm1, $0xb8;
	[tilespmem:$0x7900] =	vst v63  }
.LBB2_4:
0x44: {  	s0 =	sadd.s32 $0x1, s28;
	s29 =	smul.u32 $0xF000, s28  }
0x45: {  	_ =	swait.ge [sflag:s0], $0x3C00  }
0x46: {  	[sflag:s0] =	ssyncset.done $0x0;
	s28 =	sshrl.u32 s29, $0x2  }
0x47: {  	s29 =	sadd.s32 s25, s7;
	[sflag:s0] =	ssyncadd.s32 $0xFFFFC400;
	s30 =	sor.u32 $0x100, s28  }
0x48: {  	[hbm4b:s29+s2] =	stream.linear.scatter [tilespmem:s30], [sflag:$0x3], $0x400, $0x38;
	[tilespmem:$0x7900] =	vst v63  }
0x49: {  	s31 =	sadd.s32 $0xD00, s28;
	s30 =	sadd.s32 $0x80, s29  }
0x4a: {  	[hbm4b:s30+s2] =	stream.linear.scatter [tilespmem:s31], [sflag:$0x3], $0x400, $0x38;
	[tilespmem:$0x7900] =	vst v63  }
0x4b: {  	s0 =	sadd.s32 $0x1900, s28;
	s31 =	sadd.s32 $0x100, s29  }
0x4c: {  	[hbm4b:s31+s2] =	stream.linear.scatter [tilespmem:s0], [sflag:$0x3], $0x400, $0x38;
	[tilespmem:$0x7900] =	vst v63  }
0x4d: {  	s0 =	sadd.s32 $0x2500, s28;
	s31 =	sadd.s32 $0x180, s29  }
0x4e: {  	[hbm4b:s31+s2] =	stream.linear.scatter [tilespmem:s0], [sflag:$0x3], $0x400, $0x38;
	[tilespmem:$0x7900] =	vst v63  }
0x4f: {  	s29 =	sadd.s32 $0x200, s29;
	s31 =	sadd.s32 $0x3100, s28  }
0x50: {  	[hbm4b:s29+s2] =	stream.linear.scatter [tilespmem:s31], [sflag:$0x3], $0x400, $0x38;
	[tilespmem:$0x7900] =	vst v63  }
0x51: {  	_ =	swait.ge [sflag:s12], $0x1400  }
0x52: {  	[sflag:s12] =	ssyncset.done $0x0  }
0x53: {  	s30 =	sadd.s32 $0x500, s28;
	s29 =	sadd.s32 s25, s8;
	[sflag:s12] =	ssyncadd.s32 $0xFFFFEC00  }
0x54: {  	[hbm4b:s29+s2] =	stream.linear.scatter [tilespmem:s30], [sflag:$0x3], $0x400, $0x38;
	[tilespmem:$0x7900] =	vst v63  }
0x55: {  	s0 =	sadd.s32 $0x1100, s28;
	s31 =	sadd.s32 $0x80, s29  }
0x56: {  	[hbm4b:s31+s2] =	stream.linear.scatter [tilespmem:s0], [sflag:$0x3], $0x400, $0x38;
	[tilespmem:$0x7900] =	vst v63  }
0x57: {  	s0 =	sadd.s32 $0x1D00, s28;
	s31 =	sadd.s32 $0x100, s29  }
0x58: {  	[hbm4b:s31+s2] =	stream.linear.scatter [tilespmem:s0], [sflag:$0x3], $0x400, $0x38;
	[tilespmem:$0x7900] =	vst v63  }
0x59: {  	s0 =	sadd.s32 $0x2900, s28;
	s31 =	sadd.s32 $0x180, s29  }
0x5a: {  	[hbm4b:s31+s2] =	stream.linear.scatter [tilespmem:s0], [sflag:$0x3], $0x400, $0x38;
	[tilespmem:$0x7900] =	vst v63  }
0x5b: {  	s29 =	sadd.s32 $0x200, s29;
	s31 =	sadd.s32 $0x3500, s28  }
0x5c: {  	[hbm4b:s29+s2] =	stream.linear.scatter [tilespmem:s31], [sflag:$0x3], $0x400, $0x38;
	[tilespmem:$0x7900] =	vst v63  }
0x5d: {  	_ =	swait.ge [sflag:s12], $0x1400  }
0x5e: {  	[sflag:s12] =	ssyncset.done $0x0  }
0x5f: {  	s30 =	sadd.s32 $0x900, s28;
	s29 =	sadd.s32 s25, s10;
	[sflag:s12] =	ssyncadd.s32 $0xFFFFEC00  }
0x60: {  	[hbm4b:s29+s2] =	stream.linear.scatter [tilespmem:s30], [sflag:$0x3], $0x400, $0x38;
	[tilespmem:$0x7900] =	vst v63  }
0x61: {  	s0 =	sadd.s32 $0x1500, s28;
	s31 =	sadd.s32 $0x80, s29  }
0x62: {  	[hbm4b:s31+s2] =	stream.linear.scatter [tilespmem:s0], [sflag:$0x3], $0x400, $0x38;
	[tilespmem:$0x7900] =	vst v63  }
0x63: {  	s25 =	sadd.s32 $0x280, s25;
	s0 =	sadd.s32 $0x2100, s28;
	s31 =	sadd.s32 $0x100, s29  }
0x64: {  	[hbm4b:s31+s2] =	stream.linear.scatter [tilespmem:s0], [sflag:$0x3], $0x400, $0x38;
	[tilespmem:$0x7900] =	vst v63  }
0x65: {  	p0 =	sne.s32 s25, $0x3E80;
	s0 =	sadd.s32 $0x2D00, s28;
	s31 =	sadd.s32 $0x180, s29  }
0x66: {  	[hbm4b:s31+s2] =	stream.linear.scatter [tilespmem:s0], [sflag:$0x3], $0x400, $0x38;
	[tilespmem:$0x7900] =	vst v63  }
.Ltmp3:
0x67: {  	s30 =	sadd.s32 $0x3900, s28;
	s31 =	sadd.s32 $0x200, s29;
	(pc) =	sbr.rel @!p0 .LBB2_5-.Ltmp3, $4  }
0x68: {  	[hbm4b:s31+s2] =	stream.linear.scatter [tilespmem:s30], [sflag:$0x3], $0x400, $0x38;
	[tilespmem:$0x7900] =	vst v63  }
0x69: {  	_ =	swait.ge [sflag:s12], $0x1400  }
0x6a: {  	[sflag:s12] =	ssyncset.done $0x0  }
0x6b: {  	s24 =	sadd.s32 $0x28, s24;
	s26 =	sadd.s32 $0x1, s26;
	[sflag:s12] =	ssyncadd.s32 $0xFFFFEC00  }
.LBB2_2:
0x6c: {  	p0 =	seq.s32 s25, $0x3C00  }
.Ltmp4:
0x6d: {  	_ = 	snop;
	(pc) =	sbr.rel @p0 .LBB2_4-.Ltmp4, $2  }
0x6e: {  	_ =	sdelay $0x2  }
0x6f: {  	s28 =	sand.u32 $0x1, s26  }
0x70: {  	s29 =	sxor.u32 $0x1, s28;
	s30 =	sshrl.u32 s24, $0x3  }
0x71: {  	s31 =	sshll.u32 s29, $0x7;
	s30 =	sadd.s32 s3, s30  }
0x72: {  	[tilespmem:s31], [sflag:$0x3] =	stream.linear.gather [hbm4b:s30+s2], $0x28, $0x38;
	[tilespmem:$0x7900] =	vst v63  }
0x73: {  	_ =	swait.ge [sflag:s12], $0x28  }
0x74: {  	[sflag:s12] =	ssyncset.done $0x0  }
0x75: {  	[sflag:s12] =	ssyncadd.s32 $0xFFFFFFD8  }
0x76: {  	v3 =	vld [tilespmem:s31+$0x0];
	_ =	sdelay $0x4  }
0x77: {  	v4 =	vshrl.u32 v3, $0x3  }
0x78: {  	v4 =	vmul.u32 $0x18, v4  }
0x79: {  	v3 =	vand.u32 $0x7, v3  }
0x7a: {  	v3 =	vor.u32 v3, v4  }
0x7b: {  	v4 =	vperm.xlane v3, v0;
	_ =	sdelay $0x1  }
0x7c: {  	v4 =	vadd.s32 v1, v4  }
0x7d: {  	s0 =	smul.u32 $0xF000, s29  }
0x7e: {  	v3 =	vperm.xlane v3, v2  }
0x7f: {  	s30 =	sshrl.u32 s0, $0x2  }
0x80: {  	s29 =	sadd.s32 $0x1, s29;
	s0 =	sor.u32 $0x100, s30;
	v3 =	vadd.s32 v1, v3  }
0x81: {  	[tilespmem:s0], [sflag:s29] =	stream.indirect_vreg.gather [hbm4b:s4+s2], $0x80, v4, vm0, $0xb8;
	[tilespmem:$0x7900] =	vst v63  }
0x82: {  	s0 =	sadd.s32 $0x900, s30  }
0x83: {  	[tilespmem:s0], [sflag:s29] =	stream.indirect_vreg.gather [hbm4b:s6+s2], $0x80, v4, vm1, $0xb8;
	[tilespmem:$0x7900] =	vst v63  }
0x84: {  	s0 =	sadd.s32 $0xD00, s30  }
0x85: {  	[tilespmem:s0], [sflag:s29] =	stream.indirect_vreg.gather [hbm4b:s4+s2], $0x80, v3, vm0, $0xb8;
	[tilespmem:$0x7900] =	vst v63  }
0x86: {  	s0 =	sadd.s32 $0x1500, s30  }
0x87: {  	[tilespmem:s0], [sflag:s29] =	stream.indirect_vreg.gather [hbm4b:s6+s2], $0x80, v3, vm1, $0xb8;
	[tilespmem:$0x7900] =	vst v63  }
0x88: {  	v3 =	vld [tilespmem:s31+$0x10];
	_ =	sdelay $0x4  }
0x89: {  	v62 =	vshrl.u32 v3, $0x3  }
0x8a: {  	v4 =	vmul.u32 $0x18, v62  }
0x8b: {  	v3 =	vand.u32 $0x7, v3  }
0x8c: {  	v3 =	vor.u32 v3, v4  }
0x8d: {  	v4 =	vperm.xlane v3, v0;
	_ =	sdelay $0x1  }
0x8e: {  	v4 =	vadd.s32 v1, v4;
	_ =	sdelay $0x1  }
0x8f: {  	v3 =	vperm.xlane v3, v2;
	_ =	sdelay $0x1  }
0x90: {  	s0 =	sadd.s32 $0x1900, s30;
	v3 =	vadd.s32 v1, v3  }
0x91: {  	[tilespmem:s0], [sflag:s29] =	stream.indirect_vreg.gather [hbm4b:s4+s2], $0x80, v4, vm0, $0xb8;
	[tilespmem:$0x7900] =	vst v63  }
0x92: {  	s0 =	sadd.s32 $0x2100, s30  }
0x93: {  	[tilespmem:s0], [sflag:s29] =	stream.indirect_vreg.gather [hbm4b:s6+s2], $0x80, v4, vm1, $0xb8;
	[tilespmem:$0x7900] =	vst v63  }
0x94: {  	s0 =	sadd.s32 $0x2500, s30  }
0x95: {  	[tilespmem:s0], [sflag:s29] =	stream.indirect_vreg.gather [hbm4b:s4+s2], $0x80, v3, vm0, $0xb8;
	[tilespmem:$0x7900] =	vst v63  }
0x96: {  	s31 =	sor.u32 $0x20, s31;
	s0 =	sadd.s32 $0x2D00, s30  }
0x97: {  	[tilespmem:s0], [sflag:s29] =	stream.indirect_vreg.gather [hbm4b:s6+s2], $0x80, v3, vm1, $0xb8;
	[tilespmem:$0x7900] =	vst v63  }
0x98: {  	v3 =	vld.msk [tilespmem:s31+$0x0], $0xff;
	_ =	sdelay $0x4  }
0x99: {  	v63 =	vshrl.u32 v3, $0x3  }
0x9a: {  	v4 =	vmul.u32 $0x18, v63  }
0x9b: {  	v3 =	vand.u32 $0x7, v3  }
0x9c: {  	v3 =	vor.u32 v3, v4  }
0x9d: {  	v3 =	vperm.xlane v3, v0;
	_ =	sdelay $0x1  }
0x9e: {  	v3 =	vadd.s32 v1, v3;
	_ =	sdelay $0x2  }
.Ltmp5:
0x9f: {  	_ = 	snop;
	(pc) =	sbr.rel .LBB2_4-.Ltmp5, $4  }
0xa0: {  	s31 =	sadd.s32 $0x3100, s30  }
0xa1: {  	[tilespmem:s31], [sflag:s29] =	stream.indirect_vreg.gather [hbm4b:s4+s2], $0x80, v3, vm0, $0xb8;
	[tilespmem:$0x7900] =	vst v63  }
0xa2: {  	s31 =	sadd.s32 $0x3900, s30  }
0xa3: {  	[tilespmem:s31], [sflag:s29] =	stream.indirect_vreg.gather [hbm4b:s6+s2], $0x80, v3, vm1, $0xb8;
	[tilespmem:$0x7900] =	vst v63  }
.LBB2_6:
0xa4: {  	_ =	sfence.sel $0x180000  }
0xa5: {  	[bflag:$0x0] =	sbarrier.arrive $0xFFFF  }
0xa6: {  	_ =	strace $0x90000053  }
0xa7: {  	[bflag:$0x2] =	sbarrier.arrive $0xFFFF  }
0xa8: {  	p0 =	sne.s32 s1, $0x0;
	s0 =	rddreg [dreg:$0x1]  }
0xa9: {  	s0 =	sadd.s32 @!p0 $0x100000, s0  }
0xaa: {  	[sflag:s0] =	ssyncadd.tile.s32 @!p0 $0x1;
	_ =	shalt  }
.Lfunc_end2:
_tile_overlayer_lowered:
.L_overlay_start_2:
0xab: {  	(tag) =	ssettag $0x2  }
0xac: {  	s0 =	rddreg [dreg:$0x0];
	s2 =	stileid.u32  }
0xad: {  	s1 =	rddreg [dreg:$0x1];
	p0 =	sne.s32 s2, $0x0  }
0xae: {  	s3 =	rddreg [dreg:$0x2];
	[bflag:$0x3] =	sbarrier.arrive $0xFFFF;
	s2 =	simm.s32 @!p0 $0x1C03  }
0xaf: {  	[timem:s3], [sflag:s2] =	dma.local @!p0 [hbm:s0], s1  }
0xb0: {  	s0 =	simm.s32 @!p0 $0x3  }
0xb1: {  	_ =	swait.ge @!p0 [sflag:s0], s1  }
0xb2: {  	s1 =	ssub.s32 @!p0 $0x0, s1;
	[sflag:s0] =	ssyncset.done @!p0 $0x0  }
0xb3: {  	[sflag:s0] =	ssyncadd.s32 @!p0 s1  }
0xb4: {  	[bflag:$0x3] =	sbarrier.arrive $0xFFFF  }
0xb5: {  	_ =	shalt  }

</sc_bundles>
